<compile_context>
chip_gen: v7x
topology: tpu7x:2x2x1
jax: 0.10.2.dev20260603
libtpu: 0.0.44.dev20260713+nightly
codegen_flags: <defaults>
</compile_context>

<pallas_src>
import jax
import jax.numpy as jnp
from jax import lax
from jax.experimental import pallas as pl
from jax.experimental.pallas import tpu as pltpu
from jax.experimental.pallas import tpu_sc as plsc

_NC, _NS = 2, 16
_NW = _NC * _NS
_L = 16
_F = 4
_W = 4
_RING = 3


def _lane_scalar(vec, k):
    sel = jnp.where(lax.iota(jnp.int32, _L) == k, vec, 0)
    return lax.reduce_max(sel, axes=(0,))


def _lane_splat(vec, k):
    return jnp.take(vec, jnp.zeros((_L,), jnp.int32) + k)


def _extract_column(stage, lane_v, col_v, cols_v, d):
    for m in range(d // _L):
        rid = lax.iota(jnp.int32, _L) + m * _L
        vals = plsc.load_gather(stage, [rid, lane_v])
        plsc.store_scatter(cols_v, [rid, col_v], vals)


def _weights_body(i_idx_hbm, j_idx_hbm, wit_hbm, wjt_hbm,
                  out_it, out_jt,
                  idx_i_v, idx_j_v, stage_v, cols_i_v, cols_j_v, sem):
    bpw = idx_i_v.shape[0]
    d = wit_hbm.shape[0]
    wid = lax.axis_index("s") * _NC + lax.axis_index("c")
    base = wid * bpw
    pltpu.sync_copy(i_idx_hbm.at[pl.ds(base, bpw)], idx_i_v)
    pltpu.sync_copy(j_idx_hbm.at[pl.ds(base, bpw)], idx_j_v)

    def step(c0, _):
        start = pl.multiple_of(c0 * _L, _L)
        ci = idx_i_v[pl.ds(start, _L)]
        cj = idx_j_v[pl.ds(start, _L)]
        colbase = c0 * _L
        waves = []
        for w in range(_L // _F):
            waves.append((wit_hbm, lax.shift_right_logical(ci, 7) * 128,
                          ci & 127, cols_i_v, w * _F))
            waves.append((wjt_hbm, lax.shift_right_logical(cj, 7) * 128,
                          cj & 127, cols_j_v, w * _F))

        def fire(g):
            tab_hbm, qv, lanes, cols_v, kb = waves[g]
            slot0 = (g % _RING) * _F
            cs = []
            for k in range(_F):
                q = pl.multiple_of(_lane_scalar(qv, kb + k), 128)
                cs.append(pltpu.async_copy(
                    tab_hbm.at[:, pl.ds(q, 128)],
                    stage_v.at[slot0 + k], sem))
            return cs

        ng = len(waves)
        copies = [None] * ng
        copies[0] = fire(0)
        copies[1] = fire(1)
        for g in range(ng):
            if g + 2 < ng:
                copies[g + 2] = fire(g + 2)
            _, _, lanes, cols_v, kb = waves[g]
            slot0 = (g % _RING) * _F
            for k in range(_F):
                copies[g][k].wait()
                lane_v = _lane_splat(lanes, kb + k)
                col_v = (colbase + kb + k) + jnp.zeros((_L,), jnp.int32)
                _extract_column(stage_v.at[slot0 + k], lane_v, col_v,
                                cols_v, d)
        return ()

    lax.fori_loop(0, bpw // _L, step, (), unroll=False)
    pltpu.sync_copy(cols_i_v, out_it.at[:, pl.ds(base, bpw)])
    pltpu.sync_copy(cols_j_v, out_jt.at[:, pl.ds(base, bpw)])


def _sc_gather_weights(i_idx, j_idx, wit, wjt):
    b = i_idx.shape[0]
    d = wit.shape[0]
    bpw = b // _NW
    mesh = plsc.VectorSubcoreMesh(core_axis_name="c", subcore_axis_name="s")
    return pl.kernel(
        _weights_body,
        out_type=(
            jax.ShapeDtypeStruct((d, b), jnp.float32),
            jax.ShapeDtypeStruct((d, b), jnp.float32),
        ),
        mesh=mesh,
        scratch_types=(
            pltpu.VMEM((bpw,), jnp.int32),
            pltpu.VMEM((bpw,), jnp.int32),
            pltpu.VMEM((_RING * _F, d, 128), jnp.float32),
            pltpu.VMEM((d, bpw), jnp.float32),
            pltpu.VMEM((d, bpw), jnp.float32),
            pltpu.SemaphoreType.DMA,
        ),
        compiler_params=pltpu.CompilerParams(needs_layout_passes=False),
    )(i_idx, j_idx, wit, wjt)


def _bias_body(i_idx_hbm, j_idx_hbm, bi16_hbm, bj16_hbm, out_bias,
               idx_i_v, idx_j_v, brow_i_v, brow_j_v,
               browi_v, browj_v, bias_v, sem):
    bpw = idx_i_v.shape[0]
    wid = lax.axis_index("s") * _NC + lax.axis_index("c")
    base = wid * bpw
    pltpu.sync_copy(i_idx_hbm.at[pl.ds(base, bpw)], idx_i_v)
    pltpu.sync_copy(j_idx_hbm.at[pl.ds(base, bpw)], idx_j_v)
    for k in range(bpw // _L):
        sl = pl.ds(k * _L, _L)
        brow_i_v[sl] = lax.shift_right_logical(idx_i_v[sl], 4)
        brow_j_v[sl] = lax.shift_right_logical(idx_j_v[sl], 4)
    c1 = pltpu.async_copy(bi16_hbm.at[brow_i_v], browi_v, sem)
    c2 = pltpu.async_copy(bj16_hbm.at[brow_j_v], browj_v, sem)
    c1.wait()
    c2.wait()
    for k in range(bpw // _L):
        sl = pl.ds(k * _L, _L)
        rid = lax.iota(jnp.int32, _L) + k * _L
        bi_vals = plsc.load_gather(browi_v, [rid, idx_i_v[sl] & 15])
        bj_vals = plsc.load_gather(browj_v, [rid, idx_j_v[sl] & 15])
        bias_v[sl] = bi_vals + bj_vals
    pltpu.sync_copy(bias_v, out_bias.at[pl.ds(base, bpw)])


def _sc_gather_bias(i_idx, j_idx, bi16, bj16):
    b = i_idx.shape[0]
    bpw = b // _NW
    mesh = plsc.VectorSubcoreMesh(core_axis_name="c", subcore_axis_name="s")
    return pl.kernel(
        _bias_body,
        out_type=jax.ShapeDtypeStruct((b,), jnp.float32),
        mesh=mesh,
        scratch_types=(
            pltpu.VMEM((bpw,), jnp.int32),
            pltpu.VMEM((bpw,), jnp.int32),
            pltpu.VMEM((bpw,), jnp.int32),
            pltpu.VMEM((bpw,), jnp.int32),
            pltpu.VMEM((bpw, _L), jnp.float32),
            pltpu.VMEM((bpw, _L), jnp.float32),
            pltpu.VMEM((bpw,), jnp.float32),
            pltpu.SemaphoreType.DMA,
        ),
        compiler_params=pltpu.CompilerParams(
            use_tc_tiling_on_sc=False, needs_layout_passes=False),
    )(i_idx, j_idx, bi16, bj16)


def _matmul_body(at_ref, bt_ref, bias_ref, o_ref):
    o_ref[...] = lax.dot_general(
        at_ref[...], bt_ref[...], (((0,), (0,)), ((), ())),
        preferred_element_type=jnp.float32,
    ) + bias_ref[...]


def _tc_matmul(rows_it, rows_jt, bias):
    d, b = rows_it.shape
    bm = 512
    return pl.pallas_call(
        _matmul_body,
        grid=(b // bm,),
        in_specs=[
            pl.BlockSpec((d, bm), lambda r: (0, r)),
            pl.BlockSpec((d, b), lambda r: (0, 0)),
            pl.BlockSpec((1, b), lambda r: (0, 0)),
        ],
        out_specs=pl.BlockSpec((bm, b), lambda r: (r, 0)),
        out_shape=jax.ShapeDtypeStruct((b, b), jnp.float32),
    )(rows_it, rows_jt, bias)


def kernel(i_idx, j_idx, wi, wj, bi, bj):
    vocab, d = wi.shape
    i32 = i_idx.astype(jnp.int32)
    j32 = j_idx.astype(jnp.int32)
    rows_it, rows_jt = _sc_gather_weights(i32, j32, wi.T, wj.T)
    bias = _sc_gather_bias(i32, j32, bi.reshape(vocab // _L, _L),
                           bj.reshape(vocab // _L, _L))
    return _tc_matmul(rows_it, rows_jt, bias.reshape(1, -1))

# --- scband reference (transcript-rebuilt; emitter-appended) ---
"""Pipeline reference for scband-glo-ve-38001870635725 (READ-ONLY COPY).

The authoritative reference and input builder live on the scoring server;
editing this copy changes nothing except your own understanding.
"""

import jax, jax.numpy as jnp
import numpy as np

VOCAB = 1000000
EMBED = 64
BATCH = 4096

def _xavier_uniform(key, shape):
    fan_in, fan_out = shape[0], shape[1]
    limit = (6.0 / (fan_in + fan_out)) ** 0.5
    return jax.random.uniform(key, shape, dtype=jnp.float32, minval=-limit, maxval=limit)

def setup_inputs(seed: int = 0) -> dict:
    key = jax.random.key(seed)
    k1, k2, k3, k4 = jax.random.split(key, 4)
    i_idx = jax.random.randint(k1, (BATCH,), 0, VOCAB, dtype=jnp.int64 if jax.config.jax_enable_x64 else jnp.int32)
    j_idx = jax.random.randint(k2, (BATCH,), 0, VOCAB, dtype=jnp.int64 if jax.config.jax_enable_x64 else jnp.int32)
    wi = _xavier_uniform(k3, (VOCAB, EMBED))
    wj = _xavier_uniform(k4, (VOCAB, EMBED))
    bi = jnp.zeros((VOCAB, 1), dtype=jnp.float32)
    bj = jnp.zeros((VOCAB, 1), dtype=jnp.float32)
    return {"i_idx": i_idx, "j_idx": j_idx, "wi": wi, "wj": wj, "bi": bi, "bj": bj}

def reference(i_idx, j_idx, wi, wj, bi, bj):
    # Embedding lookups (gather)
    w_i = jnp.take(wi, i_idx, axis=0)          # [B, d]
    w_j = jnp.take(wj, j_idx, axis=0)          # [B, d]
    b_i = jnp.take(bi, i_idx, axis=0).squeeze()  # [B]
    b_j = jnp.take(bj, j_idx, axis=0).squeeze()  # [B]
    # Faithful to torch: matmul(w_i, w_j.T) + b_i + b_j (both biases broadcast over last dim)
    return jnp.matmul(w_i, w_j.T) + b_i + b_j

if __name__ == "__main__":
    import jax
    _d = setup_inputs()
    print(jax.jit(kernel)(*tuple(_d.values())))

</pallas_src>

<mosaic_0001>
#map = affine_map<(d0, d1) -> (0)>
#map1 = affine_map<(d0, d1) -> (0, 0)>
module attributes {stable_mosaic.version = 14 : i64} {
  func.func @_weights_body(%arg0: i32, %arg1: i32, %arg2: memref<4096xi32, #tpu.memory_space<hbm>>, %arg3: memref<4096xi32, #tpu.memory_space<hbm>>, %arg4: memref<64x1000000xf32, #tpu.memory_space<hbm>>, %arg5: memref<64x1000000xf32, #tpu.memory_space<hbm>>, %arg6: memref<64x4096xf32, #tpu.memory_space<hbm>>, %arg7: memref<64x4096xf32, #tpu.memory_space<hbm>>, %arg8: memref<128xi32, #tpu.memory_space<vmem>>, %arg9: memref<128xi32, #tpu.memory_space<vmem>>, %arg10: memref<12x64x128xf32, #tpu.memory_space<vmem>>, %arg11: memref<64x128xf32, #tpu.memory_space<vmem>>, %arg12: memref<64x128xf32, #tpu.memory_space<vmem>>, %arg13: memref<!tpu.dma_semaphore, #tpu.memory_space<semaphore_mem>>) attributes {dimension_semantics = [#tpu.dimension_semantics<core_parallel>, #tpu.dimension_semantics<subcore_parallel>], iteration_bounds = array<i64: 2, 16>, scalar_prefetch = 0 : i64, scratch_operands = 6 : i64, tpu.core_type = #tpu.core_type<sc_vector_subcore>, window_params = [{transform_indices = #map}, {transform_indices = #map}, {transform_indices = #map1}, {transform_indices = #map1}, {transform_indices = #map1}, {transform_indices = #map1}]} {
    %mul3A = arith.constant 2 : i32
    %mul3A_0 = arith.muli %arg1, %mul3A : i32
    %add3A = arith.addi %mul3A_0, %arg0 : i32
    %mul3A_1 = arith.constant 128 : i32
    %mul3A_2 = arith.muli %add3A, %mul3A_1 : i32
    "tpu.region"() ({
      %run_scoped3A = tpu.sem_alloc : memref<!tpu.dma_semaphore, #tpu.memory_space<semaphore_mem>>
      %dma_start3A = tpu.memref_slice %arg2[%mul3A_2] : memref<4096xi32, #tpu.memory_space<hbm>> -> memref<128xi32, #tpu.memory_space<hbm>>
      %dma_start3A_7 = tpu.memref_slice %arg2[%mul3A_2] : memref<4096xi32, #tpu.memory_space<hbm>> -> memref<128xi32, #tpu.memory_space<hbm>>
      tpu.enqueue_dma source(%dma_start3A_7 : memref<128xi32, #tpu.memory_space<hbm>>) target(%arg8 : memref<128xi32, #tpu.memory_space<vmem>>) target_semaphore(%run_scoped3A : memref<!tpu.dma_semaphore, #tpu.memory_space<semaphore_mem>>)
      %dma_wait3A = tpu.memref_slice %arg2[%mul3A_2] : memref<4096xi32, #tpu.memory_space<hbm>> -> memref<128xi32, #tpu.memory_space<hbm>>
      %dma_wait3A_8 = tpu.memref_slice %arg2[%mul3A_2] : memref<4096xi32, #tpu.memory_space<hbm>> -> memref<128xi32, #tpu.memory_space<hbm>>
      tpu.wait_dma2 semaphore(%run_scoped3A : memref<!tpu.dma_semaphore, #tpu.memory_space<semaphore_mem>>) src(%dma_wait3A_8 : memref<128xi32, #tpu.memory_space<hbm>>) dst(%arg8 : memref<128xi32, #tpu.memory_space<vmem>>)
      tpu.yield
    }) : () -> ()
    "tpu.region"() ({
      %run_scoped3A = tpu.sem_alloc : memref<!tpu.dma_semaphore, #tpu.memory_space<semaphore_mem>>
      %dma_start3A = tpu.memref_slice %arg3[%mul3A_2] : memref<4096xi32, #tpu.memory_space<hbm>> -> memref<128xi32, #tpu.memory_space<hbm>>
      %dma_start3A_7 = tpu.memref_slice %arg3[%mul3A_2] : memref<4096xi32, #tpu.memory_space<hbm>> -> memref<128xi32, #tpu.memory_space<hbm>>
      tpu.enqueue_dma source(%dma_start3A_7 : memref<128xi32, #tpu.memory_space<hbm>>) target(%arg9 : memref<128xi32, #tpu.memory_space<vmem>>) target_semaphore(%run_scoped3A : memref<!tpu.dma_semaphore, #tpu.memory_space<semaphore_mem>>)
      %dma_wait3A = tpu.memref_slice %arg3[%mul3A_2] : memref<4096xi32, #tpu.memory_space<hbm>> -> memref<128xi32, #tpu.memory_space<hbm>>
      %dma_wait3A_8 = tpu.memref_slice %arg3[%mul3A_2] : memref<4096xi32, #tpu.memory_space<hbm>> -> memref<128xi32, #tpu.memory_space<hbm>>
      tpu.wait_dma2 semaphore(%run_scoped3A : memref<!tpu.dma_semaphore, #tpu.memory_space<semaphore_mem>>) src(%dma_wait3A_8 : memref<128xi32, #tpu.memory_space<hbm>>) dst(%arg9 : memref<128xi32, #tpu.memory_space<vmem>>)
      tpu.yield
    }) : () -> ()
    %scan3A = arith.constant 0 : i32
    %scan3A_3 = arith.constant 8 : i32
    %scan3A_4 = arith.addi %scan3A, %scan3A_3 : i32
    %scan3A_5 = arith.constant 1 : i32
    scf.for %scan3A_7 = %scan3A to %scan3A_4 step %scan3A_5  : i32 {
      %mul3A_8 = arith.constant 16 : i32
      %mul3A_9 = arith.muli %scan3A_7, %mul3A_8 : i32
      %multiple_of3A = tpu.assume_multiple %mul3A_9, 16 : i32
      %get3A = arith.index_cast %multiple_of3A : i32 to index
      %get3A_10 = tpu.vector_load %arg8[%get3A] {strides = array<i32>} : memref<128xi32, #tpu.memory_space<vmem>>, vector<16xi32>,
      %get3A_11 = arith.index_cast %multiple_of3A : i32 to index
      %get3A_12 = tpu.vector_load %arg9[%get3A_11] {strides = array<i32>} : memref<128xi32, #tpu.memory_space<vmem>>, vector<16xi32>,
      %mul3A_13 = arith.constant 16 : i32
      %mul3A_14 = arith.muli %scan3A_7, %mul3A_13 : i32
      %shift_right_logical3A = arith.constant 7 : i32
      %shift_right_logical3A_15 = vector.broadcast %shift_right_logical3A : i32 to vector<16xi32>
      %shift_right_logical3A_16 = arith.shrui %get3A_10, %shift_right_logical3A_15 : vector<16xi32>
      %mul3A_17 = arith.constant 128 : i32
      %mul3A_18 = vector.broadcast %mul3A_17 : i32 to vector<16xi32>
      %mul3A_19 = arith.muli %shift_right_logical3A_16, %mul3A_18 : vector<16xi32>
      %and3A = arith.constant 127 : i32
      %and3A_20 = vector.broadcast %and3A : i32 to vector<16xi32>
      %and3A_21 = arith.andi %get3A_10, %and3A_20 : vector<16xi32>
      %shift_right_logical3A_22 = arith.constant 7 : i32
      %shift_right_logical3A_23 = vector.broadcast %shift_right_logical3A_22 : i32 to vector<16xi32>
      %shift_right_logical3A_24 = arith.shrui %get3A_12, %shift_right_logical3A_23 : vector<16xi32>
      %mul3A_25 = arith.constant 128 : i32
      %mul3A_26 = vector.broadcast %mul3A_25 : i32 to vector<16xi32>
      %mul3A_27 = arith.muli %shift_right_logical3A_24, %mul3A_26 : vector<16xi32>
      %and3A_28 = arith.constant 127 : i32
      %and3A_29 = vector.broadcast %and3A_28 : i32 to vector<16xi32>
      %and3A_30 = arith.andi %get3A_12, %and3A_29 : vector<16xi32>
      %shift_right_logical3A_31 = arith.constant 7 : i32
      %shift_right_logical3A_32 = vector.broadcast %shift_right_logical3A_31 : i32 to vector<16xi32>
      %shift_right_logical3A_33 = arith.shrui %get3A_10, %shift_right_logical3A_32 : vector<16xi32>
      %mul3A_34 = arith.constant 128 : i32
      %mul3A_35 = vector.broadcast %mul3A_34 : i32 to vector<16xi32>
      %mul3A_36 = arith.muli %shift_right_logical3A_33, %mul3A_35 : vector<16xi32>
      %and3A_37 = arith.constant 127 : i32
      %and3A_38 = vector.broadcast %and3A_37 : i32 to vector<16xi32>
      %and3A_39 = arith.andi %get3A_10, %and3A_38 : vector<16xi32>
      %shift_right_logical3A_40 = arith.constant 7 : i32
      %shift_right_logical3A_41 = vector.broadcast %shift_right_logical3A_40 : i32 to vector<16xi32>
      %shift_right_logical3A_42 = arith.shrui %get3A_12, %shift_right_logical3A_41 : vector<16xi32>
      %mul3A_43 = arith.constant 128 : i32
      %mul3A_44 = vector.broadcast %mul3A_43 : i32 to vector<16xi32>
      %mul3A_45 = arith.muli %shift_right_logical3A_42, %mul3A_44 : vector<16xi32>
      %and3A_46 = arith.constant 127 : i32
      %and3A_47 = vector.broadcast %and3A_46 : i32 to vector<16xi32>
      %and3A_48 = arith.andi %get3A_12, %and3A_47 : vector<16xi32>
      %shift_right_logical3A_49 = arith.constant 7 : i32
      %shift_right_logical3A_50 = vector.broadcast %shift_right_logical3A_49 : i32 to vector<16xi32>
      %shift_right_logical3A_51 = arith.shrui %get3A_10, %shift_right_logical3A_50 : vector<16xi32>
      %mul3A_52 = arith.constant 128 : i32
      %mul3A_53 = vector.broadcast %mul3A_52 : i32 to vector<16xi32>
      %mul3A_54 = arith.muli %shift_right_logical3A_51, %mul3A_53 : vector<16xi32>
      %and3A_55 = arith.constant 127 : i32
      %and3A_56 = vector.broadcast %and3A_55 : i32 to vector<16xi32>
      %and3A_57 = arith.andi %get3A_10, %and3A_56 : vector<16xi32>
      %shift_right_logical3A_58 = arith.constant 7 : i32
      %shift_right_logical3A_59 = vector.broadcast %shift_right_logical3A_58 : i32 to vector<16xi32>
      %shift_right_logical3A_60 = arith.shrui %get3A_12, %shift_right_logical3A_59 : vector<16xi32>
      %mul3A_61 = arith.constant 128 : i32
      %mul3A_62 = vector.broadcast %mul3A_61 : i32 to vector<16xi32>
      %mul3A_63 = arith.muli %shift_right_logical3A_60, %mul3A_62 : vector<16xi32>
      %and3A_64 = arith.constant 127 : i32
      %and3A_65 = vector.broadcast %and3A_64 : i32 to vector<16xi32>
      %and3A_66 = arith.andi %get3A_12, %and3A_65 : vector<16xi32>
      %shift_right_logical3A_67 = arith.constant 7 : i32
      %shift_right_logical3A_68 = vector.broadcast %shift_right_logical3A_67 : i32 to vector<16xi32>
      %shift_right_logical3A_69 = arith.shrui %get3A_10, %shift_right_logical3A_68 : vector<16xi32>
      %mul3A_70 = arith.constant 128 : i32
      %mul3A_71 = vector.broadcast %mul3A_70 : i32 to vector<16xi32>
      %mul3A_72 = arith.muli %shift_right_logical3A_69, %mul3A_71 : vector<16xi32>
      %and3A_73 = arith.constant 127 : i32
      %and3A_74 = vector.broadcast %and3A_73 : i32 to vector<16xi32>
      %and3A_75 = arith.andi %get3A_10, %and3A_74 : vector<16xi32>
      %shift_right_logical3A_76 = arith.constant 7 : i32
      %shift_right_logical3A_77 = vector.broadcast %shift_right_logical3A_76 : i32 to vector<16xi32>
      %shift_right_logical3A_78 = arith.shrui %get3A_12, %shift_right_logical3A_77 : vector<16xi32>
      %mul3A_79 = arith.constant 128 : i32
      %mul3A_80 = vector.broadcast %mul3A_79 : i32 to vector<16xi32>
      %mul3A_81 = arith.muli %shift_right_logical3A_78, %mul3A_80 : vector<16xi32>
      %and3A_82 = arith.constant 127 : i32
      %and3A_83 = vector.broadcast %and3A_82 : i32 to vector<16xi32>
      %and3A_84 = arith.andi %get3A_12, %and3A_83 : vector<16xi32>
      %iota3A = tpu.iota {dimensions = array<i32: 0>} : vector<16xi32>
      %eq3A = arith.constant 0 : i32
      %eq3A_85 = vector.broadcast %eq3A : i32 to vector<16xi32>
      %eq3A_86 = arith.cmpi eq, %iota3A, %eq3A_85 : vector<16xi32>
      %jit3A = arith.constant 0 : i32
      %broadcast_in_dim3A = vector.broadcast %jit3A : i32 to vector<16xi32>
      %select_n3A = arith.select %eq3A_86, %mul3A_19, %broadcast_in_dim3A : vector<16xi1>, vector<16xi32>
      %reduce_max3A = arith.constant true
      %reduce_max3A_87 = vector.broadcast %reduce_max3A : i1 to vector<16xi1>
      %reduce_max3A_88 = arith.constant -2147483648 : i32
      %reduce_max3A_89 = vector.broadcast %reduce_max3A_88 : i32 to vector<16xi32>
      %reduce_max3A_90 = arith.xori %select_n3A, %reduce_max3A_89 : vector<16xi32>
      %reduce_max3A_91 = tpu.scan <max>, %reduce_max3A_90 masked %reduce_max3A_87 : vector<16xi32>, vector<16xi1> -> vector<16xi32>
      %reduce_max3A_92 = arith.xori %reduce_max3A_91, %reduce_max3A_89 : vector<16xi32>
      %reduce_max3A_93 = vector.extract %reduce_max3A_92[15] : i32 from vector<16xi32>
      %multiple_of3A_94 = tpu.assume_multiple %reduce_max3A_93, 128 : i32
      %dma_start3A = arith.constant 0 : i32
      %dma_start3A_95 = arith.constant 0 : i32
      %dma_start3A_96 = arith.constant 0 : i32
      %dma_start3A_97 = tpu.memref_slice %arg10[%dma_start3A, %dma_start3A_95, %dma_start3A_96] : memref<12x64x128xf32, #tpu.memory_space<vmem>> -> memref<1x64x128xf32, #tpu.memory_space<vmem>>
      %dma_start3A_98 = tpu.memref_squeeze %dma_start3A_97 : memref<1x64x128xf32, #tpu.memory_space<vmem>> -> memref<64x128xf32, #tpu.memory_space<vmem>>
      %dma_start3A_99 = arith.constant 0 : i32
      %dma_start3A_100 = tpu.memref_slice %arg4[%dma_start3A_99, %multiple_of3A_94] : memref<64x1000000xf32, #tpu.memory_space<hbm>> -> memref<64x128xf32, #tpu.memory_space<hbm>>
      %dma_start3A_101 = arith.constant 0 : i32
      %dma_start3A_102 = arith.constant 0 : i32
      %dma_start3A_103 = tpu.memref_slice %arg10[%dma_start3A, %dma_start3A_101, %dma_start3A_102] : memref<12x64x128xf32, #tpu.memory_space<vmem>> -> memref<1x64x128xf32, #tpu.memory_space<vmem>>
      %dma_start3A_104 = tpu.memref_squeeze %dma_start3A_103 : memref<1x64x128xf32, #tpu.memory_space<vmem>> -> memref<64x128xf32, #tpu.memory_space<vmem>>
      %dma_start3A_105 = arith.constant 0 : i32
      %dma_start3A_106 = tpu.memref_slice %arg4[%dma_start3A_105, %multiple_of3A_94] : memref<64x1000000xf32, #tpu.memory_space<hbm>> -> memref<64x128xf32, #tpu.memory_space<hbm>>
      tpu.enqueue_dma source(%dma_start3A_106 : memref<64x128xf32, #tpu.memory_space<hbm>>) target(%dma_start3A_104 : memref<64x128xf32, #tpu.memory_space<vmem>>) target_semaphore(%arg13 : memref<!tpu.dma_semaphore, #tpu.memory_space<semaphore_mem>>)
      %iota3A_107 = tpu.iota {dimensions = array<i32: 0>} : vector<16xi32>
      %eq3A_108 = arith.constant 1 : i32
      %eq3A_109 = vector.broadcast %eq3A_108 : i32 to vector<16xi32>
      %eq3A_110 = arith.cmpi eq, %iota3A_107, %eq3A_109 : vector<16xi32>
      %jit3A_111 = arith.constant 0 : i32
      %broadcast_in_dim3A_112 = vector.broadcast %jit3A_111 : i32 to vector<16xi32>
      %select_n3A_113 = arith.select %eq3A_110, %mul3A_19, %broadcast_in_dim3A_112 : vector<16xi1>, vector<16xi32>
      %reduce_max3A_114 = arith.constant true
      %reduce_max3A_115 = vector.broadcast %reduce_max3A_114 : i1 to vector<16xi1>
      %reduce_max3A_116 = arith.constant -2147483648 : i32
      %reduce_max3A_117 = vector.broadcast %reduce_max3A_116 : i32 to vector<16xi32>
      %reduce_max3A_118 = arith.xori %select_n3A_113, %reduce_max3A_117 : vector<16xi32>
      %reduce_max3A_119 = tpu.scan <max>, %reduce_max3A_118 masked %reduce_max3A_115 : vector<16xi32>, vector<16xi1> -> vector<16xi32>
      %reduce_max3A_120 = arith.xori %reduce_max3A_119, %reduce_max3A_117 : vector<16xi32>
      %reduce_max3A_121 = vector.extract %reduce_max3A_120[15] : i32 from vector<16xi32>
      %multiple_of3A_122 = tpu.assume_multiple %reduce_max3A_121, 128 : i32
      %dma_start3A_123 = arith.constant 1 : i32
      %dma_start3A_124 = arith.constant 0 : i32
      %dma_start3A_125 = arith.constant 0 : i32
      %dma_start3A_126 = tpu.memref_slice %arg10[%dma_start3A_123, %dma_start3A_124, %dma_start3A_125] : memref<12x64x128xf32, #tpu.memory_space<vmem>> -> memref<1x64x128xf32, #tpu.memory_space<vmem>>
      %dma_start3A_127 = tpu.memref_squeeze %dma_start3A_126 : memref<1x64x128xf32, #tpu.memory_space<vmem>> -> memref<64x128xf32, #tpu.memory_space<vmem>>
      %dma_start3A_128 = arith.constant 0 : i32
      %dma_start3A_129 = tpu.memref_slice %arg4[%dma_start3A_128, %multiple_of3A_122] : memref<64x1000000xf32, #tpu.memory_space<hbm>> -> memref<64x128xf32, #tpu.memory_space<hbm>>
      %dma_start3A_130 = arith.constant 0 : i32
      %dma_start3A_131 = arith.constant 0 : i32
      %dma_start3A_132 = tpu.memref_slice %arg10[%dma_start3A_123, %dma_start3A_130, %dma_start3A_131] : memref<12x64x128xf32, #tpu.memory_space<vmem>> -> memref<1x64x128xf32, #tpu.memory_space<vmem>>
      %dma_start3A_133 = tpu.memref_squeeze %dma_start3A_132 : memref<1x64x128xf32, #tpu.memory_space<vmem>> -> memref<64x128xf32, #tpu.memory_space<vmem>>
      %dma_start3A_134 = arith.constant 0 : i32
      %dma_start3A_135 = tpu.memref_slice %arg4[%dma_start3A_134, %multiple_of3A_122] : memref<64x1000000xf32, #tpu.memory_space<hbm>> -> memref<64x128xf32, #tpu.memory_space<hbm>>
      tpu.enqueue_dma source(%dma_start3A_135 : memref<64x128xf32, #tpu.memory_space<hbm>>) target(%dma_start3A_133 : memref<64x128xf32, #tpu.memory_space<vmem>>) target_semaphore(%arg13 : memref<!tpu.dma_semaphore, #tpu.memory_space<semaphore_mem>>)
      %iota3A_136 = tpu.iota {dimensions = array<i32: 0>} : vector<16xi32>
      %eq3A_137 = arith.constant 2 : i32
      %eq3A_138 = vector.broadcast %eq3A_137 : i32 to vector<16xi32>
      %eq3A_139 = arith.cmpi eq, %iota3A_136, %eq3A_138 : vector<16xi32>
      %jit3A_140 = arith.constant 0 : i32
      %broadcast_in_dim3A_141 = vector.broadcast %jit3A_140 : i32 to vector<16xi32>
      %select_n3A_142 = arith.select %eq3A_139, %mul3A_19, %broadcast_in_dim3A_141 : vector<16xi1>, vector<16xi32>
      %reduce_max3A_143 = arith.constant true
      %reduce_max3A_144 = vector.broadcast %reduce_max3A_143 : i1 to vector<16xi1>
      %reduce_max3A_145 = arith.constant -2147483648 : i32
      %reduce_max3A_146 = vector.broadcast %reduce_max3A_145 : i32 to vector<16xi32>
      %reduce_max3A_147 = arith.xori %select_n3A_142, %reduce_max3A_146 : vector<16xi32>
      %reduce_max3A_148 = tpu.scan <max>, %reduce_max3A_147 masked %reduce_max3A_144 : vector<16xi32>, vector<16xi1> -> vector<16xi32>
      %reduce_max3A_149 = arith.xori %reduce_max3A_148, %reduce_max3A_146 : vector<16xi32>
      %reduce_max3A_150 = vector.extract %reduce_max3A_149[15] : i32 from vector<16xi32>
      %multiple_of3A_151 = tpu.assume_multiple %reduce_max3A_150, 128 : i32
      %dma_start3A_152 = arith.constant 2 : i32
      %dma_start3A_153 = arith.constant 0 : i32
      %dma_start3A_154 = arith.constant 0 : i32
      %dma_start3A_155 = tpu.memref_slice %arg10[%dma_start3A_152, %dma_start3A_153, %dma_start3A_154] : memref<12x64x128xf32, #tpu.memory_space<vmem>> -> memref<1x64x128xf32, #tpu.memory_space<vmem>>
      %dma_start3A_156 = tpu.memref_squeeze %dma_start3A_155 : memref<1x64x128xf32, #tpu.memory_space<vmem>> -> memref<64x128xf32, #tpu.memory_space<vmem>>
      %dma_start3A_157 = arith.constant 0 : i32
      %dma_start3A_158 = tpu.memref_slice %arg4[%dma_start3A_157, %multiple_of3A_151] : memref<64x1000000xf32, #tpu.memory_space<hbm>> -> memref<64x128xf32, #tpu.memory_space<hbm>>
      %dma_start3A_159 = arith.constant 0 : i32
      %dma_start3A_160 = arith.constant 0 : i32
      %dma_start3A_161 = tpu.memref_slice %arg10[%dma_start3A_152, %dma_start3A_159, %dma_start3A_160] : memref<12x64x128xf32, #tpu.memory_space<vmem>> -> memref<1x64x128xf32, #tpu.memory_space<vmem>>
      %dma_start3A_162 = tpu.memref_squeeze %dma_start3A_161 : memref<1x64x128xf32, #tpu.memory_space<vmem>> -> memref<64x128xf32, #tpu.memory_space<vmem>>
      %dma_start3A_163 = arith.constant 0 : i32
      %dma_start3A_164 = tpu.memref_slice %arg4[%dma_start3A_163, %multiple_of3A_151] : memref<64x1000000xf32, #tpu.memory_space<hbm>> -> memref<64x128xf32, #tpu.memory_space<hbm>>
      tpu.enqueue_dma source(%dma_start3A_164 : memref<64x128xf32, #tpu.memory_space<hbm>>) target(%dma_start3A_162 : memref<64x128xf32, #tpu.memory_space<vmem>>) target_semaphore(%arg13 : memref<!tpu.dma_semaphore, #tpu.memory_space<semaphore_mem>>)
      %iota3A_165 = tpu.iota {dimensions = array<i32: 0>} : vector<16xi32>
      %eq3A_166 = arith.constant 3 : i32
      %eq3A_167 = vector.broadcast %eq3A_166 : i32 to vector<16xi32>
      %eq3A_168 = arith.cmpi eq, %iota3A_165, %eq3A_167 : vector<16xi32>
      %jit3A_169 = arith.constant 0 : i32
      %broadcast_in_dim3A_170 = vector.broadcast %jit3A_169 : i32 to vector<16xi32>
      %select_n3A_171 = arith.select %eq3A_168, %mul3A_19, %broadcast_in_dim3A_170 : vector<16xi1>, vector<16xi32>
      %reduce_max3A_172 = arith.constant true
      %reduce_max3A_173 = vector.broadcast %reduce_max3A_172 : i1 to vector<16xi1>
      %reduce_max3A_174 = arith.constant -2147483648 : i32
      %reduce_max3A_175 = vector.broadcast %reduce_max3A_174 : i32 to vector<16xi32>
      %reduce_max3A_176 = arith.xori %select_n3A_171, %reduce_max3A_175 : vector<16xi32>
      %reduce_max3A_177 = tpu.scan <max>, %reduce_max3A_176 masked %reduce_max3A_173 : vector<16xi32>, vector<16xi1> -> vector<16xi32>
      %reduce_max3A_178 = arith.xori %reduce_max3A_177, %reduce_max3A_175 : vector<16xi32>
      %reduce_max3A_179 = vector.extract %reduce_max3A_178[15] : i32 from vector<16xi32>
      %multiple_of3A_180 = tpu.assume_multiple %reduce_max3A_179, 128 : i32
      %dma_start3A_181 = arith.constant 3 : i32
      %dma_start3A_182 = arith.constant 0 : i32
      %dma_start3A_183 = arith.constant 0 : i32
      %dma_start3A_184 = tpu.memref_slice %arg10[%dma_start3A_181, %dma_start3A_182, %dma_start3A_183] : memref<12x64x128xf32, #tpu.memory_space<vmem>> -> memref<1x64x128xf32, #tpu.memory_space<vmem>>
      %dma_start3A_185 = tpu.memref_squeeze %dma_start3A_184 : memref<1x64x128xf32, #tpu.memory_space<vmem>> -> memref<64x128xf32, #tpu.memory_space<vmem>>
      %dma_start3A_186 = arith.constant 0 : i32
      %dma_start3A_187 = tpu.memref_slice %arg4[%dma_start3A_186, %multiple_of3A_180] : memref<64x1000000xf32, #tpu.memory_space<hbm>> -> memref<64x128xf32, #tpu.memory_space<hbm>>
      %dma_start3A_188 = arith.constant 0 : i32
      %dma_start3A_189 = arith.constant 0 : i32
      %dma_start3A_190 = tpu.memref_slice %arg10[%dma_start3A_181, %dma_start3A_188, %dma_start3A_189] : memref<12x64x128xf32, #tpu.memory_space<vmem>> -> memref<1x64x128xf32, #tpu.memory_space<vmem>>
      %dma_start3A_191 = tpu.memref_squeeze %dma_start3A_190 : memref<1x64x128xf32, #tpu.memory_space<vmem>> -> memref<64x128xf32, #tpu.memory_space<vmem>>
      %dma_start3A_192 = arith.constant 0 : i32
      %dma_start3A_193 = tpu.memref_slice %arg4[%dma_start3A_192, %multiple_of3A_180] : memref<64x1000000xf32, #tpu.memory_space<hbm>> -> memref<64x128xf32, #tpu.memory_space<hbm>>
      tpu.enqueue_dma source(%dma_start3A_193 : memref<64x128xf32, #tpu.memory_space<hbm>>) target(%dma_start3A_191 : memref<64x128xf32, #tpu.memory_space<vmem>>) target_semaphore(%arg13 : memref<!tpu.dma_semaphore, #tpu.memory_space<semaphore_mem>>)
      %iota3A_194 = tpu.iota {dimensions = array<i32: 0>} : vector<16xi32>
      %eq3A_195 = arith.constant 0 : i32
      %eq3A_196 = vector.broadcast %eq3A_195 : i32 to vector<16xi32>
      %eq3A_197 = arith.cmpi eq, %iota3A_194, %eq3A_196 : vector<16xi32>
      %jit3A_198 = arith.constant 0 : i32
      %broadcast_in_dim3A_199 = vector.broadcast %jit3A_198 : i32 to vector<16xi32>
      %select_n3A_200 = arith.select %eq3A_197, %mul3A_27, %broadcast_in_dim3A_199 : vector<16xi1>, vector<16xi32>
      %reduce_max3A_201 = arith.constant true
      %reduce_max3A_202 = vector.broadcast %reduce_max3A_201 : i1 to vector<16xi1>
      %reduce_max3A_203 = arith.constant -2147483648 : i32
      %reduce_max3A_204 = vector.broadcast %reduce_max3A_203 : i32 to vector<16xi32>
      %reduce_max3A_205 = arith.xori %select_n3A_200, %reduce_max3A_204 : vector<16xi32>
      %reduce_max3A_206 = tpu.scan <max>, %reduce_max3A_205 masked %reduce_max3A_202 : vector<16xi32>, vector<16xi1> -> vector<16xi32>
      %reduce_max3A_207 = arith.xori %reduce_max3A_206, %reduce_max3A_204 : vector<16xi32>
      %reduce_max3A_208 = vector.extract %reduce_max3A_207[15] : i32 from vector<16xi32>
      %multiple_of3A_209 = tpu.assume_multiple %reduce_max3A_208, 128 : i32
      %dma_start3A_210 = arith.constant 4 : i32
      %dma_start3A_211 = arith.constant 0 : i32
      %dma_start3A_212 = arith.constant 0 : i32
      %dma_start3A_213 = tpu.memref_slice %arg10[%dma_start3A_210, %dma_start3A_211, %dma_start3A_212] : memref<12x64x128xf32, #tpu.memory_space<vmem>> -> memref<1x64x128xf32, #tpu.memory_space<vmem>>
      %dma_start3A_214 = tpu.memref_squeeze %dma_start3A_213 : memref<1x64x128xf32, #tpu.memory_space<vmem>> -> memref<64x128xf32, #tpu.memory_space<vmem>>
      %dma_start3A_215 = arith.constant 0 : i32
      %dma_start3A_216 = tpu.memref_slice %arg5[%dma_start3A_215, %multiple_of3A_209] : memref<64x1000000xf32, #tpu.memory_space<hbm>> -> memref<64x128xf32, #tpu.memory_space<hbm>>
      %dma_start3A_217 = arith.constant 0 : i32
      %dma_start3A_218 = arith.constant 0 : i32
      %dma_start3A_219 = tpu.memref_slice %arg10[%dma_start3A_210, %dma_start3A_217, %dma_start3A_218] : memref<12x64x128xf32, #tpu.memory_space<vmem>> -> memref<1x64x128xf32, #tpu.memory_space<vmem>>
      %dma_start3A_220 = tpu.memref_squeeze %dma_start3A_219 : memref<1x64x128xf32, #tpu.memory_space<vmem>> -> memref<64x128xf32, #tpu.memory_space<vmem>>
      %dma_start3A_221 = arith.constant 0 : i32
      %dma_start3A_222 = tpu.memref_slice %arg5[%dma_start3A_221, %multiple_of3A_209] : memref<64x1000000xf32, #tpu.memory_space<hbm>> -> memref<64x128xf32, #tpu.memory_space<hbm>>
      tpu.enqueue_dma source(%dma_start3A_222 : memref<64x128xf32, #tpu.memory_space<hbm>>) target(%dma_start3A_220 : memref<64x128xf32, #tpu.memory_space<vmem>>) target_semaphore(%arg13 : memref<!tpu.dma_semaphore, #tpu.memory_space<semaphore_mem>>)
      %iota3A_223 = tpu.iota {dimensions = array<i32: 0>} : vector<16xi32>
      %eq3A_224 = arith.constant 1 : i32
      %eq3A_225 = vector.broadcast %eq3A_224 : i32 to vector<16xi32>
      %eq3A_226 = arith.cmpi eq, %iota3A_223, %eq3A_225 : vector<16xi32>
      %jit3A_227 = arith.constant 0 : i32
      %broadcast_in_dim3A_228 = vector.broadcast %jit3A_227 : i32 to vector<16xi32>
      %select_n3A_229 = arith.select %eq3A_226, %mul3A_27, %broadcast_in_dim3A_228 : vector<16xi1>, vector<16xi32>
      %reduce_max3A_230 = arith.constant true
      %reduce_max3A_231 = vector.broadcast %reduce_max3A_230 : i1 to vector<16xi1>
      %reduce_max3A_232 = arith.constant -2147483648 : i32
      %reduce_max3A_233 = vector.broadcast %reduce_max3A_232 : i32 to vector<16xi32>
      %reduce_max3A_234 = arith.xori %select_n3A_229, %reduce_max3A_233 : vector<16xi32>
      %reduce_max3A_235 = tpu.scan <max>, %reduce_max3A_234 masked %reduce_max3A_231 : vector<16xi32>, vector<16xi1> -> vector<16xi32>
      %reduce_max3A_236 = arith.xori %reduce_max3A_235, %reduce_max3A_233 : vector<16xi32>
      %reduce_max3A_237 = vector.extract %reduce_max3A_236[15] : i32 from vector<16xi32>
      %multiple_of3A_238 = tpu.assume_multiple %reduce_max3A_237, 128 : i32
      %dma_start3A_239 = arith.constant 5 : i32
      %dma_start3A_240 = arith.constant 0 : i32
      %dma_start3A_241 = arith.constant 0 : i32
      %dma_start3A_242 = tpu.memref_slice %arg10[%dma_start3A_239, %dma_start3A_240, %dma_start3A_241] : memref<12x64x128xf32, #tpu.memory_space<vmem>> -> memref<1x64x128xf32, #tpu.memory_space<vmem>>
      %dma_start3A_243 = tpu.memref_squeeze %dma_start3A_242 : memref<1x64x128xf32, #tpu.memory_space<vmem>> -> memref<64x128xf32, #tpu.memory_space<vmem>>
      %dma_start3A_244 = arith.constant 0 : i32
      %dma_start3A_245 = tpu.memref_slice %arg5[%dma_start3A_244, %multiple_of3A_238] : memref<64x1000000xf32, #tpu.memory_space<hbm>> -> memref<64x128xf32, #tpu.memory_space<hbm>>
      %dma_start3A_246 = arith.constant 0 : i32
      %dma_start3A_247 = arith.constant 0 : i32
      %dma_start3A_248 = tpu.memref_slice %arg10[%dma_start3A_239, %dma_start3A_246, %dma_start3A_247] : memref<12x64x128xf32, #tpu.memory_space<vmem>> -> memref<1x64x128xf32, #tpu.memory_space<vmem>>
      %dma_start3A_249 = tpu.memref_squeeze %dma_start3A_248 : memref<1x64x128xf32, #tpu.memory_space<vmem>> -> memref<64x128xf32, #tpu.memory_space<vmem>>
      %dma_start3A_250 = arith.constant 0 : i32
      %dma_start3A_251 = tpu.memref_slice %arg5[%dma_start3A_250, %multiple_of3A_238] : memref<64x1000000xf32, #tpu.memory_space<hbm>> -> memref<64x128xf32, #tpu.memory_space<hbm>>
      tpu.enqueue_dma source(%dma_start3A_251 : memref<64x128xf32, #tpu.memory_space<hbm>>) target(%dma_start3A_249 : memref<64x128xf32, #tpu.memory_space<vmem>>) target_semaphore(%arg13 : memref<!tpu.dma_semaphore, #tpu.memory_space<semaphore_mem>>)
      %iota3A_252 = tpu.iota {dimensions = array<i32: 0>} : vector<16xi32>
      %eq3A_253 = arith.constant 2 : i32
      %eq3A_254 = vector.broadcast %eq3A_253 : i32 to vector<16xi32>
      %eq3A_255 = arith.cmpi eq, %iota3A_252, %eq3A_254 : vector<16xi32>
      %jit3A_256 = arith.constant 0 : i32
      %broadcast_in_dim3A_257 = vector.broadcast %jit3A_256 : i32 to vector<16xi32>
      %select_n3A_258 = arith.select %eq3A_255, %mul3A_27, %broadcast_in_dim3A_257 : vector<16xi1>, vector<16xi32>
      %reduce_max3A_259 = arith.constant true
      %reduce_max3A_260 = vector.broadcast %reduce_max3A_259 : i1 to vector<16xi1>
      %reduce_max3A_261 = arith.constant -2147483648 : i32
      %reduce_max3A_262 = vector.broadcast %reduce_max3A_261 : i32 to vector<16xi32>
      %reduce_max3A_263 = arith.xori %select_n3A_258, %reduce_max3A_262 : vector<16xi32>
      %reduce_max3A_264 = tpu.scan <max>, %reduce_max3A_263 masked %reduce_max3A_260 : vector<16xi32>, vector<16xi1> -> vector<16xi32>
      %reduce_max3A_265 = arith.xori %reduce_max3A_264, %reduce_max3A_262 : vector<16xi32>
      %reduce_max3A_266 = vector.extract %reduce_max3A_265[15] : i32 from vector<16xi32>
      %multiple_of3A_267 = tpu.assume_multiple %reduce_max3A_266, 128 : i32
      %dma_start3A_268 = arith.constant 6 : i32
      %dma_start3A_269 = arith.constant 0 : i32
      %dma_start3A_270 = arith.constant 0 : i32
      %dma_start3A_271 = tpu.memref_slice %arg10[%dma_start3A_268, %dma_start3A_269, %dma_start3A_270] : memref<12x64x128xf32, #tpu.memory_space<vmem>> -> memref<1x64x128xf32, #tpu.memory_space<vmem>>
      %dma_start3A_272 = tpu.memref_squeeze %dma_start3A_271 : memref<1x64x128xf32, #tpu.memory_space<vmem>> -> memref<64x128xf32, #tpu.memory_space<vmem>>
      %dma_start3A_273 = arith.constant 0 : i32
      %dma_start3A_274 = tpu.memref_slice %arg5[%dma_start3A_273, %multiple_of3A_267] : memref<64x1000000xf32, #tpu.memory_space<hbm>> -> memref<64x128xf32, #tpu.memory_space<hbm>>
      %dma_start3A_275 = arith.constant 0 : i32
      %dma_start3A_276 = arith.constant 0 : i32
      %dma_start3A_277 = tpu.memref_slice %arg10[%dma_start3A_268, %dma_start3A_275, %dma_start3A_276] : memref<12x64x128xf32, #tpu.memory_space<vmem>> -> memref<1x64x128xf32, #tpu.memory_space<vmem>>
      %dma_start3A_278 = tpu.memref_squeeze %dma_start3A_277 : memref<1x64x128xf32, #tpu.memory_space<vmem>> -> memref<64x128xf32, #tpu.memory_space<vmem>>
      %dma_start3A_279 = arith.constant 0 : i32
      %dma_start3A_280 = tpu.memref_slice %arg5[%dma_start3A_279, %multiple_of3A_267] : memref<64x1000000xf32, #tpu.memory_space<hbm>> -> memref<64x128xf32, #tpu.memory_space<hbm>>
      tpu.enqueue_dma source(%dma_start3A_280 : memref<64x128xf32, #tpu.memory_space<hbm>>) target(%dma_start3A_278 : memref<64x128xf32, #tpu.memory_space<vmem>>) target_semaphore(%arg13 : memref<!tpu.dma_semaphore, #tpu.memory_space<semaphore_mem>>)
      %iota3A_281 = tpu.iota {dimensions = array<i32: 0>} : vector<16xi32>
      %eq3A_282 = arith.constant 3 : i32
      %eq3A_283 = vector.broadcast %eq3A_282 : i32 to vector<16xi32>
      %eq3A_284 = arith.cmpi eq, %iota3A_281, %eq3A_283 : vector<16xi32>
      %jit3A_285 = arith.constant 0 : i32
      %broadcast_in_dim3A_286 = vector.broadcast %jit3A_285 : i32 to vector<16xi32>
      %select_n3A_287 = arith.select %eq3A_284, %mul3A_27, %broadcast_in_dim3A_286 : vector<16xi1>, vector<16xi32>
      %reduce_max3A_288 = arith.constant true
      %reduce_max3A_289 = vector.broadcast %reduce_max3A_288 : i1 to vector<16xi1>
      %reduce_max3A_290 = arith.constant -2147483648 : i32
      %reduce_max3A_291 = vector.broadcast %reduce_max3A_290 : i32 to vector<16xi32>
      %reduce_max3A_292 = arith.xori %select_n3A_287, %reduce_max3A_291 : vector<16xi32>
      %reduce_max3A_293 = tpu.scan <max>, %reduce_max3A_292 masked %reduce_max3A_289 : vector<16xi32>, vector<16xi1> -> vector<16xi32>
      %reduce_max3A_294 = arith.xori %reduce_max3A_293, %reduce_max3A_291 : vector<16xi32>
      %reduce_max3A_295 = vector.extract %reduce_max3A_294[15] : i32 from vector<16xi32>
      %multiple_of3A_296 = tpu.assume_multiple %reduce_max3A_295, 128 : i32
      %dma_start3A_297 = arith.constant 7 : i32
      %dma_start3A_298 = arith.constant 0 : i32
      %dma_start3A_299 = arith.constant 0 : i32
      %dma_start3A_300 = tpu.memref_slice %arg10[%dma_start3A_297, %dma_start3A_298, %dma_start3A_299] : memref<12x64x128xf32, #tpu.memory_space<vmem>> -> memref<1x64x128xf32, #tpu.memory_space<vmem>>
      %dma_start3A_301 = tpu.memref_squeeze %dma_start3A_300 : memref<1x64x128xf32, #tpu.memory_space<vmem>> -> memref<64x128xf32, #tpu.memory_space<vmem>>
      %dma_start3A_302 = arith.constant 0 : i32
      %dma_start3A_303 = tpu.memref_slice %arg5[%dma_start3A_302, %multiple_of3A_296] : memref<64x1000000xf32, #tpu.memory_space<hbm>> -> memref<64x128xf32, #tpu.memory_space<hbm>>
      %dma_start3A_304 = arith.constant 0 : i32
      %dma_start3A_305 = arith.constant 0 : i32
      %dma_start3A_306 = tpu.memref_slice %arg10[%dma_start3A_297, %dma_start3A_304, %dma_start3A_305] : memref<12x64x128xf32, #tpu.memory_space<vmem>> -> memref<1x64x128xf32, #tpu.memory_space<vmem>>
      %dma_start3A_307 = tpu.memref_squeeze %dma_start3A_306 : memref<1x64x128xf32, #tpu.memory_space<vmem>> -> memref<64x128xf32, #tpu.memory_space<vmem>>
      %dma_start3A_308 = arith.constant 0 : i32
      %dma_start3A_309 = tpu.memref_slice %arg5[%dma_start3A_308, %multiple_of3A_296] : memref<64x1000000xf32, #tpu.memory_space<hbm>> -> memref<64x128xf32, #tpu.memory_space<hbm>>
      tpu.enqueue_dma source(%dma_start3A_309 : memref<64x128xf32, #tpu.memory_space<hbm>>) target(%dma_start3A_307 : memref<64x128xf32, #tpu.memory_space<vmem>>) target_semaphore(%arg13 : memref<!tpu.dma_semaphore, #tpu.memory_space<semaphore_mem>>)
      %iota3A_310 = tpu.iota {dimensions = array<i32: 0>} : vector<16xi32>
      %eq3A_311 = arith.constant 4 : i32
      %eq3A_312 = vector.broadcast %eq3A_311 : i32 to vector<16xi32>
      %eq3A_313 = arith.cmpi eq, %iota3A_310, %eq3A_312 : vector<16xi32>
      %jit3A_314 = arith.constant 0 : i32
      %broadcast_in_dim3A_315 = vector.broadcast %jit3A_314 : i32 to vector<16xi32>
      %select_n3A_316 = arith.select %eq3A_313, %mul3A_36, %broadcast_in_dim3A_315 : vector<16xi1>, vector<16xi32>
      %reduce_max3A_317 = arith.constant true
      %reduce_max3A_318 = vector.broadcast %reduce_max3A_317 : i1 to vector<16xi1>
      %reduce_max3A_319 = arith.constant -2147483648 : i32
      %reduce_max3A_320 = vector.broadcast %reduce_max3A_319 : i32 to vector<16xi32>
      %reduce_max3A_321 = arith.xori %select_n3A_316, %reduce_max3A_320 : vector<16xi32>
      %reduce_max3A_322 = tpu.scan <max>, %reduce_max3A_321 masked %reduce_max3A_318 : vector<16xi32>, vector<16xi1> -> vector<16xi32>
      %reduce_max3A_323 = arith.xori %reduce_max3A_322, %reduce_max3A_320 : vector<16xi32>
      %reduce_max3A_324 = vector.extract %reduce_max3A_323[15] : i32 from vector<16xi32>
      %multiple_of3A_325 = tpu.assume_multiple %reduce_max3A_324, 128 : i32
      %dma_start3A_326 = arith.constant 8 : i32
      %dma_start3A_327 = arith.constant 0 : i32
      %dma_start3A_328 = arith.constant 0 : i32
      %dma_start3A_329 = tpu.memref_slice %arg10[%dma_start3A_326, %dma_start3A_327, %dma_start3A_328] : memref<12x64x128xf32, #tpu.memory_space<vmem>> -> memref<1x64x128xf32, #tpu.memory_space<vmem>>
      %dma_start3A_330 = tpu.memref_squeeze %dma_start3A_329 : memref<1x64x128xf32, #tpu.memory_space<vmem>> -> memref<64x128xf32, #tpu.memory_space<vmem>>
      %dma_start3A_331 = arith.constant 0 : i32
      %dma_start3A_332 = tpu.memref_slice %arg4[%dma_start3A_331, %multiple_of3A_325] : memref<64x1000000xf32, #tpu.memory_space<hbm>> -> memref<64x128xf32, #tpu.memory_space<hbm>>
      %dma_start3A_333 = arith.constant 0 : i32
      %dma_start3A_334 = arith.constant 0 : i32
      %dma_start3A_335 = tpu.memref_slice %arg10[%dma_start3A_326, %dma_start3A_333, %dma_start3A_334] : memref<12x64x128xf32, #tpu.memory_space<vmem>> -> memref<1x64x128xf32, #tpu.memory_space<vmem>>
      %dma_start3A_336 = tpu.memref_squeeze %dma_start3A_335 : memref<1x64x128xf32, #tpu.memory_space<vmem>> -> memref<64x128xf32, #tpu.memory_space<vmem>>
      %dma_start3A_337 = arith.constant 0 : i32
      %dma_start3A_338 = tpu.memref_slice %arg4[%dma_start3A_337, %multiple_of3A_325] : memref<64x1000000xf32, #tpu.memory_space<hbm>> -> memref<64x128xf32, #tpu.memory_space<hbm>>
      tpu.enqueue_dma source(%dma_start3A_338 : memref<64x128xf32, #tpu.memory_space<hbm>>) target(%dma_start3A_336 : memref<64x128xf32, #tpu.memory_space<vmem>>) target_semaphore(%arg13 : memref<!tpu.dma_semaphore, #tpu.memory_space<semaphore_mem>>)
      %iota3A_339 = tpu.iota {dimensions = array<i32: 0>} : vector<16xi32>
      %eq3A_340 = arith.constant 5 : i32
      %eq3A_341 = vector.broadcast %eq3A_340 : i32 to vector<16xi32>
      %eq3A_342 = arith.cmpi eq, %iota3A_339, %eq3A_341 : vector<16xi32>
      %jit3A_343 = arith.constant 0 : i32
      %broadcast_in_dim3A_344 = vector.broadcast %jit3A_343 : i32 to vector<16xi32>
      %select_n3A_345 = arith.select %eq3A_342, %mul3A_36, %broadcast_in_dim3A_344 : vector<16xi1>, vector<16xi32>
      %reduce_max3A_346 = arith.constant true
      %reduce_max3A_347 = vector.broadcast %reduce_max3A_346 : i1 to vector<16xi1>
      %reduce_max3A_348 = arith.constant -2147483648 : i32
      %reduce_max3A_349 = vector.broadcast %reduce_max3A_348 : i32 to vector<16xi32>
      %reduce_max3A_350 = arith.xori %select_n3A_345, %reduce_max3A_349 : vector<16xi32>
      %reduce_max3A_351 = tpu.scan <max>, %reduce_max3A_350 masked %reduce_max3A_347 : vector<16xi32>, vector<16xi1> -> vector<16xi32>
      %reduce_max3A_352 = arith.xori %reduce_max3A_351, %reduce_max3A_349 : vector<16xi32>
      %reduce_max3A_353 = vector.extract %reduce_max3A_352[15] : i32 from vector<16xi32>
      %multiple_of3A_354 = tpu.assume_multiple %reduce_max3A_353, 128 : i32
      %dma_start3A_355 = arith.constant 9 : i32
      %dma_start3A_356 = arith.constant 0 : i32
      %dma_start3A_357 = arith.constant 0 : i32
      %dma_start3A_358 = tpu.memref_slice %arg10[%dma_start3A_355, %dma_start3A_356, %dma_start3A_357] : memref<12x64x128xf32, #tpu.memory_space<vmem>> -> memref<1x64x128xf32, #tpu.memory_space<vmem>>
      %dma_start3A_359 = tpu.memref_squeeze %dma_start3A_358 : memref<1x64x128xf32, #tpu.memory_space<vmem>> -> memref<64x128xf32, #tpu.memory_space<vmem>>
      %dma_start3A_360 = arith.constant 0 : i32
      %dma_start3A_361 = tpu.memref_slice %arg4[%dma_start3A_360, %multiple_of3A_354] : memref<64x1000000xf32, #tpu.memory_space<hbm>> -> memref<64x128xf32, #tpu.memory_space<hbm>>
      %dma_start3A_362 = arith.constant 0 : i32
      %dma_start3A_363 = arith.constant 0 : i32
      %dma_start3A_364 = tpu.memref_slice %arg10[%dma_start3A_355, %dma_start3A_362, %dma_start3A_363] : memref<12x64x128xf32, #tpu.memory_space<vmem>> -> memref<1x64x128xf32, #tpu.memory_space<vmem>>
      %dma_start3A_365 = tpu.memref_squeeze %dma_start3A_364 : memref<1x64x128xf32, #tpu.memory_space<vmem>> -> memref<64x128xf32, #tpu.memory_space<vmem>>
      %dma_start3A_366 = arith.constant 0 : i32
      %dma_start3A_367 = tpu.memref_slice %arg4[%dma_start3A_366, %multiple_of3A_354] : memref<64x1000000xf32, #tpu.memory_space<hbm>> -> memref<64x128xf32, #tpu.memory_space<hbm>>
      tpu.enqueue_dma source(%dma_start3A_367 : memref<64x128xf32, #tpu.memory_space<hbm>>) target(%dma_start3A_365 : memref<64x128xf32, #tpu.memory_space<vmem>>) target_semaphore(%arg13 : memref<!tpu.dma_semaphore, #tpu.memory_space<semaphore_mem>>)
      %iota3A_368 = tpu.iota {dimensions = array<i32: 0>} : vector<16xi32>
      %eq3A_369 = arith.constant 6 : i32
      %eq3A_370 = vector.broadcast %eq3A_369 : i32 to vector<16xi32>
      %eq3A_371 = arith.cmpi eq, %iota3A_368, %eq3A_370 : vector<16xi32>
      %jit3A_372 = arith.constant 0 : i32
      %broadcast_in_dim3A_373 = vector.broadcast %jit3A_372 : i32 to vector<16xi32>
      %select_n3A_374 = arith.select %eq3A_371, %mul3A_36, %broadcast_in_dim3A_373 : vector<16xi1>, vector<16xi32>
      %reduce_max3A_375 = arith.constant true
      %reduce_max3A_376 = vector.broadcast %reduce_max3A_375 : i1 to vector<16xi1>
      %reduce_max3A_377 = arith.constant -2147483648 : i32
      %reduce_max3A_378 = vector.broadcast %reduce_max3A_377 : i32 to vector<16xi32>
      %reduce_max3A_379 = arith.xori %select_n3A_374, %reduce_max3A_378 : vector<16xi32>
      %reduce_max3A_380 = tpu.scan <max>, %reduce_max3A_379 masked %reduce_max3A_376 : vector<16xi32>, vector<16xi1> -> vector<16xi32>
      %reduce_max3A_381 = arith.xori %reduce_max3A_380, %reduce_max3A_378 : vector<16xi32>
      %reduce_max3A_382 = vector.extract %reduce_max3A_381[15] : i32 from vector<16xi32>
      %multiple_of3A_383 = tpu.assume_multiple %reduce_max3A_382, 128 : i32
      %dma_start3A_384 = arith.constant 10 : i32
      %dma_start3A_385 = arith.constant 0 : i32
      %dma_start3A_386 = arith.constant 0 : i32
      %dma_start3A_387 = tpu.memref_slice %arg10[%dma_start3A_384, %dma_start3A_385, %dma_start3A_386] : memref<12x64x128xf32, #tpu.memory_space<vmem>> -> memref<1x64x128xf32, #tpu.memory_space<vmem>>
      %dma_start3A_388 = tpu.memref_squeeze %dma_start3A_387 : memref<1x64x128xf32, #tpu.memory_space<vmem>> -> memref<64x128xf32, #tpu.memory_space<vmem>>
      %dma_start3A_389 = arith.constant 0 : i32
      %dma_start3A_390 = tpu.memref_slice %arg4[%dma_start3A_389, %multiple_of3A_383] : memref<64x1000000xf32, #tpu.memory_space<hbm>> -> memref<64x128xf32, #tpu.memory_space<hbm>>
      %dma_start3A_391 = arith.constant 0 : i32
      %dma_start3A_392 = arith.constant 0 : i32
      %dma_start3A_393 = tpu.memref_slice %arg10[%dma_start3A_384, %dma_start3A_391, %dma_start3A_392] : memref<12x64x128xf32, #tpu.memory_space<vmem>> -> memref<1x64x128xf32, #tpu.memory_space<vmem>>
      %dma_start3A_394 = tpu.memref_squeeze %dma_start3A_393 : memref<1x64x128xf32, #tpu.memory_space<vmem>> -> memref<64x128xf32, #tpu.memory_space<vmem>>
      %dma_start3A_395 = arith.constant 0 : i32
      %dma_start3A_396 = tpu.memref_slice %arg4[%dma_start3A_395, %multiple_of3A_383] : memref<64x1000000xf32, #tpu.memory_space<hbm>> -> memref<64x128xf32, #tpu.memory_space<hbm>>
      tpu.enqueue_dma source(%dma_start3A_396 : memref<64x128xf32, #tpu.memory_space<hbm>>) target(%dma_start3A_394 : memref<64x128xf32, #tpu.memory_space<vmem>>) target_semaphore(%arg13 : memref<!tpu.dma_semaphore, #tpu.memory_space<semaphore_mem>>)
      %iota3A_397 = tpu.iota {dimensions = array<i32: 0>} : vector<16xi32>
      %eq3A_398 = arith.constant 7 : i32
      %eq3A_399 = vector.broadcast %eq3A_398 : i32 to vector<16xi32>
      %eq3A_400 = arith.cmpi eq, %iota3A_397, %eq3A_399 : vector<16xi32>
      %jit3A_401 = arith.constant 0 : i32
      %broadcast_in_dim3A_402 = vector.broadcast %jit3A_401 : i32 to vector<16xi32>
      %select_n3A_403 = arith.select %eq3A_400, %mul3A_36, %broadcast_in_dim3A_402 : vector<16xi1>, vector<16xi32>
      %reduce_max3A_404 = arith.constant true
      %reduce_max3A_405 = vector.broadcast %reduce_max3A_404 : i1 to vector<16xi1>
      %reduce_max3A_406 = arith.constant -2147483648 : i32
      %reduce_max3A_407 = vector.broadcast %reduce_max3A_406 : i32 to vector<16xi32>
      %reduce_max3A_408 = arith.xori %select_n3A_403, %reduce_max3A_407 : vector<16xi32>
      %reduce_max3A_409 = tpu.scan <max>, %reduce_max3A_408 masked %reduce_max3A_405 : vector<16xi32>, vector<16xi1> -> vector<16xi32>
      %reduce_max3A_410 = arith.xori %reduce_max3A_409, %reduce_max3A_407 : vector<16xi32>
      %reduce_max3A_411 = vector.extract %reduce_max3A_410[15] : i32 from vector<16xi32>
      %multiple_of3A_412 = tpu.assume_multiple %reduce_max3A_411, 128 : i32
      %dma_start3A_413 = arith.constant 11 : i32
      %dma_start3A_414 = arith.constant 0 : i32
      %dma_start3A_415 = arith.constant 0 : i32
      %dma_start3A_416 = tpu.memref_slice %arg10[%dma_start3A_413, %dma_start3A_414, %dma_start3A_415] : memref<12x64x128xf32, #tpu.memory_space<vmem>> -> memref<1x64x128xf32, #tpu.memory_space<vmem>>
      %dma_start3A_417 = tpu.memref_squeeze %dma_start3A_416 : memref<1x64x128xf32, #tpu.memory_space<vmem>> -> memref<64x128xf32, #tpu.memory_space<vmem>>
      %dma_start3A_418 = arith.constant 0 : i32
      %dma_start3A_419 = tpu.memref_slice %arg4[%dma_start3A_418, %multiple_of3A_412] : memref<64x1000000xf32, #tpu.memory_space<hbm>> -> memref<64x128xf32, #tpu.memory_space<hbm>>
      %dma_start3A_420 = arith.constant 0 : i32
      %dma_start3A_421 = arith.constant 0 : i32
      %dma_start3A_422 = tpu.memref_slice %arg10[%dma_start3A_413, %dma_start3A_420, %dma_start3A_421] : memref<12x64x128xf32, #tpu.memory_space<vmem>> -> memref<1x64x128xf32, #tpu.memory_space<vmem>>
      %dma_start3A_423 = tpu.memref_squeeze %dma_start3A_422 : memref<1x64x128xf32, #tpu.memory_space<vmem>> -> memref<64x128xf32, #tpu.memory_space<vmem>>
      %dma_start3A_424 = arith.constant 0 : i32
      %dma_start3A_425 = tpu.memref_slice %arg4[%dma_start3A_424, %multiple_of3A_412] : memref<64x1000000xf32, #tpu.memory_space<hbm>> -> memref<64x128xf32, #tpu.memory_space<hbm>>
      tpu.enqueue_dma source(%dma_start3A_425 : memref<64x128xf32, #tpu.memory_space<hbm>>) target(%dma_start3A_423 : memref<64x128xf32, #tpu.memory_space<vmem>>) target_semaphore(%arg13 : memref<!tpu.dma_semaphore, #tpu.memory_space<semaphore_mem>>)
      %dma_wait3A = arith.constant 0 : i32
      %dma_wait3A_426 = arith.constant 0 : i32
      %dma_wait3A_427 = arith.constant 0 : i32
      %dma_wait3A_428 = tpu.memref_slice %arg10[%dma_wait3A, %dma_wait3A_426, %dma_wait3A_427] : memref<12x64x128xf32, #tpu.memory_space<vmem>> -> memref<1x64x128xf32, #tpu.memory_space<vmem>>
      %dma_wait3A_429 = tpu.memref_squeeze %dma_wait3A_428 : memref<1x64x128xf32, #tpu.memory_space<vmem>> -> memref<64x128xf32, #tpu.memory_space<vmem>>
      %dma_wait3A_430 = arith.constant 0 : i32
      %dma_wait3A_431 = tpu.memref_slice %arg4[%dma_wait3A_430, %multiple_of3A_94] : memref<64x1000000xf32, #tpu.memory_space<hbm>> -> memref<64x128xf32, #tpu.memory_space<hbm>>
      %dma_wait3A_432 = arith.constant 0 : i32
      %dma_wait3A_433 = arith.constant 0 : i32
      %dma_wait3A_434 = tpu.memref_slice %arg10[%dma_wait3A, %dma_wait3A_432, %dma_wait3A_433] : memref<12x64x128xf32, #tpu.memory_space<vmem>> -> memref<1x64x128xf32, #tpu.memory_space<vmem>>
      %dma_wait3A_435 = tpu.memref_squeeze %dma_wait3A_434 : memref<1x64x128xf32, #tpu.memory_space<vmem>> -> memref<64x128xf32, #tpu.memory_space<vmem>>
      %dma_wait3A_436 = arith.constant 0 : i32
      %dma_wait3A_437 = tpu.memref_slice %arg4[%dma_wait3A_436, %multiple_of3A_94] : memref<64x1000000xf32, #tpu.memory_space<hbm>> -> memref<64x128xf32, #tpu.memory_space<hbm>>
      tpu.wait_dma2 semaphore(%arg13 : memref<!tpu.dma_semaphore, #tpu.memory_space<semaphore_mem>>) src(%dma_wait3A_437 : memref<64x128xf32, #tpu.memory_space<hbm>>) dst(%dma_wait3A_435 : memref<64x128xf32, #tpu.memory_space<vmem>>)
      %broadcast_in_dim3A_438 = arith.constant 0 : i32
      %broadcast_in_dim3A_439 = vector.broadcast %broadcast_in_dim3A_438 : i32 to vector<16xi32>
      %add3A_440 = arith.constant 0 : i32
      %add3A_441 = vector.broadcast %add3A_440 : i32 to vector<16xi32>
      %add3A_442 = arith.addi %broadcast_in_dim3A_439, %add3A_441 : vector<16xi32>
      %lt3A = arith.constant 0 : i32
      %lt3A_443 = vector.broadcast %lt3A : i32 to vector<16xi32>
      %lt3A_444 = arith.cmpi slt, %add3A_442, %lt3A_443 : vector<16xi32>
      %add3A_445 = arith.constant 16 : i32
      %add3A_446 = vector.broadcast %add3A_445 : i32 to vector<16xi32>
      %add3A_447 = arith.addi %add3A_442, %add3A_446 : vector<16xi32>
      %select_n3A_448 = arith.select %lt3A_444, %add3A_447, %add3A_442 : vector<16xi1>, vector<16xi32>
      %broadcast_in_dim3A_449 = vector.shape_cast %select_n3A_448 : vector<16xi32> to vector<16x1xi32>
      %gather3A = vector.shape_cast %broadcast_in_dim3A_449 : vector<16x1xi32> to vector<16xi32>
      %gather3A_450 = tpu.dynamic_gather %and3A_21[%gather3A] in [0] : vector<16xi32>, vector<16xi32> -> vector<16xi32>
      %add3A_451 = arith.constant 0 : i32
      %add3A_452 = arith.addi %mul3A_14, %add3A_451 : i32
      %add3A_453 = arith.constant 0 : i32
      %add3A_454 = arith.addi %add3A_452, %add3A_453 : i32
      %broadcast_in_dim3A_455 = arith.constant 0 : i32
      %broadcast_in_dim3A_456 = vector.broadcast %broadcast_in_dim3A_455 : i32 to vector<16xi32>
      %add3A_457 = vector.broadcast %add3A_454 : i32 to vector<16xi32>
      %add3A_458 = arith.addi %add3A_457, %broadcast_in_dim3A_456 : vector<16xi32>
      %iota3A_459 = tpu.iota {dimensions = array<i32: 0>} : vector<16xi32>
      %add3A_460 = arith.constant 0 : i32
      %add3A_461 = vector.broadcast %add3A_460 : i32 to vector<16xi32>
      %add3A_462 = arith.addi %iota3A_459, %add3A_461 : vector<16xi32>
      %gather3A_463 = arith.constant 0 : i32
      %gather3A_464 = arith.constant 0 : i32
      %gather3A_465 = arith.constant 0 : i32
      %gather3A_466 = tpu.memref_slice %arg10[%gather3A_463, %gather3A_464, %gather3A_465] : memref<12x64x128xf32, #tpu.memory_space<vmem>> -> memref<1x64x128xf32, #tpu.memory_space<vmem>>
      %gather3A_467 = tpu.memref_squeeze %gather3A_466 : memref<1x64x128xf32, #tpu.memory_space<vmem>> -> memref<64x128xf32, #tpu.memory_space<vmem>>
      %gather3A_468 = tpu.vector_load_idx %gather3A_467[%add3A_462, %gather3A_450] : memref<64x128xf32, #tpu.memory_space<vmem>>[vector<16xi32>, vector<16xi32>], vector<16xf32>,
      tpu.vector_store_idx %arg11[%add3A_462, %add3A_458], %gather3A_468 : memref<64x128xf32, #tpu.memory_space<vmem>>[vector<16xi32>, vector<16xi32>], vector<16xf32>,
      %iota3A_469 = tpu.iota {dimensions = array<i32: 0>} : vector<16xi32>
      %add3A_470 = arith.constant 16 : i32
      %add3A_471 = vector.broadcast %add3A_470 : i32 to vector<16xi32>
      %add3A_472 = arith.addi %iota3A_469, %add3A_471 : vector<16xi32>
      %gather3A_473 = arith.constant 0 : i32
      %gather3A_474 = arith.constant 0 : i32
      %gather3A_475 = arith.constant 0 : i32
      %gather3A_476 = tpu.memref_slice %arg10[%gather3A_473, %gather3A_474, %gather3A_475] : memref<12x64x128xf32, #tpu.memory_space<vmem>> -> memref<1x64x128xf32, #tpu.memory_space<vmem>>
      %gather3A_477 = tpu.memref_squeeze %gather3A_476 : memref<1x64x128xf32, #tpu.memory_space<vmem>> -> memref<64x128xf32, #tpu.memory_space<vmem>>
      %gather3A_478 = tpu.vector_load_idx %gather3A_477[%add3A_472, %gather3A_450] : memref<64x128xf32, #tpu.memory_space<vmem>>[vector<16xi32>, vector<16xi32>], vector<16xf32>,
      tpu.vector_store_idx %arg11[%add3A_472, %add3A_458], %gather3A_478 : memref<64x128xf32, #tpu.memory_space<vmem>>[vector<16xi32>, vector<16xi32>], vector<16xf32>,
      %iota3A_479 = tpu.iota {dimensions = array<i32: 0>} : vector<16xi32>
      %add3A_480 = arith.constant 32 : i32
      %add3A_481 = vector.broadcast %add3A_480 : i32 to vector<16xi32>
      %add3A_482 = arith.addi %iota3A_479, %add3A_481 : vector<16xi32>
      %gather3A_483 = arith.constant 0 : i32
      %gather3A_484 = arith.constant 0 : i32
      %gather3A_485 = arith.constant 0 : i32
      %gather3A_486 = tpu.memref_slice %arg10[%gather3A_483, %gather3A_484, %gather3A_485] : memref<12x64x128xf32, #tpu.memory_space<vmem>> -> memref<1x64x128xf32, #tpu.memory_space<vmem>>
      %gather3A_487 = tpu.memref_squeeze %gather3A_486 : memref<1x64x128xf32, #tpu.memory_space<vmem>> -> memref<64x128xf32, #tpu.memory_space<vmem>>
      %gather3A_488 = tpu.vector_load_idx %gather3A_487[%add3A_482, %gather3A_450] : memref<64x128xf32, #tpu.memory_space<vmem>>[vector<16xi32>, vector<16xi32>], vector<16xf32>,
      tpu.vector_store_idx %arg11[%add3A_482, %add3A_458], %gather3A_488 : memref<64x128xf32, #tpu.memory_space<vmem>>[vector<16xi32>, vector<16xi32>], vector<16xf32>,
      %iota3A_489 = tpu.iota {dimensions = array<i32: 0>} : vector<16xi32>
      %add3A_490 = arith.constant 48 : i32
      %add3A_491 = vector.broadcast %add3A_490 : i32 to vector<16xi32>
      %add3A_492 = arith.addi %iota3A_489, %add3A_491 : vector<16xi32>
      %gather3A_493 = arith.constant 0 : i32
      %gather3A_494 = arith.constant 0 : i32
      %gather3A_495 = arith.constant 0 : i32
      %gather3A_496 = tpu.memref_slice %arg10[%gather3A_493, %gather3A_494, %gather3A_495] : memref<12x64x128xf32, #tpu.memory_space<vmem>> -> memref<1x64x128xf32, #tpu.memory_space<vmem>>
      %gather3A_497 = tpu.memref_squeeze %gather3A_496 : memref<1x64x128xf32, #tpu.memory_space<vmem>> -> memref<64x128xf32, #tpu.memory_space<vmem>>
      %gather3A_498 = tpu.vector_load_idx %gather3A_497[%add3A_492, %gather3A_450] : memref<64x128xf32, #tpu.memory_space<vmem>>[vector<16xi32>, vector<16xi32>], vector<16xf32>,
      tpu.vector_store_idx %arg11[%add3A_492, %add3A_458], %gather3A_498 : memref<64x128xf32, #tpu.memory_space<vmem>>[vector<16xi32>, vector<16xi32>], vector<16xf32>,
      %dma_wait3A_499 = arith.constant 1 : i32
      %dma_wait3A_500 = arith.constant 0 : i32
      %dma_wait3A_501 = arith.constant 0 : i32
      %dma_wait3A_502 = tpu.memref_slice %arg10[%dma_wait3A_499, %dma_wait3A_500, %dma_wait3A_501] : memref<12x64x128xf32, #tpu.memory_space<vmem>> -> memref<1x64x128xf32, #tpu.memory_space<vmem>>
      %dma_wait3A_503 = tpu.memref_squeeze %dma_wait3A_502 : memref<1x64x128xf32, #tpu.memory_space<vmem>> -> memref<64x128xf32, #tpu.memory_space<vmem>>
      %dma_wait3A_504 = arith.constant 0 : i32
      %dma_wait3A_505 = tpu.memref_slice %arg4[%dma_wait3A_504, %multiple_of3A_122] : memref<64x1000000xf32, #tpu.memory_space<hbm>> -> memref<64x128xf32, #tpu.memory_space<hbm>>
      %dma_wait3A_506 = arith.constant 0 : i32
      %dma_wait3A_507 = arith.constant 0 : i32
      %dma_wait3A_508 = tpu.memref_slice %arg10[%dma_wait3A_499, %dma_wait3A_506, %dma_wait3A_507] : memref<12x64x128xf32, #tpu.memory_space<vmem>> -> memref<1x64x128xf32, #tpu.memory_space<vmem>>
      %dma_wait3A_509 = tpu.memref_squeeze %dma_wait3A_508 : memref<1x64x128xf32, #tpu.memory_space<vmem>> -> memref<64x128xf32, #tpu.memory_space<vmem>>
      %dma_wait3A_510 = arith.constant 0 : i32
      %dma_wait3A_511 = tpu.memref_slice %arg4[%dma_wait3A_510, %multiple_of3A_122] : memref<64x1000000xf32, #tpu.memory_space<hbm>> -> memref<64x128xf32, #tpu.memory_space<hbm>>
      tpu.wait_dma2 semaphore(%arg13 : memref<!tpu.dma_semaphore, #tpu.memory_space<semaphore_mem>>) src(%dma_wait3A_511 : memref<64x128xf32, #tpu.memory_space<hbm>>) dst(%dma_wait3A_509 : memref<64x128xf32, #tpu.memory_space<vmem>>)
      %broadcast_in_dim3A_512 = arith.constant 0 : i32
      %broadcast_in_dim3A_513 = vector.broadcast %broadcast_in_dim3A_512 : i32 to vector<16xi32>
      %add3A_514 = arith.constant 1 : i32
      %add3A_515 = vector.broadcast %add3A_514 : i32 to vector<16xi32>
      %add3A_516 = arith.addi %broadcast_in_dim3A_513, %add3A_515 : vector<16xi32>
      %lt3A_517 = arith.constant 0 : i32
      %lt3A_518 = vector.broadcast %lt3A_517 : i32 to vector<16xi32>
      %lt3A_519 = arith.cmpi slt, %add3A_516, %lt3A_518 : vector<16xi32>
      %add3A_520 = arith.constant 16 : i32
      %add3A_521 = vector.broadcast %add3A_520 : i32 to vector<16xi32>
      %add3A_522 = arith.addi %add3A_516, %add3A_521 : vector<16xi32>
      %select_n3A_523 = arith.select %lt3A_519, %add3A_522, %add3A_516 : vector<16xi1>, vector<16xi32>
      %broadcast_in_dim3A_524 = vector.shape_cast %select_n3A_523 : vector<16xi32> to vector<16x1xi32>
      %gather3A_525 = vector.shape_cast %broadcast_in_dim3A_524 : vector<16x1xi32> to vector<16xi32>
      %gather3A_526 = tpu.dynamic_gather %and3A_21[%gather3A_525] in [0] : vector<16xi32>, vector<16xi32> -> vector<16xi32>
      %add3A_527 = arith.constant 0 : i32
      %add3A_528 = arith.addi %mul3A_14, %add3A_527 : i32
      %add3A_529 = arith.constant 1 : i32
      %add3A_530 = arith.addi %add3A_528, %add3A_529 : i32
      %broadcast_in_dim3A_531 = arith.constant 0 : i32
      %broadcast_in_dim3A_532 = vector.broadcast %broadcast_in_dim3A_531 : i32 to vector<16xi32>
      %add3A_533 = vector.broadcast %add3A_530 : i32 to vector<16xi32>
      %add3A_534 = arith.addi %add3A_533, %broadcast_in_dim3A_532 : vector<16xi32>
      %iota3A_535 = tpu.iota {dimensions = array<i32: 0>} : vector<16xi32>
      %add3A_536 = arith.constant 0 : i32
      %add3A_537 = vector.broadcast %add3A_536 : i32 to vector<16xi32>
      %add3A_538 = arith.addi %iota3A_535, %add3A_537 : vector<16xi32>
      %gather3A_539 = arith.constant 1 : i32
      %gather3A_540 = arith.constant 0 : i32
      %gather3A_541 = arith.constant 0 : i32
      %gather3A_542 = tpu.memref_slice %arg10[%gather3A_539, %gather3A_540, %gather3A_541] : memref<12x64x128xf32, #tpu.memory_space<vmem>> -> memref<1x64x128xf32, #tpu.memory_space<vmem>>
      %gather3A_543 = tpu.memref_squeeze %gather3A_542 : memref<1x64x128xf32, #tpu.memory_space<vmem>> -> memref<64x128xf32, #tpu.memory_space<vmem>>
      %gather3A_544 = tpu.vector_load_idx %gather3A_543[%add3A_538, %gather3A_526] : memref<64x128xf32, #tpu.memory_space<vmem>>[vector<16xi32>, vector<16xi32>], vector<16xf32>,
      tpu.vector_store_idx %arg11[%add3A_538, %add3A_534], %gather3A_544 : memref<64x128xf32, #tpu.memory_space<vmem>>[vector<16xi32>, vector<16xi32>], vector<16xf32>,
      %iota3A_545 = tpu.iota {dimensions = array<i32: 0>} : vector<16xi32>
      %add3A_546 = arith.constant 16 : i32
      %add3A_547 = vector.broadcast %add3A_546 : i32 to vector<16xi32>
      %add3A_548 = arith.addi %iota3A_545, %add3A_547 : vector<16xi32>
      %gather3A_549 = arith.constant 1 : i32
      %gather3A_550 = arith.constant 0 : i32
      %gather3A_551 = arith.constant 0 : i32
      %gather3A_552 = tpu.memref_slice %arg10[%gather3A_549, %gather3A_550, %gather3A_551] : memref<12x64x128xf32, #tpu.memory_space<vmem>> -> memref<1x64x128xf32, #tpu.memory_space<vmem>>
      %gather3A_553 = tpu.memref_squeeze %gather3A_552 : memref<1x64x128xf32, #tpu.memory_space<vmem>> -> memref<64x128xf32, #tpu.memory_space<vmem>>
      %gather3A_554 = tpu.vector_load_idx %gather3A_553[%add3A_548, %gather3A_526] : memref<64x128xf32, #tpu.memory_space<vmem>>[vector<16xi32>, vector<16xi32>], vector<16xf32>,
      tpu.vector_store_idx %arg11[%add3A_548, %add3A_534], %gather3A_554 : memref<64x128xf32, #tpu.memory_space<vmem>>[vector<16xi32>, vector<16xi32>], vector<16xf32>,
      %iota3A_555 = tpu.iota {dimensions = array<i32: 0>} : vector<16xi32>
      %add3A_556 = arith.constant 32 : i32
      %add3A_557 = vector.broadcast %add3A_556 : i32 to vector<16xi32>
      %add3A_558 = arith.addi %iota3A_555, %add3A_557 : vector<16xi32>
      %gather3A_559 = arith.constant 1 : i32
      %gather3A_560 = arith.constant 0 : i32
      %gather3A_561 = arith.constant 0 : i32
      %gather3A_562 = tpu.memref_slice %arg10[%gather3A_559, %gather3A_560, %gather3A_561] : memref<12x64x128xf32, #tpu.memory_space<vmem>> -> memref<1x64x128xf32, #tpu.memory_space<vmem>>
      %gather3A_563 = tpu.memref_squeeze %gather3A_562 : memref<1x64x128xf32, #tpu.memory_space<vmem>> -> memref<64x128xf32, #tpu.memory_space<vmem>>
      %gather3A_564 = tpu.vector_load_idx %gather3A_563[%add3A_558, %gather3A_526] : memref<64x128xf32, #tpu.memory_space<vmem>>[vector<16xi32>, vector<16xi32>], vector<16xf32>,
      tpu.vector_store_idx %arg11[%add3A_558, %add3A_534], %gather3A_564 : memref<64x128xf32, #tpu.memory_space<vmem>>[vector<16xi32>, vector<16xi32>], vector<16xf32>,
      %iota3A_565 = tpu.iota {dimensions = array<i32: 0>} : vector<16xi32>
      %add3A_566 = arith.constant 48 : i32
      %add3A_567 = vector.broadcast %add3A_566 : i32 to vector<16xi32>
      %add3A_568 = arith.addi %iota3A_565, %add3A_567 : vector<16xi32>
      %gather3A_569 = arith.constant 1 : i32
      %gather3A_570 = arith.constant 0 : i32
      %gather3A_571 = arith.constant 0 : i32
      %gather3A_572 = tpu.memref_slice %arg10[%gather3A_569, %gather3A_570, %gather3A_571] : memref<12x64x128xf32, #tpu.memory_space<vmem>> -> memref<1x64x128xf32, #tpu.memory_space<vmem>>
      %gather3A_573 = tpu.memref_squeeze %gather3A_572 : memref<1x64x128xf32, #tpu.memory_space<vmem>> -> memref<64x128xf32, #tpu.memory_space<vmem>>
      %gather3A_574 = tpu.vector_load_idx %gather3A_573[%add3A_568, %gather3A_526] : memref<64x128xf32, #tpu.memory_space<vmem>>[vector<16xi32>, vector<16xi32>], vector<16xf32>,
      tpu.vector_store_idx %arg11[%add3A_568, %add3A_534], %gather3A_574 : memref<64x128xf32, #tpu.memory_space<vmem>>[vector<16xi32>, vector<16xi32>], vector<16xf32>,
      %dma_wait3A_575 = arith.constant 2 : i32
      %dma_wait3A_576 = arith.constant 0 : i32
      %dma_wait3A_577 = arith.constant 0 : i32
      %dma_wait3A_578 = tpu.memref_slice %arg10[%dma_wait3A_575, %dma_wait3A_576, %dma_wait3A_577] : memref<12x64x128xf32, #tpu.memory_space<vmem>> -> memref<1x64x128xf32, #tpu.memory_space<vmem>>
      %dma_wait3A_579 = tpu.memref_squeeze %dma_wait3A_578 : memref<1x64x128xf32, #tpu.memory_space<vmem>> -> memref<64x128xf32, #tpu.memory_space<vmem>>
      %dma_wait3A_580 = arith.constant 0 : i32
      %dma_wait3A_581 = tpu.memref_slice %arg4[%dma_wait3A_580, %multiple_of3A_151] : memref<64x1000000xf32, #tpu.memory_space<hbm>> -> memref<64x128xf32, #tpu.memory_space<hbm>>
      %dma_wait3A_582 = arith.constant 0 : i32
      %dma_wait3A_583 = arith.constant 0 : i32
      %dma_wait3A_584 = tpu.memref_slice %arg10[%dma_wait3A_575, %dma_wait3A_582, %dma_wait3A_583] : memref<12x64x128xf32, #tpu.memory_space<vmem>> -> memref<1x64x128xf32, #tpu.memory_space<vmem>>
      %dma_wait3A_585 = tpu.memref_squeeze %dma_wait3A_584 : memref<1x64x128xf32, #tpu.memory_space<vmem>> -> memref<64x128xf32, #tpu.memory_space<vmem>>
      %dma_wait3A_586 = arith.constant 0 : i32
      %dma_wait3A_587 = tpu.memref_slice %arg4[%dma_wait3A_586, %multiple_of3A_151] : memref<64x1000000xf32, #tpu.memory_space<hbm>> -> memref<64x128xf32, #tpu.memory_space<hbm>>
      tpu.wait_dma2 semaphore(%arg13 : memref<!tpu.dma_semaphore, #tpu.memory_space<semaphore_mem>>) src(%dma_wait3A_587 : memref<64x128xf32, #tpu.memory_space<hbm>>) dst(%dma_wait3A_585 : memref<64x128xf32, #tpu.memory_space<vmem>>)
      %broadcast_in_dim3A_588 = arith.constant 0 : i32
      %broadcast_in_dim3A_589 = vector.broadcast %broadcast_in_dim3A_588 : i32 to vector<16xi32>
      %add3A_590 = arith.constant 2 : i32
      %add3A_591 = vector.broadcast %add3A_590 : i32 to vector<16xi32>
      %add3A_592 = arith.addi %broadcast_in_dim3A_589, %add3A_591 : vector<16xi32>
      %lt3A_593 = arith.constant 0 : i32
      %lt3A_594 = vector.broadcast %lt3A_593 : i32 to vector<16xi32>
      %lt3A_595 = arith.cmpi slt, %add3A_592, %lt3A_594 : vector<16xi32>
      %add3A_596 = arith.constant 16 : i32
      %add3A_597 = vector.broadcast %add3A_596 : i32 to vector<16xi32>
      %add3A_598 = arith.addi %add3A_592, %add3A_597 : vector<16xi32>
      %select_n3A_599 = arith.select %lt3A_595, %add3A_598, %add3A_592 : vector<16xi1>, vector<16xi32>
      %broadcast_in_dim3A_600 = vector.shape_cast %select_n3A_599 : vector<16xi32> to vector<16x1xi32>
      %gather3A_601 = vector.shape_cast %broadcast_in_dim3A_600 : vector<16x1xi32> to vector<16xi32>
      %gather3A_602 = tpu.dynamic_gather %and3A_21[%gather3A_601] in [0] : vector<16xi32>, vector<16xi32> -> vector<16xi32>
      %add3A_603 = arith.constant 0 : i32
      %add3A_604 = arith.addi %mul3A_14, %add3A_603 : i32
      %add3A_605 = arith.constant 2 : i32
      %add3A_606 = arith.addi %add3A_604, %add3A_605 : i32
      %broadcast_in_dim3A_607 = arith.constant 0 : i32
      %broadcast_in_dim3A_608 = vector.broadcast %broadcast_in_dim3A_607 : i32 to vector<16xi32>
      %add3A_609 = vector.broadcast %add3A_606 : i32 to vector<16xi32>
      %add3A_610 = arith.addi %add3A_609, %broadcast_in_dim3A_608 : vector<16xi32>
      %iota3A_611 = tpu.iota {dimensions = array<i32: 0>} : vector<16xi32>
      %add3A_612 = arith.constant 0 : i32
      %add3A_613 = vector.broadcast %add3A_612 : i32 to vector<16xi32>
      %add3A_614 = arith.addi %iota3A_611, %add3A_613 : vector<16xi32>
      %gather3A_615 = arith.constant 2 : i32
      %gather3A_616 = arith.constant 0 : i32
      %gather3A_617 = arith.constant 0 : i32
      %gather3A_618 = tpu.memref_slice %arg10[%gather3A_615, %gather3A_616, %gather3A_617] : memref<12x64x128xf32, #tpu.memory_space<vmem>> -> memref<1x64x128xf32, #tpu.memory_space<vmem>>
      %gather3A_619 = tpu.memref_squeeze %gather3A_618 : memref<1x64x128xf32, #tpu.memory_space<vmem>> -> memref<64x128xf32, #tpu.memory_space<vmem>>
      %gather3A_620 = tpu.vector_load_idx %gather3A_619[%add3A_614, %gather3A_602] : memref<64x128xf32, #tpu.memory_space<vmem>>[vector<16xi32>, vector<16xi32>], vector<16xf32>,
      tpu.vector_store_idx %arg11[%add3A_614, %add3A_610], %gather3A_620 : memref<64x128xf32, #tpu.memory_space<vmem>>[vector<16xi32>, vector<16xi32>], vector<16xf32>,
      %iota3A_621 = tpu.iota {dimensions = array<i32: 0>} : vector<16xi32>
      %add3A_622 = arith.constant 16 : i32
      %add3A_623 = vector.broadcast %add3A_622 : i32 to vector<16xi32>
      %add3A_624 = arith.addi %iota3A_621, %add3A_623 : vector<16xi32>
      %gather3A_625 = arith.constant 2 : i32
      %gather3A_626 = arith.constant 0 : i32
      %gather3A_627 = arith.constant 0 : i32
      %gather3A_628 = tpu.memref_slice %arg10[%gather3A_625, %gather3A_626, %gather3A_627] : memref<12x64x128xf32, #tpu.memory_space<vmem>> -> memref<1x64x128xf32, #tpu.memory_space<vmem>>
      %gather3A_629 = tpu.memref_squeeze %gather3A_628 : memref<1x64x128xf32, #tpu.memory_space<vmem>> -> memref<64x128xf32, #tpu.memory_space<vmem>>
      %gather3A_630 = tpu.vector_load_idx %gather3A_629[%add3A_624, %gather3A_602] : memref<64x128xf32, #tpu.memory_space<vmem>>[vector<16xi32>, vector<16xi32>], vector<16xf32>,
      tpu.vector_store_idx %arg11[%add3A_624, %add3A_610], %gather3A_630 : memref<64x128xf32, #tpu.memory_space<vmem>>[vector<16xi32>, vector<16xi32>], vector<16xf32>,
      %iota3A_631 = tpu.iota {dimensions = array<i32: 0>} : vector<16xi32>
      %add3A_632 = arith.constant 32 : i32
      %add3A_633 = vector.broadcast %add3A_632 : i32 to vector<16xi32>
      %add3A_634 = arith.addi %iota3A_631, %add3A_633 : vector<16xi32>
      %gather3A_635 = arith.constant 2 : i32
      %gather3A_636 = arith.constant 0 : i32
      %gather3A_637 = arith.constant 0 : i32
      %gather3A_638 = tpu.memref_slice %arg10[%gather3A_635, %gather3A_636, %gather3A_637] : memref<12x64x128xf32, #tpu.memory_space<vmem>> -> memref<1x64x128xf32, #tpu.memory_space<vmem>>
      %gather3A_639 = tpu.memref_squeeze %gather3A_638 : memref<1x64x128xf32, #tpu.memory_space<vmem>> -> memref<64x128xf32, #tpu.memory_space<vmem>>
      %gather3A_640 = tpu.vector_load_idx %gather3A_639[%add3A_634, %gather3A_602] : memref<64x128xf32, #tpu.memory_space<vmem>>[vector<16xi32>, vector<16xi32>], vector<16xf32>,
      tpu.vector_store_idx %arg11[%add3A_634, %add3A_610], %gather3A_640 : memref<64x128xf32, #tpu.memory_space<vmem>>[vector<16xi32>, vector<16xi32>], vector<16xf32>,
      %iota3A_641 = tpu.iota {dimensions = array<i32: 0>} : vector<16xi32>
      %add3A_642 = arith.constant 48 : i32
      %add3A_643 = vector.broadcast %add3A_642 : i32 to vector<16xi32>
      %add3A_644 = arith.addi %iota3A_641, %add3A_643 : vector<16xi32>
      %gather3A_645 = arith.constant 2 : i32
      %gather3A_646 = arith.constant 0 : i32
      %gather3A_647 = arith.constant 0 : i32
      %gather3A_648 = tpu.memref_slice %arg10[%gather3A_645, %gather3A_646, %gather3A_647] : memref<12x64x128xf32, #tpu.memory_space<vmem>> -> memref<1x64x128xf32, #tpu.memory_space<vmem>>
      %gather3A_649 = tpu.memref_squeeze %gather3A_648 : memref<1x64x128xf32, #tpu.memory_space<vmem>> -> memref<64x128xf32, #tpu.memory_space<vmem>>
      %gather3A_650 = tpu.vector_load_idx %gather3A_649[%add3A_644, %gather3A_602] : memref<64x128xf32, #tpu.memory_space<vmem>>[vector<16xi32>, vector<16xi32>], vector<16xf32>,
      tpu.vector_store_idx %arg11[%add3A_644, %add3A_610], %gather3A_650 : memref<64x128xf32, #tpu.memory_space<vmem>>[vector<16xi32>, vector<16xi32>], vector<16xf32>,
      %dma_wait3A_651 = arith.constant 3 : i32
      %dma_wait3A_652 = arith.constant 0 : i32
      %dma_wait3A_653 = arith.constant 0 : i32
      %dma_wait3A_654 = tpu.memref_slice %arg10[%dma_wait3A_651, %dma_wait3A_652, %dma_wait3A_653] : memref<12x64x128xf32, #tpu.memory_space<vmem>> -> memref<1x64x128xf32, #tpu.memory_space<vmem>>
      %dma_wait3A_655 = tpu.memref_squeeze %dma_wait3A_654 : memref<1x64x128xf32, #tpu.memory_space<vmem>> -> memref<64x128xf32, #tpu.memory_space<vmem>>
      %dma_wait3A_656 = arith.constant 0 : i32
      %dma_wait3A_657 = tpu.memref_slice %arg4[%dma_wait3A_656, %multiple_of3A_180] : memref<64x1000000xf32, #tpu.memory_space<hbm>> -> memref<64x128xf32, #tpu.memory_space<hbm>>
      %dma_wait3A_658 = arith.constant 0 : i32
      %dma_wait3A_659 = arith.constant 0 : i32
      %dma_wait3A_660 = tpu.memref_slice %arg10[%dma_wait3A_651, %dma_wait3A_658, %dma_wait3A_659] : memref<12x64x128xf32, #tpu.memory_space<vmem>> -> memref<1x64x128xf32, #tpu.memory_space<vmem>>
      %dma_wait3A_661 = tpu.memref_squeeze %dma_wait3A_660 : memref<1x64x128xf32, #tpu.memory_space<vmem>> -> memref<64x128xf32, #tpu.memory_space<vmem>>
      %dma_wait3A_662 = arith.constant 0 : i32
      %dma_wait3A_663 = tpu.memref_slice %arg4[%dma_wait3A_662, %multiple_of3A_180] : memref<64x1000000xf32, #tpu.memory_space<hbm>> -> memref<64x128xf32, #tpu.memory_space<hbm>>
      tpu.wait_dma2 semaphore(%arg13 : memref<!tpu.dma_semaphore, #tpu.memory_space<semaphore_mem>>) src(%dma_wait3A_663 : memref<64x128xf32, #tpu.memory_space<hbm>>) dst(%dma_wait3A_661 : memref<64x128xf32, #tpu.memory_space<vmem>>)
      %broadcast_in_dim3A_664 = arith.constant 0 : i32
      %broadcast_in_dim3A_665 = vector.broadcast %broadcast_in_dim3A_664 : i32 to vector<16xi32>
      %add3A_666 = arith.constant 3 : i32
      %add3A_667 = vector.broadcast %add3A_666 : i32 to vector<16xi32>
      %add3A_668 = arith.addi %broadcast_in_dim3A_665, %add3A_667 : vector<16xi32>
      %lt3A_669 = arith.constant 0 : i32
      %lt3A_670 = vector.broadcast %lt3A_669 : i32 to vector<16xi32>
      %lt3A_671 = arith.cmpi slt, %add3A_668, %lt3A_670 : vector<16xi32>
      %add3A_672 = arith.constant 16 : i32
      %add3A_673 = vector.broadcast %add3A_672 : i32 to vector<16xi32>
      %add3A_674 = arith.addi %add3A_668, %add3A_673 : vector<16xi32>
      %select_n3A_675 = arith.select %lt3A_671, %add3A_674, %add3A_668 : vector<16xi1>, vector<16xi32>
      %broadcast_in_dim3A_676 = vector.shape_cast %select_n3A_675 : vector<16xi32> to vector<16x1xi32>
      %gather3A_677 = vector.shape_cast %broadcast_in_dim3A_676 : vector<16x1xi32> to vector<16xi32>
      %gather3A_678 = tpu.dynamic_gather %and3A_21[%gather3A_677] in [0] : vector<16xi32>, vector<16xi32> -> vector<16xi32>
      %add3A_679 = arith.constant 0 : i32
      %add3A_680 = arith.addi %mul3A_14, %add3A_679 : i32
      %add3A_681 = arith.constant 3 : i32
      %add3A_682 = arith.addi %add3A_680, %add3A_681 : i32
      %broadcast_in_dim3A_683 = arith.constant 0 : i32
      %broadcast_in_dim3A_684 = vector.broadcast %broadcast_in_dim3A_683 : i32 to vector<16xi32>
      %add3A_685 = vector.broadcast %add3A_682 : i32 to vector<16xi32>
      %add3A_686 = arith.addi %add3A_685, %broadcast_in_dim3A_684 : vector<16xi32>
      %iota3A_687 = tpu.iota {dimensions = array<i32: 0>} : vector<16xi32>
      %add3A_688 = arith.constant 0 : i32
      %add3A_689 = vector.broadcast %add3A_688 : i32 to vector<16xi32>
      %add3A_690 = arith.addi %iota3A_687, %add3A_689 : vector<16xi32>
      %gather3A_691 = arith.constant 3 : i32
      %gather3A_692 = arith.constant 0 : i32
      %gather3A_693 = arith.constant 0 : i32
      %gather3A_694 = tpu.memref_slice %arg10[%gather3A_691, %gather3A_692, %gather3A_693] : memref<12x64x128xf32, #tpu.memory_space<vmem>> -> memref<1x64x128xf32, #tpu.memory_space<vmem>>
      %gather3A_695 = tpu.memref_squeeze %gather3A_694 : memref<1x64x128xf32, #tpu.memory_space<vmem>> -> memref<64x128xf32, #tpu.memory_space<vmem>>
      %gather3A_696 = tpu.vector_load_idx %gather3A_695[%add3A_690, %gather3A_678] : memref<64x128xf32, #tpu.memory_space<vmem>>[vector<16xi32>, vector<16xi32>], vector<16xf32>,
      tpu.vector_store_idx %arg11[%add3A_690, %add3A_686], %gather3A_696 : memref<64x128xf32, #tpu.memory_space<vmem>>[vector<16xi32>, vector<16xi32>], vector<16xf32>,
      %iota3A_697 = tpu.iota {dimensions = array<i32: 0>} : vector<16xi32>
      %add3A_698 = arith.constant 16 : i32
      %add3A_699 = vector.broadcast %add3A_698 : i32 to vector<16xi32>
      %add3A_700 = arith.addi %iota3A_697, %add3A_699 : vector<16xi32>
      %gather3A_701 = arith.constant 3 : i32
      %gather3A_702 = arith.constant 0 : i32
      %gather3A_703 = arith.constant 0 : i32
      %gather3A_704 = tpu.memref_slice %arg10[%gather3A_701, %gather3A_702, %gather3A_703] : memref<12x64x128xf32, #tpu.memory_space<vmem>> -> memref<1x64x128xf32, #tpu.memory_space<vmem>>
      %gather3A_705 = tpu.memref_squeeze %gather3A_704 : memref<1x64x128xf32, #tpu.memory_space<vmem>> -> memref<64x128xf32, #tpu.memory_space<vmem>>
      %gather3A_706 = tpu.vector_load_idx %gather3A_705[%add3A_700, %gather3A_678] : memref<64x128xf32, #tpu.memory_space<vmem>>[vector<16xi32>, vector<16xi32>], vector<16xf32>,
      tpu.vector_store_idx %arg11[%add3A_700, %add3A_686], %gather3A_706 : memref<64x128xf32, #tpu.memory_space<vmem>>[vector<16xi32>, vector<16xi32>], vector<16xf32>,
      %iota3A_707 = tpu.iota {dimensions = array<i32: 0>} : vector<16xi32>
      %add3A_708 = arith.constant 32 : i32
      %add3A_709 = vector.broadcast %add3A_708 : i32 to vector<16xi32>
      %add3A_710 = arith.addi %iota3A_707, %add3A_709 : vector<16xi32>
      %gather3A_711 = arith.constant 3 : i32
      %gather3A_712 = arith.constant 0 : i32
      %gather3A_713 = arith.constant 0 : i32
      %gather3A_714 = tpu.memref_slice %arg10[%gather3A_711, %gather3A_712, %gather3A_713] : memref<12x64x128xf32, #tpu.memory_space<vmem>> -> memref<1x64x128xf32, #tpu.memory_space<vmem>>
      %gather3A_715 = tpu.memref_squeeze %gather3A_714 : memref<1x64x128xf32, #tpu.memory_space<vmem>> -> memref<64x128xf32, #tpu.memory_space<vmem>>
      %gather3A_716 = tpu.vector_load_idx %gather3A_715[%add3A_710, %gather3A_678] : memref<64x128xf32, #tpu.memory_space<vmem>>[vector<16xi32>, vector<16xi32>], vector<16xf32>,
      tpu.vector_store_idx %arg11[%add3A_710, %add3A_686], %gather3A_716 : memref<64x128xf32, #tpu.memory_space<vmem>>[vector<16xi32>, vector<16xi32>], vector<16xf32>,
      %iota3A_717 = tpu.iota {dimensions = array<i32: 0>} : vector<16xi32>
      %add3A_718 = arith.constant 48 : i32
      %add3A_719 = vector.broadcast %add3A_718 : i32 to vector<16xi32>
      %add3A_720 = arith.addi %iota3A_717, %add3A_719 : vector<16xi32>
      %gather3A_721 = arith.constant 3 : i32
      %gather3A_722 = arith.constant 0 : i32
      %gather3A_723 = arith.constant 0 : i32
      %gather3A_724 = tpu.memref_slice %arg10[%gather3A_721, %gather3A_722, %gather3A_723] : memref<12x64x128xf32, #tpu.memory_space<vmem>> -> memref<1x64x128xf32, #tpu.memory_space<vmem>>
      %gather3A_725 = tpu.memref_squeeze %gather3A_724 : memref<1x64x128xf32, #tpu.memory_space<vmem>> -> memref<64x128xf32, #tpu.memory_space<vmem>>
      %gather3A_726 = tpu.vector_load_idx %gather3A_725[%add3A_720, %gather3A_678] : memref<64x128xf32, #tpu.memory_space<vmem>>[vector<16xi32>, vector<16xi32>], vector<16xf32>,
      tpu.vector_store_idx %arg11[%add3A_720, %add3A_686], %gather3A_726 : memref<64x128xf32, #tpu.memory_space<vmem>>[vector<16xi32>, vector<16xi32>], vector<16xf32>,
      %iota3A_727 = tpu.iota {dimensions = array<i32: 0>} : vector<16xi32>
      %eq3A_728 = arith.constant 4 : i32
      %eq3A_729 = vector.broadcast %eq3A_728 : i32 to vector<16xi32>
      %eq3A_730 = arith.cmpi eq, %iota3A_727, %eq3A_729 : vector<16xi32>
      %jit3A_731 = arith.constant 0 : i32
      %broadcast_in_dim3A_732 = vector.broadcast %jit3A_731 : i32 to vector<16xi32>
      %select_n3A_733 = arith.select %eq3A_730, %mul3A_45, %broadcast_in_dim3A_732 : vector<16xi1>, vector<16xi32>
      %reduce_max3A_734 = arith.constant true
      %reduce_max3A_735 = vector.broadcast %reduce_max3A_734 : i1 to vector<16xi1>
      %reduce_max3A_736 = arith.constant -2147483648 : i32
      %reduce_max3A_737 = vector.broadcast %reduce_max3A_736 : i32 to vector<16xi32>
      %reduce_max3A_738 = arith.xori %select_n3A_733, %reduce_max3A_737 : vector<16xi32>
      %reduce_max3A_739 = tpu.scan <max>, %reduce_max3A_738 masked %reduce_max3A_735 : vector<16xi32>, vector<16xi1> -> vector<16xi32>
      %reduce_max3A_740 = arith.xori %reduce_max3A_739, %reduce_max3A_737 : vector<16xi32>
      %reduce_max3A_741 = vector.extract %reduce_max3A_740[15] : i32 from vector<16xi32>
      %multiple_of3A_742 = tpu.assume_multiple %reduce_max3A_741, 128 : i32
      %dma_start3A_743 = arith.constant 0 : i32
      %dma_start3A_744 = arith.constant 0 : i32
      %dma_start3A_745 = arith.constant 0 : i32
      %dma_start3A_746 = tpu.memref_slice %arg10[%dma_start3A_743, %dma_start3A_744, %dma_start3A_745] : memref<12x64x128xf32, #tpu.memory_space<vmem>> -> memref<1x64x128xf32, #tpu.memory_space<vmem>>
      %dma_start3A_747 = tpu.memref_squeeze %dma_start3A_746 : memref<1x64x128xf32, #tpu.memory_space<vmem>> -> memref<64x128xf32, #tpu.memory_space<vmem>>
      %dma_start3A_748 = arith.constant 0 : i32
      %dma_start3A_749 = tpu.memref_slice %arg5[%dma_start3A_748, %multiple_of3A_742] : memref<64x1000000xf32, #tpu.memory_space<hbm>> -> memref<64x128xf32, #tpu.memory_space<hbm>>
      %dma_start3A_750 = arith.constant 0 : i32
      %dma_start3A_751 = arith.constant 0 : i32
      %dma_start3A_752 = tpu.memref_slice %arg10[%dma_start3A_743, %dma_start3A_750, %dma_start3A_751] : memref<12x64x128xf32, #tpu.memory_space<vmem>> -> memref<1x64x128xf32, #tpu.memory_space<vmem>>
      %dma_start3A_753 = tpu.memref_squeeze %dma_start3A_752 : memref<1x64x128xf32, #tpu.memory_space<vmem>> -> memref<64x128xf32, #tpu.memory_space<vmem>>
      %dma_start3A_754 = arith.constant 0 : i32
      %dma_start3A_755 = tpu.memref_slice %arg5[%dma_start3A_754, %multiple_of3A_742] : memref<64x1000000xf32, #tpu.memory_space<hbm>> -> memref<64x128xf32, #tpu.memory_space<hbm>>
      tpu.enqueue_dma source(%dma_start3A_755 : memref<64x128xf32, #tpu.memory_space<hbm>>) target(%dma_start3A_753 : memref<64x128xf32, #tpu.memory_space<vmem>>) target_semaphore(%arg13 : memref<!tpu.dma_semaphore, #tpu.memory_space<semaphore_mem>>)
      %iota3A_756 = tpu.iota {dimensions = array<i32: 0>} : vector<16xi32>
      %eq3A_757 = arith.constant 5 : i32
      %eq3A_758 = vector.broadcast %eq3A_757 : i32 to vector<16xi32>
      %eq3A_759 = arith.cmpi eq, %iota3A_756, %eq3A_758 : vector<16xi32>
      %jit3A_760 = arith.constant 0 : i32
      %broadcast_in_dim3A_761 = vector.broadcast %jit3A_760 : i32 to vector<16xi32>
      %select_n3A_762 = arith.select %eq3A_759, %mul3A_45, %broadcast_in_dim3A_761 : vector<16xi1>, vector<16xi32>
      %reduce_max3A_763 = arith.constant true
      %reduce_max3A_764 = vector.broadcast %reduce_max3A_763 : i1 to vector<16xi1>
      %reduce_max3A_765 = arith.constant -2147483648 : i32
      %reduce_max3A_766 = vector.broadcast %reduce_max3A_765 : i32 to vector<16xi32>
      %reduce_max3A_767 = arith.xori %select_n3A_762, %reduce_max3A_766 : vector<16xi32>
      %reduce_max3A_768 = tpu.scan <max>, %reduce_max3A_767 masked %reduce_max3A_764 : vector<16xi32>, vector<16xi1> -> vector<16xi32>
      %reduce_max3A_769 = arith.xori %reduce_max3A_768, %reduce_max3A_766 : vector<16xi32>
      %reduce_max3A_770 = vector.extract %reduce_max3A_769[15] : i32 from vector<16xi32>
      %multiple_of3A_771 = tpu.assume_multiple %reduce_max3A_770, 128 : i32
      %dma_start3A_772 = arith.constant 1 : i32
      %dma_start3A_773 = arith.constant 0 : i32
      %dma_start3A_774 = arith.constant 0 : i32
      %dma_start3A_775 = tpu.memref_slice %arg10[%dma_start3A_772, %dma_start3A_773, %dma_start3A_774] : memref<12x64x128xf32, #tpu.memory_space<vmem>> -> memref<1x64x128xf32, #tpu.memory_space<vmem>>
      %dma_start3A_776 = tpu.memref_squeeze %dma_start3A_775 : memref<1x64x128xf32, #tpu.memory_space<vmem>> -> memref<64x128xf32, #tpu.memory_space<vmem>>
      %dma_start3A_777 = arith.constant 0 : i32
      %dma_start3A_778 = tpu.memref_slice %arg5[%dma_start3A_777, %multiple_of3A_771] : memref<64x1000000xf32, #tpu.memory_space<hbm>> -> memref<64x128xf32, #tpu.memory_space<hbm>>
      %dma_start3A_779 = arith.constant 0 : i32
      %dma_start3A_780 = arith.constant 0 : i32
      %dma_start3A_781 = tpu.memref_slice %arg10[%dma_start3A_772, %dma_start3A_779, %dma_start3A_780] : memref<12x64x128xf32, #tpu.memory_space<vmem>> -> memref<1x64x128xf32, #tpu.memory_space<vmem>>
      %dma_start3A_782 = tpu.memref_squeeze %dma_start3A_781 : memref<1x64x128xf32, #tpu.memory_space<vmem>> -> memref<64x128xf32, #tpu.memory_space<vmem>>
      %dma_start3A_783 = arith.constant 0 : i32
      %dma_start3A_784 = tpu.memref_slice %arg5[%dma_start3A_783, %multiple_of3A_771] : memref<64x1000000xf32, #tpu.memory_space<hbm>> -> memref<64x128xf32, #tpu.memory_space<hbm>>
      tpu.enqueue_dma source(%dma_start3A_784 : memref<64x128xf32, #tpu.memory_space<hbm>>) target(%dma_start3A_782 : memref<64x128xf32, #tpu.memory_space<vmem>>) target_semaphore(%arg13 : memref<!tpu.dma_semaphore, #tpu.memory_space<semaphore_mem>>)
      %iota3A_785 = tpu.iota {dimensions = array<i32: 0>} : vector<16xi32>
      %eq3A_786 = arith.constant 6 : i32
      %eq3A_787 = vector.broadcast %eq3A_786 : i32 to vector<16xi32>
      %eq3A_788 = arith.cmpi eq, %iota3A_785, %eq3A_787 : vector<16xi32>
      %jit3A_789 = arith.constant 0 : i32
      %broadcast_in_dim3A_790 = vector.broadcast %jit3A_789 : i32 to vector<16xi32>
      %select_n3A_791 = arith.select %eq3A_788, %mul3A_45, %broadcast_in_dim3A_790 : vector<16xi1>, vector<16xi32>
      %reduce_max3A_792 = arith.constant true
      %reduce_max3A_793 = vector.broadcast %reduce_max3A_792 : i1 to vector<16xi1>
      %reduce_max3A_794 = arith.constant -2147483648 : i32
      %reduce_max3A_795 = vector.broadcast %reduce_max3A_794 : i32 to vector<16xi32>
      %reduce_max3A_796 = arith.xori %select_n3A_791, %reduce_max3A_795 : vector<16xi32>
      %reduce_max3A_797 = tpu.scan <max>, %reduce_max3A_796 masked %reduce_max3A_793 : vector<16xi32>, vector<16xi1> -> vector<16xi32>
      %reduce_max3A_798 = arith.xori %reduce_max3A_797, %reduce_max3A_795 : vector<16xi32>
      %reduce_max3A_799 = vector.extract %reduce_max3A_798[15] : i32 from vector<16xi32>
      %multiple_of3A_800 = tpu.assume_multiple %reduce_max3A_799, 128 : i32
      %dma_start3A_801 = arith.constant 2 : i32
      %dma_start3A_802 = arith.constant 0 : i32
      %dma_start3A_803 = arith.constant 0 : i32
      %dma_start3A_804 = tpu.memref_slice %arg10[%dma_start3A_801, %dma_start3A_802, %dma_start3A_803] : memref<12x64x128xf32, #tpu.memory_space<vmem>> -> memref<1x64x128xf32, #tpu.memory_space<vmem>>
      %dma_start3A_805 = tpu.memref_squeeze %dma_start3A_804 : memref<1x64x128xf32, #tpu.memory_space<vmem>> -> memref<64x128xf32, #tpu.memory_space<vmem>>
      %dma_start3A_806 = arith.constant 0 : i32
      %dma_start3A_807 = tpu.memref_slice %arg5[%dma_start3A_806, %multiple_of3A_800] : memref<64x1000000xf32, #tpu.memory_space<hbm>> -> memref<64x128xf32, #tpu.memory_space<hbm>>
      %dma_start3A_808 = arith.constant 0 : i32
      %dma_start3A_809 = arith.constant 0 : i32
      %dma_start3A_810 = tpu.memref_slice %arg10[%dma_start3A_801, %dma_start3A_808, %dma_start3A_809] : memref<12x64x128xf32, #tpu.memory_space<vmem>> -> memref<1x64x128xf32, #tpu.memory_space<vmem>>
      %dma_start3A_811 = tpu.memref_squeeze %dma_start3A_810 : memref<1x64x128xf32, #tpu.memory_space<vmem>> -> memref<64x128xf32, #tpu.memory_space<vmem>>
      %dma_start3A_812 = arith.constant 0 : i32
      %dma_start3A_813 = tpu.memref_slice %arg5[%dma_start3A_812, %multiple_of3A_800] : memref<64x1000000xf32, #tpu.memory_space<hbm>> -> memref<64x128xf32, #tpu.memory_space<hbm>>
      tpu.enqueue_dma source(%dma_start3A_813 : memref<64x128xf32, #tpu.memory_space<hbm>>) target(%dma_start3A_811 : memref<64x128xf32, #tpu.memory_space<vmem>>) target_semaphore(%arg13 : memref<!tpu.dma_semaphore, #tpu.memory_space<semaphore_mem>>)
      %iota3A_814 = tpu.iota {dimensions = array<i32: 0>} : vector<16xi32>
      %eq3A_815 = arith.constant 7 : i32
      %eq3A_816 = vector.broadcast %eq3A_815 : i32 to vector<16xi32>
      %eq3A_817 = arith.cmpi eq, %iota3A_814, %eq3A_816 : vector<16xi32>
      %jit3A_818 = arith.constant 0 : i32
      %broadcast_in_dim3A_819 = vector.broadcast %jit3A_818 : i32 to vector<16xi32>
      %select_n3A_820 = arith.select %eq3A_817, %mul3A_45, %broadcast_in_dim3A_819 : vector<16xi1>, vector<16xi32>
      %reduce_max3A_821 = arith.constant true
      %reduce_max3A_822 = vector.broadcast %reduce_max3A_821 : i1 to vector<16xi1>
      %reduce_max3A_823 = arith.constant -2147483648 : i32
      %reduce_max3A_824 = vector.broadcast %reduce_max3A_823 : i32 to vector<16xi32>
      %reduce_max3A_825 = arith.xori %select_n3A_820, %reduce_max3A_824 : vector<16xi32>
      %reduce_max3A_826 = tpu.scan <max>, %reduce_max3A_825 masked %reduce_max3A_822 : vector<16xi32>, vector<16xi1> -> vector<16xi32>
      %reduce_max3A_827 = arith.xori %reduce_max3A_826, %reduce_max3A_824 : vector<16xi32>
      %reduce_max3A_828 = vector.extract %reduce_max3A_827[15] : i32 from vector<16xi32>
      %multiple_of3A_829 = tpu.assume_multiple %reduce_max3A_828, 128 : i32
      %dma_start3A_830 = arith.constant 3 : i32
      %dma_start3A_831 = arith.constant 0 : i32
      %dma_start3A_832 = arith.constant 0 : i32
      %dma_start3A_833 = tpu.memref_slice %arg10[%dma_start3A_830, %dma_start3A_831, %dma_start3A_832] : memref<12x64x128xf32, #tpu.memory_space<vmem>> -> memref<1x64x128xf32, #tpu.memory_space<vmem>>
      %dma_start3A_834 = tpu.memref_squeeze %dma_start3A_833 : memref<1x64x128xf32, #tpu.memory_space<vmem>> -> memref<64x128xf32, #tpu.memory_space<vmem>>
      %dma_start3A_835 = arith.constant 0 : i32
      %dma_start3A_836 = tpu.memref_slice %arg5[%dma_start3A_835, %multiple_of3A_829] : memref<64x1000000xf32, #tpu.memory_space<hbm>> -> memref<64x128xf32, #tpu.memory_space<hbm>>
      %dma_start3A_837 = arith.constant 0 : i32
      %dma_start3A_838 = arith.constant 0 : i32
      %dma_start3A_839 = tpu.memref_slice %arg10[%dma_start3A_830, %dma_start3A_837, %dma_start3A_838] : memref<12x64x128xf32, #tpu.memory_space<vmem>> -> memref<1x64x128xf32, #tpu.memory_space<vmem>>
      %dma_start3A_840 = tpu.memref_squeeze %dma_start3A_839 : memref<1x64x128xf32, #tpu.memory_space<vmem>> -> memref<64x128xf32, #tpu.memory_space<vmem>>
      %dma_start3A_841 = arith.constant 0 : i32
      %dma_start3A_842 = tpu.memref_slice %arg5[%dma_start3A_841, %multiple_of3A_829] : memref<64x1000000xf32, #tpu.memory_space<hbm>> -> memref<64x128xf32, #tpu.memory_space<hbm>>
      tpu.enqueue_dma source(%dma_start3A_842 : memref<64x128xf32, #tpu.memory_space<hbm>>) target(%dma_start3A_840 : memref<64x128xf32, #tpu.memory_space<vmem>>) target_semaphore(%arg13 : memref<!tpu.dma_semaphore, #tpu.memory_space<semaphore_mem>>)
      %dma_wait3A_843 = arith.constant 4 : i32
      %dma_wait3A_844 = arith.constant 0 : i32
      %dma_wait3A_845 = arith.constant 0 : i32
      %dma_wait3A_846 = tpu.memref_slice %arg10[%dma_wait3A_843, %dma_wait3A_844, %dma_wait3A_845] : memref<12x64x128xf32, #tpu.memory_space<vmem>> -> memref<1x64x128xf32, #tpu.memory_space<vmem>>
      %dma_wait3A_847 = tpu.memref_squeeze %dma_wait3A_846 : memref<1x64x128xf32, #tpu.memory_space<vmem>> -> memref<64x128xf32, #tpu.memory_space<vmem>>
      %dma_wait3A_848 = arith.constant 0 : i32
      %dma_wait3A_849 = tpu.memref_slice %arg5[%dma_wait3A_848, %multiple_of3A_209] : memref<64x1000000xf32, #tpu.memory_space<hbm>> -> memref<64x128xf32, #tpu.memory_space<hbm>>
      %dma_wait3A_850 = arith.constant 0 : i32
      %dma_wait3A_851 = arith.constant 0 : i32
      %dma_wait3A_852 = tpu.memref_slice %arg10[%dma_wait3A_843, %dma_wait3A_850, %dma_wait3A_851] : memref<12x64x128xf32, #tpu.memory_space<vmem>> -> memref<1x64x128xf32, #tpu.memory_space<vmem>>
      %dma_wait3A_853 = tpu.memref_squeeze %dma_wait3A_852 : memref<1x64x128xf32, #tpu.memory_space<vmem>> -> memref<64x128xf32, #tpu.memory_space<vmem>>
      %dma_wait3A_854 = arith.constant 0 : i32
      %dma_wait3A_855 = tpu.memref_slice %arg5[%dma_wait3A_854, %multiple_of3A_209] : memref<64x1000000xf32, #tpu.memory_space<hbm>> -> memref<64x128xf32, #tpu.memory_space<hbm>>
      tpu.wait_dma2 semaphore(%arg13 : memref<!tpu.dma_semaphore, #tpu.memory_space<semaphore_mem>>) src(%dma_wait3A_855 : memref<64x128xf32, #tpu.memory_space<hbm>>) dst(%dma_wait3A_853 : memref<64x128xf32, #tpu.memory_space<vmem>>)
      %broadcast_in_dim3A_856 = arith.constant 0 : i32
      %broadcast_in_dim3A_857 = vector.broadcast %broadcast_in_dim3A_856 : i32 to vector<16xi32>
      %add3A_858 = arith.constant 0 : i32
      %add3A_859 = vector.broadcast %add3A_858 : i32 to vector<16xi32>
      %add3A_860 = arith.addi %broadcast_in_dim3A_857, %add3A_859 : vector<16xi32>
      %lt3A_861 = arith.constant 0 : i32
      %lt3A_862 = vector.broadcast %lt3A_861 : i32 to vector<16xi32>
      %lt3A_863 = arith.cmpi slt, %add3A_860, %lt3A_862 : vector<16xi32>
      %add3A_864 = arith.constant 16 : i32
      %add3A_865 = vector.broadcast %add3A_864 : i32 to vector<16xi32>
      %add3A_866 = arith.addi %add3A_860, %add3A_865 : vector<16xi32>
      %select_n3A_867 = arith.select %lt3A_863, %add3A_866, %add3A_860 : vector<16xi1>, vector<16xi32>
      %broadcast_in_dim3A_868 = vector.shape_cast %select_n3A_867 : vector<16xi32> to vector<16x1xi32>
      %gather3A_869 = vector.shape_cast %broadcast_in_dim3A_868 : vector<16x1xi32> to vector<16xi32>
      %gather3A_870 = tpu.dynamic_gather %and3A_30[%gather3A_869] in [0] : vector<16xi32>, vector<16xi32> -> vector<16xi32>
      %add3A_871 = arith.constant 0 : i32
      %add3A_872 = arith.addi %mul3A_14, %add3A_871 : i32
      %add3A_873 = arith.constant 0 : i32
      %add3A_874 = arith.addi %add3A_872, %add3A_873 : i32
      %broadcast_in_dim3A_875 = arith.constant 0 : i32
      %broadcast_in_dim3A_876 = vector.broadcast %broadcast_in_dim3A_875 : i32 to vector<16xi32>
      %add3A_877 = vector.broadcast %add3A_874 : i32 to vector<16xi32>
      %add3A_878 = arith.addi %add3A_877, %broadcast_in_dim3A_876 : vector<16xi32>
      %iota3A_879 = tpu.iota {dimensions = array<i32: 0>} : vector<16xi32>
      %add3A_880 = arith.constant 0 : i32
      %add3A_881 = vector.broadcast %add3A_880 : i32 to vector<16xi32>
      %add3A_882 = arith.addi %iota3A_879, %add3A_881 : vector<16xi32>
      %gather3A_883 = arith.constant 4 : i32
      %gather3A_884 = arith.constant 0 : i32
      %gather3A_885 = arith.constant 0 : i32
      %gather3A_886 = tpu.memref_slice %arg10[%gather3A_883, %gather3A_884, %gather3A_885] : memref<12x64x128xf32, #tpu.memory_space<vmem>> -> memref<1x64x128xf32, #tpu.memory_space<vmem>>
      %gather3A_887 = tpu.memref_squeeze %gather3A_886 : memref<1x64x128xf32, #tpu.memory_space<vmem>> -> memref<64x128xf32, #tpu.memory_space<vmem>>
      %gather3A_888 = tpu.vector_load_idx %gather3A_887[%add3A_882, %gather3A_870] : memref<64x128xf32, #tpu.memory_space<vmem>>[vector<16xi32>, vector<16xi32>], vector<16xf32>,
      tpu.vector_store_idx %arg12[%add3A_882, %add3A_878], %gather3A_888 : memref<64x128xf32, #tpu.memory_space<vmem>>[vector<16xi32>, vector<16xi32>], vector<16xf32>,
      %iota3A_889 = tpu.iota {dimensions = array<i32: 0>} : vector<16xi32>
      %add3A_890 = arith.constant 16 : i32
      %add3A_891 = vector.broadcast %add3A_890 : i32 to vector<16xi32>
      %add3A_892 = arith.addi %iota3A_889, %add3A_891 : vector<16xi32>
      %gather3A_893 = arith.constant 4 : i32
      %gather3A_894 = arith.constant 0 : i32
      %gather3A_895 = arith.constant 0 : i32
      %gather3A_896 = tpu.memref_slice %arg10[%gather3A_893, %gather3A_894, %gather3A_895] : memref<12x64x128xf32, #tpu.memory_space<vmem>> -> memref<1x64x128xf32, #tpu.memory_space<vmem>>
      %gather3A_897 = tpu.memref_squeeze %gather3A_896 : memref<1x64x128xf32, #tpu.memory_space<vmem>> -> memref<64x128xf32, #tpu.memory_space<vmem>>
      %gather3A_898 = tpu.vector_load_idx %gather3A_897[%add3A_892, %gather3A_870] : memref<64x128xf32, #tpu.memory_space<vmem>>[vector<16xi32>, vector<16xi32>], vector<16xf32>,
      tpu.vector_store_idx %arg12[%add3A_892, %add3A_878], %gather3A_898 : memref<64x128xf32, #tpu.memory_space<vmem>>[vector<16xi32>, vector<16xi32>], vector<16xf32>,
      %iota3A_899 = tpu.iota {dimensions = array<i32: 0>} : vector<16xi32>
      %add3A_900 = arith.constant 32 : i32
      %add3A_901 = vector.broadcast %add3A_900 : i32 to vector<16xi32>
      %add3A_902 = arith.addi %iota3A_899, %add3A_901 : vector<16xi32>
      %gather3A_903 = arith.constant 4 : i32
      %gather3A_904 = arith.constant 0 : i32
      %gather3A_905 = arith.constant 0 : i32
      %gather3A_906 = tpu.memref_slice %arg10[%gather3A_903, %gather3A_904, %gather3A_905] : memref<12x64x128xf32, #tpu.memory_space<vmem>> -> memref<1x64x128xf32, #tpu.memory_space<vmem>>
      %gather3A_907 = tpu.memref_squeeze %gather3A_906 : memref<1x64x128xf32, #tpu.memory_space<vmem>> -> memref<64x128xf32, #tpu.memory_space<vmem>>
      %gather3A_908 = tpu.vector_load_idx %gather3A_907[%add3A_902, %gather3A_870] : memref<64x128xf32, #tpu.memory_space<vmem>>[vector<16xi32>, vector<16xi32>], vector<16xf32>,
      tpu.vector_store_idx %arg12[%add3A_902, %add3A_878], %gather3A_908 : memref<64x128xf32, #tpu.memory_space<vmem>>[vector<16xi32>, vector<16xi32>], vector<16xf32>,
      %iota3A_909 = tpu.iota {dimensions = array<i32: 0>} : vector<16xi32>
      %add3A_910 = arith.constant 48 : i32
      %add3A_911 = vector.broadcast %add3A_910 : i32 to vector<16xi32>
      %add3A_912 = arith.addi %iota3A_909, %add3A_911 : vector<16xi32>
      %gather3A_913 = arith.constant 4 : i32
      %gather3A_914 = arith.constant 0 : i32
      %gather3A_915 = arith.constant 0 : i32
      %gather3A_916 = tpu.memref_slice %arg10[%gather3A_913, %gather3A_914, %gather3A_915] : memref<12x64x128xf32, #tpu.memory_space<vmem>> -> memref<1x64x128xf32, #tpu.memory_space<vmem>>
      %gather3A_917 = tpu.memref_squeeze %gather3A_916 : memref<1x64x128xf32, #tpu.memory_space<vmem>> -> memref<64x128xf32, #tpu.memory_space<vmem>>
      %gather3A_918 = tpu.vector_load_idx %gather3A_917[%add3A_912, %gather3A_870] : memref<64x128xf32, #tpu.memory_space<vmem>>[vector<16xi32>, vector<16xi32>], vector<16xf32>,
      tpu.vector_store_idx %arg12[%add3A_912, %add3A_878], %gather3A_918 : memref<64x128xf32, #tpu.memory_space<vmem>>[vector<16xi32>, vector<16xi32>], vector<16xf32>,
      %dma_wait3A_919 = arith.constant 5 : i32
      %dma_wait3A_920 = arith.constant 0 : i32
      %dma_wait3A_921 = arith.constant 0 : i32
      %dma_wait3A_922 = tpu.memref_slice %arg10[%dma_wait3A_919, %dma_wait3A_920, %dma_wait3A_921] : memref<12x64x128xf32, #tpu.memory_space<vmem>> -> memref<1x64x128xf32, #tpu.memory_space<vmem>>
      %dma_wait3A_923 = tpu.memref_squeeze %dma_wait3A_922 : memref<1x64x128xf32, #tpu.memory_space<vmem>> -> memref<64x128xf32, #tpu.memory_space<vmem>>
      %dma_wait3A_924 = arith.constant 0 : i32
      %dma_wait3A_925 = tpu.memref_slice %arg5[%dma_wait3A_924, %multiple_of3A_238] : memref<64x1000000xf32, #tpu.memory_space<hbm>> -> memref<64x128xf32, #tpu.memory_space<hbm>>
      %dma_wait3A_926 = arith.constant 0 : i32
      %dma_wait3A_927 = arith.constant 0 : i32
      %dma_wait3A_928 = tpu.memref_slice %arg10[%dma_wait3A_919, %dma_wait3A_926, %dma_wait3A_927] : memref<12x64x128xf32, #tpu.memory_space<vmem>> -> memref<1x64x128xf32, #tpu.memory_space<vmem>>
      %dma_wait3A_929 = tpu.memref_squeeze %dma_wait3A_928 : memref<1x64x128xf32, #tpu.memory_space<vmem>> -> memref<64x128xf32, #tpu.memory_space<vmem>>
      %dma_wait3A_930 = arith.constant 0 : i32
      %dma_wait3A_931 = tpu.memref_slice %arg5[%dma_wait3A_930, %multiple_of3A_238] : memref<64x1000000xf32, #tpu.memory_space<hbm>> -> memref<64x128xf32, #tpu.memory_space<hbm>>
      tpu.wait_dma2 semaphore(%arg13 : memref<!tpu.dma_semaphore, #tpu.memory_space<semaphore_mem>>) src(%dma_wait3A_931 : memref<64x128xf32, #tpu.memory_space<hbm>>) dst(%dma_wait3A_929 : memref<64x128xf32, #tpu.memory_space<vmem>>)
      %broadcast_in_dim3A_932 = arith.constant 0 : i32
      %broadcast_in_dim3A_933 = vector.broadcast %broadcast_in_dim3A_932 : i32 to vector<16xi32>
      %add3A_934 = arith.constant 1 : i32
      %add3A_935 = vector.broadcast %add3A_934 : i32 to vector<16xi32>
      %add3A_936 = arith.addi %broadcast_in_dim3A_933, %add3A_935 : vector<16xi32>
      %lt3A_937 = arith.constant 0 : i32
      %lt3A_938 = vector.broadcast %lt3A_937 : i32 to vector<16xi32>
      %lt3A_939 = arith.cmpi slt, %add3A_936, %lt3A_938 : vector<16xi32>
      %add3A_940 = arith.constant 16 : i32
      %add3A_941 = vector.broadcast %add3A_940 : i32 to vector<16xi32>
      %add3A_942 = arith.addi %add3A_936, %add3A_941 : vector<16xi32>
      %select_n3A_943 = arith.select %lt3A_939, %add3A_942, %add3A_936 : vector<16xi1>, vector<16xi32>
      %broadcast_in_dim3A_944 = vector.shape_cast %select_n3A_943 : vector<16xi32> to vector<16x1xi32>
      %gather3A_945 = vector.shape_cast %broadcast_in_dim3A_944 : vector<16x1xi32> to vector<16xi32>
      %gather3A_946 = tpu.dynamic_gather %and3A_30[%gather3A_945] in [0] : vector<16xi32>, vector<16xi32> -> vector<16xi32>
      %add3A_947 = arith.constant 0 : i32
      %add3A_948 = arith.addi %mul3A_14, %add3A_947 : i32
      %add3A_949 = arith.constant 1 : i32
      %add3A_950 = arith.addi %add3A_948, %add3A_949 : i32
      %broadcast_in_dim3A_951 = arith.constant 0 : i32
      %broadcast_in_dim3A_952 = vector.broadcast %broadcast_in_dim3A_951 : i32 to vector<16xi32>
      %add3A_953 = vector.broadcast %add3A_950 : i32 to vector<16xi32>
      %add3A_954 = arith.addi %add3A_953, %broadcast_in_dim3A_952 : vector<16xi32>
      %iota3A_955 = tpu.iota {dimensions = array<i32: 0>} : vector<16xi32>
      %add3A_956 = arith.constant 0 : i32
      %add3A_957 = vector.broadcast %add3A_956 : i32 to vector<16xi32>
      %add3A_958 = arith.addi %iota3A_955, %add3A_957 : vector<16xi32>
      %gather3A_959 = arith.constant 5 : i32
      %gather3A_960 = arith.constant 0 : i32
      %gather3A_961 = arith.constant 0 : i32
      %gather3A_962 = tpu.memref_slice %arg10[%gather3A_959, %gather3A_960, %gather3A_961] : memref<12x64x128xf32, #tpu.memory_space<vmem>> -> memref<1x64x128xf32, #tpu.memory_space<vmem>>
      %gather3A_963 = tpu.memref_squeeze %gather3A_962 : memref<1x64x128xf32, #tpu.memory_space<vmem>> -> memref<64x128xf32, #tpu.memory_space<vmem>>
      %gather3A_964 = tpu.vector_load_idx %gather3A_963[%add3A_958, %gather3A_946] : memref<64x128xf32, #tpu.memory_space<vmem>>[vector<16xi32>, vector<16xi32>], vector<16xf32>,
      tpu.vector_store_idx %arg12[%add3A_958, %add3A_954], %gather3A_964 : memref<64x128xf32, #tpu.memory_space<vmem>>[vector<16xi32>, vector<16xi32>], vector<16xf32>,
      %iota3A_965 = tpu.iota {dimensions = array<i32: 0>} : vector<16xi32>
      %add3A_966 = arith.constant 16 : i32
      %add3A_967 = vector.broadcast %add3A_966 : i32 to vector<16xi32>
      %add3A_968 = arith.addi %iota3A_965, %add3A_967 : vector<16xi32>
      %gather3A_969 = arith.constant 5 : i32
      %gather3A_970 = arith.constant 0 : i32
      %gather3A_971 = arith.constant 0 : i32
      %gather3A_972 = tpu.memref_slice %arg10[%gather3A_969, %gather3A_970, %gather3A_971] : memref<12x64x128xf32, #tpu.memory_space<vmem>> -> memref<1x64x128xf32, #tpu.memory_space<vmem>>
      %gather3A_973 = tpu.memref_squeeze %gather3A_972 : memref<1x64x128xf32, #tpu.memory_space<vmem>> -> memref<64x128xf32, #tpu.memory_space<vmem>>
      %gather3A_974 = tpu.vector_load_idx %gather3A_973[%add3A_968, %gather3A_946] : memref<64x128xf32, #tpu.memory_space<vmem>>[vector<16xi32>, vector<16xi32>], vector<16xf32>,
      tpu.vector_store_idx %arg12[%add3A_968, %add3A_954], %gather3A_974 : memref<64x128xf32, #tpu.memory_space<vmem>>[vector<16xi32>, vector<16xi32>], vector<16xf32>,
      %iota3A_975 = tpu.iota {dimensions = array<i32: 0>} : vector<16xi32>
      %add3A_976 = arith.constant 32 : i32
      %add3A_977 = vector.broadcast %add3A_976 : i32 to vector<16xi32>
      %add3A_978 = arith.addi %iota3A_975, %add3A_977 : vector<16xi32>
      %gather3A_979 = arith.constant 5 : i32
      %gather3A_980 = arith.constant 0 : i32
      %gather3A_981 = arith.constant 0 : i32
      %gather3A_982 = tpu.memref_slice %arg10[%gather3A_979, %gather3A_980, %gather3A_981] : memref<12x64x128xf32, #tpu.memory_space<vmem>> -> memref<1x64x128xf32, #tpu.memory_space<vmem>>
      %gather3A_983 = tpu.memref_squeeze %gather3A_982 : memref<1x64x128xf32, #tpu.memory_space<vmem>> -> memref<64x128xf32, #tpu.memory_space<vmem>>
      %gather3A_984 = tpu.vector_load_idx %gather3A_983[%add3A_978, %gather3A_946] : memref<64x128xf32, #tpu.memory_space<vmem>>[vector<16xi32>, vector<16xi32>], vector<16xf32>,
      tpu.vector_store_idx %arg12[%add3A_978, %add3A_954], %gather3A_984 : memref<64x128xf32, #tpu.memory_space<vmem>>[vector<16xi32>, vector<16xi32>], vector<16xf32>,
      %iota3A_985 = tpu.iota {dimensions = array<i32: 0>} : vector<16xi32>
      %add3A_986 = arith.constant 48 : i32
      %add3A_987 = vector.broadcast %add3A_986 : i32 to vector<16xi32>
      %add3A_988 = arith.addi %iota3A_985, %add3A_987 : vector<16xi32>
      %gather3A_989 = arith.constant 5 : i32
      %gather3A_990 = arith.constant 0 : i32
      %gather3A_991 = arith.constant 0 : i32
      %gather3A_992 = tpu.memref_slice %arg10[%gather3A_989, %gather3A_990, %gather3A_991] : memref<12x64x128xf32, #tpu.memory_space<vmem>> -> memref<1x64x128xf32, #tpu.memory_space<vmem>>
      %gather3A_993 = tpu.memref_squeeze %gather3A_992 : memref<1x64x128xf32, #tpu.memory_space<vmem>> -> memref<64x128xf32, #tpu.memory_space<vmem>>
      %gather3A_994 = tpu.vector_load_idx %gather3A_993[%add3A_988, %gather3A_946] : memref<64x128xf32, #tpu.memory_space<vmem>>[vector<16xi32>, vector<16xi32>], vector<16xf32>,
      tpu.vector_store_idx %arg12[%add3A_988, %add3A_954], %gather3A_994 : memref<64x128xf32, #tpu.memory_space<vmem>>[vector<16xi32>, vector<16xi32>], vector<16xf32>,
      %dma_wait3A_995 = arith.constant 6 : i32
      %dma_wait3A_996 = arith.constant 0 : i32
      %dma_wait3A_997 = arith.constant 0 : i32
      %dma_wait3A_998 = tpu.memref_slice %arg10[%dma_wait3A_995, %dma_wait3A_996, %dma_wait3A_997] : memref<12x64x128xf32, #tpu.memory_space<vmem>> -> memref<1x64x128xf32, #tpu.memory_space<vmem>>
      %dma_wait3A_999 = tpu.memref_squeeze %dma_wait3A_998 : memref<1x64x128xf32, #tpu.memory_space<vmem>> -> memref<64x128xf32, #tpu.memory_space<vmem>>
      %dma_wait3A_1000 = arith.constant 0 : i32
      %dma_wait3A_1001 = tpu.memref_slice %arg5[%dma_wait3A_1000, %multiple_of3A_267] : memref<64x1000000xf32, #tpu.memory_space<hbm>> -> memref<64x128xf32, #tpu.memory_space<hbm>>
      %dma_wait3A_1002 = arith.constant 0 : i32
      %dma_wait3A_1003 = arith.constant 0 : i32
      %dma_wait3A_1004 = tpu.memref_slice %arg10[%dma_wait3A_995, %dma_wait3A_1002, %dma_wait3A_1003] : memref<12x64x128xf32, #tpu.memory_space<vmem>> -> memref<1x64x128xf32, #tpu.memory_space<vmem>>
      %dma_wait3A_1005 = tpu.memref_squeeze %dma_wait3A_1004 : memref<1x64x128xf32, #tpu.memory_space<vmem>> -> memref<64x128xf32, #tpu.memory_space<vmem>>
      %dma_wait3A_1006 = arith.constant 0 : i32
      %dma_wait3A_1007 = tpu.memref_slice %arg5[%dma_wait3A_1006, %multiple_of3A_267] : memref<64x1000000xf32, #tpu.memory_space<hbm>> -> memref<64x128xf32, #tpu.memory_space<hbm>>
      tpu.wait_dma2 semaphore(%arg13 : memref<!tpu.dma_semaphore, #tpu.memory_space<semaphore_mem>>) src(%dma_wait3A_1007 : memref<64x128xf32, #tpu.memory_space<hbm>>) dst(%dma_wait3A_1005 : memref<64x128xf32, #tpu.memory_space<vmem>>)
      %broadcast_in_dim3A_1008 = arith.constant 0 : i32
      %broadcast_in_dim3A_1009 = vector.broadcast %broadcast_in_dim3A_1008 : i32 to vector<16xi32>
      %add3A_1010 = arith.constant 2 : i32
      %add3A_1011 = vector.broadcast %add3A_1010 : i32 to vector<16xi32>
      %add3A_1012 = arith.addi %broadcast_in_dim3A_1009, %add3A_1011 : vector<16xi32>
      %lt3A_1013 = arith.constant 0 : i32
      %lt3A_1014 = vector.broadcast %lt3A_1013 : i32 to vector<16xi32>
      %lt3A_1015 = arith.cmpi slt, %add3A_1012, %lt3A_1014 : vector<16xi32>
      %add3A_1016 = arith.constant 16 : i32
      %add3A_1017 = vector.broadcast %add3A_1016 : i32 to vector<16xi32>
      %add3A_1018 = arith.addi %add3A_1012, %add3A_1017 : vector<16xi32>
      %select_n3A_1019 = arith.select %lt3A_1015, %add3A_1018, %add3A_1012 : vector<16xi1>, vector<16xi32>
      %broadcast_in_dim3A_1020 = vector.shape_cast %select_n3A_1019 : vector<16xi32> to vector<16x1xi32>
      %gather3A_1021 = vector.shape_cast %broadcast_in_dim3A_1020 : vector<16x1xi32> to vector<16xi32>
      %gather3A_1022 = tpu.dynamic_gather %and3A_30[%gather3A_1021] in [0] : vector<16xi32>, vector<16xi32> -> vector<16xi32>
      %add3A_1023 = arith.constant 0 : i32
      %add3A_1024 = arith.addi %mul3A_14, %add3A_1023 : i32
      %add3A_1025 = arith.constant 2 : i32
      %add3A_1026 = arith.addi %add3A_1024, %add3A_1025 : i32
      %broadcast_in_dim3A_1027 = arith.constant 0 : i32
      %broadcast_in_dim3A_1028 = vector.broadcast %broadcast_in_dim3A_1027 : i32 to vector<16xi32>
      %add3A_1029 = vector.broadcast %add3A_1026 : i32 to vector<16xi32>
      %add3A_1030 = arith.addi %add3A_1029, %broadcast_in_dim3A_1028 : vector<16xi32>
      %iota3A_1031 = tpu.iota {dimensions = array<i32: 0>} : vector<16xi32>
      %add3A_1032 = arith.constant 0 : i32
      %add3A_1033 = vector.broadcast %add3A_1032 : i32 to vector<16xi32>
      %add3A_1034 = arith.addi %iota3A_1031, %add3A_1033 : vector<16xi32>
      %gather3A_1035 = arith.constant 6 : i32
      %gather3A_1036 = arith.constant 0 : i32
      %gather3A_1037 = arith.constant 0 : i32
      %gather3A_1038 = tpu.memref_slice %arg10[%gather3A_1035, %gather3A_1036, %gather3A_1037] : memref<12x64x128xf32, #tpu.memory_space<vmem>> -> memref<1x64x128xf32, #tpu.memory_space<vmem>>
      %gather3A_1039 = tpu.memref_squeeze %gather3A_1038 : memref<1x64x128xf32, #tpu.memory_space<vmem>> -> memref<64x128xf32, #tpu.memory_space<vmem>>
      %gather3A_1040 = tpu.vector_load_idx %gather3A_1039[%add3A_1034, %gather3A_1022] : memref<64x128xf32, #tpu.memory_space<vmem>>[vector<16xi32>, vector<16xi32>], vector<16xf32>,
      tpu.vector_store_idx %arg12[%add3A_1034, %add3A_1030], %gather3A_1040 : memref<64x128xf32, #tpu.memory_space<vmem>>[vector<16xi32>, vector<16xi32>], vector<16xf32>,
      %iota3A_1041 = tpu.iota {dimensions = array<i32: 0>} : vector<16xi32>
      %add3A_1042 = arith.constant 16 : i32
      %add3A_1043 = vector.broadcast %add3A_1042 : i32 to vector<16xi32>
      %add3A_1044 = arith.addi %iota3A_1041, %add3A_1043 : vector<16xi32>
      %gather3A_1045 = arith.constant 6 : i32
      %gather3A_1046 = arith.constant 0 : i32
      %gather3A_1047 = arith.constant 0 : i32
      %gather3A_1048 = tpu.memref_slice %arg10[%gather3A_1045, %gather3A_1046, %gather3A_1047] : memref<12x64x128xf32, #tpu.memory_space<vmem>> -> memref<1x64x128xf32, #tpu.memory_space<vmem>>
      %gather3A_1049 = tpu.memref_squeeze %gather3A_1048 : memref<1x64x128xf32, #tpu.memory_space<vmem>> -> memref<64x128xf32, #tpu.memory_space<vmem>>
      %gather3A_1050 = tpu.vector_load_idx %gather3A_1049[%add3A_1044, %gather3A_1022] : memref<64x128xf32, #tpu.memory_space<vmem>>[vector<16xi32>, vector<16xi32>], vector<16xf32>,
      tpu.vector_store_idx %arg12[%add3A_1044, %add3A_1030], %gather3A_1050 : memref<64x128xf32, #tpu.memory_space<vmem>>[vector<16xi32>, vector<16xi32>], vector<16xf32>,
      %iota3A_1051 = tpu.iota {dimensions = array<i32: 0>} : vector<16xi32>
      %add3A_1052 = arith.constant 32 : i32
      %add3A_1053 = vector.broadcast %add3A_1052 : i32 to vector<16xi32>
      %add3A_1054 = arith.addi %iota3A_1051, %add3A_1053 : vector<16xi32>
      %gather3A_1055 = arith.constant 6 : i32
      %gather3A_1056 = arith.constant 0 : i32
      %gather3A_1057 = arith.constant 0 : i32
      %gather3A_1058 = tpu.memref_slice %arg10[%gather3A_1055, %gather3A_1056, %gather3A_1057] : memref<12x64x128xf32, #tpu.memory_space<vmem>> -> memref<1x64x128xf32, #tpu.memory_space<vmem>>
      %gather3A_1059 = tpu.memref_squeeze %gather3A_1058 : memref<1x64x128xf32, #tpu.memory_space<vmem>> -> memref<64x128xf32, #tpu.memory_space<vmem>>
      %gather3A_1060 = tpu.vector_load_idx %gather3A_1059[%add3A_1054, %gather3A_1022] : memref<64x128xf32, #tpu.memory_space<vmem>>[vector<16xi32>, vector<16xi32>], vector<16xf32>,
      tpu.vector_store_idx %arg12[%add3A_1054, %add3A_1030], %gather3A_1060 : memref<64x128xf32, #tpu.memory_space<vmem>>[vector<16xi32>, vector<16xi32>], vector<16xf32>,
      %iota3A_1061 = tpu.iota {dimensions = array<i32: 0>} : vector<16xi32>
      %add3A_1062 = arith.constant 48 : i32
      %add3A_1063 = vector.broadcast %add3A_1062 : i32 to vector<16xi32>
      %add3A_1064 = arith.addi %iota3A_1061, %add3A_1063 : vector<16xi32>
      %gather3A_1065 = arith.constant 6 : i32
      %gather3A_1066 = arith.constant 0 : i32
      %gather3A_1067 = arith.constant 0 : i32
      %gather3A_1068 = tpu.memref_slice %arg10[%gather3A_1065, %gather3A_1066, %gather3A_1067] : memref<12x64x128xf32, #tpu.memory_space<vmem>> -> memref<1x64x128xf32, #tpu.memory_space<vmem>>
      %gather3A_1069 = tpu.memref_squeeze %gather3A_1068 : memref<1x64x128xf32, #tpu.memory_space<vmem>> -> memref<64x128xf32, #tpu.memory_space<vmem>>
      %gather3A_1070 = tpu.vector_load_idx %gather3A_1069[%add3A_1064, %gather3A_1022] : memref<64x128xf32, #tpu.memory_space<vmem>>[vector<16xi32>, vector<16xi32>], vector<16xf32>,
      tpu.vector_store_idx %arg12[%add3A_1064, %add3A_1030], %gather3A_1070 : memref<64x128xf32, #tpu.memory_space<vmem>>[vector<16xi32>, vector<16xi32>], vector<16xf32>,
      %dma_wait3A_1071 = arith.constant 7 : i32
      %dma_wait3A_1072 = arith.constant 0 : i32
      %dma_wait3A_1073 = arith.constant 0 : i32
      %dma_wait3A_1074 = tpu.memref_slice %arg10[%dma_wait3A_1071, %dma_wait3A_1072, %dma_wait3A_1073] : memref<12x64x128xf32, #tpu.memory_space<vmem>> -> memref<1x64x128xf32, #tpu.memory_space<vmem>>
      %dma_wait3A_1075 = tpu.memref_squeeze %dma_wait3A_1074 : memref<1x64x128xf32, #tpu.memory_space<vmem>> -> memref<64x128xf32, #tpu.memory_space<vmem>>
      %dma_wait3A_1076 = arith.constant 0 : i32
      %dma_wait3A_1077 = tpu.memref_slice %arg5[%dma_wait3A_1076, %multiple_of3A_296] : memref<64x1000000xf32, #tpu.memory_space<hbm>> -> memref<64x128xf32, #tpu.memory_space<hbm>>
      %dma_wait3A_1078 = arith.constant 0 : i32
      %dma_wait3A_1079 = arith.constant 0 : i32
      %dma_wait3A_1080 = tpu.memref_slice %arg10[%dma_wait3A_1071, %dma_wait3A_1078, %dma_wait3A_1079] : memref<12x64x128xf32, #tpu.memory_space<vmem>> -> memref<1x64x128xf32, #tpu.memory_space<vmem>>
      %dma_wait3A_1081 = tpu.memref_squeeze %dma_wait3A_1080 : memref<1x64x128xf32, #tpu.memory_space<vmem>> -> memref<64x128xf32, #tpu.memory_space<vmem>>
      %dma_wait3A_1082 = arith.constant 0 : i32
      %dma_wait3A_1083 = tpu.memref_slice %arg5[%dma_wait3A_1082, %multiple_of3A_296] : memref<64x1000000xf32, #tpu.memory_space<hbm>> -> memref<64x128xf32, #tpu.memory_space<hbm>>
      tpu.wait_dma2 semaphore(%arg13 : memref<!tpu.dma_semaphore, #tpu.memory_space<semaphore_mem>>) src(%dma_wait3A_1083 : memref<64x128xf32, #tpu.memory_space<hbm>>) dst(%dma_wait3A_1081 : memref<64x128xf32, #tpu.memory_space<vmem>>)
      %broadcast_in_dim3A_1084 = arith.constant 0 : i32
      %broadcast_in_dim3A_1085 = vector.broadcast %broadcast_in_dim3A_1084 : i32 to vector<16xi32>
      %add3A_1086 = arith.constant 3 : i32
      %add3A_1087 = vector.broadcast %add3A_1086 : i32 to vector<16xi32>
      %add3A_1088 = arith.addi %broadcast_in_dim3A_1085, %add3A_1087 : vector<16xi32>
      %lt3A_1089 = arith.constant 0 : i32
      %lt3A_1090 = vector.broadcast %lt3A_1089 : i32 to vector<16xi32>
      %lt3A_1091 = arith.cmpi slt, %add3A_1088, %lt3A_1090 : vector<16xi32>
      %add3A_1092 = arith.constant 16 : i32
      %add3A_1093 = vector.broadcast %add3A_1092 : i32 to vector<16xi32>
      %add3A_1094 = arith.addi %add3A_1088, %add3A_1093 : vector<16xi32>
      %select_n3A_1095 = arith.select %lt3A_1091, %add3A_1094, %add3A_1088 : vector<16xi1>, vector<16xi32>
      %broadcast_in_dim3A_1096 = vector.shape_cast %select_n3A_1095 : vector<16xi32> to vector<16x1xi32>
      %gather3A_1097 = vector.shape_cast %broadcast_in_dim3A_1096 : vector<16x1xi32> to vector<16xi32>
      %gather3A_1098 = tpu.dynamic_gather %and3A_30[%gather3A_1097] in [0] : vector<16xi32>, vector<16xi32> -> vector<16xi32>
      %add3A_1099 = arith.constant 0 : i32
      %add3A_1100 = arith.addi %mul3A_14, %add3A_1099 : i32
      %add3A_1101 = arith.constant 3 : i32
      %add3A_1102 = arith.addi %add3A_1100, %add3A_1101 : i32
      %broadcast_in_dim3A_1103 = arith.constant 0 : i32
      %broadcast_in_dim3A_1104 = vector.broadcast %broadcast_in_dim3A_1103 : i32 to vector<16xi32>
      %add3A_1105 = vector.broadcast %add3A_1102 : i32 to vector<16xi32>
      %add3A_1106 = arith.addi %add3A_1105, %broadcast_in_dim3A_1104 : vector<16xi32>
      %iota3A_1107 = tpu.iota {dimensions = array<i32: 0>} : vector<16xi32>
      %add3A_1108 = arith.constant 0 : i32
      %add3A_1109 = vector.broadcast %add3A_1108 : i32 to vector<16xi32>
      %add3A_1110 = arith.addi %iota3A_1107, %add3A_1109 : vector<16xi32>
      %gather3A_1111 = arith.constant 7 : i32
      %gather3A_1112 = arith.constant 0 : i32
      %gather3A_1113 = arith.constant 0 : i32
      %gather3A_1114 = tpu.memref_slice %arg10[%gather3A_1111, %gather3A_1112, %gather3A_1113] : memref<12x64x128xf32, #tpu.memory_space<vmem>> -> memref<1x64x128xf32, #tpu.memory_space<vmem>>
      %gather3A_1115 = tpu.memref_squeeze %gather3A_1114 : memref<1x64x128xf32, #tpu.memory_space<vmem>> -> memref<64x128xf32, #tpu.memory_space<vmem>>
      %gather3A_1116 = tpu.vector_load_idx %gather3A_1115[%add3A_1110, %gather3A_1098] : memref<64x128xf32, #tpu.memory_space<vmem>>[vector<16xi32>, vector<16xi32>], vector<16xf32>,
      tpu.vector_store_idx %arg12[%add3A_1110, %add3A_1106], %gather3A_1116 : memref<64x128xf32, #tpu.memory_space<vmem>>[vector<16xi32>, vector<16xi32>], vector<16xf32>,
      %iota3A_1117 = tpu.iota {dimensions = array<i32: 0>} : vector<16xi32>
      %add3A_1118 = arith.constant 16 : i32
      %add3A_1119 = vector.broadcast %add3A_1118 : i32 to vector<16xi32>
      %add3A_1120 = arith.addi %iota3A_1117, %add3A_1119 : vector<16xi32>
      %gather3A_1121 = arith.constant 7 : i32
      %gather3A_1122 = arith.constant 0 : i32
      %gather3A_1123 = arith.constant 0 : i32
      %gather3A_1124 = tpu.memref_slice %arg10[%gather3A_1121, %gather3A_1122, %gather3A_1123] : memref<12x64x128xf32, #tpu.memory_space<vmem>> -> memref<1x64x128xf32, #tpu.memory_space<vmem>>
      %gather3A_1125 = tpu.memref_squeeze %gather3A_1124 : memref<1x64x128xf32, #tpu.memory_space<vmem>> -> memref<64x128xf32, #tpu.memory_space<vmem>>
      %gather3A_1126 = tpu.vector_load_idx %gather3A_1125[%add3A_1120, %gather3A_1098] : memref<64x128xf32, #tpu.memory_space<vmem>>[vector<16xi32>, vector<16xi32>], vector<16xf32>,
      tpu.vector_store_idx %arg12[%add3A_1120, %add3A_1106], %gather3A_1126 : memref<64x128xf32, #tpu.memory_space<vmem>>[vector<16xi32>, vector<16xi32>], vector<16xf32>,
      %iota3A_1127 = tpu.iota {dimensions = array<i32: 0>} : vector<16xi32>
      %add3A_1128 = arith.constant 32 : i32
      %add3A_1129 = vector.broadcast %add3A_1128 : i32 to vector<16xi32>
      %add3A_1130 = arith.addi %iota3A_1127, %add3A_1129 : vector<16xi32>
      %gather3A_1131 = arith.constant 7 : i32
      %gather3A_1132 = arith.constant 0 : i32
      %gather3A_1133 = arith.constant 0 : i32
      %gather3A_1134 = tpu.memref_slice %arg10[%gather3A_1131, %gather3A_1132, %gather3A_1133] : memref<12x64x128xf32, #tpu.memory_space<vmem>> -> memref<1x64x128xf32, #tpu.memory_space<vmem>>
      %gather3A_1135 = tpu.memref_squeeze %gather3A_1134 : memref<1x64x128xf32, #tpu.memory_space<vmem>> -> memref<64x128xf32, #tpu.memory_space<vmem>>
      %gather3A_1136 = tpu.vector_load_idx %gather3A_1135[%add3A_1130, %gather3A_1098] : memref<64x128xf32, #tpu.memory_space<vmem>>[vector<16xi32>, vector<16xi32>], vector<16xf32>,
      tpu.vector_store_idx %arg12[%add3A_1130, %add3A_1106], %gather3A_1136 : memref<64x128xf32, #tpu.memory_space<vmem>>[vector<16xi32>, vector<16xi32>], vector<16xf32>,
      %iota3A_1137 = tpu.iota {dimensions = array<i32: 0>} : vector<16xi32>
      %add3A_1138 = arith.constant 48 : i32
      %add3A_1139 = vector.broadcast %add3A_1138 : i32 to vector<16xi32>
      %add3A_1140 = arith.addi %iota3A_1137, %add3A_1139 : vector<16xi32>
      %gather3A_1141 = arith.constant 7 : i32
      %gather3A_1142 = arith.constant 0 : i32
      %gather3A_1143 = arith.constant 0 : i32
      %gather3A_1144 = tpu.memref_slice %arg10[%gather3A_1141, %gather3A_1142, %gather3A_1143] : memref<12x64x128xf32, #tpu.memory_space<vmem>> -> memref<1x64x128xf32, #tpu.memory_space<vmem>>
      %gather3A_1145 = tpu.memref_squeeze %gather3A_1144 : memref<1x64x128xf32, #tpu.memory_space<vmem>> -> memref<64x128xf32, #tpu.memory_space<vmem>>
      %gather3A_1146 = tpu.vector_load_idx %gather3A_1145[%add3A_1140, %gather3A_1098] : memref<64x128xf32, #tpu.memory_space<vmem>>[vector<16xi32>, vector<16xi32>], vector<16xf32>,
      tpu.vector_store_idx %arg12[%add3A_1140, %add3A_1106], %gather3A_1146 : memref<64x128xf32, #tpu.memory_space<vmem>>[vector<16xi32>, vector<16xi32>], vector<16xf32>,
      %iota3A_1147 = tpu.iota {dimensions = array<i32: 0>} : vector<16xi32>
      %eq3A_1148 = arith.constant 8 : i32
      %eq3A_1149 = vector.broadcast %eq3A_1148 : i32 to vector<16xi32>
      %eq3A_1150 = arith.cmpi eq, %iota3A_1147, %eq3A_1149 : vector<16xi32>
      %jit3A_1151 = arith.constant 0 : i32
      %broadcast_in_dim3A_1152 = vector.broadcast %jit3A_1151 : i32 to vector<16xi32>
      %select_n3A_1153 = arith.select %eq3A_1150, %mul3A_54, %broadcast_in_dim3A_1152 : vector<16xi1>, vector<16xi32>
      %reduce_max3A_1154 = arith.constant true
      %reduce_max3A_1155 = vector.broadcast %reduce_max3A_1154 : i1 to vector<16xi1>
      %reduce_max3A_1156 = arith.constant -2147483648 : i32
      %reduce_max3A_1157 = vector.broadcast %reduce_max3A_1156 : i32 to vector<16xi32>
      %reduce_max3A_1158 = arith.xori %select_n3A_1153, %reduce_max3A_1157 : vector<16xi32>
      %reduce_max3A_1159 = tpu.scan <max>, %reduce_max3A_1158 masked %reduce_max3A_1155 : vector<16xi32>, vector<16xi1> -> vector<16xi32>
      %reduce_max3A_1160 = arith.xori %reduce_max3A_1159, %reduce_max3A_1157 : vector<16xi32>
      %reduce_max3A_1161 = vector.extract %reduce_max3A_1160[15] : i32 from vector<16xi32>
      %multiple_of3A_1162 = tpu.assume_multiple %reduce_max3A_1161, 128 : i32
      %dma_start3A_1163 = arith.constant 4 : i32
      %dma_start3A_1164 = arith.constant 0 : i32
      %dma_start3A_1165 = arith.constant 0 : i32
      %dma_start3A_1166 = tpu.memref_slice %arg10[%dma_start3A_1163, %dma_start3A_1164, %dma_start3A_1165] : memref<12x64x128xf32, #tpu.memory_space<vmem>> -> memref<1x64x128xf32, #tpu.memory_space<vmem>>
      %dma_start3A_1167 = tpu.memref_squeeze %dma_start3A_1166 : memref<1x64x128xf32, #tpu.memory_space<vmem>> -> memref<64x128xf32, #tpu.memory_space<vmem>>
      %dma_start3A_1168 = arith.constant 0 : i32
      %dma_start3A_1169 = tpu.memref_slice %arg4[%dma_start3A_1168, %multiple_of3A_1162] : memref<64x1000000xf32, #tpu.memory_space<hbm>> -> memref<64x128xf32, #tpu.memory_space<hbm>>
      %dma_start3A_1170 = arith.constant 0 : i32
      %dma_start3A_1171 = arith.constant 0 : i32
      %dma_start3A_1172 = tpu.memref_slice %arg10[%dma_start3A_1163, %dma_start3A_1170, %dma_start3A_1171] : memref<12x64x128xf32, #tpu.memory_space<vmem>> -> memref<1x64x128xf32, #tpu.memory_space<vmem>>
      %dma_start3A_1173 = tpu.memref_squeeze %dma_start3A_1172 : memref<1x64x128xf32, #tpu.memory_space<vmem>> -> memref<64x128xf32, #tpu.memory_space<vmem>>
      %dma_start3A_1174 = arith.constant 0 : i32
      %dma_start3A_1175 = tpu.memref_slice %arg4[%dma_start3A_1174, %multiple_of3A_1162] : memref<64x1000000xf32, #tpu.memory_space<hbm>> -> memref<64x128xf32, #tpu.memory_space<hbm>>
      tpu.enqueue_dma source(%dma_start3A_1175 : memref<64x128xf32, #tpu.memory_space<hbm>>) target(%dma_start3A_1173 : memref<64x128xf32, #tpu.memory_space<vmem>>) target_semaphore(%arg13 : memref<!tpu.dma_semaphore, #tpu.memory_space<semaphore_mem>>)
      %iota3A_1176 = tpu.iota {dimensions = array<i32: 0>} : vector<16xi32>
      %eq3A_1177 = arith.constant 9 : i32
      %eq3A_1178 = vector.broadcast %eq3A_1177 : i32 to vector<16xi32>
      %eq3A_1179 = arith.cmpi eq, %iota3A_1176, %eq3A_1178 : vector<16xi32>
      %jit3A_1180 = arith.constant 0 : i32
      %broadcast_in_dim3A_1181 = vector.broadcast %jit3A_1180 : i32 to vector<16xi32>
      %select_n3A_1182 = arith.select %eq3A_1179, %mul3A_54, %broadcast_in_dim3A_1181 : vector<16xi1>, vector<16xi32>
      %reduce_max3A_1183 = arith.constant true
      %reduce_max3A_1184 = vector.broadcast %reduce_max3A_1183 : i1 to vector<16xi1>
      %reduce_max3A_1185 = arith.constant -2147483648 : i32
      %reduce_max3A_1186 = vector.broadcast %reduce_max3A_1185 : i32 to vector<16xi32>
      %reduce_max3A_1187 = arith.xori %select_n3A_1182, %reduce_max3A_1186 : vector<16xi32>
      %reduce_max3A_1188 = tpu.scan <max>, %reduce_max3A_1187 masked %reduce_max3A_1184 : vector<16xi32>, vector<16xi1> -> vector<16xi32>
      %reduce_max3A_1189 = arith.xori %reduce_max3A_1188, %reduce_max3A_1186 : vector<16xi32>
      %reduce_max3A_1190 = vector.extract %reduce_max3A_1189[15] : i32 from vector<16xi32>
      %multiple_of3A_1191 = tpu.assume_multiple %reduce_max3A_1190, 128 : i32
      %dma_start3A_1192 = arith.constant 5 : i32
      %dma_start3A_1193 = arith.constant 0 : i32
      %dma_start3A_1194 = arith.constant 0 : i32
      %dma_start3A_1195 = tpu.memref_slice %arg10[%dma_start3A_1192, %dma_start3A_1193, %dma_start3A_1194] : memref<12x64x128xf32, #tpu.memory_space<vmem>> -> memref<1x64x128xf32, #tpu.memory_space<vmem>>
      %dma_start3A_1196 = tpu.memref_squeeze %dma_start3A_1195 : memref<1x64x128xf32, #tpu.memory_space<vmem>> -> memref<64x128xf32, #tpu.memory_space<vmem>>
      %dma_start3A_1197 = arith.constant 0 : i32
      %dma_start3A_1198 = tpu.memref_slice %arg4[%dma_start3A_1197, %multiple_of3A_1191] : memref<64x1000000xf32, #tpu.memory_space<hbm>> -> memref<64x128xf32, #tpu.memory_space<hbm>>
      %dma_start3A_1199 = arith.constant 0 : i32
      %dma_start3A_1200 = arith.constant 0 : i32
      %dma_start3A_1201 = tpu.memref_slice %arg10[%dma_start3A_1192, %dma_start3A_1199, %dma_start3A_1200] : memref<12x64x128xf32, #tpu.memory_space<vmem>> -> memref<1x64x128xf32, #tpu.memory_space<vmem>>
      %dma_start3A_1202 = tpu.memref_squeeze %dma_start3A_1201 : memref<1x64x128xf32, #tpu.memory_space<vmem>> -> memref<64x128xf32, #tpu.memory_space<vmem>>
      %dma_start3A_1203 = arith.constant 0 : i32
      %dma_start3A_1204 = tpu.memref_slice %arg4[%dma_start3A_1203, %multiple_of3A_1191] : memref<64x1000000xf32, #tpu.memory_space<hbm>> -> memref<64x128xf32, #tpu.memory_space<hbm>>
      tpu.enqueue_dma source(%dma_start3A_1204 : memref<64x128xf32, #tpu.memory_space<hbm>>) target(%dma_start3A_1202 : memref<64x128xf32, #tpu.memory_space<vmem>>) target_semaphore(%arg13 : memref<!tpu.dma_semaphore, #tpu.memory_space<semaphore_mem>>)
      %iota3A_1205 = tpu.iota {dimensions = array<i32: 0>} : vector<16xi32>
      %eq3A_1206 = arith.constant 10 : i32
      %eq3A_1207 = vector.broadcast %eq3A_1206 : i32 to vector<16xi32>
      %eq3A_1208 = arith.cmpi eq, %iota3A_1205, %eq3A_1207 : vector<16xi32>
      %jit3A_1209 = arith.constant 0 : i32
      %broadcast_in_dim3A_1210 = vector.broadcast %jit3A_1209 : i32 to vector<16xi32>
      %select_n3A_1211 = arith.select %eq3A_1208, %mul3A_54, %broadcast_in_dim3A_1210 : vector<16xi1>, vector<16xi32>
      %reduce_max3A_1212 = arith.constant true
      %reduce_max3A_1213 = vector.broadcast %reduce_max3A_1212 : i1 to vector<16xi1>
      %reduce_max3A_1214 = arith.constant -2147483648 : i32
      %reduce_max3A_1215 = vector.broadcast %reduce_max3A_1214 : i32 to vector<16xi32>
      %reduce_max3A_1216 = arith.xori %select_n3A_1211, %reduce_max3A_1215 : vector<16xi32>
      %reduce_max3A_1217 = tpu.scan <max>, %reduce_max3A_1216 masked %reduce_max3A_1213 : vector<16xi32>, vector<16xi1> -> vector<16xi32>
      %reduce_max3A_1218 = arith.xori %reduce_max3A_1217, %reduce_max3A_1215 : vector<16xi32>
      %reduce_max3A_1219 = vector.extract %reduce_max3A_1218[15] : i32 from vector<16xi32>
      %multiple_of3A_1220 = tpu.assume_multiple %reduce_max3A_1219, 128 : i32
      %dma_start3A_1221 = arith.constant 6 : i32
      %dma_start3A_1222 = arith.constant 0 : i32
      %dma_start3A_1223 = arith.constant 0 : i32
      %dma_start3A_1224 = tpu.memref_slice %arg10[%dma_start3A_1221, %dma_start3A_1222, %dma_start3A_1223] : memref<12x64x128xf32, #tpu.memory_space<vmem>> -> memref<1x64x128xf32, #tpu.memory_space<vmem>>
      %dma_start3A_1225 = tpu.memref_squeeze %dma_start3A_1224 : memref<1x64x128xf32, #tpu.memory_space<vmem>> -> memref<64x128xf32, #tpu.memory_space<vmem>>
      %dma_start3A_1226 = arith.constant 0 : i32
      %dma_start3A_1227 = tpu.memref_slice %arg4[%dma_start3A_1226, %multiple_of3A_1220] : memref<64x1000000xf32, #tpu.memory_space<hbm>> -> memref<64x128xf32, #tpu.memory_space<hbm>>
      %dma_start3A_1228 = arith.constant 0 : i32
      %dma_start3A_1229 = arith.constant 0 : i32
      %dma_start3A_1230 = tpu.memref_slice %arg10[%dma_start3A_1221, %dma_start3A_1228, %dma_start3A_1229] : memref<12x64x128xf32, #tpu.memory_space<vmem>> -> memref<1x64x128xf32, #tpu.memory_space<vmem>>
      %dma_start3A_1231 = tpu.memref_squeeze %dma_start3A_1230 : memref<1x64x128xf32, #tpu.memory_space<vmem>> -> memref<64x128xf32, #tpu.memory_space<vmem>>
      %dma_start3A_1232 = arith.constant 0 : i32
      %dma_start3A_1233 = tpu.memref_slice %arg4[%dma_start3A_1232, %multiple_of3A_1220] : memref<64x1000000xf32, #tpu.memory_space<hbm>> -> memref<64x128xf32, #tpu.memory_space<hbm>>
      tpu.enqueue_dma source(%dma_start3A_1233 : memref<64x128xf32, #tpu.memory_space<hbm>>) target(%dma_start3A_1231 : memref<64x128xf32, #tpu.memory_space<vmem>>) target_semaphore(%arg13 : memref<!tpu.dma_semaphore, #tpu.memory_space<semaphore_mem>>)
      %iota3A_1234 = tpu.iota {dimensions = array<i32: 0>} : vector<16xi32>
      %eq3A_1235 = arith.constant 11 : i32
      %eq3A_1236 = vector.broadcast %eq3A_1235 : i32 to vector<16xi32>
      %eq3A_1237 = arith.cmpi eq, %iota3A_1234, %eq3A_1236 : vector<16xi32>
      %jit3A_1238 = arith.constant 0 : i32
      %broadcast_in_dim3A_1239 = vector.broadcast %jit3A_1238 : i32 to vector<16xi32>
      %select_n3A_1240 = arith.select %eq3A_1237, %mul3A_54, %broadcast_in_dim3A_1239 : vector<16xi1>, vector<16xi32>
      %reduce_max3A_1241 = arith.constant true
      %reduce_max3A_1242 = vector.broadcast %reduce_max3A_1241 : i1 to vector<16xi1>
      %reduce_max3A_1243 = arith.constant -2147483648 : i32
      %reduce_max3A_1244 = vector.broadcast %reduce_max3A_1243 : i32 to vector<16xi32>
      %reduce_max3A_1245 = arith.xori %select_n3A_1240, %reduce_max3A_1244 : vector<16xi32>
      %reduce_max3A_1246 = tpu.scan <max>, %reduce_max3A_1245 masked %reduce_max3A_1242 : vector<16xi32>, vector<16xi1> -> vector<16xi32>
      %reduce_max3A_1247 = arith.xori %reduce_max3A_1246, %reduce_max3A_1244 : vector<16xi32>
      %reduce_max3A_1248 = vector.extract %reduce_max3A_1247[15] : i32 from vector<16xi32>
      %multiple_of3A_1249 = tpu.assume_multiple %reduce_max3A_1248, 128 : i32
      %dma_start3A_1250 = arith.constant 7 : i32
      %dma_start3A_1251 = arith.constant 0 : i32
      %dma_start3A_1252 = arith.constant 0 : i32
      %dma_start3A_1253 = tpu.memref_slice %arg10[%dma_start3A_1250, %dma_start3A_1251, %dma_start3A_1252] : memref<12x64x128xf32, #tpu.memory_space<vmem>> -> memref<1x64x128xf32, #tpu.memory_space<vmem>>
      %dma_start3A_1254 = tpu.memref_squeeze %dma_start3A_1253 : memref<1x64x128xf32, #tpu.memory_space<vmem>> -> memref<64x128xf32, #tpu.memory_space<vmem>>
      %dma_start3A_1255 = arith.constant 0 : i32
      %dma_start3A_1256 = tpu.memref_slice %arg4[%dma_start3A_1255, %multiple_of3A_1249] : memref<64x1000000xf32, #tpu.memory_space<hbm>> -> memref<64x128xf32, #tpu.memory_space<hbm>>
      %dma_start3A_1257 = arith.constant 0 : i32
      %dma_start3A_1258 = arith.constant 0 : i32
      %dma_start3A_1259 = tpu.memref_slice %arg10[%dma_start3A_1250, %dma_start3A_1257, %dma_start3A_1258] : memref<12x64x128xf32, #tpu.memory_space<vmem>> -> memref<1x64x128xf32, #tpu.memory_space<vmem>>
      %dma_start3A_1260 = tpu.memref_squeeze %dma_start3A_1259 : memref<1x64x128xf32, #tpu.memory_space<vmem>> -> memref<64x128xf32, #tpu.memory_space<vmem>>
      %dma_start3A_1261 = arith.constant 0 : i32
      %dma_start3A_1262 = tpu.memref_slice %arg4[%dma_start3A_1261, %multiple_of3A_1249] : memref<64x1000000xf32, #tpu.memory_space<hbm>> -> memref<64x128xf32, #tpu.memory_space<hbm>>
      tpu.enqueue_dma source(%dma_start3A_1262 : memref<64x128xf32, #tpu.memory_space<hbm>>) target(%dma_start3A_1260 : memref<64x128xf32, #tpu.memory_space<vmem>>) target_semaphore(%arg13 : memref<!tpu.dma_semaphore, #tpu.memory_space<semaphore_mem>>)
      %dma_wait3A_1263 = arith.constant 8 : i32
      %dma_wait3A_1264 = arith.constant 0 : i32
      %dma_wait3A_1265 = arith.constant 0 : i32
      %dma_wait3A_1266 = tpu.memref_slice %arg10[%dma_wait3A_1263, %dma_wait3A_1264, %dma_wait3A_1265] : memref<12x64x128xf32, #tpu.memory_space<vmem>> -> memref<1x64x128xf32, #tpu.memory_space<vmem>>
      %dma_wait3A_1267 = tpu.memref_squeeze %dma_wait3A_1266 : memref<1x64x128xf32, #tpu.memory_space<vmem>> -> memref<64x128xf32, #tpu.memory_space<vmem>>
      %dma_wait3A_1268 = arith.constant 0 : i32
      %dma_wait3A_1269 = tpu.memref_slice %arg4[%dma_wait3A_1268, %multiple_of3A_325] : memref<64x1000000xf32, #tpu.memory_space<hbm>> -> memref<64x128xf32, #tpu.memory_space<hbm>>
      %dma_wait3A_1270 = arith.constant 0 : i32
      %dma_wait3A_1271 = arith.constant 0 : i32
      %dma_wait3A_1272 = tpu.memref_slice %arg10[%dma_wait3A_1263, %dma_wait3A_1270, %dma_wait3A_1271] : memref<12x64x128xf32, #tpu.memory_space<vmem>> -> memref<1x64x128xf32, #tpu.memory_space<vmem>>
      %dma_wait3A_1273 = tpu.memref_squeeze %dma_wait3A_1272 : memref<1x64x128xf32, #tpu.memory_space<vmem>> -> memref<64x128xf32, #tpu.memory_space<vmem>>
      %dma_wait3A_1274 = arith.constant 0 : i32
      %dma_wait3A_1275 = tpu.memref_slice %arg4[%dma_wait3A_1274, %multiple_of3A_325] : memref<64x1000000xf32, #tpu.memory_space<hbm>> -> memref<64x128xf32, #tpu.memory_space<hbm>>
      tpu.wait_dma2 semaphore(%arg13 : memref<!tpu.dma_semaphore, #tpu.memory_space<semaphore_mem>>) src(%dma_wait3A_1275 : memref<64x128xf32, #tpu.memory_space<hbm>>) dst(%dma_wait3A_1273 : memref<64x128xf32, #tpu.memory_space<vmem>>)
      %broadcast_in_dim3A_1276 = arith.constant 0 : i32
      %broadcast_in_dim3A_1277 = vector.broadcast %broadcast_in_dim3A_1276 : i32 to vector<16xi32>
      %add3A_1278 = arith.constant 4 : i32
      %add3A_1279 = vector.broadcast %add3A_1278 : i32 to vector<16xi32>
      %add3A_1280 = arith.addi %broadcast_in_dim3A_1277, %add3A_1279 : vector<16xi32>
      %lt3A_1281 = arith.constant 0 : i32
      %lt3A_1282 = vector.broadcast %lt3A_1281 : i32 to vector<16xi32>
      %lt3A_1283 = arith.cmpi slt, %add3A_1280, %lt3A_1282 : vector<16xi32>
      %add3A_1284 = arith.constant 16 : i32
      %add3A_1285 = vector.broadcast %add3A_1284 : i32 to vector<16xi32>
      %add3A_1286 = arith.addi %add3A_1280, %add3A_1285 : vector<16xi32>
      %select_n3A_1287 = arith.select %lt3A_1283, %add3A_1286, %add3A_1280 : vector<16xi1>, vector<16xi32>
      %broadcast_in_dim3A_1288 = vector.shape_cast %select_n3A_1287 : vector<16xi32> to vector<16x1xi32>
      %gather3A_1289 = vector.shape_cast %broadcast_in_dim3A_1288 : vector<16x1xi32> to vector<16xi32>
      %gather3A_1290 = tpu.dynamic_gather %and3A_39[%gather3A_1289] in [0] : vector<16xi32>, vector<16xi32> -> vector<16xi32>
      %add3A_1291 = arith.constant 4 : i32
      %add3A_1292 = arith.addi %mul3A_14, %add3A_1291 : i32
      %add3A_1293 = arith.constant 0 : i32
      %add3A_1294 = arith.addi %add3A_1292, %add3A_1293 : i32
      %broadcast_in_dim3A_1295 = arith.constant 0 : i32
      %broadcast_in_dim3A_1296 = vector.broadcast %broadcast_in_dim3A_1295 : i32 to vector<16xi32>
      %add3A_1297 = vector.broadcast %add3A_1294 : i32 to vector<16xi32>
      %add3A_1298 = arith.addi %add3A_1297, %broadcast_in_dim3A_1296 : vector<16xi32>
      %iota3A_1299 = tpu.iota {dimensions = array<i32: 0>} : vector<16xi32>
      %add3A_1300 = arith.constant 0 : i32
      %add3A_1301 = vector.broadcast %add3A_1300 : i32 to vector<16xi32>
      %add3A_1302 = arith.addi %iota3A_1299, %add3A_1301 : vector<16xi32>
      %gather3A_1303 = arith.constant 8 : i32
      %gather3A_1304 = arith.constant 0 : i32
      %gather3A_1305 = arith.constant 0 : i32
      %gather3A_1306 = tpu.memref_slice %arg10[%gather3A_1303, %gather3A_1304, %gather3A_1305] : memref<12x64x128xf32, #tpu.memory_space<vmem>> -> memref<1x64x128xf32, #tpu.memory_space<vmem>>
      %gather3A_1307 = tpu.memref_squeeze %gather3A_1306 : memref<1x64x128xf32, #tpu.memory_space<vmem>> -> memref<64x128xf32, #tpu.memory_space<vmem>>
      %gather3A_1308 = tpu.vector_load_idx %gather3A_1307[%add3A_1302, %gather3A_1290] : memref<64x128xf32, #tpu.memory_space<vmem>>[vector<16xi32>, vector<16xi32>], vector<16xf32>,
      tpu.vector_store_idx %arg11[%add3A_1302, %add3A_1298], %gather3A_1308 : memref<64x128xf32, #tpu.memory_space<vmem>>[vector<16xi32>, vector<16xi32>], vector<16xf32>,
      %iota3A_1309 = tpu.iota {dimensions = array<i32: 0>} : vector<16xi32>
      %add3A_1310 = arith.constant 16 : i32
      %add3A_1311 = vector.broadcast %add3A_1310 : i32 to vector<16xi32>
      %add3A_1312 = arith.addi %iota3A_1309, %add3A_1311 : vector<16xi32>
      %gather3A_1313 = arith.constant 8 : i32
      %gather3A_1314 = arith.constant 0 : i32
      %gather3A_1315 = arith.constant 0 : i32
      %gather3A_1316 = tpu.memref_slice %arg10[%gather3A_1313, %gather3A_1314, %gather3A_1315] : memref<12x64x128xf32, #tpu.memory_space<vmem>> -> memref<1x64x128xf32, #tpu.memory_space<vmem>>
      %gather3A_1317 = tpu.memref_squeeze %gather3A_1316 : memref<1x64x128xf32, #tpu.memory_space<vmem>> -> memref<64x128xf32, #tpu.memory_space<vmem>>
      %gather3A_1318 = tpu.vector_load_idx %gather3A_1317[%add3A_1312, %gather3A_1290] : memref<64x128xf32, #tpu.memory_space<vmem>>[vector<16xi32>, vector<16xi32>], vector<16xf32>,
      tpu.vector_store_idx %arg11[%add3A_1312, %add3A_1298], %gather3A_1318 : memref<64x128xf32, #tpu.memory_space<vmem>>[vector<16xi32>, vector<16xi32>], vector<16xf32>,
      %iota3A_1319 = tpu.iota {dimensions = array<i32: 0>} : vector<16xi32>
      %add3A_1320 = arith.constant 32 : i32
      %add3A_1321 = vector.broadcast %add3A_1320 : i32 to vector<16xi32>
      %add3A_1322 = arith.addi %iota3A_1319, %add3A_1321 : vector<16xi32>
      %gather3A_1323 = arith.constant 8 : i32
      %gather3A_1324 = arith.constant 0 : i32
      %gather3A_1325 = arith.constant 0 : i32
      %gather3A_1326 = tpu.memref_slice %arg10[%gather3A_1323, %gather3A_1324, %gather3A_1325] : memref<12x64x128xf32, #tpu.memory_space<vmem>> -> memref<1x64x128xf32, #tpu.memory_space<vmem>>
      %gather3A_1327 = tpu.memref_squeeze %gather3A_1326 : memref<1x64x128xf32, #tpu.memory_space<vmem>> -> memref<64x128xf32, #tpu.memory_space<vmem>>
      %gather3A_1328 = tpu.vector_load_idx %gather3A_1327[%add3A_1322, %gather3A_1290] : memref<64x128xf32, #tpu.memory_space<vmem>>[vector<16xi32>, vector<16xi32>], vector<16xf32>,
      tpu.vector_store_idx %arg11[%add3A_1322, %add3A_1298], %gather3A_1328 : memref<64x128xf32, #tpu.memory_space<vmem>>[vector<16xi32>, vector<16xi32>], vector<16xf32>,
      %iota3A_1329 = tpu.iota {dimensions = array<i32: 0>} : vector<16xi32>
      %add3A_1330 = arith.constant 48 : i32
      %add3A_1331 = vector.broadcast %add3A_1330 : i32 to vector<16xi32>
      %add3A_1332 = arith.addi %iota3A_1329, %add3A_1331 : vector<16xi32>
      %gather3A_1333 = arith.constant 8 : i32
      %gather3A_1334 = arith.constant 0 : i32
      %gather3A_1335 = arith.constant 0 : i32
      %gather3A_1336 = tpu.memref_slice %arg10[%gather3A_1333, %gather3A_1334, %gather3A_1335] : memref<12x64x128xf32, #tpu.memory_space<vmem>> -> memref<1x64x128xf32, #tpu.memory_space<vmem>>
      %gather3A_1337 = tpu.memref_squeeze %gather3A_1336 : memref<1x64x128xf32, #tpu.memory_space<vmem>> -> memref<64x128xf32, #tpu.memory_space<vmem>>
      %gather3A_1338 = tpu.vector_load_idx %gather3A_1337[%add3A_1332, %gather3A_1290] : memref<64x128xf32, #tpu.memory_space<vmem>>[vector<16xi32>, vector<16xi32>], vector<16xf32>,
      tpu.vector_store_idx %arg11[%add3A_1332, %add3A_1298], %gather3A_1338 : memref<64x128xf32, #tpu.memory_space<vmem>>[vector<16xi32>, vector<16xi32>], vector<16xf32>,
      %dma_wait3A_1339 = arith.constant 9 : i32
      %dma_wait3A_1340 = arith.constant 0 : i32
      %dma_wait3A_1341 = arith.constant 0 : i32
      %dma_wait3A_1342 = tpu.memref_slice %arg10[%dma_wait3A_1339, %dma_wait3A_1340, %dma_wait3A_1341] : memref<12x64x128xf32, #tpu.memory_space<vmem>> -> memref<1x64x128xf32, #tpu.memory_space<vmem>>
      %dma_wait3A_1343 = tpu.memref_squeeze %dma_wait3A_1342 : memref<1x64x128xf32, #tpu.memory_space<vmem>> -> memref<64x128xf32, #tpu.memory_space<vmem>>
      %dma_wait3A_1344 = arith.constant 0 : i32
      %dma_wait3A_1345 = tpu.memref_slice %arg4[%dma_wait3A_1344, %multiple_of3A_354] : memref<64x1000000xf32, #tpu.memory_space<hbm>> -> memref<64x128xf32, #tpu.memory_space<hbm>>
      %dma_wait3A_1346 = arith.constant 0 : i32
      %dma_wait3A_1347 = arith.constant 0 : i32
      %dma_wait3A_1348 = tpu.memref_slice %arg10[%dma_wait3A_1339, %dma_wait3A_1346, %dma_wait3A_1347] : memref<12x64x128xf32, #tpu.memory_space<vmem>> -> memref<1x64x128xf32, #tpu.memory_space<vmem>>
      %dma_wait3A_1349 = tpu.memref_squeeze %dma_wait3A_1348 : memref<1x64x128xf32, #tpu.memory_space<vmem>> -> memref<64x128xf32, #tpu.memory_space<vmem>>
      %dma_wait3A_1350 = arith.constant 0 : i32
      %dma_wait3A_1351 = tpu.memref_slice %arg4[%dma_wait3A_1350, %multiple_of3A_354] : memref<64x1000000xf32, #tpu.memory_space<hbm>> -> memref<64x128xf32, #tpu.memory_space<hbm>>
      tpu.wait_dma2 semaphore(%arg13 : memref<!tpu.dma_semaphore, #tpu.memory_space<semaphore_mem>>) src(%dma_wait3A_1351 : memref<64x128xf32, #tpu.memory_space<hbm>>) dst(%dma_wait3A_1349 : memref<64x128xf32, #tpu.memory_space<vmem>>)
      %broadcast_in_dim3A_1352 = arith.constant 0 : i32
      %broadcast_in_dim3A_1353 = vector.broadcast %broadcast_in_dim3A_1352 : i32 to vector<16xi32>
      %add3A_1354 = arith.constant 5 : i32
      %add3A_1355 = vector.broadcast %add3A_1354 : i32 to vector<16xi32>
      %add3A_1356 = arith.addi %broadcast_in_dim3A_1353, %add3A_1355 : vector<16xi32>
      %lt3A_1357 = arith.constant 0 : i32
      %lt3A_1358 = vector.broadcast %lt3A_1357 : i32 to vector<16xi32>
      %lt3A_1359 = arith.cmpi slt, %add3A_1356, %lt3A_1358 : vector<16xi32>
      %add3A_1360 = arith.constant 16 : i32
      %add3A_1361 = vector.broadcast %add3A_1360 : i32 to vector<16xi32>
      %add3A_1362 = arith.addi %add3A_1356, %add3A_1361 : vector<16xi32>
      %select_n3A_1363 = arith.select %lt3A_1359, %add3A_1362, %add3A_1356 : vector<16xi1>, vector<16xi32>
      %broadcast_in_dim3A_1364 = vector.shape_cast %select_n3A_1363 : vector<16xi32> to vector<16x1xi32>
      %gather3A_1365 = vector.shape_cast %broadcast_in_dim3A_1364 : vector<16x1xi32> to vector<16xi32>
      %gather3A_1366 = tpu.dynamic_gather %and3A_39[%gather3A_1365] in [0] : vector<16xi32>, vector<16xi32> -> vector<16xi32>
      %add3A_1367 = arith.constant 4 : i32
      %add3A_1368 = arith.addi %mul3A_14, %add3A_1367 : i32
      %add3A_1369 = arith.constant 1 : i32
      %add3A_1370 = arith.addi %add3A_1368, %add3A_1369 : i32
      %broadcast_in_dim3A_1371 = arith.constant 0 : i32
      %broadcast_in_dim3A_1372 = vector.broadcast %broadcast_in_dim3A_1371 : i32 to vector<16xi32>
      %add3A_1373 = vector.broadcast %add3A_1370 : i32 to vector<16xi32>
      %add3A_1374 = arith.addi %add3A_1373, %broadcast_in_dim3A_1372 : vector<16xi32>
      %iota3A_1375 = tpu.iota {dimensions = array<i32: 0>} : vector<16xi32>
      %add3A_1376 = arith.constant 0 : i32
      %add3A_1377 = vector.broadcast %add3A_1376 : i32 to vector<16xi32>
      %add3A_1378 = arith.addi %iota3A_1375, %add3A_1377 : vector<16xi32>
      %gather3A_1379 = arith.constant 9 : i32
      %gather3A_1380 = arith.constant 0 : i32
      %gather3A_1381 = arith.constant 0 : i32
      %gather3A_1382 = tpu.memref_slice %arg10[%gather3A_1379, %gather3A_1380, %gather3A_1381] : memref<12x64x128xf32, #tpu.memory_space<vmem>> -> memref<1x64x128xf32, #tpu.memory_space<vmem>>
      %gather3A_1383 = tpu.memref_squeeze %gather3A_1382 : memref<1x64x128xf32, #tpu.memory_space<vmem>> -> memref<64x128xf32, #tpu.memory_space<vmem>>
      %gather3A_1384 = tpu.vector_load_idx %gather3A_1383[%add3A_1378, %gather3A_1366] : memref<64x128xf32, #tpu.memory_space<vmem>>[vector<16xi32>, vector<16xi32>], vector<16xf32>,
      tpu.vector_store_idx %arg11[%add3A_1378, %add3A_1374], %gather3A_1384 : memref<64x128xf32, #tpu.memory_space<vmem>>[vector<16xi32>, vector<16xi32>], vector<16xf32>,
      %iota3A_1385 = tpu.iota {dimensions = array<i32: 0>} : vector<16xi32>
      %add3A_1386 = arith.constant 16 : i32
      %add3A_1387 = vector.broadcast %add3A_1386 : i32 to vector<16xi32>
      %add3A_1388 = arith.addi %iota3A_1385, %add3A_1387 : vector<16xi32>
      %gather3A_1389 = arith.constant 9 : i32
      %gather3A_1390 = arith.constant 0 : i32
      %gather3A_1391 = arith.constant 0 : i32
      %gather3A_1392 = tpu.memref_slice %arg10[%gather3A_1389, %gather3A_1390, %gather3A_1391] : memref<12x64x128xf32, #tpu.memory_space<vmem>> -> memref<1x64x128xf32, #tpu.memory_space<vmem>>
      %gather3A_1393 = tpu.memref_squeeze %gather3A_1392 : memref<1x64x128xf32, #tpu.memory_space<vmem>> -> memref<64x128xf32, #tpu.memory_space<vmem>>
      %gather3A_1394 = tpu.vector_load_idx %gather3A_1393[%add3A_1388, %gather3A_1366] : memref<64x128xf32, #tpu.memory_space<vmem>>[vector<16xi32>, vector<16xi32>], vector<16xf32>,
      tpu.vector_store_idx %arg11[%add3A_1388, %add3A_1374], %gather3A_1394 : memref<64x128xf32, #tpu.memory_space<vmem>>[vector<16xi32>, vector<16xi32>], vector<16xf32>,
      %iota3A_1395 = tpu.iota {dimensions = array<i32: 0>} : vector<16xi32>
      %add3A_1396 = arith.constant 32 : i32
      %add3A_1397 = vector.broadcast %add3A_1396 : i32 to vector<16xi32>
      %add3A_1398 = arith.addi %iota3A_1395, %add3A_1397 : vector<16xi32>
      %gather3A_1399 = arith.constant 9 : i32
      %gather3A_1400 = arith.constant 0 : i32
      %gather3A_1401 = arith.constant 0 : i32
      %gather3A_1402 = tpu.memref_slice %arg10[%gather3A_1399, %gather3A_1400, %gather3A_1401] : memref<12x64x128xf32, #tpu.memory_space<vmem>> -> memref<1x64x128xf32, #tpu.memory_space<vmem>>
      %gather3A_1403 = tpu.memref_squeeze %gather3A_1402 : memref<1x64x128xf32, #tpu.memory_space<vmem>> -> memref<64x128xf32, #tpu.memory_space<vmem>>
      %gather3A_1404 = tpu.vector_load_idx %gather3A_1403[%add3A_1398, %gather3A_1366] : memref<64x128xf32, #tpu.memory_space<vmem>>[vector<16xi32>, vector<16xi32>], vector<16xf32>,
      tpu.vector_store_idx %arg11[%add3A_1398, %add3A_1374], %gather3A_1404 : memref<64x128xf32, #tpu.memory_space<vmem>>[vector<16xi32>, vector<16xi32>], vector<16xf32>,
      %iota3A_1405 = tpu.iota {dimensions = array<i32: 0>} : vector<16xi32>
      %add3A_1406 = arith.constant 48 : i32
      %add3A_1407 = vector.broadcast %add3A_1406 : i32 to vector<16xi32>
      %add3A_1408 = arith.addi %iota3A_1405, %add3A_1407 : vector<16xi32>
      %gather3A_1409 = arith.constant 9 : i32
      %gather3A_1410 = arith.constant 0 : i32
      %gather3A_1411 = arith.constant 0 : i32
      %gather3A_1412 = tpu.memref_slice %arg10[%gather3A_1409, %gather3A_1410, %gather3A_1411] : memref<12x64x128xf32, #tpu.memory_space<vmem>> -> memref<1x64x128xf32, #tpu.memory_space<vmem>>
      %gather3A_1413 = tpu.memref_squeeze %gather3A_1412 : memref<1x64x128xf32, #tpu.memory_space<vmem>> -> memref<64x128xf32, #tpu.memory_space<vmem>>
      %gather3A_1414 = tpu.vector_load_idx %gather3A_1413[%add3A_1408, %gather3A_1366] : memref<64x128xf32, #tpu.memory_space<vmem>>[vector<16xi32>, vector<16xi32>], vector<16xf32>,
      tpu.vector_store_idx %arg11[%add3A_1408, %add3A_1374], %gather3A_1414 : memref<64x128xf32, #tpu.memory_space<vmem>>[vector<16xi32>, vector<16xi32>], vector<16xf32>,
      %dma_wait3A_1415 = arith.constant 10 : i32
      %dma_wait3A_1416 = arith.constant 0 : i32
      %dma_wait3A_1417 = arith.constant 0 : i32
      %dma_wait3A_1418 = tpu.memref_slice %arg10[%dma_wait3A_1415, %dma_wait3A_1416, %dma_wait3A_1417] : memref<12x64x128xf32, #tpu.memory_space<vmem>> -> memref<1x64x128xf32, #tpu.memory_space<vmem>>
      %dma_wait3A_1419 = tpu.memref_squeeze %dma_wait3A_1418 : memref<1x64x128xf32, #tpu.memory_space<vmem>> -> memref<64x128xf32, #tpu.memory_space<vmem>>
      %dma_wait3A_1420 = arith.constant 0 : i32
      %dma_wait3A_1421 = tpu.memref_slice %arg4[%dma_wait3A_1420, %multiple_of3A_383] : memref<64x1000000xf32, #tpu.memory_space<hbm>> -> memref<64x128xf32, #tpu.memory_space<hbm>>
      %dma_wait3A_1422 = arith.constant 0 : i32
      %dma_wait3A_1423 = arith.constant 0 : i32
      %dma_wait3A_1424 = tpu.memref_slice %arg10[%dma_wait3A_1415, %dma_wait3A_1422, %dma_wait3A_1423] : memref<12x64x128xf32, #tpu.memory_space<vmem>> -> memref<1x64x128xf32, #tpu.memory_space<vmem>>
      %dma_wait3A_1425 = tpu.memref_squeeze %dma_wait3A_1424 : memref<1x64x128xf32, #tpu.memory_space<vmem>> -> memref<64x128xf32, #tpu.memory_space<vmem>>
      %dma_wait3A_1426 = arith.constant 0 : i32
      %dma_wait3A_1427 = tpu.memref_slice %arg4[%dma_wait3A_1426, %multiple_of3A_383] : memref<64x1000000xf32, #tpu.memory_space<hbm>> -> memref<64x128xf32, #tpu.memory_space<hbm>>
      tpu.wait_dma2 semaphore(%arg13 : memref<!tpu.dma_semaphore, #tpu.memory_space<semaphore_mem>>) src(%dma_wait3A_1427 : memref<64x128xf32, #tpu.memory_space<hbm>>) dst(%dma_wait3A_1425 : memref<64x128xf32, #tpu.memory_space<vmem>>)
      %broadcast_in_dim3A_1428 = arith.constant 0 : i32
      %broadcast_in_dim3A_1429 = vector.broadcast %broadcast_in_dim3A_1428 : i32 to vector<16xi32>
      %add3A_1430 = arith.constant 6 : i32
      %add3A_1431 = vector.broadcast %add3A_1430 : i32 to vector<16xi32>
      %add3A_1432 = arith.addi %broadcast_in_dim3A_1429, %add3A_1431 : vector<16xi32>
      %lt3A_1433 = arith.constant 0 : i32
      %lt3A_1434 = vector.broadcast %lt3A_1433 : i32 to vector<16xi32>
      %lt3A_1435 = arith.cmpi slt, %add3A_1432, %lt3A_1434 : vector<16xi32>
      %add3A_1436 = arith.constant 16 : i32
      %add3A_1437 = vector.broadcast %add3A_1436 : i32 to vector<16xi32>
      %add3A_1438 = arith.addi %add3A_1432, %add3A_1437 : vector<16xi32>
      %select_n3A_1439 = arith.select %lt3A_1435, %add3A_1438, %add3A_1432 : vector<16xi1>, vector<16xi32>
      %broadcast_in_dim3A_1440 = vector.shape_cast %select_n3A_1439 : vector<16xi32> to vector<16x1xi32>
      %gather3A_1441 = vector.shape_cast %broadcast_in_dim3A_1440 : vector<16x1xi32> to vector<16xi32>
      %gather3A_1442 = tpu.dynamic_gather %and3A_39[%gather3A_1441] in [0] : vector<16xi32>, vector<16xi32> -> vector<16xi32>
      %add3A_1443 = arith.constant 4 : i32
      %add3A_1444 = arith.addi %mul3A_14, %add3A_1443 : i32
      %add3A_1445 = arith.constant 2 : i32
      %add3A_1446 = arith.addi %add3A_1444, %add3A_1445 : i32
      %broadcast_in_dim3A_1447 = arith.constant 0 : i32
      %broadcast_in_dim3A_1448 = vector.broadcast %broadcast_in_dim3A_1447 : i32 to vector<16xi32>
      %add3A_1449 = vector.broadcast %add3A_1446 : i32 to vector<16xi32>
      %add3A_1450 = arith.addi %add3A_1449, %broadcast_in_dim3A_1448 : vector<16xi32>
      %iota3A_1451 = tpu.iota {dimensions = array<i32: 0>} : vector<16xi32>
      %add3A_1452 = arith.constant 0 : i32
      %add3A_1453 = vector.broadcast %add3A_1452 : i32 to vector<16xi32>
      %add3A_1454 = arith.addi %iota3A_1451, %add3A_1453 : vector<16xi32>
      %gather3A_1455 = arith.constant 10 : i32
      %gather3A_1456 = arith.constant 0 : i32
      %gather3A_1457 = arith.constant 0 : i32
      %gather3A_1458 = tpu.memref_slice %arg10[%gather3A_1455, %gather3A_1456, %gather3A_1457] : memref<12x64x128xf32, #tpu.memory_space<vmem>> -> memref<1x64x128xf32, #tpu.memory_space<vmem>>
      %gather3A_1459 = tpu.memref_squeeze %gather3A_1458 : memref<1x64x128xf32, #tpu.memory_space<vmem>> -> memref<64x128xf32, #tpu.memory_space<vmem>>
      %gather3A_1460 = tpu.vector_load_idx %gather3A_1459[%add3A_1454, %gather3A_1442] : memref<64x128xf32, #tpu.memory_space<vmem>>[vector<16xi32>, vector<16xi32>], vector<16xf32>,
      tpu.vector_store_idx %arg11[%add3A_1454, %add3A_1450], %gather3A_1460 : memref<64x128xf32, #tpu.memory_space<vmem>>[vector<16xi32>, vector<16xi32>], vector<16xf32>,
      %iota3A_1461 = tpu.iota {dimensions = array<i32: 0>} : vector<16xi32>
      %add3A_1462 = arith.constant 16 : i32
      %add3A_1463 = vector.broadcast %add3A_1462 : i32 to vector<16xi32>
      %add3A_1464 = arith.addi %iota3A_1461, %add3A_1463 : vector<16xi32>
      %gather3A_1465 = arith.constant 10 : i32
      %gather3A_1466 = arith.constant 0 : i32
      %gather3A_1467 = arith.constant 0 : i32
      %gather3A_1468 = tpu.memref_slice %arg10[%gather3A_1465, %gather3A_1466, %gather3A_1467] : memref<12x64x128xf32, #tpu.memory_space<vmem>> -> memref<1x64x128xf32, #tpu.memory_space<vmem>>
      %gather3A_1469 = tpu.memref_squeeze %gather3A_1468 : memref<1x64x128xf32, #tpu.memory_space<vmem>> -> memref<64x128xf32, #tpu.memory_space<vmem>>
      %gather3A_1470 = tpu.vector_load_idx %gather3A_1469[%add3A_1464, %gather3A_1442] : memref<64x128xf32, #tpu.memory_space<vmem>>[vector<16xi32>, vector<16xi32>], vector<16xf32>,
      tpu.vector_store_idx %arg11[%add3A_1464, %add3A_1450], %gather3A_1470 : memref<64x128xf32, #tpu.memory_space<vmem>>[vector<16xi32>, vector<16xi32>], vector<16xf32>,
      %iota3A_1471 = tpu.iota {dimensions = array<i32: 0>} : vector<16xi32>
      %add3A_1472 = arith.constant 32 : i32
      %add3A_1473 = vector.broadcast %add3A_1472 : i32 to vector<16xi32>
      %add3A_1474 = arith.addi %iota3A_1471, %add3A_1473 : vector<16xi32>
      %gather3A_1475 = arith.constant 10 : i32
      %gather3A_1476 = arith.constant 0 : i32
      %gather3A_1477 = arith.constant 0 : i32
      %gather3A_1478 = tpu.memref_slice %arg10[%gather3A_1475, %gather3A_1476, %gather3A_1477] : memref<12x64x128xf32, #tpu.memory_space<vmem>> -> memref<1x64x128xf32, #tpu.memory_space<vmem>>
      %gather3A_1479 = tpu.memref_squeeze %gather3A_1478 : memref<1x64x128xf32, #tpu.memory_space<vmem>> -> memref<64x128xf32, #tpu.memory_space<vmem>>
      %gather3A_1480 = tpu.vector_load_idx %gather3A_1479[%add3A_1474, %gather3A_1442] : memref<64x128xf32, #tpu.memory_space<vmem>>[vector<16xi32>, vector<16xi32>], vector<16xf32>,
      tpu.vector_store_idx %arg11[%add3A_1474, %add3A_1450], %gather3A_1480 : memref<64x128xf32, #tpu.memory_space<vmem>>[vector<16xi32>, vector<16xi32>], vector<16xf32>,
      %iota3A_1481 = tpu.iota {dimensions = array<i32: 0>} : vector<16xi32>
      %add3A_1482 = arith.constant 48 : i32
      %add3A_1483 = vector.broadcast %add3A_1482 : i32 to vector<16xi32>
      %add3A_1484 = arith.addi %iota3A_1481, %add3A_1483 : vector<16xi32>
      %gather3A_1485 = arith.constant 10 : i32
      %gather3A_1486 = arith.constant 0 : i32
      %gather3A_1487 = arith.constant 0 : i32
      %gather3A_1488 = tpu.memref_slice %arg10[%gather3A_1485, %gather3A_1486, %gather3A_1487] : memref<12x64x128xf32, #tpu.memory_space<vmem>> -> memref<1x64x128xf32, #tpu.memory_space<vmem>>
      %gather3A_1489 = tpu.memref_squeeze %gather3A_1488 : memref<1x64x128xf32, #tpu.memory_space<vmem>> -> memref<64x128xf32, #tpu.memory_space<vmem>>
      %gather3A_1490 = tpu.vector_load_idx %gather3A_1489[%add3A_1484, %gather3A_1442] : memref<64x128xf32, #tpu.memory_space<vmem>>[vector<16xi32>, vector<16xi32>], vector<16xf32>,
      tpu.vector_store_idx %arg11[%add3A_1484, %add3A_1450], %gather3A_1490 : memref<64x128xf32, #tpu.memory_space<vmem>>[vector<16xi32>, vector<16xi32>], vector<16xf32>,
      %dma_wait3A_1491 = arith.constant 11 : i32
      %dma_wait3A_1492 = arith.constant 0 : i32
      %dma_wait3A_1493 = arith.constant 0 : i32
      %dma_wait3A_1494 = tpu.memref_slice %arg10[%dma_wait3A_1491, %dma_wait3A_1492, %dma_wait3A_1493] : memref<12x64x128xf32, #tpu.memory_space<vmem>> -> memref<1x64x128xf32, #tpu.memory_space<vmem>>
      %dma_wait3A_1495 = tpu.memref_squeeze %dma_wait3A_1494 : memref<1x64x128xf32, #tpu.memory_space<vmem>> -> memref<64x128xf32, #tpu.memory_space<vmem>>
      %dma_wait3A_1496 = arith.constant 0 : i32
      %dma_wait3A_1497 = tpu.memref_slice %arg4[%dma_wait3A_1496, %multiple_of3A_412] : memref<64x1000000xf32, #tpu.memory_space<hbm>> -> memref<64x128xf32, #tpu.memory_space<hbm>>
      %dma_wait3A_1498 = arith.constant 0 : i32
      %dma_wait3A_1499 = arith.constant 0 : i32
      %dma_wait3A_1500 = tpu.memref_slice %arg10[%dma_wait3A_1491, %dma_wait3A_1498, %dma_wait3A_1499] : memref<12x64x128xf32, #tpu.memory_space<vmem>> -> memref<1x64x128xf32, #tpu.memory_space<vmem>>
      %dma_wait3A_1501 = tpu.memref_squeeze %dma_wait3A_1500 : memref<1x64x128xf32, #tpu.memory_space<vmem>> -> memref<64x128xf32, #tpu.memory_space<vmem>>
      %dma_wait3A_1502 = arith.constant 0 : i32
      %dma_wait3A_1503 = tpu.memref_slice %arg4[%dma_wait3A_1502, %multiple_of3A_412] : memref<64x1000000xf32, #tpu.memory_space<hbm>> -> memref<64x128xf32, #tpu.memory_space<hbm>>
      tpu.wait_dma2 semaphore(%arg13 : memref<!tpu.dma_semaphore, #tpu.memory_space<semaphore_mem>>) src(%dma_wait3A_1503 : memref<64x128xf32, #tpu.memory_space<hbm>>) dst(%dma_wait3A_1501 : memref<64x128xf32, #tpu.memory_space<vmem>>)
      %broadcast_in_dim3A_1504 = arith.constant 0 : i32
      %broadcast_in_dim3A_1505 = vector.broadcast %broadcast_in_dim3A_1504 : i32 to vector<16xi32>
      %add3A_1506 = arith.constant 7 : i32
      %add3A_1507 = vector.broadcast %add3A_1506 : i32 to vector<16xi32>
      %add3A_1508 = arith.addi %broadcast_in_dim3A_1505, %add3A_1507 : vector<16xi32>
      %lt3A_1509 = arith.constant 0 : i32
      %lt3A_1510 = vector.broadcast %lt3A_1509 : i32 to vector<16xi32>
      %lt3A_1511 = arith.cmpi slt, %add3A_1508, %lt3A_1510 : vector<16xi32>
      %add3A_1512 = arith.constant 16 : i32
      %add3A_1513 = vector.broadcast %add3A_1512 : i32 to vector<16xi32>
      %add3A_1514 = arith.addi %add3A_1508, %add3A_1513 : vector<16xi32>
      %select_n3A_1515 = arith.select %lt3A_1511, %add3A_1514, %add3A_1508 : vector<16xi1>, vector<16xi32>
      %broadcast_in_dim3A_1516 = vector.shape_cast %select_n3A_1515 : vector<16xi32> to vector<16x1xi32>
      %gather3A_1517 = vector.shape_cast %broadcast_in_dim3A_1516 : vector<16x1xi32> to vector<16xi32>
      %gather3A_1518 = tpu.dynamic_gather %and3A_39[%gather3A_1517] in [0] : vector<16xi32>, vector<16xi32> -> vector<16xi32>
      %add3A_1519 = arith.constant 4 : i32
      %add3A_1520 = arith.addi %mul3A_14, %add3A_1519 : i32
      %add3A_1521 = arith.constant 3 : i32
      %add3A_1522 = arith.addi %add3A_1520, %add3A_1521 : i32
      %broadcast_in_dim3A_1523 = arith.constant 0 : i32
      %broadcast_in_dim3A_1524 = vector.broadcast %broadcast_in_dim3A_1523 : i32 to vector<16xi32>
      %add3A_1525 = vector.broadcast %add3A_1522 : i32 to vector<16xi32>
      %add3A_1526 = arith.addi %add3A_1525, %broadcast_in_dim3A_1524 : vector<16xi32>
      %iota3A_1527 = tpu.iota {dimensions = array<i32: 0>} : vector<16xi32>
      %add3A_1528 = arith.constant 0 : i32
      %add3A_1529 = vector.broadcast %add3A_1528 : i32 to vector<16xi32>
      %add3A_1530 = arith.addi %iota3A_1527, %add3A_1529 : vector<16xi32>
      %gather3A_1531 = arith.constant 11 : i32
      %gather3A_1532 = arith.constant 0 : i32
      %gather3A_1533 = arith.constant 0 : i32
      %gather3A_1534 = tpu.memref_slice %arg10[%gather3A_1531, %gather3A_1532, %gather3A_1533] : memref<12x64x128xf32, #tpu.memory_space<vmem>> -> memref<1x64x128xf32, #tpu.memory_space<vmem>>
      %gather3A_1535 = tpu.memref_squeeze %gather3A_1534 : memref<1x64x128xf32, #tpu.memory_space<vmem>> -> memref<64x128xf32, #tpu.memory_space<vmem>>
      %gather3A_1536 = tpu.vector_load_idx %gather3A_1535[%add3A_1530, %gather3A_1518] : memref<64x128xf32, #tpu.memory_space<vmem>>[vector<16xi32>, vector<16xi32>], vector<16xf32>,
      tpu.vector_store_idx %arg11[%add3A_1530, %add3A_1526], %gather3A_1536 : memref<64x128xf32, #tpu.memory_space<vmem>>[vector<16xi32>, vector<16xi32>], vector<16xf32>,
      %iota3A_1537 = tpu.iota {dimensions = array<i32: 0>} : vector<16xi32>
      %add3A_1538 = arith.constant 16 : i32
      %add3A_1539 = vector.broadcast %add3A_1538 : i32 to vector<16xi32>
      %add3A_1540 = arith.addi %iota3A_1537, %add3A_1539 : vector<16xi32>
      %gather3A_1541 = arith.constant 11 : i32
      %gather3A_1542 = arith.constant 0 : i32
      %gather3A_1543 = arith.constant 0 : i32
      %gather3A_1544 = tpu.memref_slice %arg10[%gather3A_1541, %gather3A_1542, %gather3A_1543] : memref<12x64x128xf32, #tpu.memory_space<vmem>> -> memref<1x64x128xf32, #tpu.memory_space<vmem>>
      %gather3A_1545 = tpu.memref_squeeze %gather3A_1544 : memref<1x64x128xf32, #tpu.memory_space<vmem>> -> memref<64x128xf32, #tpu.memory_space<vmem>>
      %gather3A_1546 = tpu.vector_load_idx %gather3A_1545[%add3A_1540, %gather3A_1518] : memref<64x128xf32, #tpu.memory_space<vmem>>[vector<16xi32>, vector<16xi32>], vector<16xf32>,
      tpu.vector_store_idx %arg11[%add3A_1540, %add3A_1526], %gather3A_1546 : memref<64x128xf32, #tpu.memory_space<vmem>>[vector<16xi32>, vector<16xi32>], vector<16xf32>,
      %iota3A_1547 = tpu.iota {dimensions = array<i32: 0>} : vector<16xi32>
      %add3A_1548 = arith.constant 32 : i32
      %add3A_1549 = vector.broadcast %add3A_1548 : i32 to vector<16xi32>
      %add3A_1550 = arith.addi %iota3A_1547, %add3A_1549 : vector<16xi32>
      %gather3A_1551 = arith.constant 11 : i32
      %gather3A_1552 = arith.constant 0 : i32
      %gather3A_1553 = arith.constant 0 : i32
      %gather3A_1554 = tpu.memref_slice %arg10[%gather3A_1551, %gather3A_1552, %gather3A_1553] : memref<12x64x128xf32, #tpu.memory_space<vmem>> -> memref<1x64x128xf32, #tpu.memory_space<vmem>>
      %gather3A_1555 = tpu.memref_squeeze %gather3A_1554 : memref<1x64x128xf32, #tpu.memory_space<vmem>> -> memref<64x128xf32, #tpu.memory_space<vmem>>
      %gather3A_1556 = tpu.vector_load_idx %gather3A_1555[%add3A_1550, %gather3A_1518] : memref<64x128xf32, #tpu.memory_space<vmem>>[vector<16xi32>, vector<16xi32>], vector<16xf32>,
      tpu.vector_store_idx %arg11[%add3A_1550, %add3A_1526], %gather3A_1556 : memref<64x128xf32, #tpu.memory_space<vmem>>[vector<16xi32>, vector<16xi32>], vector<16xf32>,
      %iota3A_1557 = tpu.iota {dimensions = array<i32: 0>} : vector<16xi32>
      %add3A_1558 = arith.constant 48 : i32
      %add3A_1559 = vector.broadcast %add3A_1558 : i32 to vector<16xi32>
      %add3A_1560 = arith.addi %iota3A_1557, %add3A_1559 : vector<16xi32>
      %gather3A_1561 = arith.constant 11 : i32
      %gather3A_1562 = arith.constant 0 : i32
      %gather3A_1563 = arith.constant 0 : i32
      %gather3A_1564 = tpu.memref_slice %arg10[%gather3A_1561, %gather3A_1562, %gather3A_1563] : memref<12x64x128xf32, #tpu.memory_space<vmem>> -> memref<1x64x128xf32, #tpu.memory_space<vmem>>
      %gather3A_1565 = tpu.memref_squeeze %gather3A_1564 : memref<1x64x128xf32, #tpu.memory_space<vmem>> -> memref<64x128xf32, #tpu.memory_space<vmem>>
      %gather3A_1566 = tpu.vector_load_idx %gather3A_1565[%add3A_1560, %gather3A_1518] : memref<64x128xf32, #tpu.memory_space<vmem>>[vector<16xi32>, vector<16xi32>], vector<16xf32>,
      tpu.vector_store_idx %arg11[%add3A_1560, %add3A_1526], %gather3A_1566 : memref<64x128xf32, #tpu.memory_space<vmem>>[vector<16xi32>, vector<16xi32>], vector<16xf32>,
      %iota3A_1567 = tpu.iota {dimensions = array<i32: 0>} : vector<16xi32>
      %eq3A_1568 = arith.constant 8 : i32
      %eq3A_1569 = vector.broadcast %eq3A_1568 : i32 to vector<16xi32>
      %eq3A_1570 = arith.cmpi eq, %iota3A_1567, %eq3A_1569 : vector<16xi32>
      %jit3A_1571 = arith.constant 0 : i32
      %broadcast_in_dim3A_1572 = vector.broadcast %jit3A_1571 : i32 to vector<16xi32>
      %select_n3A_1573 = arith.select %eq3A_1570, %mul3A_63, %broadcast_in_dim3A_1572 : vector<16xi1>, vector<16xi32>
      %reduce_max3A_1574 = arith.constant true
      %reduce_max3A_1575 = vector.broadcast %reduce_max3A_1574 : i1 to vector<16xi1>
      %reduce_max3A_1576 = arith.constant -2147483648 : i32
      %reduce_max3A_1577 = vector.broadcast %reduce_max3A_1576 : i32 to vector<16xi32>
      %reduce_max3A_1578 = arith.xori %select_n3A_1573, %reduce_max3A_1577 : vector<16xi32>
      %reduce_max3A_1579 = tpu.scan <max>, %reduce_max3A_1578 masked %reduce_max3A_1575 : vector<16xi32>, vector<16xi1> -> vector<16xi32>
      %reduce_max3A_1580 = arith.xori %reduce_max3A_1579, %reduce_max3A_1577 : vector<16xi32>
      %reduce_max3A_1581 = vector.extract %reduce_max3A_1580[15] : i32 from vector<16xi32>
      %multiple_of3A_1582 = tpu.assume_multiple %reduce_max3A_1581, 128 : i32
      %dma_start3A_1583 = arith.constant 8 : i32
      %dma_start3A_1584 = arith.constant 0 : i32
      %dma_start3A_1585 = arith.constant 0 : i32
      %dma_start3A_1586 = tpu.memref_slice %arg10[%dma_start3A_1583, %dma_start3A_1584, %dma_start3A_1585] : memref<12x64x128xf32, #tpu.memory_space<vmem>> -> memref<1x64x128xf32, #tpu.memory_space<vmem>>
      %dma_start3A_1587 = tpu.memref_squeeze %dma_start3A_1586 : memref<1x64x128xf32, #tpu.memory_space<vmem>> -> memref<64x128xf32, #tpu.memory_space<vmem>>
      %dma_start3A_1588 = arith.constant 0 : i32
      %dma_start3A_1589 = tpu.memref_slice %arg5[%dma_start3A_1588, %multiple_of3A_1582] : memref<64x1000000xf32, #tpu.memory_space<hbm>> -> memref<64x128xf32, #tpu.memory_space<hbm>>
      %dma_start3A_1590 = arith.constant 0 : i32
      %dma_start3A_1591 = arith.constant 0 : i32
      %dma_start3A_1592 = tpu.memref_slice %arg10[%dma_start3A_1583, %dma_start3A_1590, %dma_start3A_1591] : memref<12x64x128xf32, #tpu.memory_space<vmem>> -> memref<1x64x128xf32, #tpu.memory_space<vmem>>
      %dma_start3A_1593 = tpu.memref_squeeze %dma_start3A_1592 : memref<1x64x128xf32, #tpu.memory_space<vmem>> -> memref<64x128xf32, #tpu.memory_space<vmem>>
      %dma_start3A_1594 = arith.constant 0 : i32
      %dma_start3A_1595 = tpu.memref_slice %arg5[%dma_start3A_1594, %multiple_of3A_1582] : memref<64x1000000xf32, #tpu.memory_space<hbm>> -> memref<64x128xf32, #tpu.memory_space<hbm>>
      tpu.enqueue_dma source(%dma_start3A_1595 : memref<64x128xf32, #tpu.memory_space<hbm>>) target(%dma_start3A_1593 : memref<64x128xf32, #tpu.memory_space<vmem>>) target_semaphore(%arg13 : memref<!tpu.dma_semaphore, #tpu.memory_space<semaphore_mem>>)
      %iota3A_1596 = tpu.iota {dimensions = array<i32: 0>} : vector<16xi32>
      %eq3A_1597 = arith.constant 9 : i32
      %eq3A_1598 = vector.broadcast %eq3A_1597 : i32 to vector<16xi32>
      %eq3A_1599 = arith.cmpi eq, %iota3A_1596, %eq3A_1598 : vector<16xi32>
      %jit3A_1600 = arith.constant 0 : i32
      %broadcast_in_dim3A_1601 = vector.broadcast %jit3A_1600 : i32 to vector<16xi32>
      %select_n3A_1602 = arith.select %eq3A_1599, %mul3A_63, %broadcast_in_dim3A_1601 : vector<16xi1>, vector<16xi32>
      %reduce_max3A_1603 = arith.constant true
      %reduce_max3A_1604 = vector.broadcast %reduce_max3A_1603 : i1 to vector<16xi1>
      %reduce_max3A_1605 = arith.constant -2147483648 : i32
      %reduce_max3A_1606 = vector.broadcast %reduce_max3A_1605 : i32 to vector<16xi32>
      %reduce_max3A_1607 = arith.xori %select_n3A_1602, %reduce_max3A_1606 : vector<16xi32>
      %reduce_max3A_1608 = tpu.scan <max>, %reduce_max3A_1607 masked %reduce_max3A_1604 : vector<16xi32>, vector<16xi1> -> vector<16xi32>
      %reduce_max3A_1609 = arith.xori %reduce_max3A_1608, %reduce_max3A_1606 : vector<16xi32>
      %reduce_max3A_1610 = vector.extract %reduce_max3A_1609[15] : i32 from vector<16xi32>
      %multiple_of3A_1611 = tpu.assume_multiple %reduce_max3A_1610, 128 : i32
      %dma_start3A_1612 = arith.constant 9 : i32
      %dma_start3A_1613 = arith.constant 0 : i32
      %dma_start3A_1614 = arith.constant 0 : i32
      %dma_start3A_1615 = tpu.memref_slice %arg10[%dma_start3A_1612, %dma_start3A_1613, %dma_start3A_1614] : memref<12x64x128xf32, #tpu.memory_space<vmem>> -> memref<1x64x128xf32, #tpu.memory_space<vmem>>
      %dma_start3A_1616 = tpu.memref_squeeze %dma_start3A_1615 : memref<1x64x128xf32, #tpu.memory_space<vmem>> -> memref<64x128xf32, #tpu.memory_space<vmem>>
      %dma_start3A_1617 = arith.constant 0 : i32
      %dma_start3A_1618 = tpu.memref_slice %arg5[%dma_start3A_1617, %multiple_of3A_1611] : memref<64x1000000xf32, #tpu.memory_space<hbm>> -> memref<64x128xf32, #tpu.memory_space<hbm>>
      %dma_start3A_1619 = arith.constant 0 : i32
      %dma_start3A_1620 = arith.constant 0 : i32
      %dma_start3A_1621 = tpu.memref_slice %arg10[%dma_start3A_1612, %dma_start3A_1619, %dma_start3A_1620] : memref<12x64x128xf32, #tpu.memory_space<vmem>> -> memref<1x64x128xf32, #tpu.memory_space<vmem>>
      %dma_start3A_1622 = tpu.memref_squeeze %dma_start3A_1621 : memref<1x64x128xf32, #tpu.memory_space<vmem>> -> memref<64x128xf32, #tpu.memory_space<vmem>>
      %dma_start3A_1623 = arith.constant 0 : i32
      %dma_start3A_1624 = tpu.memref_slice %arg5[%dma_start3A_1623, %multiple_of3A_1611] : memref<64x1000000xf32, #tpu.memory_space<hbm>> -> memref<64x128xf32, #tpu.memory_space<hbm>>
      tpu.enqueue_dma source(%dma_start3A_1624 : memref<64x128xf32, #tpu.memory_space<hbm>>) target(%dma_start3A_1622 : memref<64x128xf32, #tpu.memory_space<vmem>>) target_semaphore(%arg13 : memref<!tpu.dma_semaphore, #tpu.memory_space<semaphore_mem>>)
      %iota3A_1625 = tpu.iota {dimensions = array<i32: 0>} : vector<16xi32>
      %eq3A_1626 = arith.constant 10 : i32
      %eq3A_1627 = vector.broadcast %eq3A_1626 : i32 to vector<16xi32>
      %eq3A_1628 = arith.cmpi eq, %iota3A_1625, %eq3A_1627 : vector<16xi32>
      %jit3A_1629 = arith.constant 0 : i32
      %broadcast_in_dim3A_1630 = vector.broadcast %jit3A_1629 : i32 to vector<16xi32>
      %select_n3A_1631 = arith.select %eq3A_1628, %mul3A_63, %broadcast_in_dim3A_1630 : vector<16xi1>, vector<16xi32>
      %reduce_max3A_1632 = arith.constant true
      %reduce_max3A_1633 = vector.broadcast %reduce_max3A_1632 : i1 to vector<16xi1>
      %reduce_max3A_1634 = arith.constant -2147483648 : i32
      %reduce_max3A_1635 = vector.broadcast %reduce_max3A_1634 : i32 to vector<16xi32>
      %reduce_max3A_1636 = arith.xori %select_n3A_1631, %reduce_max3A_1635 : vector<16xi32>
      %reduce_max3A_1637 = tpu.scan <max>, %reduce_max3A_1636 masked %reduce_max3A_1633 : vector<16xi32>, vector<16xi1> -> vector<16xi32>
      %reduce_max3A_1638 = arith.xori %reduce_max3A_1637, %reduce_max3A_1635 : vector<16xi32>
      %reduce_max3A_1639 = vector.extract %reduce_max3A_1638[15] : i32 from vector<16xi32>
      %multiple_of3A_1640 = tpu.assume_multiple %reduce_max3A_1639, 128 : i32
      %dma_start3A_1641 = arith.constant 10 : i32
      %dma_start3A_1642 = arith.constant 0 : i32
      %dma_start3A_1643 = arith.constant 0 : i32
      %dma_start3A_1644 = tpu.memref_slice %arg10[%dma_start3A_1641, %dma_start3A_1642, %dma_start3A_1643] : memref<12x64x128xf32, #tpu.memory_space<vmem>> -> memref<1x64x128xf32, #tpu.memory_space<vmem>>
      %dma_start3A_1645 = tpu.memref_squeeze %dma_start3A_1644 : memref<1x64x128xf32, #tpu.memory_space<vmem>> -> memref<64x128xf32, #tpu.memory_space<vmem>>
      %dma_start3A_1646 = arith.constant 0 : i32
      %dma_start3A_1647 = tpu.memref_slice %arg5[%dma_start3A_1646, %multiple_of3A_1640] : memref<64x1000000xf32, #tpu.memory_space<hbm>> -> memref<64x128xf32, #tpu.memory_space<hbm>>
      %dma_start3A_1648 = arith.constant 0 : i32
      %dma_start3A_1649 = arith.constant 0 : i32
      %dma_start3A_1650 = tpu.memref_slice %arg10[%dma_start3A_1641, %dma_start3A_1648, %dma_start3A_1649] : memref<12x64x128xf32, #tpu.memory_space<vmem>> -> memref<1x64x128xf32, #tpu.memory_space<vmem>>
      %dma_start3A_1651 = tpu.memref_squeeze %dma_start3A_1650 : memref<1x64x128xf32, #tpu.memory_space<vmem>> -> memref<64x128xf32, #tpu.memory_space<vmem>>
      %dma_start3A_1652 = arith.constant 0 : i32
      %dma_start3A_1653 = tpu.memref_slice %arg5[%dma_start3A_1652, %multiple_of3A_1640] : memref<64x1000000xf32, #tpu.memory_space<hbm>> -> memref<64x128xf32, #tpu.memory_space<hbm>>
      tpu.enqueue_dma source(%dma_start3A_1653 : memref<64x128xf32, #tpu.memory_space<hbm>>) target(%dma_start3A_1651 : memref<64x128xf32, #tpu.memory_space<vmem>>) target_semaphore(%arg13 : memref<!tpu.dma_semaphore, #tpu.memory_space<semaphore_mem>>)
      %iota3A_1654 = tpu.iota {dimensions = array<i32: 0>} : vector<16xi32>
      %eq3A_1655 = arith.constant 11 : i32
      %eq3A_1656 = vector.broadcast %eq3A_1655 : i32 to vector<16xi32>
      %eq3A_1657 = arith.cmpi eq, %iota3A_1654, %eq3A_1656 : vector<16xi32>
      %jit3A_1658 = arith.constant 0 : i32
      %broadcast_in_dim3A_1659 = vector.broadcast %jit3A_1658 : i32 to vector<16xi32>
      %select_n3A_1660 = arith.select %eq3A_1657, %mul3A_63, %broadcast_in_dim3A_1659 : vector<16xi1>, vector<16xi32>
      %reduce_max3A_1661 = arith.constant true
      %reduce_max3A_1662 = vector.broadcast %reduce_max3A_1661 : i1 to vector<16xi1>
      %reduce_max3A_1663 = arith.constant -2147483648 : i32
      %reduce_max3A_1664 = vector.broadcast %reduce_max3A_1663 : i32 to vector<16xi32>
      %reduce_max3A_1665 = arith.xori %select_n3A_1660, %reduce_max3A_1664 : vector<16xi32>
      %reduce_max3A_1666 = tpu.scan <max>, %reduce_max3A_1665 masked %reduce_max3A_1662 : vector<16xi32>, vector<16xi1> -> vector<16xi32>
      %reduce_max3A_1667 = arith.xori %reduce_max3A_1666, %reduce_max3A_1664 : vector<16xi32>
      %reduce_max3A_1668 = vector.extract %reduce_max3A_1667[15] : i32 from vector<16xi32>
      %multiple_of3A_1669 = tpu.assume_multiple %reduce_max3A_1668, 128 : i32
      %dma_start3A_1670 = arith.constant 11 : i32
      %dma_start3A_1671 = arith.constant 0 : i32
      %dma_start3A_1672 = arith.constant 0 : i32
      %dma_start3A_1673 = tpu.memref_slice %arg10[%dma_start3A_1670, %dma_start3A_1671, %dma_start3A_1672] : memref<12x64x128xf32, #tpu.memory_space<vmem>> -> memref<1x64x128xf32, #tpu.memory_space<vmem>>
      %dma_start3A_1674 = tpu.memref_squeeze %dma_start3A_1673 : memref<1x64x128xf32, #tpu.memory_space<vmem>> -> memref<64x128xf32, #tpu.memory_space<vmem>>
      %dma_start3A_1675 = arith.constant 0 : i32
      %dma_start3A_1676 = tpu.memref_slice %arg5[%dma_start3A_1675, %multiple_of3A_1669] : memref<64x1000000xf32, #tpu.memory_space<hbm>> -> memref<64x128xf32, #tpu.memory_space<hbm>>
      %dma_start3A_1677 = arith.constant 0 : i32
      %dma_start3A_1678 = arith.constant 0 : i32
      %dma_start3A_1679 = tpu.memref_slice %arg10[%dma_start3A_1670, %dma_start3A_1677, %dma_start3A_1678] : memref<12x64x128xf32, #tpu.memory_space<vmem>> -> memref<1x64x128xf32, #tpu.memory_space<vmem>>
      %dma_start3A_1680 = tpu.memref_squeeze %dma_start3A_1679 : memref<1x64x128xf32, #tpu.memory_space<vmem>> -> memref<64x128xf32, #tpu.memory_space<vmem>>
      %dma_start3A_1681 = arith.constant 0 : i32
      %dma_start3A_1682 = tpu.memref_slice %arg5[%dma_start3A_1681, %multiple_of3A_1669] : memref<64x1000000xf32, #tpu.memory_space<hbm>> -> memref<64x128xf32, #tpu.memory_space<hbm>>
      tpu.enqueue_dma source(%dma_start3A_1682 : memref<64x128xf32, #tpu.memory_space<hbm>>) target(%dma_start3A_1680 : memref<64x128xf32, #tpu.memory_space<vmem>>) target_semaphore(%arg13 : memref<!tpu.dma_semaphore, #tpu.memory_space<semaphore_mem>>)
      %dma_wait3A_1683 = arith.constant 0 : i32
      %dma_wait3A_1684 = arith.constant 0 : i32
      %dma_wait3A_1685 = arith.constant 0 : i32
      %dma_wait3A_1686 = tpu.memref_slice %arg10[%dma_wait3A_1683, %dma_wait3A_1684, %dma_wait3A_1685] : memref<12x64x128xf32, #tpu.memory_space<vmem>> -> memref<1x64x128xf32, #tpu.memory_space<vmem>>
      %dma_wait3A_1687 = tpu.memref_squeeze %dma_wait3A_1686 : memref<1x64x128xf32, #tpu.memory_space<vmem>> -> memref<64x128xf32, #tpu.memory_space<vmem>>
      %dma_wait3A_1688 = arith.constant 0 : i32
      %dma_wait3A_1689 = tpu.memref_slice %arg5[%dma_wait3A_1688, %multiple_of3A_742] : memref<64x1000000xf32, #tpu.memory_space<hbm>> -> memref<64x128xf32, #tpu.memory_space<hbm>>
      %dma_wait3A_1690 = arith.constant 0 : i32
      %dma_wait3A_1691 = arith.constant 0 : i32
      %dma_wait3A_1692 = tpu.memref_slice %arg10[%dma_wait3A_1683, %dma_wait3A_1690, %dma_wait3A_1691] : memref<12x64x128xf32, #tpu.memory_space<vmem>> -> memref<1x64x128xf32, #tpu.memory_space<vmem>>
      %dma_wait3A_1693 = tpu.memref_squeeze %dma_wait3A_1692 : memref<1x64x128xf32, #tpu.memory_space<vmem>> -> memref<64x128xf32, #tpu.memory_space<vmem>>
      %dma_wait3A_1694 = arith.constant 0 : i32
      %dma_wait3A_1695 = tpu.memref_slice %arg5[%dma_wait3A_1694, %multiple_of3A_742] : memref<64x1000000xf32, #tpu.memory_space<hbm>> -> memref<64x128xf32, #tpu.memory_space<hbm>>
      tpu.wait_dma2 semaphore(%arg13 : memref<!tpu.dma_semaphore, #tpu.memory_space<semaphore_mem>>) src(%dma_wait3A_1695 : memref<64x128xf32, #tpu.memory_space<hbm>>) dst(%dma_wait3A_1693 : memref<64x128xf32, #tpu.memory_space<vmem>>)
      %broadcast_in_dim3A_1696 = arith.constant 0 : i32
      %broadcast_in_dim3A_1697 = vector.broadcast %broadcast_in_dim3A_1696 : i32 to vector<16xi32>
      %add3A_1698 = arith.constant 4 : i32
      %add3A_1699 = vector.broadcast %add3A_1698 : i32 to vector<16xi32>
      %add3A_1700 = arith.addi %broadcast_in_dim3A_1697, %add3A_1699 : vector<16xi32>
      %lt3A_1701 = arith.constant 0 : i32
      %lt3A_1702 = vector.broadcast %lt3A_1701 : i32 to vector<16xi32>
      %lt3A_1703 = arith.cmpi slt, %add3A_1700, %lt3A_1702 : vector<16xi32>
      %add3A_1704 = arith.constant 16 : i32
      %add3A_1705 = vector.broadcast %add3A_1704 : i32 to vector<16xi32>
      %add3A_1706 = arith.addi %add3A_1700, %add3A_1705 : vector<16xi32>
      %select_n3A_1707 = arith.select %lt3A_1703, %add3A_1706, %add3A_1700 : vector<16xi1>, vector<16xi32>
      %broadcast_in_dim3A_1708 = vector.shape_cast %select_n3A_1707 : vector<16xi32> to vector<16x1xi32>
      %gather3A_1709 = vector.shape_cast %broadcast_in_dim3A_1708 : vector<16x1xi32> to vector<16xi32>
      %gather3A_1710 = tpu.dynamic_gather %and3A_48[%gather3A_1709] in [0] : vector<16xi32>, vector<16xi32> -> vector<16xi32>
      %add3A_1711 = arith.constant 4 : i32
      %add3A_1712 = arith.addi %mul3A_14, %add3A_1711 : i32
      %add3A_1713 = arith.constant 0 : i32
      %add3A_1714 = arith.addi %add3A_1712, %add3A_1713 : i32
      %broadcast_in_dim3A_1715 = arith.constant 0 : i32
      %broadcast_in_dim3A_1716 = vector.broadcast %broadcast_in_dim3A_1715 : i32 to vector<16xi32>
      %add3A_1717 = vector.broadcast %add3A_1714 : i32 to vector<16xi32>
      %add3A_1718 = arith.addi %add3A_1717, %broadcast_in_dim3A_1716 : vector<16xi32>
      %iota3A_1719 = tpu.iota {dimensions = array<i32: 0>} : vector<16xi32>
      %add3A_1720 = arith.constant 0 : i32
      %add3A_1721 = vector.broadcast %add3A_1720 : i32 to vector<16xi32>
      %add3A_1722 = arith.addi %iota3A_1719, %add3A_1721 : vector<16xi32>
      %gather3A_1723 = arith.constant 0 : i32
      %gather3A_1724 = arith.constant 0 : i32
      %gather3A_1725 = arith.constant 0 : i32
      %gather3A_1726 = tpu.memref_slice %arg10[%gather3A_1723, %gather3A_1724, %gather3A_1725] : memref<12x64x128xf32, #tpu.memory_space<vmem>> -> memref<1x64x128xf32, #tpu.memory_space<vmem>>
      %gather3A_1727 = tpu.memref_squeeze %gather3A_1726 : memref<1x64x128xf32, #tpu.memory_space<vmem>> -> memref<64x128xf32, #tpu.memory_space<vmem>>
      %gather3A_1728 = tpu.vector_load_idx %gather3A_1727[%add3A_1722, %gather3A_1710] : memref<64x128xf32, #tpu.memory_space<vmem>>[vector<16xi32>, vector<16xi32>], vector<16xf32>,
      tpu.vector_store_idx %arg12[%add3A_1722, %add3A_1718], %gather3A_1728 : memref<64x128xf32, #tpu.memory_space<vmem>>[vector<16xi32>, vector<16xi32>], vector<16xf32>,
      %iota3A_1729 = tpu.iota {dimensions = array<i32: 0>} : vector<16xi32>
      %add3A_1730 = arith.constant 16 : i32
      %add3A_1731 = vector.broadcast %add3A_1730 : i32 to vector<16xi32>
      %add3A_1732 = arith.addi %iota3A_1729, %add3A_1731 : vector<16xi32>
      %gather3A_1733 = arith.constant 0 : i32
      %gather3A_1734 = arith.constant 0 : i32
      %gather3A_1735 = arith.constant 0 : i32
      %gather3A_1736 = tpu.memref_slice %arg10[%gather3A_1733, %gather3A_1734, %gather3A_1735] : memref<12x64x128xf32, #tpu.memory_space<vmem>> -> memref<1x64x128xf32, #tpu.memory_space<vmem>>
      %gather3A_1737 = tpu.memref_squeeze %gather3A_1736 : memref<1x64x128xf32, #tpu.memory_space<vmem>> -> memref<64x128xf32, #tpu.memory_space<vmem>>
      %gather3A_1738 = tpu.vector_load_idx %gather3A_1737[%add3A_1732, %gather3A_1710] : memref<64x128xf32, #tpu.memory_space<vmem>>[vector<16xi32>, vector<16xi32>], vector<16xf32>,
      tpu.vector_store_idx %arg12[%add3A_1732, %add3A_1718], %gather3A_1738 : memref<64x128xf32, #tpu.memory_space<vmem>>[vector<16xi32>, vector<16xi32>], vector<16xf32>,
      %iota3A_1739 = tpu.iota {dimensions = array<i32: 0>} : vector<16xi32>
      %add3A_1740 = arith.constant 32 : i32
      %add3A_1741 = vector.broadcast %add3A_1740 : i32 to vector<16xi32>
      %add3A_1742 = arith.addi %iota3A_1739, %add3A_1741 : vector<16xi32>
      %gather3A_1743 = arith.constant 0 : i32
      %gather3A_1744 = arith.constant 0 : i32
      %gather3A_1745 = arith.constant 0 : i32
      %gather3A_1746 = tpu.memref_slice %arg10[%gather3A_1743, %gather3A_1744, %gather3A_1745] : memref<12x64x128xf32, #tpu.memory_space<vmem>> -> memref<1x64x128xf32, #tpu.memory_space<vmem>>
      %gather3A_1747 = tpu.memref_squeeze %gather3A_1746 : memref<1x64x128xf32, #tpu.memory_space<vmem>> -> memref<64x128xf32, #tpu.memory_space<vmem>>
      %gather3A_1748 = tpu.vector_load_idx %gather3A_1747[%add3A_1742, %gather3A_1710] : memref<64x128xf32, #tpu.memory_space<vmem>>[vector<16xi32>, vector<16xi32>], vector<16xf32>,
      tpu.vector_store_idx %arg12[%add3A_1742, %add3A_1718], %gather3A_1748 : memref<64x128xf32, #tpu.memory_space<vmem>>[vector<16xi32>, vector<16xi32>], vector<16xf32>,
      %iota3A_1749 = tpu.iota {dimensions = array<i32: 0>} : vector<16xi32>
      %add3A_1750 = arith.constant 48 : i32
      %add3A_1751 = vector.broadcast %add3A_1750 : i32 to vector<16xi32>
      %add3A_1752 = arith.addi %iota3A_1749, %add3A_1751 : vector<16xi32>
      %gather3A_1753 = arith.constant 0 : i32
      %gather3A_1754 = arith.constant 0 : i32
      %gather3A_1755 = arith.constant 0 : i32
      %gather3A_1756 = tpu.memref_slice %arg10[%gather3A_1753, %gather3A_1754, %gather3A_1755] : memref<12x64x128xf32, #tpu.memory_space<vmem>> -> memref<1x64x128xf32, #tpu.memory_space<vmem>>
      %gather3A_1757 = tpu.memref_squeeze %gather3A_1756 : memref<1x64x128xf32, #tpu.memory_space<vmem>> -> memref<64x128xf32, #tpu.memory_space<vmem>>
      %gather3A_1758 = tpu.vector_load_idx %gather3A_1757[%add3A_1752, %gather3A_1710] : memref<64x128xf32, #tpu.memory_space<vmem>>[vector<16xi32>, vector<16xi32>], vector<16xf32>,
      tpu.vector_store_idx %arg12[%add3A_1752, %add3A_1718], %gather3A_1758 : memref<64x128xf32, #tpu.memory_space<vmem>>[vector<16xi32>, vector<16xi32>], vector<16xf32>,
      %dma_wait3A_1759 = arith.constant 1 : i32
      %dma_wait3A_1760 = arith.constant 0 : i32
      %dma_wait3A_1761 = arith.constant 0 : i32
      %dma_wait3A_1762 = tpu.memref_slice %arg10[%dma_wait3A_1759, %dma_wait3A_1760, %dma_wait3A_1761] : memref<12x64x128xf32, #tpu.memory_space<vmem>> -> memref<1x64x128xf32, #tpu.memory_space<vmem>>
      %dma_wait3A_1763 = tpu.memref_squeeze %dma_wait3A_1762 : memref<1x64x128xf32, #tpu.memory_space<vmem>> -> memref<64x128xf32, #tpu.memory_space<vmem>>
      %dma_wait3A_1764 = arith.constant 0 : i32
      %dma_wait3A_1765 = tpu.memref_slice %arg5[%dma_wait3A_1764, %multiple_of3A_771] : memref<64x1000000xf32, #tpu.memory_space<hbm>> -> memref<64x128xf32, #tpu.memory_space<hbm>>
      %dma_wait3A_1766 = arith.constant 0 : i32
      %dma_wait3A_1767 = arith.constant 0 : i32
      %dma_wait3A_1768 = tpu.memref_slice %arg10[%dma_wait3A_1759, %dma_wait3A_1766, %dma_wait3A_1767] : memref<12x64x128xf32, #tpu.memory_space<vmem>> -> memref<1x64x128xf32, #tpu.memory_space<vmem>>
      %dma_wait3A_1769 = tpu.memref_squeeze %dma_wait3A_1768 : memref<1x64x128xf32, #tpu.memory_space<vmem>> -> memref<64x128xf32, #tpu.memory_space<vmem>>
      %dma_wait3A_1770 = arith.constant 0 : i32
      %dma_wait3A_1771 = tpu.memref_slice %arg5[%dma_wait3A_1770, %multiple_of3A_771] : memref<64x1000000xf32, #tpu.memory_space<hbm>> -> memref<64x128xf32, #tpu.memory_space<hbm>>
      tpu.wait_dma2 semaphore(%arg13 : memref<!tpu.dma_semaphore, #tpu.memory_space<semaphore_mem>>) src(%dma_wait3A_1771 : memref<64x128xf32, #tpu.memory_space<hbm>>) dst(%dma_wait3A_1769 : memref<64x128xf32, #tpu.memory_space<vmem>>)
      %broadcast_in_dim3A_1772 = arith.constant 0 : i32
      %broadcast_in_dim3A_1773 = vector.broadcast %broadcast_in_dim3A_1772 : i32 to vector<16xi32>
      %add3A_1774 = arith.constant 5 : i32
      %add3A_1775 = vector.broadcast %add3A_1774 : i32 to vector<16xi32>
      %add3A_1776 = arith.addi %broadcast_in_dim3A_1773, %add3A_1775 : vector<16xi32>
      %lt3A_1777 = arith.constant 0 : i32
      %lt3A_1778 = vector.broadcast %lt3A_1777 : i32 to vector<16xi32>
      %lt3A_1779 = arith.cmpi slt, %add3A_1776, %lt3A_1778 : vector<16xi32>
      %add3A_1780 = arith.constant 16 : i32
      %add3A_1781 = vector.broadcast %add3A_1780 : i32 to vector<16xi32>
      %add3A_1782 = arith.addi %add3A_1776, %add3A_1781 : vector<16xi32>
      %select_n3A_1783 = arith.select %lt3A_1779, %add3A_1782, %add3A_1776 : vector<16xi1>, vector<16xi32>
      %broadcast_in_dim3A_1784 = vector.shape_cast %select_n3A_1783 : vector<16xi32> to vector<16x1xi32>
      %gather3A_1785 = vector.shape_cast %broadcast_in_dim3A_1784 : vector<16x1xi32> to vector<16xi32>
      %gather3A_1786 = tpu.dynamic_gather %and3A_48[%gather3A_1785] in [0] : vector<16xi32>, vector<16xi32> -> vector<16xi32>
      %add3A_1787 = arith.constant 4 : i32
      %add3A_1788 = arith.addi %mul3A_14, %add3A_1787 : i32
      %add3A_1789 = arith.constant 1 : i32
      %add3A_1790 = arith.addi %add3A_1788, %add3A_1789 : i32
      %broadcast_in_dim3A_1791 = arith.constant 0 : i32
      %broadcast_in_dim3A_1792 = vector.broadcast %broadcast_in_dim3A_1791 : i32 to vector<16xi32>
      %add3A_1793 = vector.broadcast %add3A_1790 : i32 to vector<16xi32>
      %add3A_1794 = arith.addi %add3A_1793, %broadcast_in_dim3A_1792 : vector<16xi32>
      %iota3A_1795 = tpu.iota {dimensions = array<i32: 0>} : vector<16xi32>
      %add3A_1796 = arith.constant 0 : i32
      %add3A_1797 = vector.broadcast %add3A_1796 : i32 to vector<16xi32>
      %add3A_1798 = arith.addi %iota3A_1795, %add3A_1797 : vector<16xi32>
      %gather3A_1799 = arith.constant 1 : i32
      %gather3A_1800 = arith.constant 0 : i32
      %gather3A_1801 = arith.constant 0 : i32
      %gather3A_1802 = tpu.memref_slice %arg10[%gather3A_1799, %gather3A_1800, %gather3A_1801] : memref<12x64x128xf32, #tpu.memory_space<vmem>> -> memref<1x64x128xf32, #tpu.memory_space<vmem>>
      %gather3A_1803 = tpu.memref_squeeze %gather3A_1802 : memref<1x64x128xf32, #tpu.memory_space<vmem>> -> memref<64x128xf32, #tpu.memory_space<vmem>>
      %gather3A_1804 = tpu.vector_load_idx %gather3A_1803[%add3A_1798, %gather3A_1786] : memref<64x128xf32, #tpu.memory_space<vmem>>[vector<16xi32>, vector<16xi32>], vector<16xf32>,
      tpu.vector_store_idx %arg12[%add3A_1798, %add3A_1794], %gather3A_1804 : memref<64x128xf32, #tpu.memory_space<vmem>>[vector<16xi32>, vector<16xi32>], vector<16xf32>,
      %iota3A_1805 = tpu.iota {dimensions = array<i32: 0>} : vector<16xi32>
      %add3A_1806 = arith.constant 16 : i32
      %add3A_1807 = vector.broadcast %add3A_1806 : i32 to vector<16xi32>
      %add3A_1808 = arith.addi %iota3A_1805, %add3A_1807 : vector<16xi32>
      %gather3A_1809 = arith.constant 1 : i32
      %gather3A_1810 = arith.constant 0 : i32
      %gather3A_1811 = arith.constant 0 : i32
      %gather3A_1812 = tpu.memref_slice %arg10[%gather3A_1809, %gather3A_1810, %gather3A_1811] : memref<12x64x128xf32, #tpu.memory_space<vmem>> -> memref<1x64x128xf32, #tpu.memory_space<vmem>>
      %gather3A_1813 = tpu.memref_squeeze %gather3A_1812 : memref<1x64x128xf32, #tpu.memory_space<vmem>> -> memref<64x128xf32, #tpu.memory_space<vmem>>
      %gather3A_1814 = tpu.vector_load_idx %gather3A_1813[%add3A_1808, %gather3A_1786] : memref<64x128xf32, #tpu.memory_space<vmem>>[vector<16xi32>, vector<16xi32>], vector<16xf32>,
      tpu.vector_store_idx %arg12[%add3A_1808, %add3A_1794], %gather3A_1814 : memref<64x128xf32, #tpu.memory_space<vmem>>[vector<16xi32>, vector<16xi32>], vector<16xf32>,
      %iota3A_1815 = tpu.iota {dimensions = array<i32: 0>} : vector<16xi32>
      %add3A_1816 = arith.constant 32 : i32
      %add3A_1817 = vector.broadcast %add3A_1816 : i32 to vector<16xi32>
      %add3A_1818 = arith.addi %iota3A_1815, %add3A_1817 : vector<16xi32>
      %gather3A_1819 = arith.constant 1 : i32
      %gather3A_1820 = arith.constant 0 : i32
      %gather3A_1821 = arith.constant 0 : i32
      %gather3A_1822 = tpu.memref_slice %arg10[%gather3A_1819, %gather3A_1820, %gather3A_1821] : memref<12x64x128xf32, #tpu.memory_space<vmem>> -> memref<1x64x128xf32, #tpu.memory_space<vmem>>
      %gather3A_1823 = tpu.memref_squeeze %gather3A_1822 : memref<1x64x128xf32, #tpu.memory_space<vmem>> -> memref<64x128xf32, #tpu.memory_space<vmem>>
      %gather3A_1824 = tpu.vector_load_idx %gather3A_1823[%add3A_1818, %gather3A_1786] : memref<64x128xf32, #tpu.memory_space<vmem>>[vector<16xi32>, vector<16xi32>], vector<16xf32>,
      tpu.vector_store_idx %arg12[%add3A_1818, %add3A_1794], %gather3A_1824 : memref<64x128xf32, #tpu.memory_space<vmem>>[vector<16xi32>, vector<16xi32>], vector<16xf32>,
      %iota3A_1825 = tpu.iota {dimensions = array<i32: 0>} : vector<16xi32>
      %add3A_1826 = arith.constant 48 : i32
      %add3A_1827 = vector.broadcast %add3A_1826 : i32 to vector<16xi32>
      %add3A_1828 = arith.addi %iota3A_1825, %add3A_1827 : vector<16xi32>
      %gather3A_1829 = arith.constant 1 : i32
      %gather3A_1830 = arith.constant 0 : i32
      %gather3A_1831 = arith.constant 0 : i32
      %gather3A_1832 = tpu.memref_slice %arg10[%gather3A_1829, %gather3A_1830, %gather3A_1831] : memref<12x64x128xf32, #tpu.memory_space<vmem>> -> memref<1x64x128xf32, #tpu.memory_space<vmem>>
      %gather3A_1833 = tpu.memref_squeeze %gather3A_1832 : memref<1x64x128xf32, #tpu.memory_space<vmem>> -> memref<64x128xf32, #tpu.memory_space<vmem>>
      %gather3A_1834 = tpu.vector_load_idx %gather3A_1833[%add3A_1828, %gather3A_1786] : memref<64x128xf32, #tpu.memory_space<vmem>>[vector<16xi32>, vector<16xi32>], vector<16xf32>,
      tpu.vector_store_idx %arg12[%add3A_1828, %add3A_1794], %gather3A_1834 : memref<64x128xf32, #tpu.memory_space<vmem>>[vector<16xi32>, vector<16xi32>], vector<16xf32>,
      %dma_wait3A_1835 = arith.constant 2 : i32
      %dma_wait3A_1836 = arith.constant 0 : i32
      %dma_wait3A_1837 = arith.constant 0 : i32
      %dma_wait3A_1838 = tpu.memref_slice %arg10[%dma_wait3A_1835, %dma_wait3A_1836, %dma_wait3A_1837] : memref<12x64x128xf32, #tpu.memory_space<vmem>> -> memref<1x64x128xf32, #tpu.memory_space<vmem>>
      %dma_wait3A_1839 = tpu.memref_squeeze %dma_wait3A_1838 : memref<1x64x128xf32, #tpu.memory_space<vmem>> -> memref<64x128xf32, #tpu.memory_space<vmem>>
      %dma_wait3A_1840 = arith.constant 0 : i32
      %dma_wait3A_1841 = tpu.memref_slice %arg5[%dma_wait3A_1840, %multiple_of3A_800] : memref<64x1000000xf32, #tpu.memory_space<hbm>> -> memref<64x128xf32, #tpu.memory_space<hbm>>
      %dma_wait3A_1842 = arith.constant 0 : i32
      %dma_wait3A_1843 = arith.constant 0 : i32
      %dma_wait3A_1844 = tpu.memref_slice %arg10[%dma_wait3A_1835, %dma_wait3A_1842, %dma_wait3A_1843] : memref<12x64x128xf32, #tpu.memory_space<vmem>> -> memref<1x64x128xf32, #tpu.memory_space<vmem>>
      %dma_wait3A_1845 = tpu.memref_squeeze %dma_wait3A_1844 : memref<1x64x128xf32, #tpu.memory_space<vmem>> -> memref<64x128xf32, #tpu.memory_space<vmem>>
      %dma_wait3A_1846 = arith.constant 0 : i32
      %dma_wait3A_1847 = tpu.memref_slice %arg5[%dma_wait3A_1846, %multiple_of3A_800] : memref<64x1000000xf32, #tpu.memory_space<hbm>> -> memref<64x128xf32, #tpu.memory_space<hbm>>
      tpu.wait_dma2 semaphore(%arg13 : memref<!tpu.dma_semaphore, #tpu.memory_space<semaphore_mem>>) src(%dma_wait3A_1847 : memref<64x128xf32, #tpu.memory_space<hbm>>) dst(%dma_wait3A_1845 : memref<64x128xf32, #tpu.memory_space<vmem>>)
      %broadcast_in_dim3A_1848 = arith.constant 0 : i32
      %broadcast_in_dim3A_1849 = vector.broadcast %broadcast_in_dim3A_1848 : i32 to vector<16xi32>
      %add3A_1850 = arith.constant 6 : i32
      %add3A_1851 = vector.broadcast %add3A_1850 : i32 to vector<16xi32>
      %add3A_1852 = arith.addi %broadcast_in_dim3A_1849, %add3A_1851 : vector<16xi32>
      %lt3A_1853 = arith.constant 0 : i32
      %lt3A_1854 = vector.broadcast %lt3A_1853 : i32 to vector<16xi32>
      %lt3A_1855 = arith.cmpi slt, %add3A_1852, %lt3A_1854 : vector<16xi32>
      %add3A_1856 = arith.constant 16 : i32
      %add3A_1857 = vector.broadcast %add3A_1856 : i32 to vector<16xi32>
      %add3A_1858 = arith.addi %add3A_1852, %add3A_1857 : vector<16xi32>
      %select_n3A_1859 = arith.select %lt3A_1855, %add3A_1858, %add3A_1852 : vector<16xi1>, vector<16xi32>
      %broadcast_in_dim3A_1860 = vector.shape_cast %select_n3A_1859 : vector<16xi32> to vector<16x1xi32>
      %gather3A_1861 = vector.shape_cast %broadcast_in_dim3A_1860 : vector<16x1xi32> to vector<16xi32>
      %gather3A_1862 = tpu.dynamic_gather %and3A_48[%gather3A_1861] in [0] : vector<16xi32>, vector<16xi32> -> vector<16xi32>
      %add3A_1863 = arith.constant 4 : i32
      %add3A_1864 = arith.addi %mul3A_14, %add3A_1863 : i32
      %add3A_1865 = arith.constant 2 : i32
      %add3A_1866 = arith.addi %add3A_1864, %add3A_1865 : i32
      %broadcast_in_dim3A_1867 = arith.constant 0 : i32
      %broadcast_in_dim3A_1868 = vector.broadcast %broadcast_in_dim3A_1867 : i32 to vector<16xi32>
      %add3A_1869 = vector.broadcast %add3A_1866 : i32 to vector<16xi32>
      %add3A_1870 = arith.addi %add3A_1869, %broadcast_in_dim3A_1868 : vector<16xi32>
      %iota3A_1871 = tpu.iota {dimensions = array<i32: 0>} : vector<16xi32>
      %add3A_1872 = arith.constant 0 : i32
      %add3A_1873 = vector.broadcast %add3A_1872 : i32 to vector<16xi32>
      %add3A_1874 = arith.addi %iota3A_1871, %add3A_1873 : vector<16xi32>
      %gather3A_1875 = arith.constant 2 : i32
      %gather3A_1876 = arith.constant 0 : i32
      %gather3A_1877 = arith.constant 0 : i32
      %gather3A_1878 = tpu.memref_slice %arg10[%gather3A_1875, %gather3A_1876, %gather3A_1877] : memref<12x64x128xf32, #tpu.memory_space<vmem>> -> memref<1x64x128xf32, #tpu.memory_space<vmem>>
      %gather3A_1879 = tpu.memref_squeeze %gather3A_1878 : memref<1x64x128xf32, #tpu.memory_space<vmem>> -> memref<64x128xf32, #tpu.memory_space<vmem>>
      %gather3A_1880 = tpu.vector_load_idx %gather3A_1879[%add3A_1874, %gather3A_1862] : memref<64x128xf32, #tpu.memory_space<vmem>>[vector<16xi32>, vector<16xi32>], vector<16xf32>,
      tpu.vector_store_idx %arg12[%add3A_1874, %add3A_1870], %gather3A_1880 : memref<64x128xf32, #tpu.memory_space<vmem>>[vector<16xi32>, vector<16xi32>], vector<16xf32>,
      %iota3A_1881 = tpu.iota {dimensions = array<i32: 0>} : vector<16xi32>
      %add3A_1882 = arith.constant 16 : i32
      %add3A_1883 = vector.broadcast %add3A_1882 : i32 to vector<16xi32>
      %add3A_1884 = arith.addi %iota3A_1881, %add3A_1883 : vector<16xi32>
      %gather3A_1885 = arith.constant 2 : i32
      %gather3A_1886 = arith.constant 0 : i32
      %gather3A_1887 = arith.constant 0 : i32
      %gather3A_1888 = tpu.memref_slice %arg10[%gather3A_1885, %gather3A_1886, %gather3A_1887] : memref<12x64x128xf32, #tpu.memory_space<vmem>> -> memref<1x64x128xf32, #tpu.memory_space<vmem>>
      %gather3A_1889 = tpu.memref_squeeze %gather3A_1888 : memref<1x64x128xf32, #tpu.memory_space<vmem>> -> memref<64x128xf32, #tpu.memory_space<vmem>>
      %gather3A_1890 = tpu.vector_load_idx %gather3A_1889[%add3A_1884, %gather3A_1862] : memref<64x128xf32, #tpu.memory_space<vmem>>[vector<16xi32>, vector<16xi32>], vector<16xf32>,
      tpu.vector_store_idx %arg12[%add3A_1884, %add3A_1870], %gather3A_1890 : memref<64x128xf32, #tpu.memory_space<vmem>>[vector<16xi32>, vector<16xi32>], vector<16xf32>,
      %iota3A_1891 = tpu.iota {dimensions = array<i32: 0>} : vector<16xi32>
      %add3A_1892 = arith.constant 32 : i32
      %add3A_1893 = vector.broadcast %add3A_1892 : i32 to vector<16xi32>
      %add3A_1894 = arith.addi %iota3A_1891, %add3A_1893 : vector<16xi32>
      %gather3A_1895 = arith.constant 2 : i32
      %gather3A_1896 = arith.constant 0 : i32
      %gather3A_1897 = arith.constant 0 : i32
      %gather3A_1898 = tpu.memref_slice %arg10[%gather3A_1895, %gather3A_1896, %gather3A_1897] : memref<12x64x128xf32, #tpu.memory_space<vmem>> -> memref<1x64x128xf32, #tpu.memory_space<vmem>>
      %gather3A_1899 = tpu.memref_squeeze %gather3A_1898 : memref<1x64x128xf32, #tpu.memory_space<vmem>> -> memref<64x128xf32, #tpu.memory_space<vmem>>
      %gather3A_1900 = tpu.vector_load_idx %gather3A_1899[%add3A_1894, %gather3A_1862] : memref<64x128xf32, #tpu.memory_space<vmem>>[vector<16xi32>, vector<16xi32>], vector<16xf32>,
      tpu.vector_store_idx %arg12[%add3A_1894, %add3A_1870], %gather3A_1900 : memref<64x128xf32, #tpu.memory_space<vmem>>[vector<16xi32>, vector<16xi32>], vector<16xf32>,
      %iota3A_1901 = tpu.iota {dimensions = array<i32: 0>} : vector<16xi32>
      %add3A_1902 = arith.constant 48 : i32
      %add3A_1903 = vector.broadcast %add3A_1902 : i32 to vector<16xi32>
      %add3A_1904 = arith.addi %iota3A_1901, %add3A_1903 : vector<16xi32>
      %gather3A_1905 = arith.constant 2 : i32
      %gather3A_1906 = arith.constant 0 : i32
      %gather3A_1907 = arith.constant 0 : i32
      %gather3A_1908 = tpu.memref_slice %arg10[%gather3A_1905, %gather3A_1906, %gather3A_1907] : memref<12x64x128xf32, #tpu.memory_space<vmem>> -> memref<1x64x128xf32, #tpu.memory_space<vmem>>
      %gather3A_1909 = tpu.memref_squeeze %gather3A_1908 : memref<1x64x128xf32, #tpu.memory_space<vmem>> -> memref<64x128xf32, #tpu.memory_space<vmem>>
      %gather3A_1910 = tpu.vector_load_idx %gather3A_1909[%add3A_1904, %gather3A_1862] : memref<64x128xf32, #tpu.memory_space<vmem>>[vector<16xi32>, vector<16xi32>], vector<16xf32>,
      tpu.vector_store_idx %arg12[%add3A_1904, %add3A_1870], %gather3A_1910 : memref<64x128xf32, #tpu.memory_space<vmem>>[vector<16xi32>, vector<16xi32>], vector<16xf32>,
      %dma_wait3A_1911 = arith.constant 3 : i32
      %dma_wait3A_1912 = arith.constant 0 : i32
      %dma_wait3A_1913 = arith.constant 0 : i32
      %dma_wait3A_1914 = tpu.memref_slice %arg10[%dma_wait3A_1911, %dma_wait3A_1912, %dma_wait3A_1913] : memref<12x64x128xf32, #tpu.memory_space<vmem>> -> memref<1x64x128xf32, #tpu.memory_space<vmem>>
      %dma_wait3A_1915 = tpu.memref_squeeze %dma_wait3A_1914 : memref<1x64x128xf32, #tpu.memory_space<vmem>> -> memref<64x128xf32, #tpu.memory_space<vmem>>
      %dma_wait3A_1916 = arith.constant 0 : i32
      %dma_wait3A_1917 = tpu.memref_slice %arg5[%dma_wait3A_1916, %multiple_of3A_829] : memref<64x1000000xf32, #tpu.memory_space<hbm>> -> memref<64x128xf32, #tpu.memory_space<hbm>>
      %dma_wait3A_1918 = arith.constant 0 : i32
      %dma_wait3A_1919 = arith.constant 0 : i32
      %dma_wait3A_1920 = tpu.memref_slice %arg10[%dma_wait3A_1911, %dma_wait3A_1918, %dma_wait3A_1919] : memref<12x64x128xf32, #tpu.memory_space<vmem>> -> memref<1x64x128xf32, #tpu.memory_space<vmem>>
      %dma_wait3A_1921 = tpu.memref_squeeze %dma_wait3A_1920 : memref<1x64x128xf32, #tpu.memory_space<vmem>> -> memref<64x128xf32, #tpu.memory_space<vmem>>
      %dma_wait3A_1922 = arith.constant 0 : i32
      %dma_wait3A_1923 = tpu.memref_slice %arg5[%dma_wait3A_1922, %multiple_of3A_829] : memref<64x1000000xf32, #tpu.memory_space<hbm>> -> memref<64x128xf32, #tpu.memory_space<hbm>>
      tpu.wait_dma2 semaphore(%arg13 : memref<!tpu.dma_semaphore, #tpu.memory_space<semaphore_mem>>) src(%dma_wait3A_1923 : memref<64x128xf32, #tpu.memory_space<hbm>>) dst(%dma_wait3A_1921 : memref<64x128xf32, #tpu.memory_space<vmem>>)
      %broadcast_in_dim3A_1924 = arith.constant 0 : i32
      %broadcast_in_dim3A_1925 = vector.broadcast %broadcast_in_dim3A_1924 : i32 to vector<16xi32>
      %add3A_1926 = arith.constant 7 : i32
      %add3A_1927 = vector.broadcast %add3A_1926 : i32 to vector<16xi32>
      %add3A_1928 = arith.addi %broadcast_in_dim3A_1925, %add3A_1927 : vector<16xi32>
      %lt3A_1929 = arith.constant 0 : i32
      %lt3A_1930 = vector.broadcast %lt3A_1929 : i32 to vector<16xi32>
      %lt3A_1931 = arith.cmpi slt, %add3A_1928, %lt3A_1930 : vector<16xi32>
      %add3A_1932 = arith.constant 16 : i32
      %add3A_1933 = vector.broadcast %add3A_1932 : i32 to vector<16xi32>
      %add3A_1934 = arith.addi %add3A_1928, %add3A_1933 : vector<16xi32>
      %select_n3A_1935 = arith.select %lt3A_1931, %add3A_1934, %add3A_1928 : vector<16xi1>, vector<16xi32>
      %broadcast_in_dim3A_1936 = vector.shape_cast %select_n3A_1935 : vector<16xi32> to vector<16x1xi32>
      %gather3A_1937 = vector.shape_cast %broadcast_in_dim3A_1936 : vector<16x1xi32> to vector<16xi32>
      %gather3A_1938 = tpu.dynamic_gather %and3A_48[%gather3A_1937] in [0] : vector<16xi32>, vector<16xi32> -> vector<16xi32>
      %add3A_1939 = arith.constant 4 : i32
      %add3A_1940 = arith.addi %mul3A_14, %add3A_1939 : i32
      %add3A_1941 = arith.constant 3 : i32
      %add3A_1942 = arith.addi %add3A_1940, %add3A_1941 : i32
      %broadcast_in_dim3A_1943 = arith.constant 0 : i32
      %broadcast_in_dim3A_1944 = vector.broadcast %broadcast_in_dim3A_1943 : i32 to vector<16xi32>
      %add3A_1945 = vector.broadcast %add3A_1942 : i32 to vector<16xi32>
      %add3A_1946 = arith.addi %add3A_1945, %broadcast_in_dim3A_1944 : vector<16xi32>
      %iota3A_1947 = tpu.iota {dimensions = array<i32: 0>} : vector<16xi32>
      %add3A_1948 = arith.constant 0 : i32
      %add3A_1949 = vector.broadcast %add3A_1948 : i32 to vector<16xi32>
      %add3A_1950 = arith.addi %iota3A_1947, %add3A_1949 : vector<16xi32>
      %gather3A_1951 = arith.constant 3 : i32
      %gather3A_1952 = arith.constant 0 : i32
      %gather3A_1953 = arith.constant 0 : i32
      %gather3A_1954 = tpu.memref_slice %arg10[%gather3A_1951, %gather3A_1952, %gather3A_1953] : memref<12x64x128xf32, #tpu.memory_space<vmem>> -> memref<1x64x128xf32, #tpu.memory_space<vmem>>
      %gather3A_1955 = tpu.memref_squeeze %gather3A_1954 : memref<1x64x128xf32, #tpu.memory_space<vmem>> -> memref<64x128xf32, #tpu.memory_space<vmem>>
      %gather3A_1956 = tpu.vector_load_idx %gather3A_1955[%add3A_1950, %gather3A_1938] : memref<64x128xf32, #tpu.memory_space<vmem>>[vector<16xi32>, vector<16xi32>], vector<16xf32>,
      tpu.vector_store_idx %arg12[%add3A_1950, %add3A_1946], %gather3A_1956 : memref<64x128xf32, #tpu.memory_space<vmem>>[vector<16xi32>, vector<16xi32>], vector<16xf32>,
      %iota3A_1957 = tpu.iota {dimensions = array<i32: 0>} : vector<16xi32>
      %add3A_1958 = arith.constant 16 : i32
      %add3A_1959 = vector.broadcast %add3A_1958 : i32 to vector<16xi32>
      %add3A_1960 = arith.addi %iota3A_1957, %add3A_1959 : vector<16xi32>
      %gather3A_1961 = arith.constant 3 : i32
      %gather3A_1962 = arith.constant 0 : i32
      %gather3A_1963 = arith.constant 0 : i32
      %gather3A_1964 = tpu.memref_slice %arg10[%gather3A_1961, %gather3A_1962, %gather3A_1963] : memref<12x64x128xf32, #tpu.memory_space<vmem>> -> memref<1x64x128xf32, #tpu.memory_space<vmem>>
      %gather3A_1965 = tpu.memref_squeeze %gather3A_1964 : memref<1x64x128xf32, #tpu.memory_space<vmem>> -> memref<64x128xf32, #tpu.memory_space<vmem>>
      %gather3A_1966 = tpu.vector_load_idx %gather3A_1965[%add3A_1960, %gather3A_1938] : memref<64x128xf32, #tpu.memory_space<vmem>>[vector<16xi32>, vector<16xi32>], vector<16xf32>,
      tpu.vector_store_idx %arg12[%add3A_1960, %add3A_1946], %gather3A_1966 : memref<64x128xf32, #tpu.memory_space<vmem>>[vector<16xi32>, vector<16xi32>], vector<16xf32>,
      %iota3A_1967 = tpu.iota {dimensions = array<i32: 0>} : vector<16xi32>
      %add3A_1968 = arith.constant 32 : i32
      %add3A_1969 = vector.broadcast %add3A_1968 : i32 to vector<16xi32>
      %add3A_1970 = arith.addi %iota3A_1967, %add3A_1969 : vector<16xi32>
      %gather3A_1971 = arith.constant 3 : i32
      %gather3A_1972 = arith.constant 0 : i32
      %gather3A_1973 = arith.constant 0 : i32
      %gather3A_1974 = tpu.memref_slice %arg10[%gather3A_1971, %gather3A_1972, %gather3A_1973] : memref<12x64x128xf32, #tpu.memory_space<vmem>> -> memref<1x64x128xf32, #tpu.memory_space<vmem>>
      %gather3A_1975 = tpu.memref_squeeze %gather3A_1974 : memref<1x64x128xf32, #tpu.memory_space<vmem>> -> memref<64x128xf32, #tpu.memory_space<vmem>>
      %gather3A_1976 = tpu.vector_load_idx %gather3A_1975[%add3A_1970, %gather3A_1938] : memref<64x128xf32, #tpu.memory_space<vmem>>[vector<16xi32>, vector<16xi32>], vector<16xf32>,
      tpu.vector_store_idx %arg12[%add3A_1970, %add3A_1946], %gather3A_1976 : memref<64x128xf32, #tpu.memory_space<vmem>>[vector<16xi32>, vector<16xi32>], vector<16xf32>,
      %iota3A_1977 = tpu.iota {dimensions = array<i32: 0>} : vector<16xi32>
      %add3A_1978 = arith.constant 48 : i32
      %add3A_1979 = vector.broadcast %add3A_1978 : i32 to vector<16xi32>
      %add3A_1980 = arith.addi %iota3A_1977, %add3A_1979 : vector<16xi32>
      %gather3A_1981 = arith.constant 3 : i32
      %gather3A_1982 = arith.constant 0 : i32
      %gather3A_1983 = arith.constant 0 : i32
      %gather3A_1984 = tpu.memref_slice %arg10[%gather3A_1981, %gather3A_1982, %gather3A_1983] : memref<12x64x128xf32, #tpu.memory_space<vmem>> -> memref<1x64x128xf32, #tpu.memory_space<vmem>>
      %gather3A_1985 = tpu.memref_squeeze %gather3A_1984 : memref<1x64x128xf32, #tpu.memory_space<vmem>> -> memref<64x128xf32, #tpu.memory_space<vmem>>
      %gather3A_1986 = tpu.vector_load_idx %gather3A_1985[%add3A_1980, %gather3A_1938] : memref<64x128xf32, #tpu.memory_space<vmem>>[vector<16xi32>, vector<16xi32>], vector<16xf32>,
      tpu.vector_store_idx %arg12[%add3A_1980, %add3A_1946], %gather3A_1986 : memref<64x128xf32, #tpu.memory_space<vmem>>[vector<16xi32>, vector<16xi32>], vector<16xf32>,
      %iota3A_1987 = tpu.iota {dimensions = array<i32: 0>} : vector<16xi32>
      %eq3A_1988 = arith.constant 12 : i32
      %eq3A_1989 = vector.broadcast %eq3A_1988 : i32 to vector<16xi32>
      %eq3A_1990 = arith.cmpi eq, %iota3A_1987, %eq3A_1989 : vector<16xi32>
      %jit3A_1991 = arith.constant 0 : i32
      %broadcast_in_dim3A_1992 = vector.broadcast %jit3A_1991 : i32 to vector<16xi32>
      %select_n3A_1993 = arith.select %eq3A_1990, %mul3A_72, %broadcast_in_dim3A_1992 : vector<16xi1>, vector<16xi32>
      %reduce_max3A_1994 = arith.constant true
      %reduce_max3A_1995 = vector.broadcast %reduce_max3A_1994 : i1 to vector<16xi1>
      %reduce_max3A_1996 = arith.constant -2147483648 : i32
      %reduce_max3A_1997 = vector.broadcast %reduce_max3A_1996 : i32 to vector<16xi32>
      %reduce_max3A_1998 = arith.xori %select_n3A_1993, %reduce_max3A_1997 : vector<16xi32>
      %reduce_max3A_1999 = tpu.scan <max>, %reduce_max3A_1998 masked %reduce_max3A_1995 : vector<16xi32>, vector<16xi1> -> vector<16xi32>
      %reduce_max3A_2000 = arith.xori %reduce_max3A_1999, %reduce_max3A_1997 : vector<16xi32>
      %reduce_max3A_2001 = vector.extract %reduce_max3A_2000[15] : i32 from vector<16xi32>
      %multiple_of3A_2002 = tpu.assume_multiple %reduce_max3A_2001, 128 : i32
      %dma_start3A_2003 = arith.constant 0 : i32
      %dma_start3A_2004 = arith.constant 0 : i32
      %dma_start3A_2005 = arith.constant 0 : i32
      %dma_start3A_2006 = tpu.memref_slice %arg10[%dma_start3A_2003, %dma_start3A_2004, %dma_start3A_2005] : memref<12x64x128xf32, #tpu.memory_space<vmem>> -> memref<1x64x128xf32, #tpu.memory_space<vmem>>
      %dma_start3A_2007 = tpu.memref_squeeze %dma_start3A_2006 : memref<1x64x128xf32, #tpu.memory_space<vmem>> -> memref<64x128xf32, #tpu.memory_space<vmem>>
      %dma_start3A_2008 = arith.constant 0 : i32
      %dma_start3A_2009 = tpu.memref_slice %arg4[%dma_start3A_2008, %multiple_of3A_2002] : memref<64x1000000xf32, #tpu.memory_space<hbm>> -> memref<64x128xf32, #tpu.memory_space<hbm>>
      %dma_start3A_2010 = arith.constant 0 : i32
      %dma_start3A_2011 = arith.constant 0 : i32
      %dma_start3A_2012 = tpu.memref_slice %arg10[%dma_start3A_2003, %dma_start3A_2010, %dma_start3A_2011] : memref<12x64x128xf32, #tpu.memory_space<vmem>> -> memref<1x64x128xf32, #tpu.memory_space<vmem>>
      %dma_start3A_2013 = tpu.memref_squeeze %dma_start3A_2012 : memref<1x64x128xf32, #tpu.memory_space<vmem>> -> memref<64x128xf32, #tpu.memory_space<vmem>>
      %dma_start3A_2014 = arith.constant 0 : i32
      %dma_start3A_2015 = tpu.memref_slice %arg4[%dma_start3A_2014, %multiple_of3A_2002] : memref<64x1000000xf32, #tpu.memory_space<hbm>> -> memref<64x128xf32, #tpu.memory_space<hbm>>
      tpu.enqueue_dma source(%dma_start3A_2015 : memref<64x128xf32, #tpu.memory_space<hbm>>) target(%dma_start3A_2013 : memref<64x128xf32, #tpu.memory_space<vmem>>) target_semaphore(%arg13 : memref<!tpu.dma_semaphore, #tpu.memory_space<semaphore_mem>>)
      %iota3A_2016 = tpu.iota {dimensions = array<i32: 0>} : vector<16xi32>
      %eq3A_2017 = arith.constant 13 : i32
      %eq3A_2018 = vector.broadcast %eq3A_2017 : i32 to vector<16xi32>
      %eq3A_2019 = arith.cmpi eq, %iota3A_2016, %eq3A_2018 : vector<16xi32>
      %jit3A_2020 = arith.constant 0 : i32
      %broadcast_in_dim3A_2021 = vector.broadcast %jit3A_2020 : i32 to vector<16xi32>
      %select_n3A_2022 = arith.select %eq3A_2019, %mul3A_72, %broadcast_in_dim3A_2021 : vector<16xi1>, vector<16xi32>
      %reduce_max3A_2023 = arith.constant true
      %reduce_max3A_2024 = vector.broadcast %reduce_max3A_2023 : i1 to vector<16xi1>
      %reduce_max3A_2025 = arith.constant -2147483648 : i32
      %reduce_max3A_2026 = vector.broadcast %reduce_max3A_2025 : i32 to vector<16xi32>
      %reduce_max3A_2027 = arith.xori %select_n3A_2022, %reduce_max3A_2026 : vector<16xi32>
      %reduce_max3A_2028 = tpu.scan <max>, %reduce_max3A_2027 masked %reduce_max3A_2024 : vector<16xi32>, vector<16xi1> -> vector<16xi32>
      %reduce_max3A_2029 = arith.xori %reduce_max3A_2028, %reduce_max3A_2026 : vector<16xi32>
      %reduce_max3A_2030 = vector.extract %reduce_max3A_2029[15] : i32 from vector<16xi32>
      %multiple_of3A_2031 = tpu.assume_multiple %reduce_max3A_2030, 128 : i32
      %dma_start3A_2032 = arith.constant 1 : i32
      %dma_start3A_2033 = arith.constant 0 : i32
      %dma_start3A_2034 = arith.constant 0 : i32
      %dma_start3A_2035 = tpu.memref_slice %arg10[%dma_start3A_2032, %dma_start3A_2033, %dma_start3A_2034] : memref<12x64x128xf32, #tpu.memory_space<vmem>> -> memref<1x64x128xf32, #tpu.memory_space<vmem>>
      %dma_start3A_2036 = tpu.memref_squeeze %dma_start3A_2035 : memref<1x64x128xf32, #tpu.memory_space<vmem>> -> memref<64x128xf32, #tpu.memory_space<vmem>>
      %dma_start3A_2037 = arith.constant 0 : i32
      %dma_start3A_2038 = tpu.memref_slice %arg4[%dma_start3A_2037, %multiple_of3A_2031] : memref<64x1000000xf32, #tpu.memory_space<hbm>> -> memref<64x128xf32, #tpu.memory_space<hbm>>
      %dma_start3A_2039 = arith.constant 0 : i32
      %dma_start3A_2040 = arith.constant 0 : i32
      %dma_start3A_2041 = tpu.memref_slice %arg10[%dma_start3A_2032, %dma_start3A_2039, %dma_start3A_2040] : memref<12x64x128xf32, #tpu.memory_space<vmem>> -> memref<1x64x128xf32, #tpu.memory_space<vmem>>
      %dma_start3A_2042 = tpu.memref_squeeze %dma_start3A_2041 : memref<1x64x128xf32, #tpu.memory_space<vmem>> -> memref<64x128xf32, #tpu.memory_space<vmem>>
      %dma_start3A_2043 = arith.constant 0 : i32
      %dma_start3A_2044 = tpu.memref_slice %arg4[%dma_start3A_2043, %multiple_of3A_2031] : memref<64x1000000xf32, #tpu.memory_space<hbm>> -> memref<64x128xf32, #tpu.memory_space<hbm>>
      tpu.enqueue_dma source(%dma_start3A_2044 : memref<64x128xf32, #tpu.memory_space<hbm>>) target(%dma_start3A_2042 : memref<64x128xf32, #tpu.memory_space<vmem>>) target_semaphore(%arg13 : memref<!tpu.dma_semaphore, #tpu.memory_space<semaphore_mem>>)
      %iota3A_2045 = tpu.iota {dimensions = array<i32: 0>} : vector<16xi32>
      %eq3A_2046 = arith.constant 14 : i32
      %eq3A_2047 = vector.broadcast %eq3A_2046 : i32 to vector<16xi32>
      %eq3A_2048 = arith.cmpi eq, %iota3A_2045, %eq3A_2047 : vector<16xi32>
      %jit3A_2049 = arith.constant 0 : i32
      %broadcast_in_dim3A_2050 = vector.broadcast %jit3A_2049 : i32 to vector<16xi32>
      %select_n3A_2051 = arith.select %eq3A_2048, %mul3A_72, %broadcast_in_dim3A_2050 : vector<16xi1>, vector<16xi32>
      %reduce_max3A_2052 = arith.constant true
      %reduce_max3A_2053 = vector.broadcast %reduce_max3A_2052 : i1 to vector<16xi1>
      %reduce_max3A_2054 = arith.constant -2147483648 : i32
      %reduce_max3A_2055 = vector.broadcast %reduce_max3A_2054 : i32 to vector<16xi32>
      %reduce_max3A_2056 = arith.xori %select_n3A_2051, %reduce_max3A_2055 : vector<16xi32>
      %reduce_max3A_2057 = tpu.scan <max>, %reduce_max3A_2056 masked %reduce_max3A_2053 : vector<16xi32>, vector<16xi1> -> vector<16xi32>
      %reduce_max3A_2058 = arith.xori %reduce_max3A_2057, %reduce_max3A_2055 : vector<16xi32>
      %reduce_max3A_2059 = vector.extract %reduce_max3A_2058[15] : i32 from vector<16xi32>
      %multiple_of3A_2060 = tpu.assume_multiple %reduce_max3A_2059, 128 : i32
      %dma_start3A_2061 = arith.constant 2 : i32
      %dma_start3A_2062 = arith.constant 0 : i32
      %dma_start3A_2063 = arith.constant 0 : i32
      %dma_start3A_2064 = tpu.memref_slice %arg10[%dma_start3A_2061, %dma_start3A_2062, %dma_start3A_2063] : memref<12x64x128xf32, #tpu.memory_space<vmem>> -> memref<1x64x128xf32, #tpu.memory_space<vmem>>
      %dma_start3A_2065 = tpu.memref_squeeze %dma_start3A_2064 : memref<1x64x128xf32, #tpu.memory_space<vmem>> -> memref<64x128xf32, #tpu.memory_space<vmem>>
      %dma_start3A_2066 = arith.constant 0 : i32
      %dma_start3A_2067 = tpu.memref_slice %arg4[%dma_start3A_2066, %multiple_of3A_2060] : memref<64x1000000xf32, #tpu.memory_space<hbm>> -> memref<64x128xf32, #tpu.memory_space<hbm>>
      %dma_start3A_2068 = arith.constant 0 : i32
      %dma_start3A_2069 = arith.constant 0 : i32
      %dma_start3A_2070 = tpu.memref_slice %arg10[%dma_start3A_2061, %dma_start3A_2068, %dma_start3A_2069] : memref<12x64x128xf32, #tpu.memory_space<vmem>> -> memref<1x64x128xf32, #tpu.memory_space<vmem>>
      %dma_start3A_2071 = tpu.memref_squeeze %dma_start3A_2070 : memref<1x64x128xf32, #tpu.memory_space<vmem>> -> memref<64x128xf32, #tpu.memory_space<vmem>>
      %dma_start3A_2072 = arith.constant 0 : i32
      %dma_start3A_2073 = tpu.memref_slice %arg4[%dma_start3A_2072, %multiple_of3A_2060] : memref<64x1000000xf32, #tpu.memory_space<hbm>> -> memref<64x128xf32, #tpu.memory_space<hbm>>
      tpu.enqueue_dma source(%dma_start3A_2073 : memref<64x128xf32, #tpu.memory_space<hbm>>) target(%dma_start3A_2071 : memref<64x128xf32, #tpu.memory_space<vmem>>) target_semaphore(%arg13 : memref<!tpu.dma_semaphore, #tpu.memory_space<semaphore_mem>>)
      %iota3A_2074 = tpu.iota {dimensions = array<i32: 0>} : vector<16xi32>
      %eq3A_2075 = arith.constant 15 : i32
      %eq3A_2076 = vector.broadcast %eq3A_2075 : i32 to vector<16xi32>
      %eq3A_2077 = arith.cmpi eq, %iota3A_2074, %eq3A_2076 : vector<16xi32>
      %jit3A_2078 = arith.constant 0 : i32
      %broadcast_in_dim3A_2079 = vector.broadcast %jit3A_2078 : i32 to vector<16xi32>
      %select_n3A_2080 = arith.select %eq3A_2077, %mul3A_72, %broadcast_in_dim3A_2079 : vector<16xi1>, vector<16xi32>
      %reduce_max3A_2081 = arith.constant true
      %reduce_max3A_2082 = vector.broadcast %reduce_max3A_2081 : i1 to vector<16xi1>
      %reduce_max3A_2083 = arith.constant -2147483648 : i32
      %reduce_max3A_2084 = vector.broadcast %reduce_max3A_2083 : i32 to vector<16xi32>
      %reduce_max3A_2085 = arith.xori %select_n3A_2080, %reduce_max3A_2084 : vector<16xi32>
      %reduce_max3A_2086 = tpu.scan <max>, %reduce_max3A_2085 masked %reduce_max3A_2082 : vector<16xi32>, vector<16xi1> -> vector<16xi32>
      %reduce_max3A_2087 = arith.xori %reduce_max3A_2086, %reduce_max3A_2084 : vector<16xi32>
      %reduce_max3A_2088 = vector.extract %reduce_max3A_2087[15] : i32 from vector<16xi32>
      %multiple_of3A_2089 = tpu.assume_multiple %reduce_max3A_2088, 128 : i32
      %dma_start3A_2090 = arith.constant 3 : i32
      %dma_start3A_2091 = arith.constant 0 : i32
      %dma_start3A_2092 = arith.constant 0 : i32
      %dma_start3A_2093 = tpu.memref_slice %arg10[%dma_start3A_2090, %dma_start3A_2091, %dma_start3A_2092] : memref<12x64x128xf32, #tpu.memory_space<vmem>> -> memref<1x64x128xf32, #tpu.memory_space<vmem>>
      %dma_start3A_2094 = tpu.memref_squeeze %dma_start3A_2093 : memref<1x64x128xf32, #tpu.memory_space<vmem>> -> memref<64x128xf32, #tpu.memory_space<vmem>>
      %dma_start3A_2095 = arith.constant 0 : i32
      %dma_start3A_2096 = tpu.memref_slice %arg4[%dma_start3A_2095, %multiple_of3A_2089] : memref<64x1000000xf32, #tpu.memory_space<hbm>> -> memref<64x128xf32, #tpu.memory_space<hbm>>
      %dma_start3A_2097 = arith.constant 0 : i32
      %dma_start3A_2098 = arith.constant 0 : i32
      %dma_start3A_2099 = tpu.memref_slice %arg10[%dma_start3A_2090, %dma_start3A_2097, %dma_start3A_2098] : memref<12x64x128xf32, #tpu.memory_space<vmem>> -> memref<1x64x128xf32, #tpu.memory_space<vmem>>
      %dma_start3A_2100 = tpu.memref_squeeze %dma_start3A_2099 : memref<1x64x128xf32, #tpu.memory_space<vmem>> -> memref<64x128xf32, #tpu.memory_space<vmem>>
      %dma_start3A_2101 = arith.constant 0 : i32
      %dma_start3A_2102 = tpu.memref_slice %arg4[%dma_start3A_2101, %multiple_of3A_2089] : memref<64x1000000xf32, #tpu.memory_space<hbm>> -> memref<64x128xf32, #tpu.memory_space<hbm>>
      tpu.enqueue_dma source(%dma_start3A_2102 : memref<64x128xf32, #tpu.memory_space<hbm>>) target(%dma_start3A_2100 : memref<64x128xf32, #tpu.memory_space<vmem>>) target_semaphore(%arg13 : memref<!tpu.dma_semaphore, #tpu.memory_space<semaphore_mem>>)
      %dma_wait3A_2103 = arith.constant 4 : i32
      %dma_wait3A_2104 = arith.constant 0 : i32
      %dma_wait3A_2105 = arith.constant 0 : i32
      %dma_wait3A_2106 = tpu.memref_slice %arg10[%dma_wait3A_2103, %dma_wait3A_2104, %dma_wait3A_2105] : memref<12x64x128xf32, #tpu.memory_space<vmem>> -> memref<1x64x128xf32, #tpu.memory_space<vmem>>
      %dma_wait3A_2107 = tpu.memref_squeeze %dma_wait3A_2106 : memref<1x64x128xf32, #tpu.memory_space<vmem>> -> memref<64x128xf32, #tpu.memory_space<vmem>>
      %dma_wait3A_2108 = arith.constant 0 : i32
      %dma_wait3A_2109 = tpu.memref_slice %arg4[%dma_wait3A_2108, %multiple_of3A_1162] : memref<64x1000000xf32, #tpu.memory_space<hbm>> -> memref<64x128xf32, #tpu.memory_space<hbm>>
      %dma_wait3A_2110 = arith.constant 0 : i32
      %dma_wait3A_2111 = arith.constant 0 : i32
      %dma_wait3A_2112 = tpu.memref_slice %arg10[%dma_wait3A_2103, %dma_wait3A_2110, %dma_wait3A_2111] : memref<12x64x128xf32, #tpu.memory_space<vmem>> -> memref<1x64x128xf32, #tpu.memory_space<vmem>>
      %dma_wait3A_2113 = tpu.memref_squeeze %dma_wait3A_2112 : memref<1x64x128xf32, #tpu.memory_space<vmem>> -> memref<64x128xf32, #tpu.memory_space<vmem>>
      %dma_wait3A_2114 = arith.constant 0 : i32
      %dma_wait3A_2115 = tpu.memref_slice %arg4[%dma_wait3A_2114, %multiple_of3A_1162] : memref<64x1000000xf32, #tpu.memory_space<hbm>> -> memref<64x128xf32, #tpu.memory_space<hbm>>
      tpu.wait_dma2 semaphore(%arg13 : memref<!tpu.dma_semaphore, #tpu.memory_space<semaphore_mem>>) src(%dma_wait3A_2115 : memref<64x128xf32, #tpu.memory_space<hbm>>) dst(%dma_wait3A_2113 : memref<64x128xf32, #tpu.memory_space<vmem>>)
      %broadcast_in_dim3A_2116 = arith.constant 0 : i32
      %broadcast_in_dim3A_2117 = vector.broadcast %broadcast_in_dim3A_2116 : i32 to vector<16xi32>
      %add3A_2118 = arith.constant 8 : i32
      %add3A_2119 = vector.broadcast %add3A_2118 : i32 to vector<16xi32>
      %add3A_2120 = arith.addi %broadcast_in_dim3A_2117, %add3A_2119 : vector<16xi32>
      %lt3A_2121 = arith.constant 0 : i32
      %lt3A_2122 = vector.broadcast %lt3A_2121 : i32 to vector<16xi32>
      %lt3A_2123 = arith.cmpi slt, %add3A_2120, %lt3A_2122 : vector<16xi32>
      %add3A_2124 = arith.constant 16 : i32
      %add3A_2125 = vector.broadcast %add3A_2124 : i32 to vector<16xi32>
      %add3A_2126 = arith.addi %add3A_2120, %add3A_2125 : vector<16xi32>
      %select_n3A_2127 = arith.select %lt3A_2123, %add3A_2126, %add3A_2120 : vector<16xi1>, vector<16xi32>
      %broadcast_in_dim3A_2128 = vector.shape_cast %select_n3A_2127 : vector<16xi32> to vector<16x1xi32>
      %gather3A_2129 = vector.shape_cast %broadcast_in_dim3A_2128 : vector<16x1xi32> to vector<16xi32>
      %gather3A_2130 = tpu.dynamic_gather %and3A_57[%gather3A_2129] in [0] : vector<16xi32>, vector<16xi32> -> vector<16xi32>
      %add3A_2131 = arith.constant 8 : i32
      %add3A_2132 = arith.addi %mul3A_14, %add3A_2131 : i32
      %add3A_2133 = arith.constant 0 : i32
      %add3A_2134 = arith.addi %add3A_2132, %add3A_2133 : i32
      %broadcast_in_dim3A_2135 = arith.constant 0 : i32
      %broadcast_in_dim3A_2136 = vector.broadcast %broadcast_in_dim3A_2135 : i32 to vector<16xi32>
      %add3A_2137 = vector.broadcast %add3A_2134 : i32 to vector<16xi32>
      %add3A_2138 = arith.addi %add3A_2137, %broadcast_in_dim3A_2136 : vector<16xi32>
      %iota3A_2139 = tpu.iota {dimensions = array<i32: 0>} : vector<16xi32>
      %add3A_2140 = arith.constant 0 : i32
      %add3A_2141 = vector.broadcast %add3A_2140 : i32 to vector<16xi32>
      %add3A_2142 = arith.addi %iota3A_2139, %add3A_2141 : vector<16xi32>
      %gather3A_2143 = arith.constant 4 : i32
      %gather3A_2144 = arith.constant 0 : i32
      %gather3A_2145 = arith.constant 0 : i32
      %gather3A_2146 = tpu.memref_slice %arg10[%gather3A_2143, %gather3A_2144, %gather3A_2145] : memref<12x64x128xf32, #tpu.memory_space<vmem>> -> memref<1x64x128xf32, #tpu.memory_space<vmem>>
      %gather3A_2147 = tpu.memref_squeeze %gather3A_2146 : memref<1x64x128xf32, #tpu.memory_space<vmem>> -> memref<64x128xf32, #tpu.memory_space<vmem>>
      %gather3A_2148 = tpu.vector_load_idx %gather3A_2147[%add3A_2142, %gather3A_2130] : memref<64x128xf32, #tpu.memory_space<vmem>>[vector<16xi32>, vector<16xi32>], vector<16xf32>,
      tpu.vector_store_idx %arg11[%add3A_2142, %add3A_2138], %gather3A_2148 : memref<64x128xf32, #tpu.memory_space<vmem>>[vector<16xi32>, vector<16xi32>], vector<16xf32>,
      %iota3A_2149 = tpu.iota {dimensions = array<i32: 0>} : vector<16xi32>
      %add3A_2150 = arith.constant 16 : i32
      %add3A_2151 = vector.broadcast %add3A_2150 : i32 to vector<16xi32>
      %add3A_2152 = arith.addi %iota3A_2149, %add3A_2151 : vector<16xi32>
      %gather3A_2153 = arith.constant 4 : i32
      %gather3A_2154 = arith.constant 0 : i32
      %gather3A_2155 = arith.constant 0 : i32
      %gather3A_2156 = tpu.memref_slice %arg10[%gather3A_2153, %gather3A_2154, %gather3A_2155] : memref<12x64x128xf32, #tpu.memory_space<vmem>> -> memref<1x64x128xf32, #tpu.memory_space<vmem>>
      %gather3A_2157 = tpu.memref_squeeze %gather3A_2156 : memref<1x64x128xf32, #tpu.memory_space<vmem>> -> memref<64x128xf32, #tpu.memory_space<vmem>>
      %gather3A_2158 = tpu.vector_load_idx %gather3A_2157[%add3A_2152, %gather3A_2130] : memref<64x128xf32, #tpu.memory_space<vmem>>[vector<16xi32>, vector<16xi32>], vector<16xf32>,
      tpu.vector_store_idx %arg11[%add3A_2152, %add3A_2138], %gather3A_2158 : memref<64x128xf32, #tpu.memory_space<vmem>>[vector<16xi32>, vector<16xi32>], vector<16xf32>,
      %iota3A_2159 = tpu.iota {dimensions = array<i32: 0>} : vector<16xi32>
      %add3A_2160 = arith.constant 32 : i32
      %add3A_2161 = vector.broadcast %add3A_2160 : i32 to vector<16xi32>
      %add3A_2162 = arith.addi %iota3A_2159, %add3A_2161 : vector<16xi32>
      %gather3A_2163 = arith.constant 4 : i32
      %gather3A_2164 = arith.constant 0 : i32
      %gather3A_2165 = arith.constant 0 : i32
      %gather3A_2166 = tpu.memref_slice %arg10[%gather3A_2163, %gather3A_2164, %gather3A_2165] : memref<12x64x128xf32, #tpu.memory_space<vmem>> -> memref<1x64x128xf32, #tpu.memory_space<vmem>>
      %gather3A_2167 = tpu.memref_squeeze %gather3A_2166 : memref<1x64x128xf32, #tpu.memory_space<vmem>> -> memref<64x128xf32, #tpu.memory_space<vmem>>
      %gather3A_2168 = tpu.vector_load_idx %gather3A_2167[%add3A_2162, %gather3A_2130] : memref<64x128xf32, #tpu.memory_space<vmem>>[vector<16xi32>, vector<16xi32>], vector<16xf32>,
      tpu.vector_store_idx %arg11[%add3A_2162, %add3A_2138], %gather3A_2168 : memref<64x128xf32, #tpu.memory_space<vmem>>[vector<16xi32>, vector<16xi32>], vector<16xf32>,
      %iota3A_2169 = tpu.iota {dimensions = array<i32: 0>} : vector<16xi32>
      %add3A_2170 = arith.constant 48 : i32
      %add3A_2171 = vector.broadcast %add3A_2170 : i32 to vector<16xi32>
      %add3A_2172 = arith.addi %iota3A_2169, %add3A_2171 : vector<16xi32>
      %gather3A_2173 = arith.constant 4 : i32
      %gather3A_2174 = arith.constant 0 : i32
      %gather3A_2175 = arith.constant 0 : i32
      %gather3A_2176 = tpu.memref_slice %arg10[%gather3A_2173, %gather3A_2174, %gather3A_2175] : memref<12x64x128xf32, #tpu.memory_space<vmem>> -> memref<1x64x128xf32, #tpu.memory_space<vmem>>
      %gather3A_2177 = tpu.memref_squeeze %gather3A_2176 : memref<1x64x128xf32, #tpu.memory_space<vmem>> -> memref<64x128xf32, #tpu.memory_space<vmem>>
      %gather3A_2178 = tpu.vector_load_idx %gather3A_2177[%add3A_2172, %gather3A_2130] : memref<64x128xf32, #tpu.memory_space<vmem>>[vector<16xi32>, vector<16xi32>], vector<16xf32>,
      tpu.vector_store_idx %arg11[%add3A_2172, %add3A_2138], %gather3A_2178 : memref<64x128xf32, #tpu.memory_space<vmem>>[vector<16xi32>, vector<16xi32>], vector<16xf32>,
      %dma_wait3A_2179 = arith.constant 5 : i32
      %dma_wait3A_2180 = arith.constant 0 : i32
      %dma_wait3A_2181 = arith.constant 0 : i32
      %dma_wait3A_2182 = tpu.memref_slice %arg10[%dma_wait3A_2179, %dma_wait3A_2180, %dma_wait3A_2181] : memref<12x64x128xf32, #tpu.memory_space<vmem>> -> memref<1x64x128xf32, #tpu.memory_space<vmem>>
      %dma_wait3A_2183 = tpu.memref_squeeze %dma_wait3A_2182 : memref<1x64x128xf32, #tpu.memory_space<vmem>> -> memref<64x128xf32, #tpu.memory_space<vmem>>
      %dma_wait3A_2184 = arith.constant 0 : i32
      %dma_wait3A_2185 = tpu.memref_slice %arg4[%dma_wait3A_2184, %multiple_of3A_1191] : memref<64x1000000xf32, #tpu.memory_space<hbm>> -> memref<64x128xf32, #tpu.memory_space<hbm>>
      %dma_wait3A_2186 = arith.constant 0 : i32
      %dma_wait3A_2187 = arith.constant 0 : i32
      %dma_wait3A_2188 = tpu.memref_slice %arg10[%dma_wait3A_2179, %dma_wait3A_2186, %dma_wait3A_2187] : memref<12x64x128xf32, #tpu.memory_space<vmem>> -> memref<1x64x128xf32, #tpu.memory_space<vmem>>
      %dma_wait3A_2189 = tpu.memref_squeeze %dma_wait3A_2188 : memref<1x64x128xf32, #tpu.memory_space<vmem>> -> memref<64x128xf32, #tpu.memory_space<vmem>>
      %dma_wait3A_2190 = arith.constant 0 : i32
      %dma_wait3A_2191 = tpu.memref_slice %arg4[%dma_wait3A_2190, %multiple_of3A_1191] : memref<64x1000000xf32, #tpu.memory_space<hbm>> -> memref<64x128xf32, #tpu.memory_space<hbm>>
      tpu.wait_dma2 semaphore(%arg13 : memref<!tpu.dma_semaphore, #tpu.memory_space<semaphore_mem>>) src(%dma_wait3A_2191 : memref<64x128xf32, #tpu.memory_space<hbm>>) dst(%dma_wait3A_2189 : memref<64x128xf32, #tpu.memory_space<vmem>>)
      %broadcast_in_dim3A_2192 = arith.constant 0 : i32
      %broadcast_in_dim3A_2193 = vector.broadcast %broadcast_in_dim3A_2192 : i32 to vector<16xi32>
      %add3A_2194 = arith.constant 9 : i32
      %add3A_2195 = vector.broadcast %add3A_2194 : i32 to vector<16xi32>
      %add3A_2196 = arith.addi %broadcast_in_dim3A_2193, %add3A_2195 : vector<16xi32>
      %lt3A_2197 = arith.constant 0 : i32
      %lt3A_2198 = vector.broadcast %lt3A_2197 : i32 to vector<16xi32>
      %lt3A_2199 = arith.cmpi slt, %add3A_2196, %lt3A_2198 : vector<16xi32>
      %add3A_2200 = arith.constant 16 : i32
      %add3A_2201 = vector.broadcast %add3A_2200 : i32 to vector<16xi32>
      %add3A_2202 = arith.addi %add3A_2196, %add3A_2201 : vector<16xi32>
      %select_n3A_2203 = arith.select %lt3A_2199, %add3A_2202, %add3A_2196 : vector<16xi1>, vector<16xi32>
      %broadcast_in_dim3A_2204 = vector.shape_cast %select_n3A_2203 : vector<16xi32> to vector<16x1xi32>
      %gather3A_2205 = vector.shape_cast %broadcast_in_dim3A_2204 : vector<16x1xi32> to vector<16xi32>
      %gather3A_2206 = tpu.dynamic_gather %and3A_57[%gather3A_2205] in [0] : vector<16xi32>, vector<16xi32> -> vector<16xi32>
      %add3A_2207 = arith.constant 8 : i32
      %add3A_2208 = arith.addi %mul3A_14, %add3A_2207 : i32
      %add3A_2209 = arith.constant 1 : i32
      %add3A_2210 = arith.addi %add3A_2208, %add3A_2209 : i32
      %broadcast_in_dim3A_2211 = arith.constant 0 : i32
      %broadcast_in_dim3A_2212 = vector.broadcast %broadcast_in_dim3A_2211 : i32 to vector<16xi32>
      %add3A_2213 = vector.broadcast %add3A_2210 : i32 to vector<16xi32>
      %add3A_2214 = arith.addi %add3A_2213, %broadcast_in_dim3A_2212 : vector<16xi32>
      %iota3A_2215 = tpu.iota {dimensions = array<i32: 0>} : vector<16xi32>
      %add3A_2216 = arith.constant 0 : i32
      %add3A_2217 = vector.broadcast %add3A_2216 : i32 to vector<16xi32>
      %add3A_2218 = arith.addi %iota3A_2215, %add3A_2217 : vector<16xi32>
      %gather3A_2219 = arith.constant 5 : i32
      %gather3A_2220 = arith.constant 0 : i32
      %gather3A_2221 = arith.constant 0 : i32
      %gather3A_2222 = tpu.memref_slice %arg10[%gather3A_2219, %gather3A_2220, %gather3A_2221] : memref<12x64x128xf32, #tpu.memory_space<vmem>> -> memref<1x64x128xf32, #tpu.memory_space<vmem>>
      %gather3A_2223 = tpu.memref_squeeze %gather3A_2222 : memref<1x64x128xf32, #tpu.memory_space<vmem>> -> memref<64x128xf32, #tpu.memory_space<vmem>>
      %gather3A_2224 = tpu.vector_load_idx %gather3A_2223[%add3A_2218, %gather3A_2206] : memref<64x128xf32, #tpu.memory_space<vmem>>[vector<16xi32>, vector<16xi32>], vector<16xf32>,
      tpu.vector_store_idx %arg11[%add3A_2218, %add3A_2214], %gather3A_2224 : memref<64x128xf32, #tpu.memory_space<vmem>>[vector<16xi32>, vector<16xi32>], vector<16xf32>,
      %iota3A_2225 = tpu.iota {dimensions = array<i32: 0>} : vector<16xi32>
      %add3A_2226 = arith.constant 16 : i32
      %add3A_2227 = vector.broadcast %add3A_2226 : i32 to vector<16xi32>
      %add3A_2228 = arith.addi %iota3A_2225, %add3A_2227 : vector<16xi32>
      %gather3A_2229 = arith.constant 5 : i32
      %gather3A_2230 = arith.constant 0 : i32
      %gather3A_2231 = arith.constant 0 : i32
      %gather3A_2232 = tpu.memref_slice %arg10[%gather3A_2229, %gather3A_2230, %gather3A_2231] : memref<12x64x128xf32, #tpu.memory_space<vmem>> -> memref<1x64x128xf32, #tpu.memory_space<vmem>>
      %gather3A_2233 = tpu.memref_squeeze %gather3A_2232 : memref<1x64x128xf32, #tpu.memory_space<vmem>> -> memref<64x128xf32, #tpu.memory_space<vmem>>
      %gather3A_2234 = tpu.vector_load_idx %gather3A_2233[%add3A_2228, %gather3A_2206] : memref<64x128xf32, #tpu.memory_space<vmem>>[vector<16xi32>, vector<16xi32>], vector<16xf32>,
      tpu.vector_store_idx %arg11[%add3A_2228, %add3A_2214], %gather3A_2234 : memref<64x128xf32, #tpu.memory_space<vmem>>[vector<16xi32>, vector<16xi32>], vector<16xf32>,
      %iota3A_2235 = tpu.iota {dimensions = array<i32: 0>} : vector<16xi32>
      %add3A_2236 = arith.constant 32 : i32
      %add3A_2237 = vector.broadcast %add3A_2236 : i32 to vector<16xi32>
      %add3A_2238 = arith.addi %iota3A_2235, %add3A_2237 : vector<16xi32>
      %gather3A_2239 = arith.constant 5 : i32
      %gather3A_2240 = arith.constant 0 : i32
      %gather3A_2241 = arith.constant 0 : i32
      %gather3A_2242 = tpu.memref_slice %arg10[%gather3A_2239, %gather3A_2240, %gather3A_2241] : memref<12x64x128xf32, #tpu.memory_space<vmem>> -> memref<1x64x128xf32, #tpu.memory_space<vmem>>
      %gather3A_2243 = tpu.memref_squeeze %gather3A_2242 : memref<1x64x128xf32, #tpu.memory_space<vmem>> -> memref<64x128xf32, #tpu.memory_space<vmem>>
      %gather3A_2244 = tpu.vector_load_idx %gather3A_2243[%add3A_2238, %gather3A_2206] : memref<64x128xf32, #tpu.memory_space<vmem>>[vector<16xi32>, vector<16xi32>], vector<16xf32>,
      tpu.vector_store_idx %arg11[%add3A_2238, %add3A_2214], %gather3A_2244 : memref<64x128xf32, #tpu.memory_space<vmem>>[vector<16xi32>, vector<16xi32>], vector<16xf32>,
      %iota3A_2245 = tpu.iota {dimensions = array<i32: 0>} : vector<16xi32>
      %add3A_2246 = arith.constant 48 : i32
      %add3A_2247 = vector.broadcast %add3A_2246 : i32 to vector<16xi32>
      %add3A_2248 = arith.addi %iota3A_2245, %add3A_2247 : vector<16xi32>
      %gather3A_2249 = arith.constant 5 : i32
      %gather3A_2250 = arith.constant 0 : i32
      %gather3A_2251 = arith.constant 0 : i32
      %gather3A_2252 = tpu.memref_slice %arg10[%gather3A_2249, %gather3A_2250, %gather3A_2251] : memref<12x64x128xf32, #tpu.memory_space<vmem>> -> memref<1x64x128xf32, #tpu.memory_space<vmem>>
      %gather3A_2253 = tpu.memref_squeeze %gather3A_2252 : memref<1x64x128xf32, #tpu.memory_space<vmem>> -> memref<64x128xf32, #tpu.memory_space<vmem>>
      %gather3A_2254 = tpu.vector_load_idx %gather3A_2253[%add3A_2248, %gather3A_2206] : memref<64x128xf32, #tpu.memory_space<vmem>>[vector<16xi32>, vector<16xi32>], vector<16xf32>,
      tpu.vector_store_idx %arg11[%add3A_2248, %add3A_2214], %gather3A_2254 : memref<64x128xf32, #tpu.memory_space<vmem>>[vector<16xi32>, vector<16xi32>], vector<16xf32>,
      %dma_wait3A_2255 = arith.constant 6 : i32
      %dma_wait3A_2256 = arith.constant 0 : i32
      %dma_wait3A_2257 = arith.constant 0 : i32
      %dma_wait3A_2258 = tpu.memref_slice %arg10[%dma_wait3A_2255, %dma_wait3A_2256, %dma_wait3A_2257] : memref<12x64x128xf32, #tpu.memory_space<vmem>> -> memref<1x64x128xf32, #tpu.memory_space<vmem>>
      %dma_wait3A_2259 = tpu.memref_squeeze %dma_wait3A_2258 : memref<1x64x128xf32, #tpu.memory_space<vmem>> -> memref<64x128xf32, #tpu.memory_space<vmem>>
      %dma_wait3A_2260 = arith.constant 0 : i32
      %dma_wait3A_2261 = tpu.memref_slice %arg4[%dma_wait3A_2260, %multiple_of3A_1220] : memref<64x1000000xf32, #tpu.memory_space<hbm>> -> memref<64x128xf32, #tpu.memory_space<hbm>>
      %dma_wait3A_2262 = arith.constant 0 : i32
      %dma_wait3A_2263 = arith.constant 0 : i32
      %dma_wait3A_2264 = tpu.memref_slice %arg10[%dma_wait3A_2255, %dma_wait3A_2262, %dma_wait3A_2263] : memref<12x64x128xf32, #tpu.memory_space<vmem>> -> memref<1x64x128xf32, #tpu.memory_space<vmem>>
      %dma_wait3A_2265 = tpu.memref_squeeze %dma_wait3A_2264 : memref<1x64x128xf32, #tpu.memory_space<vmem>> -> memref<64x128xf32, #tpu.memory_space<vmem>>
      %dma_wait3A_2266 = arith.constant 0 : i32
      %dma_wait3A_2267 = tpu.memref_slice %arg4[%dma_wait3A_2266, %multiple_of3A_1220] : memref<64x1000000xf32, #tpu.memory_space<hbm>> -> memref<64x128xf32, #tpu.memory_space<hbm>>
      tpu.wait_dma2 semaphore(%arg13 : memref<!tpu.dma_semaphore, #tpu.memory_space<semaphore_mem>>) src(%dma_wait3A_2267 : memref<64x128xf32, #tpu.memory_space<hbm>>) dst(%dma_wait3A_2265 : memref<64x128xf32, #tpu.memory_space<vmem>>)
      %broadcast_in_dim3A_2268 = arith.constant 0 : i32
      %broadcast_in_dim3A_2269 = vector.broadcast %broadcast_in_dim3A_2268 : i32 to vector<16xi32>
      %add3A_2270 = arith.constant 10 : i32
      %add3A_2271 = vector.broadcast %add3A_2270 : i32 to vector<16xi32>
      %add3A_2272 = arith.addi %broadcast_in_dim3A_2269, %add3A_2271 : vector<16xi32>
      %lt3A_2273 = arith.constant 0 : i32
      %lt3A_2274 = vector.broadcast %lt3A_2273 : i32 to vector<16xi32>
      %lt3A_2275 = arith.cmpi slt, %add3A_2272, %lt3A_2274 : vector<16xi32>
      %add3A_2276 = arith.constant 16 : i32
      %add3A_2277 = vector.broadcast %add3A_2276 : i32 to vector<16xi32>
      %add3A_2278 = arith.addi %add3A_2272, %add3A_2277 : vector<16xi32>
      %select_n3A_2279 = arith.select %lt3A_2275, %add3A_2278, %add3A_2272 : vector<16xi1>, vector<16xi32>
      %broadcast_in_dim3A_2280 = vector.shape_cast %select_n3A_2279 : vector<16xi32> to vector<16x1xi32>
      %gather3A_2281 = vector.shape_cast %broadcast_in_dim3A_2280 : vector<16x1xi32> to vector<16xi32>
      %gather3A_2282 = tpu.dynamic_gather %and3A_57[%gather3A_2281] in [0] : vector<16xi32>, vector<16xi32> -> vector<16xi32>
      %add3A_2283 = arith.constant 8 : i32
      %add3A_2284 = arith.addi %mul3A_14, %add3A_2283 : i32
      %add3A_2285 = arith.constant 2 : i32
      %add3A_2286 = arith.addi %add3A_2284, %add3A_2285 : i32
      %broadcast_in_dim3A_2287 = arith.constant 0 : i32
      %broadcast_in_dim3A_2288 = vector.broadcast %broadcast_in_dim3A_2287 : i32 to vector<16xi32>
      %add3A_2289 = vector.broadcast %add3A_2286 : i32 to vector<16xi32>
      %add3A_2290 = arith.addi %add3A_2289, %broadcast_in_dim3A_2288 : vector<16xi32>
      %iota3A_2291 = tpu.iota {dimensions = array<i32: 0>} : vector<16xi32>
      %add3A_2292 = arith.constant 0 : i32
      %add3A_2293 = vector.broadcast %add3A_2292 : i32 to vector<16xi32>
      %add3A_2294 = arith.addi %iota3A_2291, %add3A_2293 : vector<16xi32>
      %gather3A_2295 = arith.constant 6 : i32
      %gather3A_2296 = arith.constant 0 : i32
      %gather3A_2297 = arith.constant 0 : i32
      %gather3A_2298 = tpu.memref_slice %arg10[%gather3A_2295, %gather3A_2296, %gather3A_2297] : memref<12x64x128xf32, #tpu.memory_space<vmem>> -> memref<1x64x128xf32, #tpu.memory_space<vmem>>
      %gather3A_2299 = tpu.memref_squeeze %gather3A_2298 : memref<1x64x128xf32, #tpu.memory_space<vmem>> -> memref<64x128xf32, #tpu.memory_space<vmem>>
      %gather3A_2300 = tpu.vector_load_idx %gather3A_2299[%add3A_2294, %gather3A_2282] : memref<64x128xf32, #tpu.memory_space<vmem>>[vector<16xi32>, vector<16xi32>], vector<16xf32>,
      tpu.vector_store_idx %arg11[%add3A_2294, %add3A_2290], %gather3A_2300 : memref<64x128xf32, #tpu.memory_space<vmem>>[vector<16xi32>, vector<16xi32>], vector<16xf32>,
      %iota3A_2301 = tpu.iota {dimensions = array<i32: 0>} : vector<16xi32>
      %add3A_2302 = arith.constant 16 : i32
      %add3A_2303 = vector.broadcast %add3A_2302 : i32 to vector<16xi32>
      %add3A_2304 = arith.addi %iota3A_2301, %add3A_2303 : vector<16xi32>
      %gather3A_2305 = arith.constant 6 : i32
      %gather3A_2306 = arith.constant 0 : i32
      %gather3A_2307 = arith.constant 0 : i32
      %gather3A_2308 = tpu.memref_slice %arg10[%gather3A_2305, %gather3A_2306, %gather3A_2307] : memref<12x64x128xf32, #tpu.memory_space<vmem>> -> memref<1x64x128xf32, #tpu.memory_space<vmem>>
      %gather3A_2309 = tpu.memref_squeeze %gather3A_2308 : memref<1x64x128xf32, #tpu.memory_space<vmem>> -> memref<64x128xf32, #tpu.memory_space<vmem>>
      %gather3A_2310 = tpu.vector_load_idx %gather3A_2309[%add3A_2304, %gather3A_2282] : memref<64x128xf32, #tpu.memory_space<vmem>>[vector<16xi32>, vector<16xi32>], vector<16xf32>,
      tpu.vector_store_idx %arg11[%add3A_2304, %add3A_2290], %gather3A_2310 : memref<64x128xf32, #tpu.memory_space<vmem>>[vector<16xi32>, vector<16xi32>], vector<16xf32>,
      %iota3A_2311 = tpu.iota {dimensions = array<i32: 0>} : vector<16xi32>
      %add3A_2312 = arith.constant 32 : i32
      %add3A_2313 = vector.broadcast %add3A_2312 : i32 to vector<16xi32>
      %add3A_2314 = arith.addi %iota3A_2311, %add3A_2313 : vector<16xi32>
      %gather3A_2315 = arith.constant 6 : i32
      %gather3A_2316 = arith.constant 0 : i32
      %gather3A_2317 = arith.constant 0 : i32
      %gather3A_2318 = tpu.memref_slice %arg10[%gather3A_2315, %gather3A_2316, %gather3A_2317] : memref<12x64x128xf32, #tpu.memory_space<vmem>> -> memref<1x64x128xf32, #tpu.memory_space<vmem>>
      %gather3A_2319 = tpu.memref_squeeze %gather3A_2318 : memref<1x64x128xf32, #tpu.memory_space<vmem>> -> memref<64x128xf32, #tpu.memory_space<vmem>>
      %gather3A_2320 = tpu.vector_load_idx %gather3A_2319[%add3A_2314, %gather3A_2282] : memref<64x128xf32, #tpu.memory_space<vmem>>[vector<16xi32>, vector<16xi32>], vector<16xf32>,
      tpu.vector_store_idx %arg11[%add3A_2314, %add3A_2290], %gather3A_2320 : memref<64x128xf32, #tpu.memory_space<vmem>>[vector<16xi32>, vector<16xi32>], vector<16xf32>,
      %iota3A_2321 = tpu.iota {dimensions = array<i32: 0>} : vector<16xi32>
      %add3A_2322 = arith.constant 48 : i32
      %add3A_2323 = vector.broadcast %add3A_2322 : i32 to vector<16xi32>
      %add3A_2324 = arith.addi %iota3A_2321, %add3A_2323 : vector<16xi32>
      %gather3A_2325 = arith.constant 6 : i32
      %gather3A_2326 = arith.constant 0 : i32
      %gather3A_2327 = arith.constant 0 : i32
      %gather3A_2328 = tpu.memref_slice %arg10[%gather3A_2325, %gather3A_2326, %gather3A_2327] : memref<12x64x128xf32, #tpu.memory_space<vmem>> -> memref<1x64x128xf32, #tpu.memory_space<vmem>>
      %gather3A_2329 = tpu.memref_squeeze %gather3A_2328 : memref<1x64x128xf32, #tpu.memory_space<vmem>> -> memref<64x128xf32, #tpu.memory_space<vmem>>
      %gather3A_2330 = tpu.vector_load_idx %gather3A_2329[%add3A_2324, %gather3A_2282] : memref<64x128xf32, #tpu.memory_space<vmem>>[vector<16xi32>, vector<16xi32>], vector<16xf32>,
      tpu.vector_store_idx %arg11[%add3A_2324, %add3A_2290], %gather3A_2330 : memref<64x128xf32, #tpu.memory_space<vmem>>[vector<16xi32>, vector<16xi32>], vector<16xf32>,
      %dma_wait3A_2331 = arith.constant 7 : i32
      %dma_wait3A_2332 = arith.constant 0 : i32
      %dma_wait3A_2333 = arith.constant 0 : i32
      %dma_wait3A_2334 = tpu.memref_slice %arg10[%dma_wait3A_2331, %dma_wait3A_2332, %dma_wait3A_2333] : memref<12x64x128xf32, #tpu.memory_space<vmem>> -> memref<1x64x128xf32, #tpu.memory_space<vmem>>
      %dma_wait3A_2335 = tpu.memref_squeeze %dma_wait3A_2334 : memref<1x64x128xf32, #tpu.memory_space<vmem>> -> memref<64x128xf32, #tpu.memory_space<vmem>>
      %dma_wait3A_2336 = arith.constant 0 : i32
      %dma_wait3A_2337 = tpu.memref_slice %arg4[%dma_wait3A_2336, %multiple_of3A_1249] : memref<64x1000000xf32, #tpu.memory_space<hbm>> -> memref<64x128xf32, #tpu.memory_space<hbm>>
      %dma_wait3A_2338 = arith.constant 0 : i32
      %dma_wait3A_2339 = arith.constant 0 : i32
      %dma_wait3A_2340 = tpu.memref_slice %arg10[%dma_wait3A_2331, %dma_wait3A_2338, %dma_wait3A_2339] : memref<12x64x128xf32, #tpu.memory_space<vmem>> -> memref<1x64x128xf32, #tpu.memory_space<vmem>>
      %dma_wait3A_2341 = tpu.memref_squeeze %dma_wait3A_2340 : memref<1x64x128xf32, #tpu.memory_space<vmem>> -> memref<64x128xf32, #tpu.memory_space<vmem>>
      %dma_wait3A_2342 = arith.constant 0 : i32
      %dma_wait3A_2343 = tpu.memref_slice %arg4[%dma_wait3A_2342, %multiple_of3A_1249] : memref<64x1000000xf32, #tpu.memory_space<hbm>> -> memref<64x128xf32, #tpu.memory_space<hbm>>
      tpu.wait_dma2 semaphore(%arg13 : memref<!tpu.dma_semaphore, #tpu.memory_space<semaphore_mem>>) src(%dma_wait3A_2343 : memref<64x128xf32, #tpu.memory_space<hbm>>) dst(%dma_wait3A_2341 : memref<64x128xf32, #tpu.memory_space<vmem>>)
      %broadcast_in_dim3A_2344 = arith.constant 0 : i32
      %broadcast_in_dim3A_2345 = vector.broadcast %broadcast_in_dim3A_2344 : i32 to vector<16xi32>
      %add3A_2346 = arith.constant 11 : i32
      %add3A_2347 = vector.broadcast %add3A_2346 : i32 to vector<16xi32>
      %add3A_2348 = arith.addi %broadcast_in_dim3A_2345, %add3A_2347 : vector<16xi32>
      %lt3A_2349 = arith.constant 0 : i32
      %lt3A_2350 = vector.broadcast %lt3A_2349 : i32 to vector<16xi32>
      %lt3A_2351 = arith.cmpi slt, %add3A_2348, %lt3A_2350 : vector<16xi32>
      %add3A_2352 = arith.constant 16 : i32
      %add3A_2353 = vector.broadcast %add3A_2352 : i32 to vector<16xi32>
      %add3A_2354 = arith.addi %add3A_2348, %add3A_2353 : vector<16xi32>
      %select_n3A_2355 = arith.select %lt3A_2351, %add3A_2354, %add3A_2348 : vector<16xi1>, vector<16xi32>
      %broadcast_in_dim3A_2356 = vector.shape_cast %select_n3A_2355 : vector<16xi32> to vector<16x1xi32>
      %gather3A_2357 = vector.shape_cast %broadcast_in_dim3A_2356 : vector<16x1xi32> to vector<16xi32>
      %gather3A_2358 = tpu.dynamic_gather %and3A_57[%gather3A_2357] in [0] : vector<16xi32>, vector<16xi32> -> vector<16xi32>
      %add3A_2359 = arith.constant 8 : i32
      %add3A_2360 = arith.addi %mul3A_14, %add3A_2359 : i32
      %add3A_2361 = arith.constant 3 : i32
      %add3A_2362 = arith.addi %add3A_2360, %add3A_2361 : i32
      %broadcast_in_dim3A_2363 = arith.constant 0 : i32
      %broadcast_in_dim3A_2364 = vector.broadcast %broadcast_in_dim3A_2363 : i32 to vector<16xi32>
      %add3A_2365 = vector.broadcast %add3A_2362 : i32 to vector<16xi32>
      %add3A_2366 = arith.addi %add3A_2365, %broadcast_in_dim3A_2364 : vector<16xi32>
      %iota3A_2367 = tpu.iota {dimensions = array<i32: 0>} : vector<16xi32>
      %add3A_2368 = arith.constant 0 : i32
      %add3A_2369 = vector.broadcast %add3A_2368 : i32 to vector<16xi32>
      %add3A_2370 = arith.addi %iota3A_2367, %add3A_2369 : vector<16xi32>
      %gather3A_2371 = arith.constant 7 : i32
      %gather3A_2372 = arith.constant 0 : i32
      %gather3A_2373 = arith.constant 0 : i32
      %gather3A_2374 = tpu.memref_slice %arg10[%gather3A_2371, %gather3A_2372, %gather3A_2373] : memref<12x64x128xf32, #tpu.memory_space<vmem>> -> memref<1x64x128xf32, #tpu.memory_space<vmem>>
      %gather3A_2375 = tpu.memref_squeeze %gather3A_2374 : memref<1x64x128xf32, #tpu.memory_space<vmem>> -> memref<64x128xf32, #tpu.memory_space<vmem>>
      %gather3A_2376 = tpu.vector_load_idx %gather3A_2375[%add3A_2370, %gather3A_2358] : memref<64x128xf32, #tpu.memory_space<vmem>>[vector<16xi32>, vector<16xi32>], vector<16xf32>,
      tpu.vector_store_idx %arg11[%add3A_2370, %add3A_2366], %gather3A_2376 : memref<64x128xf32, #tpu.memory_space<vmem>>[vector<16xi32>, vector<16xi32>], vector<16xf32>,
      %iota3A_2377 = tpu.iota {dimensions = array<i32: 0>} : vector<16xi32>
      %add3A_2378 = arith.constant 16 : i32
      %add3A_2379 = vector.broadcast %add3A_2378 : i32 to vector<16xi32>
      %add3A_2380 = arith.addi %iota3A_2377, %add3A_2379 : vector<16xi32>
      %gather3A_2381 = arith.constant 7 : i32
      %gather3A_2382 = arith.constant 0 : i32
      %gather3A_2383 = arith.constant 0 : i32
      %gather3A_2384 = tpu.memref_slice %arg10[%gather3A_2381, %gather3A_2382, %gather3A_2383] : memref<12x64x128xf32, #tpu.memory_space<vmem>> -> memref<1x64x128xf32, #tpu.memory_space<vmem>>
      %gather3A_2385 = tpu.memref_squeeze %gather3A_2384 : memref<1x64x128xf32, #tpu.memory_space<vmem>> -> memref<64x128xf32, #tpu.memory_space<vmem>>
      %gather3A_2386 = tpu.vector_load_idx %gather3A_2385[%add3A_2380, %gather3A_2358] : memref<64x128xf32, #tpu.memory_space<vmem>>[vector<16xi32>, vector<16xi32>], vector<16xf32>,
      tpu.vector_store_idx %arg11[%add3A_2380, %add3A_2366], %gather3A_2386 : memref<64x128xf32, #tpu.memory_space<vmem>>[vector<16xi32>, vector<16xi32>], vector<16xf32>,
      %iota3A_2387 = tpu.iota {dimensions = array<i32: 0>} : vector<16xi32>
      %add3A_2388 = arith.constant 32 : i32
      %add3A_2389 = vector.broadcast %add3A_2388 : i32 to vector<16xi32>
      %add3A_2390 = arith.addi %iota3A_2387, %add3A_2389 : vector<16xi32>
      %gather3A_2391 = arith.constant 7 : i32
      %gather3A_2392 = arith.constant 0 : i32
      %gather3A_2393 = arith.constant 0 : i32
      %gather3A_2394 = tpu.memref_slice %arg10[%gather3A_2391, %gather3A_2392, %gather3A_2393] : memref<12x64x128xf32, #tpu.memory_space<vmem>> -> memref<1x64x128xf32, #tpu.memory_space<vmem>>
      %gather3A_2395 = tpu.memref_squeeze %gather3A_2394 : memref<1x64x128xf32, #tpu.memory_space<vmem>> -> memref<64x128xf32, #tpu.memory_space<vmem>>
      %gather3A_2396 = tpu.vector_load_idx %gather3A_2395[%add3A_2390, %gather3A_2358] : memref<64x128xf32, #tpu.memory_space<vmem>>[vector<16xi32>, vector<16xi32>], vector<16xf32>,
      tpu.vector_store_idx %arg11[%add3A_2390, %add3A_2366], %gather3A_2396 : memref<64x128xf32, #tpu.memory_space<vmem>>[vector<16xi32>, vector<16xi32>], vector<16xf32>,
      %iota3A_2397 = tpu.iota {dimensions = array<i32: 0>} : vector<16xi32>
      %add3A_2398 = arith.constant 48 : i32
      %add3A_2399 = vector.broadcast %add3A_2398 : i32 to vector<16xi32>
      %add3A_2400 = arith.addi %iota3A_2397, %add3A_2399 : vector<16xi32>
      %gather3A_2401 = arith.constant 7 : i32
      %gather3A_2402 = arith.constant 0 : i32
      %gather3A_2403 = arith.constant 0 : i32
      %gather3A_2404 = tpu.memref_slice %arg10[%gather3A_2401, %gather3A_2402, %gather3A_2403] : memref<12x64x128xf32, #tpu.memory_space<vmem>> -> memref<1x64x128xf32, #tpu.memory_space<vmem>>
      %gather3A_2405 = tpu.memref_squeeze %gather3A_2404 : memref<1x64x128xf32, #tpu.memory_space<vmem>> -> memref<64x128xf32, #tpu.memory_space<vmem>>
      %gather3A_2406 = tpu.vector_load_idx %gather3A_2405[%add3A_2400, %gather3A_2358] : memref<64x128xf32, #tpu.memory_space<vmem>>[vector<16xi32>, vector<16xi32>], vector<16xf32>,
      tpu.vector_store_idx %arg11[%add3A_2400, %add3A_2366], %gather3A_2406 : memref<64x128xf32, #tpu.memory_space<vmem>>[vector<16xi32>, vector<16xi32>], vector<16xf32>,
      %iota3A_2407 = tpu.iota {dimensions = array<i32: 0>} : vector<16xi32>
      %eq3A_2408 = arith.constant 12 : i32
      %eq3A_2409 = vector.broadcast %eq3A_2408 : i32 to vector<16xi32>
      %eq3A_2410 = arith.cmpi eq, %iota3A_2407, %eq3A_2409 : vector<16xi32>
      %jit3A_2411 = arith.constant 0 : i32
      %broadcast_in_dim3A_2412 = vector.broadcast %jit3A_2411 : i32 to vector<16xi32>
      %select_n3A_2413 = arith.select %eq3A_2410, %mul3A_81, %broadcast_in_dim3A_2412 : vector<16xi1>, vector<16xi32>
      %reduce_max3A_2414 = arith.constant true
      %reduce_max3A_2415 = vector.broadcast %reduce_max3A_2414 : i1 to vector<16xi1>
      %reduce_max3A_2416 = arith.constant -2147483648 : i32
      %reduce_max3A_2417 = vector.broadcast %reduce_max3A_2416 : i32 to vector<16xi32>
      %reduce_max3A_2418 = arith.xori %select_n3A_2413, %reduce_max3A_2417 : vector<16xi32>
      %reduce_max3A_2419 = tpu.scan <max>, %reduce_max3A_2418 masked %reduce_max3A_2415 : vector<16xi32>, vector<16xi1> -> vector<16xi32>
      %reduce_max3A_2420 = arith.xori %reduce_max3A_2419, %reduce_max3A_2417 : vector<16xi32>
      %reduce_max3A_2421 = vector.extract %reduce_max3A_2420[15] : i32 from vector<16xi32>
      %multiple_of3A_2422 = tpu.assume_multiple %reduce_max3A_2421, 128 : i32
      %dma_start3A_2423 = arith.constant 4 : i32
      %dma_start3A_2424 = arith.constant 0 : i32
      %dma_start3A_2425 = arith.constant 0 : i32
      %dma_start3A_2426 = tpu.memref_slice %arg10[%dma_start3A_2423, %dma_start3A_2424, %dma_start3A_2425] : memref<12x64x128xf32, #tpu.memory_space<vmem>> -> memref<1x64x128xf32, #tpu.memory_space<vmem>>
      %dma_start3A_2427 = tpu.memref_squeeze %dma_start3A_2426 : memref<1x64x128xf32, #tpu.memory_space<vmem>> -> memref<64x128xf32, #tpu.memory_space<vmem>>
      %dma_start3A_2428 = arith.constant 0 : i32
      %dma_start3A_2429 = tpu.memref_slice %arg5[%dma_start3A_2428, %multiple_of3A_2422] : memref<64x1000000xf32, #tpu.memory_space<hbm>> -> memref<64x128xf32, #tpu.memory_space<hbm>>
      %dma_start3A_2430 = arith.constant 0 : i32
      %dma_start3A_2431 = arith.constant 0 : i32
      %dma_start3A_2432 = tpu.memref_slice %arg10[%dma_start3A_2423, %dma_start3A_2430, %dma_start3A_2431] : memref<12x64x128xf32, #tpu.memory_space<vmem>> -> memref<1x64x128xf32, #tpu.memory_space<vmem>>
      %dma_start3A_2433 = tpu.memref_squeeze %dma_start3A_2432 : memref<1x64x128xf32, #tpu.memory_space<vmem>> -> memref<64x128xf32, #tpu.memory_space<vmem>>
      %dma_start3A_2434 = arith.constant 0 : i32
      %dma_start3A_2435 = tpu.memref_slice %arg5[%dma_start3A_2434, %multiple_of3A_2422] : memref<64x1000000xf32, #tpu.memory_space<hbm>> -> memref<64x128xf32, #tpu.memory_space<hbm>>
      tpu.enqueue_dma source(%dma_start3A_2435 : memref<64x128xf32, #tpu.memory_space<hbm>>) target(%dma_start3A_2433 : memref<64x128xf32, #tpu.memory_space<vmem>>) target_semaphore(%arg13 : memref<!tpu.dma_semaphore, #tpu.memory_space<semaphore_mem>>)
      %iota3A_2436 = tpu.iota {dimensions = array<i32: 0>} : vector<16xi32>
      %eq3A_2437 = arith.constant 13 : i32
      %eq3A_2438 = vector.broadcast %eq3A_2437 : i32 to vector<16xi32>
      %eq3A_2439 = arith.cmpi eq, %iota3A_2436, %eq3A_2438 : vector<16xi32>
      %jit3A_2440 = arith.constant 0 : i32
      %broadcast_in_dim3A_2441 = vector.broadcast %jit3A_2440 : i32 to vector<16xi32>
      %select_n3A_2442 = arith.select %eq3A_2439, %mul3A_81, %broadcast_in_dim3A_2441 : vector<16xi1>, vector<16xi32>
      %reduce_max3A_2443 = arith.constant true
      %reduce_max3A_2444 = vector.broadcast %reduce_max3A_2443 : i1 to vector<16xi1>
      %reduce_max3A_2445 = arith.constant -2147483648 : i32
      %reduce_max3A_2446 = vector.broadcast %reduce_max3A_2445 : i32 to vector<16xi32>
      %reduce_max3A_2447 = arith.xori %select_n3A_2442, %reduce_max3A_2446 : vector<16xi32>
      %reduce_max3A_2448 = tpu.scan <max>, %reduce_max3A_2447 masked %reduce_max3A_2444 : vector<16xi32>, vector<16xi1> -> vector<16xi32>
      %reduce_max3A_2449 = arith.xori %reduce_max3A_2448, %reduce_max3A_2446 : vector<16xi32>
      %reduce_max3A_2450 = vector.extract %reduce_max3A_2449[15] : i32 from vector<16xi32>
      %multiple_of3A_2451 = tpu.assume_multiple %reduce_max3A_2450, 128 : i32
      %dma_start3A_2452 = arith.constant 5 : i32
      %dma_start3A_2453 = arith.constant 0 : i32
      %dma_start3A_2454 = arith.constant 0 : i32
      %dma_start3A_2455 = tpu.memref_slice %arg10[%dma_start3A_2452, %dma_start3A_2453, %dma_start3A_2454] : memref<12x64x128xf32, #tpu.memory_space<vmem>> -> memref<1x64x128xf32, #tpu.memory_space<vmem>>
      %dma_start3A_2456 = tpu.memref_squeeze %dma_start3A_2455 : memref<1x64x128xf32, #tpu.memory_space<vmem>> -> memref<64x128xf32, #tpu.memory_space<vmem>>
      %dma_start3A_2457 = arith.constant 0 : i32
      %dma_start3A_2458 = tpu.memref_slice %arg5[%dma_start3A_2457, %multiple_of3A_2451] : memref<64x1000000xf32, #tpu.memory_space<hbm>> -> memref<64x128xf32, #tpu.memory_space<hbm>>
      %dma_start3A_2459 = arith.constant 0 : i32
      %dma_start3A_2460 = arith.constant 0 : i32
      %dma_start3A_2461 = tpu.memref_slice %arg10[%dma_start3A_2452, %dma_start3A_2459, %dma_start3A_2460] : memref<12x64x128xf32, #tpu.memory_space<vmem>> -> memref<1x64x128xf32, #tpu.memory_space<vmem>>
      %dma_start3A_2462 = tpu.memref_squeeze %dma_start3A_2461 : memref<1x64x128xf32, #tpu.memory_space<vmem>> -> memref<64x128xf32, #tpu.memory_space<vmem>>
      %dma_start3A_2463 = arith.constant 0 : i32
      %dma_start3A_2464 = tpu.memref_slice %arg5[%dma_start3A_2463, %multiple_of3A_2451] : memref<64x1000000xf32, #tpu.memory_space<hbm>> -> memref<64x128xf32, #tpu.memory_space<hbm>>
      tpu.enqueue_dma source(%dma_start3A_2464 : memref<64x128xf32, #tpu.memory_space<hbm>>) target(%dma_start3A_2462 : memref<64x128xf32, #tpu.memory_space<vmem>>) target_semaphore(%arg13 : memref<!tpu.dma_semaphore, #tpu.memory_space<semaphore_mem>>)
      %iota3A_2465 = tpu.iota {dimensions = array<i32: 0>} : vector<16xi32>
      %eq3A_2466 = arith.constant 14 : i32
      %eq3A_2467 = vector.broadcast %eq3A_2466 : i32 to vector<16xi32>
      %eq3A_2468 = arith.cmpi eq, %iota3A_2465, %eq3A_2467 : vector<16xi32>
      %jit3A_2469 = arith.constant 0 : i32
      %broadcast_in_dim3A_2470 = vector.broadcast %jit3A_2469 : i32 to vector<16xi32>
      %select_n3A_2471 = arith.select %eq3A_2468, %mul3A_81, %broadcast_in_dim3A_2470 : vector<16xi1>, vector<16xi32>
      %reduce_max3A_2472 = arith.constant true
      %reduce_max3A_2473 = vector.broadcast %reduce_max3A_2472 : i1 to vector<16xi1>
      %reduce_max3A_2474 = arith.constant -2147483648 : i32
      %reduce_max3A_2475 = vector.broadcast %reduce_max3A_2474 : i32 to vector<16xi32>
      %reduce_max3A_2476 = arith.xori %select_n3A_2471, %reduce_max3A_2475 : vector<16xi32>
      %reduce_max3A_2477 = tpu.scan <max>, %reduce_max3A_2476 masked %reduce_max3A_2473 : vector<16xi32>, vector<16xi1> -> vector<16xi32>
      %reduce_max3A_2478 = arith.xori %reduce_max3A_2477, %reduce_max3A_2475 : vector<16xi32>
      %reduce_max3A_2479 = vector.extract %reduce_max3A_2478[15] : i32 from vector<16xi32>
      %multiple_of3A_2480 = tpu.assume_multiple %reduce_max3A_2479, 128 : i32
      %dma_start3A_2481 = arith.constant 6 : i32
      %dma_start3A_2482 = arith.constant 0 : i32
      %dma_start3A_2483 = arith.constant 0 : i32
      %dma_start3A_2484 = tpu.memref_slice %arg10[%dma_start3A_2481, %dma_start3A_2482, %dma_start3A_2483] : memref<12x64x128xf32, #tpu.memory_space<vmem>> -> memref<1x64x128xf32, #tpu.memory_space<vmem>>
      %dma_start3A_2485 = tpu.memref_squeeze %dma_start3A_2484 : memref<1x64x128xf32, #tpu.memory_space<vmem>> -> memref<64x128xf32, #tpu.memory_space<vmem>>
      %dma_start3A_2486 = arith.constant 0 : i32
      %dma_start3A_2487 = tpu.memref_slice %arg5[%dma_start3A_2486, %multiple_of3A_2480] : memref<64x1000000xf32, #tpu.memory_space<hbm>> -> memref<64x128xf32, #tpu.memory_space<hbm>>
      %dma_start3A_2488 = arith.constant 0 : i32
      %dma_start3A_2489 = arith.constant 0 : i32
      %dma_start3A_2490 = tpu.memref_slice %arg10[%dma_start3A_2481, %dma_start3A_2488, %dma_start3A_2489] : memref<12x64x128xf32, #tpu.memory_space<vmem>> -> memref<1x64x128xf32, #tpu.memory_space<vmem>>
      %dma_start3A_2491 = tpu.memref_squeeze %dma_start3A_2490 : memref<1x64x128xf32, #tpu.memory_space<vmem>> -> memref<64x128xf32, #tpu.memory_space<vmem>>
      %dma_start3A_2492 = arith.constant 0 : i32
      %dma_start3A_2493 = tpu.memref_slice %arg5[%dma_start3A_2492, %multiple_of3A_2480] : memref<64x1000000xf32, #tpu.memory_space<hbm>> -> memref<64x128xf32, #tpu.memory_space<hbm>>
      tpu.enqueue_dma source(%dma_start3A_2493 : memref<64x128xf32, #tpu.memory_space<hbm>>) target(%dma_start3A_2491 : memref<64x128xf32, #tpu.memory_space<vmem>>) target_semaphore(%arg13 : memref<!tpu.dma_semaphore, #tpu.memory_space<semaphore_mem>>)
      %iota3A_2494 = tpu.iota {dimensions = array<i32: 0>} : vector<16xi32>
      %eq3A_2495 = arith.constant 15 : i32
      %eq3A_2496 = vector.broadcast %eq3A_2495 : i32 to vector<16xi32>
      %eq3A_2497 = arith.cmpi eq, %iota3A_2494, %eq3A_2496 : vector<16xi32>
      %jit3A_2498 = arith.constant 0 : i32
      %broadcast_in_dim3A_2499 = vector.broadcast %jit3A_2498 : i32 to vector<16xi32>
      %select_n3A_2500 = arith.select %eq3A_2497, %mul3A_81, %broadcast_in_dim3A_2499 : vector<16xi1>, vector<16xi32>
      %reduce_max3A_2501 = arith.constant true
      %reduce_max3A_2502 = vector.broadcast %reduce_max3A_2501 : i1 to vector<16xi1>
      %reduce_max3A_2503 = arith.constant -2147483648 : i32
      %reduce_max3A_2504 = vector.broadcast %reduce_max3A_2503 : i32 to vector<16xi32>
      %reduce_max3A_2505 = arith.xori %select_n3A_2500, %reduce_max3A_2504 : vector<16xi32>
      %reduce_max3A_2506 = tpu.scan <max>, %reduce_max3A_2505 masked %reduce_max3A_2502 : vector<16xi32>, vector<16xi1> -> vector<16xi32>
      %reduce_max3A_2507 = arith.xori %reduce_max3A_2506, %reduce_max3A_2504 : vector<16xi32>
      %reduce_max3A_2508 = vector.extract %reduce_max3A_2507[15] : i32 from vector<16xi32>
      %multiple_of3A_2509 = tpu.assume_multiple %reduce_max3A_2508, 128 : i32
      %dma_start3A_2510 = arith.constant 7 : i32
      %dma_start3A_2511 = arith.constant 0 : i32
      %dma_start3A_2512 = arith.constant 0 : i32
      %dma_start3A_2513 = tpu.memref_slice %arg10[%dma_start3A_2510, %dma_start3A_2511, %dma_start3A_2512] : memref<12x64x128xf32, #tpu.memory_space<vmem>> -> memref<1x64x128xf32, #tpu.memory_space<vmem>>
      %dma_start3A_2514 = tpu.memref_squeeze %dma_start3A_2513 : memref<1x64x128xf32, #tpu.memory_space<vmem>> -> memref<64x128xf32, #tpu.memory_space<vmem>>
      %dma_start3A_2515 = arith.constant 0 : i32
      %dma_start3A_2516 = tpu.memref_slice %arg5[%dma_start3A_2515, %multiple_of3A_2509] : memref<64x1000000xf32, #tpu.memory_space<hbm>> -> memref<64x128xf32, #tpu.memory_space<hbm>>
      %dma_start3A_2517 = arith.constant 0 : i32
      %dma_start3A_2518 = arith.constant 0 : i32
      %dma_start3A_2519 = tpu.memref_slice %arg10[%dma_start3A_2510, %dma_start3A_2517, %dma_start3A_2518] : memref<12x64x128xf32, #tpu.memory_space<vmem>> -> memref<1x64x128xf32, #tpu.memory_space<vmem>>
      %dma_start3A_2520 = tpu.memref_squeeze %dma_start3A_2519 : memref<1x64x128xf32, #tpu.memory_space<vmem>> -> memref<64x128xf32, #tpu.memory_space<vmem>>
      %dma_start3A_2521 = arith.constant 0 : i32
      %dma_start3A_2522 = tpu.memref_slice %arg5[%dma_start3A_2521, %multiple_of3A_2509] : memref<64x1000000xf32, #tpu.memory_space<hbm>> -> memref<64x128xf32, #tpu.memory_space<hbm>>
      tpu.enqueue_dma source(%dma_start3A_2522 : memref<64x128xf32, #tpu.memory_space<hbm>>) target(%dma_start3A_2520 : memref<64x128xf32, #tpu.memory_space<vmem>>) target_semaphore(%arg13 : memref<!tpu.dma_semaphore, #tpu.memory_space<semaphore_mem>>)
      %dma_wait3A_2523 = arith.constant 8 : i32
      %dma_wait3A_2524 = arith.constant 0 : i32
      %dma_wait3A_2525 = arith.constant 0 : i32
      %dma_wait3A_2526 = tpu.memref_slice %arg10[%dma_wait3A_2523, %dma_wait3A_2524, %dma_wait3A_2525] : memref<12x64x128xf32, #tpu.memory_space<vmem>> -> memref<1x64x128xf32, #tpu.memory_space<vmem>>
      %dma_wait3A_2527 = tpu.memref_squeeze %dma_wait3A_2526 : memref<1x64x128xf32, #tpu.memory_space<vmem>> -> memref<64x128xf32, #tpu.memory_space<vmem>>
      %dma_wait3A_2528 = arith.constant 0 : i32
      %dma_wait3A_2529 = tpu.memref_slice %arg5[%dma_wait3A_2528, %multiple_of3A_1582] : memref<64x1000000xf32, #tpu.memory_space<hbm>> -> memref<64x128xf32, #tpu.memory_space<hbm>>
      %dma_wait3A_2530 = arith.constant 0 : i32
      %dma_wait3A_2531 = arith.constant 0 : i32
      %dma_wait3A_2532 = tpu.memref_slice %arg10[%dma_wait3A_2523, %dma_wait3A_2530, %dma_wait3A_2531] : memref<12x64x128xf32, #tpu.memory_space<vmem>> -> memref<1x64x128xf32, #tpu.memory_space<vmem>>
      %dma_wait3A_2533 = tpu.memref_squeeze %dma_wait3A_2532 : memref<1x64x128xf32, #tpu.memory_space<vmem>> -> memref<64x128xf32, #tpu.memory_space<vmem>>
      %dma_wait3A_2534 = arith.constant 0 : i32
      %dma_wait3A_2535 = tpu.memref_slice %arg5[%dma_wait3A_2534, %multiple_of3A_1582] : memref<64x1000000xf32, #tpu.memory_space<hbm>> -> memref<64x128xf32, #tpu.memory_space<hbm>>
      tpu.wait_dma2 semaphore(%arg13 : memref<!tpu.dma_semaphore, #tpu.memory_space<semaphore_mem>>) src(%dma_wait3A_2535 : memref<64x128xf32, #tpu.memory_space<hbm>>) dst(%dma_wait3A_2533 : memref<64x128xf32, #tpu.memory_space<vmem>>)
      %broadcast_in_dim3A_2536 = arith.constant 0 : i32
      %broadcast_in_dim3A_2537 = vector.broadcast %broadcast_in_dim3A_2536 : i32 to vector<16xi32>
      %add3A_2538 = arith.constant 8 : i32
      %add3A_2539 = vector.broadcast %add3A_2538 : i32 to vector<16xi32>
      %add3A_2540 = arith.addi %broadcast_in_dim3A_2537, %add3A_2539 : vector<16xi32>
      %lt3A_2541 = arith.constant 0 : i32
      %lt3A_2542 = vector.broadcast %lt3A_2541 : i32 to vector<16xi32>
      %lt3A_2543 = arith.cmpi slt, %add3A_2540, %lt3A_2542 : vector<16xi32>
      %add3A_2544 = arith.constant 16 : i32
      %add3A_2545 = vector.broadcast %add3A_2544 : i32 to vector<16xi32>
      %add3A_2546 = arith.addi %add3A_2540, %add3A_2545 : vector<16xi32>
      %select_n3A_2547 = arith.select %lt3A_2543, %add3A_2546, %add3A_2540 : vector<16xi1>, vector<16xi32>
      %broadcast_in_dim3A_2548 = vector.shape_cast %select_n3A_2547 : vector<16xi32> to vector<16x1xi32>
      %gather3A_2549 = vector.shape_cast %broadcast_in_dim3A_2548 : vector<16x1xi32> to vector<16xi32>
      %gather3A_2550 = tpu.dynamic_gather %and3A_66[%gather3A_2549] in [0] : vector<16xi32>, vector<16xi32> -> vector<16xi32>
      %add3A_2551 = arith.constant 8 : i32
      %add3A_2552 = arith.addi %mul3A_14, %add3A_2551 : i32
      %add3A_2553 = arith.constant 0 : i32
      %add3A_2554 = arith.addi %add3A_2552, %add3A_2553 : i32
      %broadcast_in_dim3A_2555 = arith.constant 0 : i32
      %broadcast_in_dim3A_2556 = vector.broadcast %broadcast_in_dim3A_2555 : i32 to vector<16xi32>
      %add3A_2557 = vector.broadcast %add3A_2554 : i32 to vector<16xi32>
      %add3A_2558 = arith.addi %add3A_2557, %broadcast_in_dim3A_2556 : vector<16xi32>
      %iota3A_2559 = tpu.iota {dimensions = array<i32: 0>} : vector<16xi32>
      %add3A_2560 = arith.constant 0 : i32
      %add3A_2561 = vector.broadcast %add3A_2560 : i32 to vector<16xi32>
      %add3A_2562 = arith.addi %iota3A_2559, %add3A_2561 : vector<16xi32>
      %gather3A_2563 = arith.constant 8 : i32
      %gather3A_2564 = arith.constant 0 : i32
      %gather3A_2565 = arith.constant 0 : i32
      %gather3A_2566 = tpu.memref_slice %arg10[%gather3A_2563, %gather3A_2564, %gather3A_2565] : memref<12x64x128xf32, #tpu.memory_space<vmem>> -> memref<1x64x128xf32, #tpu.memory_space<vmem>>
      %gather3A_2567 = tpu.memref_squeeze %gather3A_2566 : memref<1x64x128xf32, #tpu.memory_space<vmem>> -> memref<64x128xf32, #tpu.memory_space<vmem>>
      %gather3A_2568 = tpu.vector_load_idx %gather3A_2567[%add3A_2562, %gather3A_2550] : memref<64x128xf32, #tpu.memory_space<vmem>>[vector<16xi32>, vector<16xi32>], vector<16xf32>,
      tpu.vector_store_idx %arg12[%add3A_2562, %add3A_2558], %gather3A_2568 : memref<64x128xf32, #tpu.memory_space<vmem>>[vector<16xi32>, vector<16xi32>], vector<16xf32>,
      %iota3A_2569 = tpu.iota {dimensions = array<i32: 0>} : vector<16xi32>
      %add3A_2570 = arith.constant 16 : i32
      %add3A_2571 = vector.broadcast %add3A_2570 : i32 to vector<16xi32>
      %add3A_2572 = arith.addi %iota3A_2569, %add3A_2571 : vector<16xi32>
      %gather3A_2573 = arith.constant 8 : i32
      %gather3A_2574 = arith.constant 0 : i32
      %gather3A_2575 = arith.constant 0 : i32
      %gather3A_2576 = tpu.memref_slice %arg10[%gather3A_2573, %gather3A_2574, %gather3A_2575] : memref<12x64x128xf32, #tpu.memory_space<vmem>> -> memref<1x64x128xf32, #tpu.memory_space<vmem>>
      %gather3A_2577 = tpu.memref_squeeze %gather3A_2576 : memref<1x64x128xf32, #tpu.memory_space<vmem>> -> memref<64x128xf32, #tpu.memory_space<vmem>>
      %gather3A_2578 = tpu.vector_load_idx %gather3A_2577[%add3A_2572, %gather3A_2550] : memref<64x128xf32, #tpu.memory_space<vmem>>[vector<16xi32>, vector<16xi32>], vector<16xf32>,
      tpu.vector_store_idx %arg12[%add3A_2572, %add3A_2558], %gather3A_2578 : memref<64x128xf32, #tpu.memory_space<vmem>>[vector<16xi32>, vector<16xi32>], vector<16xf32>,
      %iota3A_2579 = tpu.iota {dimensions = array<i32: 0>} : vector<16xi32>
      %add3A_2580 = arith.constant 32 : i32
      %add3A_2581 = vector.broadcast %add3A_2580 : i32 to vector<16xi32>
      %add3A_2582 = arith.addi %iota3A_2579, %add3A_2581 : vector<16xi32>
      %gather3A_2583 = arith.constant 8 : i32
      %gather3A_2584 = arith.constant 0 : i32
      %gather3A_2585 = arith.constant 0 : i32
      %gather3A_2586 = tpu.memref_slice %arg10[%gather3A_2583, %gather3A_2584, %gather3A_2585] : memref<12x64x128xf32, #tpu.memory_space<vmem>> -> memref<1x64x128xf32, #tpu.memory_space<vmem>>
      %gather3A_2587 = tpu.memref_squeeze %gather3A_2586 : memref<1x64x128xf32, #tpu.memory_space<vmem>> -> memref<64x128xf32, #tpu.memory_space<vmem>>
      %gather3A_2588 = tpu.vector_load_idx %gather3A_2587[%add3A_2582, %gather3A_2550] : memref<64x128xf32, #tpu.memory_space<vmem>>[vector<16xi32>, vector<16xi32>], vector<16xf32>,
      tpu.vector_store_idx %arg12[%add3A_2582, %add3A_2558], %gather3A_2588 : memref<64x128xf32, #tpu.memory_space<vmem>>[vector<16xi32>, vector<16xi32>], vector<16xf32>,
      %iota3A_2589 = tpu.iota {dimensions = array<i32: 0>} : vector<16xi32>
      %add3A_2590 = arith.constant 48 : i32
      %add3A_2591 = vector.broadcast %add3A_2590 : i32 to vector<16xi32>
      %add3A_2592 = arith.addi %iota3A_2589, %add3A_2591 : vector<16xi32>
      %gather3A_2593 = arith.constant 8 : i32
      %gather3A_2594 = arith.constant 0 : i32
      %gather3A_2595 = arith.constant 0 : i32
      %gather3A_2596 = tpu.memref_slice %arg10[%gather3A_2593, %gather3A_2594, %gather3A_2595] : memref<12x64x128xf32, #tpu.memory_space<vmem>> -> memref<1x64x128xf32, #tpu.memory_space<vmem>>
      %gather3A_2597 = tpu.memref_squeeze %gather3A_2596 : memref<1x64x128xf32, #tpu.memory_space<vmem>> -> memref<64x128xf32, #tpu.memory_space<vmem>>
      %gather3A_2598 = tpu.vector_load_idx %gather3A_2597[%add3A_2592, %gather3A_2550] : memref<64x128xf32, #tpu.memory_space<vmem>>[vector<16xi32>, vector<16xi32>], vector<16xf32>,
      tpu.vector_store_idx %arg12[%add3A_2592, %add3A_2558], %gather3A_2598 : memref<64x128xf32, #tpu.memory_space<vmem>>[vector<16xi32>, vector<16xi32>], vector<16xf32>,
      %dma_wait3A_2599 = arith.constant 9 : i32
      %dma_wait3A_2600 = arith.constant 0 : i32
      %dma_wait3A_2601 = arith.constant 0 : i32
      %dma_wait3A_2602 = tpu.memref_slice %arg10[%dma_wait3A_2599, %dma_wait3A_2600, %dma_wait3A_2601] : memref<12x64x128xf32, #tpu.memory_space<vmem>> -> memref<1x64x128xf32, #tpu.memory_space<vmem>>
      %dma_wait3A_2603 = tpu.memref_squeeze %dma_wait3A_2602 : memref<1x64x128xf32, #tpu.memory_space<vmem>> -> memref<64x128xf32, #tpu.memory_space<vmem>>
      %dma_wait3A_2604 = arith.constant 0 : i32
      %dma_wait3A_2605 = tpu.memref_slice %arg5[%dma_wait3A_2604, %multiple_of3A_1611] : memref<64x1000000xf32, #tpu.memory_space<hbm>> -> memref<64x128xf32, #tpu.memory_space<hbm>>
      %dma_wait3A_2606 = arith.constant 0 : i32
      %dma_wait3A_2607 = arith.constant 0 : i32
      %dma_wait3A_2608 = tpu.memref_slice %arg10[%dma_wait3A_2599, %dma_wait3A_2606, %dma_wait3A_2607] : memref<12x64x128xf32, #tpu.memory_space<vmem>> -> memref<1x64x128xf32, #tpu.memory_space<vmem>>
      %dma_wait3A_2609 = tpu.memref_squeeze %dma_wait3A_2608 : memref<1x64x128xf32, #tpu.memory_space<vmem>> -> memref<64x128xf32, #tpu.memory_space<vmem>>
      %dma_wait3A_2610 = arith.constant 0 : i32
      %dma_wait3A_2611 = tpu.memref_slice %arg5[%dma_wait3A_2610, %multiple_of3A_1611] : memref<64x1000000xf32, #tpu.memory_space<hbm>> -> memref<64x128xf32, #tpu.memory_space<hbm>>
      tpu.wait_dma2 semaphore(%arg13 : memref<!tpu.dma_semaphore, #tpu.memory_space<semaphore_mem>>) src(%dma_wait3A_2611 : memref<64x128xf32, #tpu.memory_space<hbm>>) dst(%dma_wait3A_2609 : memref<64x128xf32, #tpu.memory_space<vmem>>)
      %broadcast_in_dim3A_2612 = arith.constant 0 : i32
      %broadcast_in_dim3A_2613 = vector.broadcast %broadcast_in_dim3A_2612 : i32 to vector<16xi32>
      %add3A_2614 = arith.constant 9 : i32
      %add3A_2615 = vector.broadcast %add3A_2614 : i32 to vector<16xi32>
      %add3A_2616 = arith.addi %broadcast_in_dim3A_2613, %add3A_2615 : vector<16xi32>
      %lt3A_2617 = arith.constant 0 : i32
      %lt3A_2618 = vector.broadcast %lt3A_2617 : i32 to vector<16xi32>
      %lt3A_2619 = arith.cmpi slt, %add3A_2616, %lt3A_2618 : vector<16xi32>
      %add3A_2620 = arith.constant 16 : i32
      %add3A_2621 = vector.broadcast %add3A_2620 : i32 to vector<16xi32>
      %add3A_2622 = arith.addi %add3A_2616, %add3A_2621 : vector<16xi32>
      %select_n3A_2623 = arith.select %lt3A_2619, %add3A_2622, %add3A_2616 : vector<16xi1>, vector<16xi32>
      %broadcast_in_dim3A_2624 = vector.shape_cast %select_n3A_2623 : vector<16xi32> to vector<16x1xi32>
      %gather3A_2625 = vector.shape_cast %broadcast_in_dim3A_2624 : vector<16x1xi32> to vector<16xi32>
      %gather3A_2626 = tpu.dynamic_gather %and3A_66[%gather3A_2625] in [0] : vector<16xi32>, vector<16xi32> -> vector<16xi32>
      %add3A_2627 = arith.constant 8 : i32
      %add3A_2628 = arith.addi %mul3A_14, %add3A_2627 : i32
      %add3A_2629 = arith.constant 1 : i32
      %add3A_2630 = arith.addi %add3A_2628, %add3A_2629 : i32
      %broadcast_in_dim3A_2631 = arith.constant 0 : i32
      %broadcast_in_dim3A_2632 = vector.broadcast %broadcast_in_dim3A_2631 : i32 to vector<16xi32>
      %add3A_2633 = vector.broadcast %add3A_2630 : i32 to vector<16xi32>
      %add3A_2634 = arith.addi %add3A_2633, %broadcast_in_dim3A_2632 : vector<16xi32>
      %iota3A_2635 = tpu.iota {dimensions = array<i32: 0>} : vector<16xi32>
      %add3A_2636 = arith.constant 0 : i32
      %add3A_2637 = vector.broadcast %add3A_2636 : i32 to vector<16xi32>
      %add3A_2638 = arith.addi %iota3A_2635, %add3A_2637 : vector<16xi32>
      %gather3A_2639 = arith.constant 9 : i32
      %gather3A_2640 = arith.constant 0 : i32
      %gather3A_2641 = arith.constant 0 : i32
      %gather3A_2642 = tpu.memref_slice %arg10[%gather3A_2639, %gather3A_2640, %gather3A_2641] : memref<12x64x128xf32, #tpu.memory_space<vmem>> -> memref<1x64x128xf32, #tpu.memory_space<vmem>>
      %gather3A_2643 = tpu.memref_squeeze %gather3A_2642 : memref<1x64x128xf32, #tpu.memory_space<vmem>> -> memref<64x128xf32, #tpu.memory_space<vmem>>
      %gather3A_2644 = tpu.vector_load_idx %gather3A_2643[%add3A_2638, %gather3A_2626] : memref<64x128xf32, #tpu.memory_space<vmem>>[vector<16xi32>, vector<16xi32>], vector<16xf32>,
      tpu.vector_store_idx %arg12[%add3A_2638, %add3A_2634], %gather3A_2644 : memref<64x128xf32, #tpu.memory_space<vmem>>[vector<16xi32>, vector<16xi32>], vector<16xf32>,
      %iota3A_2645 = tpu.iota {dimensions = array<i32: 0>} : vector<16xi32>
      %add3A_2646 = arith.constant 16 : i32
      %add3A_2647 = vector.broadcast %add3A_2646 : i32 to vector<16xi32>
      %add3A_2648 = arith.addi %iota3A_2645, %add3A_2647 : vector<16xi32>
      %gather3A_2649 = arith.constant 9 : i32
      %gather3A_2650 = arith.constant 0 : i32
      %gather3A_2651 = arith.constant 0 : i32
      %gather3A_2652 = tpu.memref_slice %arg10[%gather3A_2649, %gather3A_2650, %gather3A_2651] : memref<12x64x128xf32, #tpu.memory_space<vmem>> -> memref<1x64x128xf32, #tpu.memory_space<vmem>>
      %gather3A_2653 = tpu.memref_squeeze %gather3A_2652 : memref<1x64x128xf32, #tpu.memory_space<vmem>> -> memref<64x128xf32, #tpu.memory_space<vmem>>
      %gather3A_2654 = tpu.vector_load_idx %gather3A_2653[%add3A_2648, %gather3A_2626] : memref<64x128xf32, #tpu.memory_space<vmem>>[vector<16xi32>, vector<16xi32>], vector<16xf32>,
      tpu.vector_store_idx %arg12[%add3A_2648, %add3A_2634], %gather3A_2654 : memref<64x128xf32, #tpu.memory_space<vmem>>[vector<16xi32>, vector<16xi32>], vector<16xf32>,
      %iota3A_2655 = tpu.iota {dimensions = array<i32: 0>} : vector<16xi32>
      %add3A_2656 = arith.constant 32 : i32
      %add3A_2657 = vector.broadcast %add3A_2656 : i32 to vector<16xi32>
      %add3A_2658 = arith.addi %iota3A_2655, %add3A_2657 : vector<16xi32>
      %gather3A_2659 = arith.constant 9 : i32
      %gather3A_2660 = arith.constant 0 : i32
      %gather3A_2661 = arith.constant 0 : i32
      %gather3A_2662 = tpu.memref_slice %arg10[%gather3A_2659, %gather3A_2660, %gather3A_2661] : memref<12x64x128xf32, #tpu.memory_space<vmem>> -> memref<1x64x128xf32, #tpu.memory_space<vmem>>
      %gather3A_2663 = tpu.memref_squeeze %gather3A_2662 : memref<1x64x128xf32, #tpu.memory_space<vmem>> -> memref<64x128xf32, #tpu.memory_space<vmem>>
      %gather3A_2664 = tpu.vector_load_idx %gather3A_2663[%add3A_2658, %gather3A_2626] : memref<64x128xf32, #tpu.memory_space<vmem>>[vector<16xi32>, vector<16xi32>], vector<16xf32>,
      tpu.vector_store_idx %arg12[%add3A_2658, %add3A_2634], %gather3A_2664 : memref<64x128xf32, #tpu.memory_space<vmem>>[vector<16xi32>, vector<16xi32>], vector<16xf32>,
      %iota3A_2665 = tpu.iota {dimensions = array<i32: 0>} : vector<16xi32>
      %add3A_2666 = arith.constant 48 : i32
      %add3A_2667 = vector.broadcast %add3A_2666 : i32 to vector<16xi32>
      %add3A_2668 = arith.addi %iota3A_2665, %add3A_2667 : vector<16xi32>
      %gather3A_2669 = arith.constant 9 : i32
      %gather3A_2670 = arith.constant 0 : i32
      %gather3A_2671 = arith.constant 0 : i32
      %gather3A_2672 = tpu.memref_slice %arg10[%gather3A_2669, %gather3A_2670, %gather3A_2671] : memref<12x64x128xf32, #tpu.memory_space<vmem>> -> memref<1x64x128xf32, #tpu.memory_space<vmem>>
      %gather3A_2673 = tpu.memref_squeeze %gather3A_2672 : memref<1x64x128xf32, #tpu.memory_space<vmem>> -> memref<64x128xf32, #tpu.memory_space<vmem>>
      %gather3A_2674 = tpu.vector_load_idx %gather3A_2673[%add3A_2668, %gather3A_2626] : memref<64x128xf32, #tpu.memory_space<vmem>>[vector<16xi32>, vector<16xi32>], vector<16xf32>,
      tpu.vector_store_idx %arg12[%add3A_2668, %add3A_2634], %gather3A_2674 : memref<64x128xf32, #tpu.memory_space<vmem>>[vector<16xi32>, vector<16xi32>], vector<16xf32>,
      %dma_wait3A_2675 = arith.constant 10 : i32
      %dma_wait3A_2676 = arith.constant 0 : i32
      %dma_wait3A_2677 = arith.constant 0 : i32
      %dma_wait3A_2678 = tpu.memref_slice %arg10[%dma_wait3A_2675, %dma_wait3A_2676, %dma_wait3A_2677] : memref<12x64x128xf32, #tpu.memory_space<vmem>> -> memref<1x64x128xf32, #tpu.memory_space<vmem>>
      %dma_wait3A_2679 = tpu.memref_squeeze %dma_wait3A_2678 : memref<1x64x128xf32, #tpu.memory_space<vmem>> -> memref<64x128xf32, #tpu.memory_space<vmem>>
      %dma_wait3A_2680 = arith.constant 0 : i32
      %dma_wait3A_2681 = tpu.memref_slice %arg5[%dma_wait3A_2680, %multiple_of3A_1640] : memref<64x1000000xf32, #tpu.memory_space<hbm>> -> memref<64x128xf32, #tpu.memory_space<hbm>>
      %dma_wait3A_2682 = arith.constant 0 : i32
      %dma_wait3A_2683 = arith.constant 0 : i32
      %dma_wait3A_2684 = tpu.memref_slice %arg10[%dma_wait3A_2675, %dma_wait3A_2682, %dma_wait3A_2683] : memref<12x64x128xf32, #tpu.memory_space<vmem>> -> memref<1x64x128xf32, #tpu.memory_space<vmem>>
      %dma_wait3A_2685 = tpu.memref_squeeze %dma_wait3A_2684 : memref<1x64x128xf32, #tpu.memory_space<vmem>> -> memref<64x128xf32, #tpu.memory_space<vmem>>
      %dma_wait3A_2686 = arith.constant 0 : i32
      %dma_wait3A_2687 = tpu.memref_slice %arg5[%dma_wait3A_2686, %multiple_of3A_1640] : memref<64x1000000xf32, #tpu.memory_space<hbm>> -> memref<64x128xf32, #tpu.memory_space<hbm>>
      tpu.wait_dma2 semaphore(%arg13 : memref<!tpu.dma_semaphore, #tpu.memory_space<semaphore_mem>>) src(%dma_wait3A_2687 : memref<64x128xf32, #tpu.memory_space<hbm>>) dst(%dma_wait3A_2685 : memref<64x128xf32, #tpu.memory_space<vmem>>)
      %broadcast_in_dim3A_2688 = arith.constant 0 : i32
      %broadcast_in_dim3A_2689 = vector.broadcast %broadcast_in_dim3A_2688 : i32 to vector<16xi32>
      %add3A_2690 = arith.constant 10 : i32
      %add3A_2691 = vector.broadcast %add3A_2690 : i32 to vector<16xi32>
      %add3A_2692 = arith.addi %broadcast_in_dim3A_2689, %add3A_2691 : vector<16xi32>
      %lt3A_2693 = arith.constant 0 : i32
      %lt3A_2694 = vector.broadcast %lt3A_2693 : i32 to vector<16xi32>
      %lt3A_2695 = arith.cmpi slt, %add3A_2692, %lt3A_2694 : vector<16xi32>
      %add3A_2696 = arith.constant 16 : i32
      %add3A_2697 = vector.broadcast %add3A_2696 : i32 to vector<16xi32>
      %add3A_2698 = arith.addi %add3A_2692, %add3A_2697 : vector<16xi32>
      %select_n3A_2699 = arith.select %lt3A_2695, %add3A_2698, %add3A_2692 : vector<16xi1>, vector<16xi32>
      %broadcast_in_dim3A_2700 = vector.shape_cast %select_n3A_2699 : vector<16xi32> to vector<16x1xi32>
      %gather3A_2701 = vector.shape_cast %broadcast_in_dim3A_2700 : vector<16x1xi32> to vector<16xi32>
      %gather3A_2702 = tpu.dynamic_gather %and3A_66[%gather3A_2701] in [0] : vector<16xi32>, vector<16xi32> -> vector<16xi32>
      %add3A_2703 = arith.constant 8 : i32
      %add3A_2704 = arith.addi %mul3A_14, %add3A_2703 : i32
      %add3A_2705 = arith.constant 2 : i32
      %add3A_2706 = arith.addi %add3A_2704, %add3A_2705 : i32
      %broadcast_in_dim3A_2707 = arith.constant 0 : i32
      %broadcast_in_dim3A_2708 = vector.broadcast %broadcast_in_dim3A_2707 : i32 to vector<16xi32>
      %add3A_2709 = vector.broadcast %add3A_2706 : i32 to vector<16xi32>
      %add3A_2710 = arith.addi %add3A_2709, %broadcast_in_dim3A_2708 : vector<16xi32>
      %iota3A_2711 = tpu.iota {dimensions = array<i32: 0>} : vector<16xi32>
      %add3A_2712 = arith.constant 0 : i32
      %add3A_2713 = vector.broadcast %add3A_2712 : i32 to vector<16xi32>
      %add3A_2714 = arith.addi %iota3A_2711, %add3A_2713 : vector<16xi32>
      %gather3A_2715 = arith.constant 10 : i32
      %gather3A_2716 = arith.constant 0 : i32
      %gather3A_2717 = arith.constant 0 : i32
      %gather3A_2718 = tpu.memref_slice %arg10[%gather3A_2715, %gather3A_2716, %gather3A_2717] : memref<12x64x128xf32, #tpu.memory_space<vmem>> -> memref<1x64x128xf32, #tpu.memory_space<vmem>>
      %gather3A_2719 = tpu.memref_squeeze %gather3A_2718 : memref<1x64x128xf32, #tpu.memory_space<vmem>> -> memref<64x128xf32, #tpu.memory_space<vmem>>
      %gather3A_2720 = tpu.vector_load_idx %gather3A_2719[%add3A_2714, %gather3A_2702] : memref<64x128xf32, #tpu.memory_space<vmem>>[vector<16xi32>, vector<16xi32>], vector<16xf32>,
      tpu.vector_store_idx %arg12[%add3A_2714, %add3A_2710], %gather3A_2720 : memref<64x128xf32, #tpu.memory_space<vmem>>[vector<16xi32>, vector<16xi32>], vector<16xf32>,
      %iota3A_2721 = tpu.iota {dimensions = array<i32: 0>} : vector<16xi32>
      %add3A_2722 = arith.constant 16 : i32
      %add3A_2723 = vector.broadcast %add3A_2722 : i32 to vector<16xi32>
      %add3A_2724 = arith.addi %iota3A_2721, %add3A_2723 : vector<16xi32>
      %gather3A_2725 = arith.constant 10 : i32
      %gather3A_2726 = arith.constant 0 : i32
      %gather3A_2727 = arith.constant 0 : i32
      %gather3A_2728 = tpu.memref_slice %arg10[%gather3A_2725, %gather3A_2726, %gather3A_2727] : memref<12x64x128xf32, #tpu.memory_space<vmem>> -> memref<1x64x128xf32, #tpu.memory_space<vmem>>
      %gather3A_2729 = tpu.memref_squeeze %gather3A_2728 : memref<1x64x128xf32, #tpu.memory_space<vmem>> -> memref<64x128xf32, #tpu.memory_space<vmem>>
      %gather3A_2730 = tpu.vector_load_idx %gather3A_2729[%add3A_2724, %gather3A_2702] : memref<64x128xf32, #tpu.memory_space<vmem>>[vector<16xi32>, vector<16xi32>], vector<16xf32>,
      tpu.vector_store_idx %arg12[%add3A_2724, %add3A_2710], %gather3A_2730 : memref<64x128xf32, #tpu.memory_space<vmem>>[vector<16xi32>, vector<16xi32>], vector<16xf32>,
      %iota3A_2731 = tpu.iota {dimensions = array<i32: 0>} : vector<16xi32>
      %add3A_2732 = arith.constant 32 : i32
      %add3A_2733 = vector.broadcast %add3A_2732 : i32 to vector<16xi32>
      %add3A_2734 = arith.addi %iota3A_2731, %add3A_2733 : vector<16xi32>
      %gather3A_2735 = arith.constant 10 : i32
      %gather3A_2736 = arith.constant 0 : i32
      %gather3A_2737 = arith.constant 0 : i32
      %gather3A_2738 = tpu.memref_slice %arg10[%gather3A_2735, %gather3A_2736, %gather3A_2737] : memref<12x64x128xf32, #tpu.memory_space<vmem>> -> memref<1x64x128xf32, #tpu.memory_space<vmem>>
      %gather3A_2739 = tpu.memref_squeeze %gather3A_2738 : memref<1x64x128xf32, #tpu.memory_space<vmem>> -> memref<64x128xf32, #tpu.memory_space<vmem>>
      %gather3A_2740 = tpu.vector_load_idx %gather3A_2739[%add3A_2734, %gather3A_2702] : memref<64x128xf32, #tpu.memory_space<vmem>>[vector<16xi32>, vector<16xi32>], vector<16xf32>,
      tpu.vector_store_idx %arg12[%add3A_2734, %add3A_2710], %gather3A_2740 : memref<64x128xf32, #tpu.memory_space<vmem>>[vector<16xi32>, vector<16xi32>], vector<16xf32>,
      %iota3A_2741 = tpu.iota {dimensions = array<i32: 0>} : vector<16xi32>
      %add3A_2742 = arith.constant 48 : i32
      %add3A_2743 = vector.broadcast %add3A_2742 : i32 to vector<16xi32>
      %add3A_2744 = arith.addi %iota3A_2741, %add3A_2743 : vector<16xi32>
      %gather3A_2745 = arith.constant 10 : i32
      %gather3A_2746 = arith.constant 0 : i32
      %gather3A_2747 = arith.constant 0 : i32
      %gather3A_2748 = tpu.memref_slice %arg10[%gather3A_2745, %gather3A_2746, %gather3A_2747] : memref<12x64x128xf32, #tpu.memory_space<vmem>> -> memref<1x64x128xf32, #tpu.memory_space<vmem>>
      %gather3A_2749 = tpu.memref_squeeze %gather3A_2748 : memref<1x64x128xf32, #tpu.memory_space<vmem>> -> memref<64x128xf32, #tpu.memory_space<vmem>>
      %gather3A_2750 = tpu.vector_load_idx %gather3A_2749[%add3A_2744, %gather3A_2702] : memref<64x128xf32, #tpu.memory_space<vmem>>[vector<16xi32>, vector<16xi32>], vector<16xf32>,
      tpu.vector_store_idx %arg12[%add3A_2744, %add3A_2710], %gather3A_2750 : memref<64x128xf32, #tpu.memory_space<vmem>>[vector<16xi32>, vector<16xi32>], vector<16xf32>,
      %dma_wait3A_2751 = arith.constant 11 : i32
      %dma_wait3A_2752 = arith.constant 0 : i32
      %dma_wait3A_2753 = arith.constant 0 : i32
      %dma_wait3A_2754 = tpu.memref_slice %arg10[%dma_wait3A_2751, %dma_wait3A_2752, %dma_wait3A_2753] : memref<12x64x128xf32, #tpu.memory_space<vmem>> -> memref<1x64x128xf32, #tpu.memory_space<vmem>>
      %dma_wait3A_2755 = tpu.memref_squeeze %dma_wait3A_2754 : memref<1x64x128xf32, #tpu.memory_space<vmem>> -> memref<64x128xf32, #tpu.memory_space<vmem>>
      %dma_wait3A_2756 = arith.constant 0 : i32
      %dma_wait3A_2757 = tpu.memref_slice %arg5[%dma_wait3A_2756, %multiple_of3A_1669] : memref<64x1000000xf32, #tpu.memory_space<hbm>> -> memref<64x128xf32, #tpu.memory_space<hbm>>
      %dma_wait3A_2758 = arith.constant 0 : i32
      %dma_wait3A_2759 = arith.constant 0 : i32
      %dma_wait3A_2760 = tpu.memref_slice %arg10[%dma_wait3A_2751, %dma_wait3A_2758, %dma_wait3A_2759] : memref<12x64x128xf32, #tpu.memory_space<vmem>> -> memref<1x64x128xf32, #tpu.memory_space<vmem>>
      %dma_wait3A_2761 = tpu.memref_squeeze %dma_wait3A_2760 : memref<1x64x128xf32, #tpu.memory_space<vmem>> -> memref<64x128xf32, #tpu.memory_space<vmem>>
      %dma_wait3A_2762 = arith.constant 0 : i32
      %dma_wait3A_2763 = tpu.memref_slice %arg5[%dma_wait3A_2762, %multiple_of3A_1669] : memref<64x1000000xf32, #tpu.memory_space<hbm>> -> memref<64x128xf32, #tpu.memory_space<hbm>>
      tpu.wait_dma2 semaphore(%arg13 : memref<!tpu.dma_semaphore, #tpu.memory_space<semaphore_mem>>) src(%dma_wait3A_2763 : memref<64x128xf32, #tpu.memory_space<hbm>>) dst(%dma_wait3A_2761 : memref<64x128xf32, #tpu.memory_space<vmem>>)
      %broadcast_in_dim3A_2764 = arith.constant 0 : i32
      %broadcast_in_dim3A_2765 = vector.broadcast %broadcast_in_dim3A_2764 : i32 to vector<16xi32>
      %add3A_2766 = arith.constant 11 : i32
      %add3A_2767 = vector.broadcast %add3A_2766 : i32 to vector<16xi32>
      %add3A_2768 = arith.addi %broadcast_in_dim3A_2765, %add3A_2767 : vector<16xi32>
      %lt3A_2769 = arith.constant 0 : i32
      %lt3A_2770 = vector.broadcast %lt3A_2769 : i32 to vector<16xi32>
      %lt3A_2771 = arith.cmpi slt, %add3A_2768, %lt3A_2770 : vector<16xi32>
      %add3A_2772 = arith.constant 16 : i32
      %add3A_2773 = vector.broadcast %add3A_2772 : i32 to vector<16xi32>
      %add3A_2774 = arith.addi %add3A_2768, %add3A_2773 : vector<16xi32>
      %select_n3A_2775 = arith.select %lt3A_2771, %add3A_2774, %add3A_2768 : vector<16xi1>, vector<16xi32>
      %broadcast_in_dim3A_2776 = vector.shape_cast %select_n3A_2775 : vector<16xi32> to vector<16x1xi32>
      %gather3A_2777 = vector.shape_cast %broadcast_in_dim3A_2776 : vector<16x1xi32> to vector<16xi32>
      %gather3A_2778 = tpu.dynamic_gather %and3A_66[%gather3A_2777] in [0] : vector<16xi32>, vector<16xi32> -> vector<16xi32>
      %add3A_2779 = arith.constant 8 : i32
      %add3A_2780 = arith.addi %mul3A_14, %add3A_2779 : i32
      %add3A_2781 = arith.constant 3 : i32
      %add3A_2782 = arith.addi %add3A_2780, %add3A_2781 : i32
      %broadcast_in_dim3A_2783 = arith.constant 0 : i32
      %broadcast_in_dim3A_2784 = vector.broadcast %broadcast_in_dim3A_2783 : i32 to vector<16xi32>
      %add3A_2785 = vector.broadcast %add3A_2782 : i32 to vector<16xi32>
      %add3A_2786 = arith.addi %add3A_2785, %broadcast_in_dim3A_2784 : vector<16xi32>
      %iota3A_2787 = tpu.iota {dimensions = array<i32: 0>} : vector<16xi32>
      %add3A_2788 = arith.constant 0 : i32
      %add3A_2789 = vector.broadcast %add3A_2788 : i32 to vector<16xi32>
      %add3A_2790 = arith.addi %iota3A_2787, %add3A_2789 : vector<16xi32>
      %gather3A_2791 = arith.constant 11 : i32
      %gather3A_2792 = arith.constant 0 : i32
      %gather3A_2793 = arith.constant 0 : i32
      %gather3A_2794 = tpu.memref_slice %arg10[%gather3A_2791, %gather3A_2792, %gather3A_2793] : memref<12x64x128xf32, #tpu.memory_space<vmem>> -> memref<1x64x128xf32, #tpu.memory_space<vmem>>
      %gather3A_2795 = tpu.memref_squeeze %gather3A_2794 : memref<1x64x128xf32, #tpu.memory_space<vmem>> -> memref<64x128xf32, #tpu.memory_space<vmem>>
      %gather3A_2796 = tpu.vector_load_idx %gather3A_2795[%add3A_2790, %gather3A_2778] : memref<64x128xf32, #tpu.memory_space<vmem>>[vector<16xi32>, vector<16xi32>], vector<16xf32>,
      tpu.vector_store_idx %arg12[%add3A_2790, %add3A_2786], %gather3A_2796 : memref<64x128xf32, #tpu.memory_space<vmem>>[vector<16xi32>, vector<16xi32>], vector<16xf32>,
      %iota3A_2797 = tpu.iota {dimensions = array<i32: 0>} : vector<16xi32>
      %add3A_2798 = arith.constant 16 : i32
      %add3A_2799 = vector.broadcast %add3A_2798 : i32 to vector<16xi32>
      %add3A_2800 = arith.addi %iota3A_2797, %add3A_2799 : vector<16xi32>
      %gather3A_2801 = arith.constant 11 : i32
      %gather3A_2802 = arith.constant 0 : i32
      %gather3A_2803 = arith.constant 0 : i32
      %gather3A_2804 = tpu.memref_slice %arg10[%gather3A_2801, %gather3A_2802, %gather3A_2803] : memref<12x64x128xf32, #tpu.memory_space<vmem>> -> memref<1x64x128xf32, #tpu.memory_space<vmem>>
      %gather3A_2805 = tpu.memref_squeeze %gather3A_2804 : memref<1x64x128xf32, #tpu.memory_space<vmem>> -> memref<64x128xf32, #tpu.memory_space<vmem>>
      %gather3A_2806 = tpu.vector_load_idx %gather3A_2805[%add3A_2800, %gather3A_2778] : memref<64x128xf32, #tpu.memory_space<vmem>>[vector<16xi32>, vector<16xi32>], vector<16xf32>,
      tpu.vector_store_idx %arg12[%add3A_2800, %add3A_2786], %gather3A_2806 : memref<64x128xf32, #tpu.memory_space<vmem>>[vector<16xi32>, vector<16xi32>], vector<16xf32>,
      %iota3A_2807 = tpu.iota {dimensions = array<i32: 0>} : vector<16xi32>
      %add3A_2808 = arith.constant 32 : i32
      %add3A_2809 = vector.broadcast %add3A_2808 : i32 to vector<16xi32>
      %add3A_2810 = arith.addi %iota3A_2807, %add3A_2809 : vector<16xi32>
      %gather3A_2811 = arith.constant 11 : i32
      %gather3A_2812 = arith.constant 0 : i32
      %gather3A_2813 = arith.constant 0 : i32
      %gather3A_2814 = tpu.memref_slice %arg10[%gather3A_2811, %gather3A_2812, %gather3A_2813] : memref<12x64x128xf32, #tpu.memory_space<vmem>> -> memref<1x64x128xf32, #tpu.memory_space<vmem>>
      %gather3A_2815 = tpu.memref_squeeze %gather3A_2814 : memref<1x64x128xf32, #tpu.memory_space<vmem>> -> memref<64x128xf32, #tpu.memory_space<vmem>>
      %gather3A_2816 = tpu.vector_load_idx %gather3A_2815[%add3A_2810, %gather3A_2778] : memref<64x128xf32, #tpu.memory_space<vmem>>[vector<16xi32>, vector<16xi32>], vector<16xf32>,
      tpu.vector_store_idx %arg12[%add3A_2810, %add3A_2786], %gather3A_2816 : memref<64x128xf32, #tpu.memory_space<vmem>>[vector<16xi32>, vector<16xi32>], vector<16xf32>,
      %iota3A_2817 = tpu.iota {dimensions = array<i32: 0>} : vector<16xi32>
      %add3A_2818 = arith.constant 48 : i32
      %add3A_2819 = vector.broadcast %add3A_2818 : i32 to vector<16xi32>
      %add3A_2820 = arith.addi %iota3A_2817, %add3A_2819 : vector<16xi32>
      %gather3A_2821 = arith.constant 11 : i32
      %gather3A_2822 = arith.constant 0 : i32
      %gather3A_2823 = arith.constant 0 : i32
      %gather3A_2824 = tpu.memref_slice %arg10[%gather3A_2821, %gather3A_2822, %gather3A_2823] : memref<12x64x128xf32, #tpu.memory_space<vmem>> -> memref<1x64x128xf32, #tpu.memory_space<vmem>>
      %gather3A_2825 = tpu.memref_squeeze %gather3A_2824 : memref<1x64x128xf32, #tpu.memory_space<vmem>> -> memref<64x128xf32, #tpu.memory_space<vmem>>
      %gather3A_2826 = tpu.vector_load_idx %gather3A_2825[%add3A_2820, %gather3A_2778] : memref<64x128xf32, #tpu.memory_space<vmem>>[vector<16xi32>, vector<16xi32>], vector<16xf32>,
      tpu.vector_store_idx %arg12[%add3A_2820, %add3A_2786], %gather3A_2826 : memref<64x128xf32, #tpu.memory_space<vmem>>[vector<16xi32>, vector<16xi32>], vector<16xf32>,
      %dma_wait3A_2827 = arith.constant 0 : i32
      %dma_wait3A_2828 = arith.constant 0 : i32
      %dma_wait3A_2829 = arith.constant 0 : i32
      %dma_wait3A_2830 = tpu.memref_slice %arg10[%dma_wait3A_2827, %dma_wait3A_2828, %dma_wait3A_2829] : memref<12x64x128xf32, #tpu.memory_space<vmem>> -> memref<1x64x128xf32, #tpu.memory_space<vmem>>
      %dma_wait3A_2831 = tpu.memref_squeeze %dma_wait3A_2830 : memref<1x64x128xf32, #tpu.memory_space<vmem>> -> memref<64x128xf32, #tpu.memory_space<vmem>>
      %dma_wait3A_2832 = arith.constant 0 : i32
      %dma_wait3A_2833 = tpu.memref_slice %arg4[%dma_wait3A_2832, %multiple_of3A_2002] : memref<64x1000000xf32, #tpu.memory_space<hbm>> -> memref<64x128xf32, #tpu.memory_space<hbm>>
      %dma_wait3A_2834 = arith.constant 0 : i32
      %dma_wait3A_2835 = arith.constant 0 : i32
      %dma_wait3A_2836 = tpu.memref_slice %arg10[%dma_wait3A_2827, %dma_wait3A_2834, %dma_wait3A_2835] : memref<12x64x128xf32, #tpu.memory_space<vmem>> -> memref<1x64x128xf32, #tpu.memory_space<vmem>>
      %dma_wait3A_2837 = tpu.memref_squeeze %dma_wait3A_2836 : memref<1x64x128xf32, #tpu.memory_space<vmem>> -> memref<64x128xf32, #tpu.memory_space<vmem>>
      %dma_wait3A_2838 = arith.constant 0 : i32
      %dma_wait3A_2839 = tpu.memref_slice %arg4[%dma_wait3A_2838, %multiple_of3A_2002] : memref<64x1000000xf32, #tpu.memory_space<hbm>> -> memref<64x128xf32, #tpu.memory_space<hbm>>
      tpu.wait_dma2 semaphore(%arg13 : memref<!tpu.dma_semaphore, #tpu.memory_space<semaphore_mem>>) src(%dma_wait3A_2839 : memref<64x128xf32, #tpu.memory_space<hbm>>) dst(%dma_wait3A_2837 : memref<64x128xf32, #tpu.memory_space<vmem>>)
      %broadcast_in_dim3A_2840 = arith.constant 0 : i32
      %broadcast_in_dim3A_2841 = vector.broadcast %broadcast_in_dim3A_2840 : i32 to vector<16xi32>
      %add3A_2842 = arith.constant 12 : i32
      %add3A_2843 = vector.broadcast %add3A_2842 : i32 to vector<16xi32>
      %add3A_2844 = arith.addi %broadcast_in_dim3A_2841, %add3A_2843 : vector<16xi32>
      %lt3A_2845 = arith.constant 0 : i32
      %lt3A_2846 = vector.broadcast %lt3A_2845 : i32 to vector<16xi32>
      %lt3A_2847 = arith.cmpi slt, %add3A_2844, %lt3A_2846 : vector<16xi32>
      %add3A_2848 = arith.constant 16 : i32
      %add3A_2849 = vector.broadcast %add3A_2848 : i32 to vector<16xi32>
      %add3A_2850 = arith.addi %add3A_2844, %add3A_2849 : vector<16xi32>
      %select_n3A_2851 = arith.select %lt3A_2847, %add3A_2850, %add3A_2844 : vector<16xi1>, vector<16xi32>
      %broadcast_in_dim3A_2852 = vector.shape_cast %select_n3A_2851 : vector<16xi32> to vector<16x1xi32>
      %gather3A_2853 = vector.shape_cast %broadcast_in_dim3A_2852 : vector<16x1xi32> to vector<16xi32>
      %gather3A_2854 = tpu.dynamic_gather %and3A_75[%gather3A_2853] in [0] : vector<16xi32>, vector<16xi32> -> vector<16xi32>
      %add3A_2855 = arith.constant 12 : i32
      %add3A_2856 = arith.addi %mul3A_14, %add3A_2855 : i32
      %add3A_2857 = arith.constant 0 : i32
      %add3A_2858 = arith.addi %add3A_2856, %add3A_2857 : i32
      %broadcast_in_dim3A_2859 = arith.constant 0 : i32
      %broadcast_in_dim3A_2860 = vector.broadcast %broadcast_in_dim3A_2859 : i32 to vector<16xi32>
      %add3A_2861 = vector.broadcast %add3A_2858 : i32 to vector<16xi32>
      %add3A_2862 = arith.addi %add3A_2861, %broadcast_in_dim3A_2860 : vector<16xi32>
      %iota3A_2863 = tpu.iota {dimensions = array<i32: 0>} : vector<16xi32>
      %add3A_2864 = arith.constant 0 : i32
      %add3A_2865 = vector.broadcast %add3A_2864 : i32 to vector<16xi32>
      %add3A_2866 = arith.addi %iota3A_2863, %add3A_2865 : vector<16xi32>
      %gather3A_2867 = arith.constant 0 : i32
      %gather3A_2868 = arith.constant 0 : i32
      %gather3A_2869 = arith.constant 0 : i32
      %gather3A_2870 = tpu.memref_slice %arg10[%gather3A_2867, %gather3A_2868, %gather3A_2869] : memref<12x64x128xf32, #tpu.memory_space<vmem>> -> memref<1x64x128xf32, #tpu.memory_space<vmem>>
      %gather3A_2871 = tpu.memref_squeeze %gather3A_2870 : memref<1x64x128xf32, #tpu.memory_space<vmem>> -> memref<64x128xf32, #tpu.memory_space<vmem>>
      %gather3A_2872 = tpu.vector_load_idx %gather3A_2871[%add3A_2866, %gather3A_2854] : memref<64x128xf32, #tpu.memory_space<vmem>>[vector<16xi32>, vector<16xi32>], vector<16xf32>,
      tpu.vector_store_idx %arg11[%add3A_2866, %add3A_2862], %gather3A_2872 : memref<64x128xf32, #tpu.memory_space<vmem>>[vector<16xi32>, vector<16xi32>], vector<16xf32>,
      %iota3A_2873 = tpu.iota {dimensions = array<i32: 0>} : vector<16xi32>
      %add3A_2874 = arith.constant 16 : i32
      %add3A_2875 = vector.broadcast %add3A_2874 : i32 to vector<16xi32>
      %add3A_2876 = arith.addi %iota3A_2873, %add3A_2875 : vector<16xi32>
      %gather3A_2877 = arith.constant 0 : i32
      %gather3A_2878 = arith.constant 0 : i32
      %gather3A_2879 = arith.constant 0 : i32
      %gather3A_2880 = tpu.memref_slice %arg10[%gather3A_2877, %gather3A_2878, %gather3A_2879] : memref<12x64x128xf32, #tpu.memory_space<vmem>> -> memref<1x64x128xf32, #tpu.memory_space<vmem>>
      %gather3A_2881 = tpu.memref_squeeze %gather3A_2880 : memref<1x64x128xf32, #tpu.memory_space<vmem>> -> memref<64x128xf32, #tpu.memory_space<vmem>>
      %gather3A_2882 = tpu.vector_load_idx %gather3A_2881[%add3A_2876, %gather3A_2854] : memref<64x128xf32, #tpu.memory_space<vmem>>[vector<16xi32>, vector<16xi32>], vector<16xf32>,
      tpu.vector_store_idx %arg11[%add3A_2876, %add3A_2862], %gather3A_2882 : memref<64x128xf32, #tpu.memory_space<vmem>>[vector<16xi32>, vector<16xi32>], vector<16xf32>,
      %iota3A_2883 = tpu.iota {dimensions = array<i32: 0>} : vector<16xi32>
      %add3A_2884 = arith.constant 32 : i32
      %add3A_2885 = vector.broadcast %add3A_2884 : i32 to vector<16xi32>
      %add3A_2886 = arith.addi %iota3A_2883, %add3A_2885 : vector<16xi32>
      %gather3A_2887 = arith.constant 0 : i32
      %gather3A_2888 = arith.constant 0 : i32
      %gather3A_2889 = arith.constant 0 : i32
      %gather3A_2890 = tpu.memref_slice %arg10[%gather3A_2887, %gather3A_2888, %gather3A_2889] : memref<12x64x128xf32, #tpu.memory_space<vmem>> -> memref<1x64x128xf32, #tpu.memory_space<vmem>>
      %gather3A_2891 = tpu.memref_squeeze %gather3A_2890 : memref<1x64x128xf32, #tpu.memory_space<vmem>> -> memref<64x128xf32, #tpu.memory_space<vmem>>
      %gather3A_2892 = tpu.vector_load_idx %gather3A_2891[%add3A_2886, %gather3A_2854] : memref<64x128xf32, #tpu.memory_space<vmem>>[vector<16xi32>, vector<16xi32>], vector<16xf32>,
      tpu.vector_store_idx %arg11[%add3A_2886, %add3A_2862], %gather3A_2892 : memref<64x128xf32, #tpu.memory_space<vmem>>[vector<16xi32>, vector<16xi32>], vector<16xf32>,
      %iota3A_2893 = tpu.iota {dimensions = array<i32: 0>} : vector<16xi32>
      %add3A_2894 = arith.constant 48 : i32
      %add3A_2895 = vector.broadcast %add3A_2894 : i32 to vector<16xi32>
      %add3A_2896 = arith.addi %iota3A_2893, %add3A_2895 : vector<16xi32>
      %gather3A_2897 = arith.constant 0 : i32
      %gather3A_2898 = arith.constant 0 : i32
      %gather3A_2899 = arith.constant 0 : i32
      %gather3A_2900 = tpu.memref_slice %arg10[%gather3A_2897, %gather3A_2898, %gather3A_2899] : memref<12x64x128xf32, #tpu.memory_space<vmem>> -> memref<1x64x128xf32, #tpu.memory_space<vmem>>
      %gather3A_2901 = tpu.memref_squeeze %gather3A_2900 : memref<1x64x128xf32, #tpu.memory_space<vmem>> -> memref<64x128xf32, #tpu.memory_space<vmem>>
      %gather3A_2902 = tpu.vector_load_idx %gather3A_2901[%add3A_2896, %gather3A_2854] : memref<64x128xf32, #tpu.memory_space<vmem>>[vector<16xi32>, vector<16xi32>], vector<16xf32>,
      tpu.vector_store_idx %arg11[%add3A_2896, %add3A_2862], %gather3A_2902 : memref<64x128xf32, #tpu.memory_space<vmem>>[vector<16xi32>, vector<16xi32>], vector<16xf32>,
      %dma_wait3A_2903 = arith.constant 1 : i32
      %dma_wait3A_2904 = arith.constant 0 : i32
      %dma_wait3A_2905 = arith.constant 0 : i32
      %dma_wait3A_2906 = tpu.memref_slice %arg10[%dma_wait3A_2903, %dma_wait3A_2904, %dma_wait3A_2905] : memref<12x64x128xf32, #tpu.memory_space<vmem>> -> memref<1x64x128xf32, #tpu.memory_space<vmem>>
      %dma_wait3A_2907 = tpu.memref_squeeze %dma_wait3A_2906 : memref<1x64x128xf32, #tpu.memory_space<vmem>> -> memref<64x128xf32, #tpu.memory_space<vmem>>
      %dma_wait3A_2908 = arith.constant 0 : i32
      %dma_wait3A_2909 = tpu.memref_slice %arg4[%dma_wait3A_2908, %multiple_of3A_2031] : memref<64x1000000xf32, #tpu.memory_space<hbm>> -> memref<64x128xf32, #tpu.memory_space<hbm>>
      %dma_wait3A_2910 = arith.constant 0 : i32
      %dma_wait3A_2911 = arith.constant 0 : i32
      %dma_wait3A_2912 = tpu.memref_slice %arg10[%dma_wait3A_2903, %dma_wait3A_2910, %dma_wait3A_2911] : memref<12x64x128xf32, #tpu.memory_space<vmem>> -> memref<1x64x128xf32, #tpu.memory_space<vmem>>
      %dma_wait3A_2913 = tpu.memref_squeeze %dma_wait3A_2912 : memref<1x64x128xf32, #tpu.memory_space<vmem>> -> memref<64x128xf32, #tpu.memory_space<vmem>>
      %dma_wait3A_2914 = arith.constant 0 : i32
      %dma_wait3A_2915 = tpu.memref_slice %arg4[%dma_wait3A_2914, %multiple_of3A_2031] : memref<64x1000000xf32, #tpu.memory_space<hbm>> -> memref<64x128xf32, #tpu.memory_space<hbm>>
      tpu.wait_dma2 semaphore(%arg13 : memref<!tpu.dma_semaphore, #tpu.memory_space<semaphore_mem>>) src(%dma_wait3A_2915 : memref<64x128xf32, #tpu.memory_space<hbm>>) dst(%dma_wait3A_2913 : memref<64x128xf32, #tpu.memory_space<vmem>>)
      %broadcast_in_dim3A_2916 = arith.constant 0 : i32
      %broadcast_in_dim3A_2917 = vector.broadcast %broadcast_in_dim3A_2916 : i32 to vector<16xi32>
      %add3A_2918 = arith.constant 13 : i32
      %add3A_2919 = vector.broadcast %add3A_2918 : i32 to vector<16xi32>
      %add3A_2920 = arith.addi %broadcast_in_dim3A_2917, %add3A_2919 : vector<16xi32>
      %lt3A_2921 = arith.constant 0 : i32
      %lt3A_2922 = vector.broadcast %lt3A_2921 : i32 to vector<16xi32>
      %lt3A_2923 = arith.cmpi slt, %add3A_2920, %lt3A_2922 : vector<16xi32>
      %add3A_2924 = arith.constant 16 : i32
      %add3A_2925 = vector.broadcast %add3A_2924 : i32 to vector<16xi32>
      %add3A_2926 = arith.addi %add3A_2920, %add3A_2925 : vector<16xi32>
      %select_n3A_2927 = arith.select %lt3A_2923, %add3A_2926, %add3A_2920 : vector<16xi1>, vector<16xi32>
      %broadcast_in_dim3A_2928 = vector.shape_cast %select_n3A_2927 : vector<16xi32> to vector<16x1xi32>
      %gather3A_2929 = vector.shape_cast %broadcast_in_dim3A_2928 : vector<16x1xi32> to vector<16xi32>
      %gather3A_2930 = tpu.dynamic_gather %and3A_75[%gather3A_2929] in [0] : vector<16xi32>, vector<16xi32> -> vector<16xi32>
      %add3A_2931 = arith.constant 12 : i32
      %add3A_2932 = arith.addi %mul3A_14, %add3A_2931 : i32
      %add3A_2933 = arith.constant 1 : i32
      %add3A_2934 = arith.addi %add3A_2932, %add3A_2933 : i32
      %broadcast_in_dim3A_2935 = arith.constant 0 : i32
      %broadcast_in_dim3A_2936 = vector.broadcast %broadcast_in_dim3A_2935 : i32 to vector<16xi32>
      %add3A_2937 = vector.broadcast %add3A_2934 : i32 to vector<16xi32>
      %add3A_2938 = arith.addi %add3A_2937, %broadcast_in_dim3A_2936 : vector<16xi32>
      %iota3A_2939 = tpu.iota {dimensions = array<i32: 0>} : vector<16xi32>
      %add3A_2940 = arith.constant 0 : i32
      %add3A_2941 = vector.broadcast %add3A_2940 : i32 to vector<16xi32>
      %add3A_2942 = arith.addi %iota3A_2939, %add3A_2941 : vector<16xi32>
      %gather3A_2943 = arith.constant 1 : i32
      %gather3A_2944 = arith.constant 0 : i32
      %gather3A_2945 = arith.constant 0 : i32
      %gather3A_2946 = tpu.memref_slice %arg10[%gather3A_2943, %gather3A_2944, %gather3A_2945] : memref<12x64x128xf32, #tpu.memory_space<vmem>> -> memref<1x64x128xf32, #tpu.memory_space<vmem>>
      %gather3A_2947 = tpu.memref_squeeze %gather3A_2946 : memref<1x64x128xf32, #tpu.memory_space<vmem>> -> memref<64x128xf32, #tpu.memory_space<vmem>>
      %gather3A_2948 = tpu.vector_load_idx %gather3A_2947[%add3A_2942, %gather3A_2930] : memref<64x128xf32, #tpu.memory_space<vmem>>[vector<16xi32>, vector<16xi32>], vector<16xf32>,
      tpu.vector_store_idx %arg11[%add3A_2942, %add3A_2938], %gather3A_2948 : memref<64x128xf32, #tpu.memory_space<vmem>>[vector<16xi32>, vector<16xi32>], vector<16xf32>,
      %iota3A_2949 = tpu.iota {dimensions = array<i32: 0>} : vector<16xi32>
      %add3A_2950 = arith.constant 16 : i32
      %add3A_2951 = vector.broadcast %add3A_2950 : i32 to vector<16xi32>
      %add3A_2952 = arith.addi %iota3A_2949, %add3A_2951 : vector<16xi32>
      %gather3A_2953 = arith.constant 1 : i32
      %gather3A_2954 = arith.constant 0 : i32
      %gather3A_2955 = arith.constant 0 : i32
      %gather3A_2956 = tpu.memref_slice %arg10[%gather3A_2953, %gather3A_2954, %gather3A_2955] : memref<12x64x128xf32, #tpu.memory_space<vmem>> -> memref<1x64x128xf32, #tpu.memory_space<vmem>>
      %gather3A_2957 = tpu.memref_squeeze %gather3A_2956 : memref<1x64x128xf32, #tpu.memory_space<vmem>> -> memref<64x128xf32, #tpu.memory_space<vmem>>
      %gather3A_2958 = tpu.vector_load_idx %gather3A_2957[%add3A_2952, %gather3A_2930] : memref<64x128xf32, #tpu.memory_space<vmem>>[vector<16xi32>, vector<16xi32>], vector<16xf32>,
      tpu.vector_store_idx %arg11[%add3A_2952, %add3A_2938], %gather3A_2958 : memref<64x128xf32, #tpu.memory_space<vmem>>[vector<16xi32>, vector<16xi32>], vector<16xf32>,
      %iota3A_2959 = tpu.iota {dimensions = array<i32: 0>} : vector<16xi32>
      %add3A_2960 = arith.constant 32 : i32
      %add3A_2961 = vector.broadcast %add3A_2960 : i32 to vector<16xi32>
      %add3A_2962 = arith.addi %iota3A_2959, %add3A_2961 : vector<16xi32>
      %gather3A_2963 = arith.constant 1 : i32
      %gather3A_2964 = arith.constant 0 : i32
      %gather3A_2965 = arith.constant 0 : i32
      %gather3A_2966 = tpu.memref_slice %arg10[%gather3A_2963, %gather3A_2964, %gather3A_2965] : memref<12x64x128xf32, #tpu.memory_space<vmem>> -> memref<1x64x128xf32, #tpu.memory_space<vmem>>
      %gather3A_2967 = tpu.memref_squeeze %gather3A_2966 : memref<1x64x128xf32, #tpu.memory_space<vmem>> -> memref<64x128xf32, #tpu.memory_space<vmem>>
      %gather3A_2968 = tpu.vector_load_idx %gather3A_2967[%add3A_2962, %gather3A_2930] : memref<64x128xf32, #tpu.memory_space<vmem>>[vector<16xi32>, vector<16xi32>], vector<16xf32>,
      tpu.vector_store_idx %arg11[%add3A_2962, %add3A_2938], %gather3A_2968 : memref<64x128xf32, #tpu.memory_space<vmem>>[vector<16xi32>, vector<16xi32>], vector<16xf32>,
      %iota3A_2969 = tpu.iota {dimensions = array<i32: 0>} : vector<16xi32>
      %add3A_2970 = arith.constant 48 : i32
      %add3A_2971 = vector.broadcast %add3A_2970 : i32 to vector<16xi32>
      %add3A_2972 = arith.addi %iota3A_2969, %add3A_2971 : vector<16xi32>
      %gather3A_2973 = arith.constant 1 : i32
      %gather3A_2974 = arith.constant 0 : i32
      %gather3A_2975 = arith.constant 0 : i32
      %gather3A_2976 = tpu.memref_slice %arg10[%gather3A_2973, %gather3A_2974, %gather3A_2975] : memref<12x64x128xf32, #tpu.memory_space<vmem>> -> memref<1x64x128xf32, #tpu.memory_space<vmem>>
      %gather3A_2977 = tpu.memref_squeeze %gather3A_2976 : memref<1x64x128xf32, #tpu.memory_space<vmem>> -> memref<64x128xf32, #tpu.memory_space<vmem>>
      %gather3A_2978 = tpu.vector_load_idx %gather3A_2977[%add3A_2972, %gather3A_2930] : memref<64x128xf32, #tpu.memory_space<vmem>>[vector<16xi32>, vector<16xi32>], vector<16xf32>,
      tpu.vector_store_idx %arg11[%add3A_2972, %add3A_2938], %gather3A_2978 : memref<64x128xf32, #tpu.memory_space<vmem>>[vector<16xi32>, vector<16xi32>], vector<16xf32>,
      %dma_wait3A_2979 = arith.constant 2 : i32
      %dma_wait3A_2980 = arith.constant 0 : i32
      %dma_wait3A_2981 = arith.constant 0 : i32
      %dma_wait3A_2982 = tpu.memref_slice %arg10[%dma_wait3A_2979, %dma_wait3A_2980, %dma_wait3A_2981] : memref<12x64x128xf32, #tpu.memory_space<vmem>> -> memref<1x64x128xf32, #tpu.memory_space<vmem>>
      %dma_wait3A_2983 = tpu.memref_squeeze %dma_wait3A_2982 : memref<1x64x128xf32, #tpu.memory_space<vmem>> -> memref<64x128xf32, #tpu.memory_space<vmem>>
      %dma_wait3A_2984 = arith.constant 0 : i32
      %dma_wait3A_2985 = tpu.memref_slice %arg4[%dma_wait3A_2984, %multiple_of3A_2060] : memref<64x1000000xf32, #tpu.memory_space<hbm>> -> memref<64x128xf32, #tpu.memory_space<hbm>>
      %dma_wait3A_2986 = arith.constant 0 : i32
      %dma_wait3A_2987 = arith.constant 0 : i32
      %dma_wait3A_2988 = tpu.memref_slice %arg10[%dma_wait3A_2979, %dma_wait3A_2986, %dma_wait3A_2987] : memref<12x64x128xf32, #tpu.memory_space<vmem>> -> memref<1x64x128xf32, #tpu.memory_space<vmem>>
      %dma_wait3A_2989 = tpu.memref_squeeze %dma_wait3A_2988 : memref<1x64x128xf32, #tpu.memory_space<vmem>> -> memref<64x128xf32, #tpu.memory_space<vmem>>
      %dma_wait3A_2990 = arith.constant 0 : i32
      %dma_wait3A_2991 = tpu.memref_slice %arg4[%dma_wait3A_2990, %multiple_of3A_2060] : memref<64x1000000xf32, #tpu.memory_space<hbm>> -> memref<64x128xf32, #tpu.memory_space<hbm>>
      tpu.wait_dma2 semaphore(%arg13 : memref<!tpu.dma_semaphore, #tpu.memory_space<semaphore_mem>>) src(%dma_wait3A_2991 : memref<64x128xf32, #tpu.memory_space<hbm>>) dst(%dma_wait3A_2989 : memref<64x128xf32, #tpu.memory_space<vmem>>)
      %broadcast_in_dim3A_2992 = arith.constant 0 : i32
      %broadcast_in_dim3A_2993 = vector.broadcast %broadcast_in_dim3A_2992 : i32 to vector<16xi32>
      %add3A_2994 = arith.constant 14 : i32
      %add3A_2995 = vector.broadcast %add3A_2994 : i32 to vector<16xi32>
      %add3A_2996 = arith.addi %broadcast_in_dim3A_2993, %add3A_2995 : vector<16xi32>
      %lt3A_2997 = arith.constant 0 : i32
      %lt3A_2998 = vector.broadcast %lt3A_2997 : i32 to vector<16xi32>
      %lt3A_2999 = arith.cmpi slt, %add3A_2996, %lt3A_2998 : vector<16xi32>
      %add3A_3000 = arith.constant 16 : i32
      %add3A_3001 = vector.broadcast %add3A_3000 : i32 to vector<16xi32>
      %add3A_3002 = arith.addi %add3A_2996, %add3A_3001 : vector<16xi32>
      %select_n3A_3003 = arith.select %lt3A_2999, %add3A_3002, %add3A_2996 : vector<16xi1>, vector<16xi32>
      %broadcast_in_dim3A_3004 = vector.shape_cast %select_n3A_3003 : vector<16xi32> to vector<16x1xi32>
      %gather3A_3005 = vector.shape_cast %broadcast_in_dim3A_3004 : vector<16x1xi32> to vector<16xi32>
      %gather3A_3006 = tpu.dynamic_gather %and3A_75[%gather3A_3005] in [0] : vector<16xi32>, vector<16xi32> -> vector<16xi32>
      %add3A_3007 = arith.constant 12 : i32
      %add3A_3008 = arith.addi %mul3A_14, %add3A_3007 : i32
      %add3A_3009 = arith.constant 2 : i32
      %add3A_3010 = arith.addi %add3A_3008, %add3A_3009 : i32
      %broadcast_in_dim3A_3011 = arith.constant 0 : i32
      %broadcast_in_dim3A_3012 = vector.broadcast %broadcast_in_dim3A_3011 : i32 to vector<16xi32>
      %add3A_3013 = vector.broadcast %add3A_3010 : i32 to vector<16xi32>
      %add3A_3014 = arith.addi %add3A_3013, %broadcast_in_dim3A_3012 : vector<16xi32>
      %iota3A_3015 = tpu.iota {dimensions = array<i32: 0>} : vector<16xi32>
      %add3A_3016 = arith.constant 0 : i32
      %add3A_3017 = vector.broadcast %add3A_3016 : i32 to vector<16xi32>
      %add3A_3018 = arith.addi %iota3A_3015, %add3A_3017 : vector<16xi32>
      %gather3A_3019 = arith.constant 2 : i32
      %gather3A_3020 = arith.constant 0 : i32
      %gather3A_3021 = arith.constant 0 : i32
      %gather3A_3022 = tpu.memref_slice %arg10[%gather3A_3019, %gather3A_3020, %gather3A_3021] : memref<12x64x128xf32, #tpu.memory_space<vmem>> -> memref<1x64x128xf32, #tpu.memory_space<vmem>>
      %gather3A_3023 = tpu.memref_squeeze %gather3A_3022 : memref<1x64x128xf32, #tpu.memory_space<vmem>> -> memref<64x128xf32, #tpu.memory_space<vmem>>
      %gather3A_3024 = tpu.vector_load_idx %gather3A_3023[%add3A_3018, %gather3A_3006] : memref<64x128xf32, #tpu.memory_space<vmem>>[vector<16xi32>, vector<16xi32>], vector<16xf32>,
      tpu.vector_store_idx %arg11[%add3A_3018, %add3A_3014], %gather3A_3024 : memref<64x128xf32, #tpu.memory_space<vmem>>[vector<16xi32>, vector<16xi32>], vector<16xf32>,
      %iota3A_3025 = tpu.iota {dimensions = array<i32: 0>} : vector<16xi32>
      %add3A_3026 = arith.constant 16 : i32
      %add3A_3027 = vector.broadcast %add3A_3026 : i32 to vector<16xi32>
      %add3A_3028 = arith.addi %iota3A_3025, %add3A_3027 : vector<16xi32>
      %gather3A_3029 = arith.constant 2 : i32
      %gather3A_3030 = arith.constant 0 : i32
      %gather3A_3031 = arith.constant 0 : i32
      %gather3A_3032 = tpu.memref_slice %arg10[%gather3A_3029, %gather3A_3030, %gather3A_3031] : memref<12x64x128xf32, #tpu.memory_space<vmem>> -> memref<1x64x128xf32, #tpu.memory_space<vmem>>
      %gather3A_3033 = tpu.memref_squeeze %gather3A_3032 : memref<1x64x128xf32, #tpu.memory_space<vmem>> -> memref<64x128xf32, #tpu.memory_space<vmem>>
      %gather3A_3034 = tpu.vector_load_idx %gather3A_3033[%add3A_3028, %gather3A_3006] : memref<64x128xf32, #tpu.memory_space<vmem>>[vector<16xi32>, vector<16xi32>], vector<16xf32>,
      tpu.vector_store_idx %arg11[%add3A_3028, %add3A_3014], %gather3A_3034 : memref<64x128xf32, #tpu.memory_space<vmem>>[vector<16xi32>, vector<16xi32>], vector<16xf32>,
      %iota3A_3035 = tpu.iota {dimensions = array<i32: 0>} : vector<16xi32>
      %add3A_3036 = arith.constant 32 : i32
      %add3A_3037 = vector.broadcast %add3A_3036 : i32 to vector<16xi32>
      %add3A_3038 = arith.addi %iota3A_3035, %add3A_3037 : vector<16xi32>
      %gather3A_3039 = arith.constant 2 : i32
      %gather3A_3040 = arith.constant 0 : i32
      %gather3A_3041 = arith.constant 0 : i32
      %gather3A_3042 = tpu.memref_slice %arg10[%gather3A_3039, %gather3A_3040, %gather3A_3041] : memref<12x64x128xf32, #tpu.memory_space<vmem>> -> memref<1x64x128xf32, #tpu.memory_space<vmem>>
      %gather3A_3043 = tpu.memref_squeeze %gather3A_3042 : memref<1x64x128xf32, #tpu.memory_space<vmem>> -> memref<64x128xf32, #tpu.memory_space<vmem>>
      %gather3A_3044 = tpu.vector_load_idx %gather3A_3043[%add3A_3038, %gather3A_3006] : memref<64x128xf32, #tpu.memory_space<vmem>>[vector<16xi32>, vector<16xi32>], vector<16xf32>,
      tpu.vector_store_idx %arg11[%add3A_3038, %add3A_3014], %gather3A_3044 : memref<64x128xf32, #tpu.memory_space<vmem>>[vector<16xi32>, vector<16xi32>], vector<16xf32>,
      %iota3A_3045 = tpu.iota {dimensions = array<i32: 0>} : vector<16xi32>
      %add3A_3046 = arith.constant 48 : i32
      %add3A_3047 = vector.broadcast %add3A_3046 : i32 to vector<16xi32>
      %add3A_3048 = arith.addi %iota3A_3045, %add3A_3047 : vector<16xi32>
      %gather3A_3049 = arith.constant 2 : i32
      %gather3A_3050 = arith.constant 0 : i32
      %gather3A_3051 = arith.constant 0 : i32
      %gather3A_3052 = tpu.memref_slice %arg10[%gather3A_3049, %gather3A_3050, %gather3A_3051] : memref<12x64x128xf32, #tpu.memory_space<vmem>> -> memref<1x64x128xf32, #tpu.memory_space<vmem>>
      %gather3A_3053 = tpu.memref_squeeze %gather3A_3052 : memref<1x64x128xf32, #tpu.memory_space<vmem>> -> memref<64x128xf32, #tpu.memory_space<vmem>>
      %gather3A_3054 = tpu.vector_load_idx %gather3A_3053[%add3A_3048, %gather3A_3006] : memref<64x128xf32, #tpu.memory_space<vmem>>[vector<16xi32>, vector<16xi32>], vector<16xf32>,
      tpu.vector_store_idx %arg11[%add3A_3048, %add3A_3014], %gather3A_3054 : memref<64x128xf32, #tpu.memory_space<vmem>>[vector<16xi32>, vector<16xi32>], vector<16xf32>,
      %dma_wait3A_3055 = arith.constant 3 : i32
      %dma_wait3A_3056 = arith.constant 0 : i32
      %dma_wait3A_3057 = arith.constant 0 : i32
      %dma_wait3A_3058 = tpu.memref_slice %arg10[%dma_wait3A_3055, %dma_wait3A_3056, %dma_wait3A_3057] : memref<12x64x128xf32, #tpu.memory_space<vmem>> -> memref<1x64x128xf32, #tpu.memory_space<vmem>>
      %dma_wait3A_3059 = tpu.memref_squeeze %dma_wait3A_3058 : memref<1x64x128xf32, #tpu.memory_space<vmem>> -> memref<64x128xf32, #tpu.memory_space<vmem>>
      %dma_wait3A_3060 = arith.constant 0 : i32
      %dma_wait3A_3061 = tpu.memref_slice %arg4[%dma_wait3A_3060, %multiple_of3A_2089] : memref<64x1000000xf32, #tpu.memory_space<hbm>> -> memref<64x128xf32, #tpu.memory_space<hbm>>
      %dma_wait3A_3062 = arith.constant 0 : i32
      %dma_wait3A_3063 = arith.constant 0 : i32
      %dma_wait3A_3064 = tpu.memref_slice %arg10[%dma_wait3A_3055, %dma_wait3A_3062, %dma_wait3A_3063] : memref<12x64x128xf32, #tpu.memory_space<vmem>> -> memref<1x64x128xf32, #tpu.memory_space<vmem>>
      %dma_wait3A_3065 = tpu.memref_squeeze %dma_wait3A_3064 : memref<1x64x128xf32, #tpu.memory_space<vmem>> -> memref<64x128xf32, #tpu.memory_space<vmem>>
      %dma_wait3A_3066 = arith.constant 0 : i32
      %dma_wait3A_3067 = tpu.memref_slice %arg4[%dma_wait3A_3066, %multiple_of3A_2089] : memref<64x1000000xf32, #tpu.memory_space<hbm>> -> memref<64x128xf32, #tpu.memory_space<hbm>>
      tpu.wait_dma2 semaphore(%arg13 : memref<!tpu.dma_semaphore, #tpu.memory_space<semaphore_mem>>) src(%dma_wait3A_3067 : memref<64x128xf32, #tpu.memory_space<hbm>>) dst(%dma_wait3A_3065 : memref<64x128xf32, #tpu.memory_space<vmem>>)
      %broadcast_in_dim3A_3068 = arith.constant 0 : i32
      %broadcast_in_dim3A_3069 = vector.broadcast %broadcast_in_dim3A_3068 : i32 to vector<16xi32>
      %add3A_3070 = arith.constant 15 : i32
      %add3A_3071 = vector.broadcast %add3A_3070 : i32 to vector<16xi32>
      %add3A_3072 = arith.addi %broadcast_in_dim3A_3069, %add3A_3071 : vector<16xi32>
      %lt3A_3073 = arith.constant 0 : i32
      %lt3A_3074 = vector.broadcast %lt3A_3073 : i32 to vector<16xi32>
      %lt3A_3075 = arith.cmpi slt, %add3A_3072, %lt3A_3074 : vector<16xi32>
      %add3A_3076 = arith.constant 16 : i32
      %add3A_3077 = vector.broadcast %add3A_3076 : i32 to vector<16xi32>
      %add3A_3078 = arith.addi %add3A_3072, %add3A_3077 : vector<16xi32>
      %select_n3A_3079 = arith.select %lt3A_3075, %add3A_3078, %add3A_3072 : vector<16xi1>, vector<16xi32>
      %broadcast_in_dim3A_3080 = vector.shape_cast %select_n3A_3079 : vector<16xi32> to vector<16x1xi32>
      %gather3A_3081 = vector.shape_cast %broadcast_in_dim3A_3080 : vector<16x1xi32> to vector<16xi32>
      %gather3A_3082 = tpu.dynamic_gather %and3A_75[%gather3A_3081] in [0] : vector<16xi32>, vector<16xi32> -> vector<16xi32>
      %add3A_3083 = arith.constant 12 : i32
      %add3A_3084 = arith.addi %mul3A_14, %add3A_3083 : i32
      %add3A_3085 = arith.constant 3 : i32
      %add3A_3086 = arith.addi %add3A_3084, %add3A_3085 : i32
      %broadcast_in_dim3A_3087 = arith.constant 0 : i32
      %broadcast_in_dim3A_3088 = vector.broadcast %broadcast_in_dim3A_3087 : i32 to vector<16xi32>
      %add3A_3089 = vector.broadcast %add3A_3086 : i32 to vector<16xi32>
      %add3A_3090 = arith.addi %add3A_3089, %broadcast_in_dim3A_3088 : vector<16xi32>
      %iota3A_3091 = tpu.iota {dimensions = array<i32: 0>} : vector<16xi32>
      %add3A_3092 = arith.constant 0 : i32
      %add3A_3093 = vector.broadcast %add3A_3092 : i32 to vector<16xi32>
      %add3A_3094 = arith.addi %iota3A_3091, %add3A_3093 : vector<16xi32>
      %gather3A_3095 = arith.constant 3 : i32
      %gather3A_3096 = arith.constant 0 : i32
      %gather3A_3097 = arith.constant 0 : i32
      %gather3A_3098 = tpu.memref_slice %arg10[%gather3A_3095, %gather3A_3096, %gather3A_3097] : memref<12x64x128xf32, #tpu.memory_space<vmem>> -> memref<1x64x128xf32, #tpu.memory_space<vmem>>
      %gather3A_3099 = tpu.memref_squeeze %gather3A_3098 : memref<1x64x128xf32, #tpu.memory_space<vmem>> -> memref<64x128xf32, #tpu.memory_space<vmem>>
      %gather3A_3100 = tpu.vector_load_idx %gather3A_3099[%add3A_3094, %gather3A_3082] : memref<64x128xf32, #tpu.memory_space<vmem>>[vector<16xi32>, vector<16xi32>], vector<16xf32>,
      tpu.vector_store_idx %arg11[%add3A_3094, %add3A_3090], %gather3A_3100 : memref<64x128xf32, #tpu.memory_space<vmem>>[vector<16xi32>, vector<16xi32>], vector<16xf32>,
      %iota3A_3101 = tpu.iota {dimensions = array<i32: 0>} : vector<16xi32>
      %add3A_3102 = arith.constant 16 : i32
      %add3A_3103 = vector.broadcast %add3A_3102 : i32 to vector<16xi32>
      %add3A_3104 = arith.addi %iota3A_3101, %add3A_3103 : vector<16xi32>
      %gather3A_3105 = arith.constant 3 : i32
      %gather3A_3106 = arith.constant 0 : i32
      %gather3A_3107 = arith.constant 0 : i32
      %gather3A_3108 = tpu.memref_slice %arg10[%gather3A_3105, %gather3A_3106, %gather3A_3107] : memref<12x64x128xf32, #tpu.memory_space<vmem>> -> memref<1x64x128xf32, #tpu.memory_space<vmem>>
      %gather3A_3109 = tpu.memref_squeeze %gather3A_3108 : memref<1x64x128xf32, #tpu.memory_space<vmem>> -> memref<64x128xf32, #tpu.memory_space<vmem>>
      %gather3A_3110 = tpu.vector_load_idx %gather3A_3109[%add3A_3104, %gather3A_3082] : memref<64x128xf32, #tpu.memory_space<vmem>>[vector<16xi32>, vector<16xi32>], vector<16xf32>,
      tpu.vector_store_idx %arg11[%add3A_3104, %add3A_3090], %gather3A_3110 : memref<64x128xf32, #tpu.memory_space<vmem>>[vector<16xi32>, vector<16xi32>], vector<16xf32>,
      %iota3A_3111 = tpu.iota {dimensions = array<i32: 0>} : vector<16xi32>
      %add3A_3112 = arith.constant 32 : i32
      %add3A_3113 = vector.broadcast %add3A_3112 : i32 to vector<16xi32>
      %add3A_3114 = arith.addi %iota3A_3111, %add3A_3113 : vector<16xi32>
      %gather3A_3115 = arith.constant 3 : i32
      %gather3A_3116 = arith.constant 0 : i32
      %gather3A_3117 = arith.constant 0 : i32
      %gather3A_3118 = tpu.memref_slice %arg10[%gather3A_3115, %gather3A_3116, %gather3A_3117] : memref<12x64x128xf32, #tpu.memory_space<vmem>> -> memref<1x64x128xf32, #tpu.memory_space<vmem>>
      %gather3A_3119 = tpu.memref_squeeze %gather3A_3118 : memref<1x64x128xf32, #tpu.memory_space<vmem>> -> memref<64x128xf32, #tpu.memory_space<vmem>>
      %gather3A_3120 = tpu.vector_load_idx %gather3A_3119[%add3A_3114, %gather3A_3082] : memref<64x128xf32, #tpu.memory_space<vmem>>[vector<16xi32>, vector<16xi32>], vector<16xf32>,
      tpu.vector_store_idx %arg11[%add3A_3114, %add3A_3090], %gather3A_3120 : memref<64x128xf32, #tpu.memory_space<vmem>>[vector<16xi32>, vector<16xi32>], vector<16xf32>,
      %iota3A_3121 = tpu.iota {dimensions = array<i32: 0>} : vector<16xi32>
      %add3A_3122 = arith.constant 48 : i32
      %add3A_3123 = vector.broadcast %add3A_3122 : i32 to vector<16xi32>
      %add3A_3124 = arith.addi %iota3A_3121, %add3A_3123 : vector<16xi32>
      %gather3A_3125 = arith.constant 3 : i32
      %gather3A_3126 = arith.constant 0 : i32
      %gather3A_3127 = arith.constant 0 : i32
      %gather3A_3128 = tpu.memref_slice %arg10[%gather3A_3125, %gather3A_3126, %gather3A_3127] : memref<12x64x128xf32, #tpu.memory_space<vmem>> -> memref<1x64x128xf32, #tpu.memory_space<vmem>>
      %gather3A_3129 = tpu.memref_squeeze %gather3A_3128 : memref<1x64x128xf32, #tpu.memory_space<vmem>> -> memref<64x128xf32, #tpu.memory_space<vmem>>
      %gather3A_3130 = tpu.vector_load_idx %gather3A_3129[%add3A_3124, %gather3A_3082] : memref<64x128xf32, #tpu.memory_space<vmem>>[vector<16xi32>, vector<16xi32>], vector<16xf32>,
      tpu.vector_store_idx %arg11[%add3A_3124, %add3A_3090], %gather3A_3130 : memref<64x128xf32, #tpu.memory_space<vmem>>[vector<16xi32>, vector<16xi32>], vector<16xf32>,
      %dma_wait3A_3131 = arith.constant 4 : i32
      %dma_wait3A_3132 = arith.constant 0 : i32
      %dma_wait3A_3133 = arith.constant 0 : i32
      %dma_wait3A_3134 = tpu.memref_slice %arg10[%dma_wait3A_3131, %dma_wait3A_3132, %dma_wait3A_3133] : memref<12x64x128xf32, #tpu.memory_space<vmem>> -> memref<1x64x128xf32, #tpu.memory_space<vmem>>
      %dma_wait3A_3135 = tpu.memref_squeeze %dma_wait3A_3134 : memref<1x64x128xf32, #tpu.memory_space<vmem>> -> memref<64x128xf32, #tpu.memory_space<vmem>>
      %dma_wait3A_3136 = arith.constant 0 : i32
      %dma_wait3A_3137 = tpu.memref_slice %arg5[%dma_wait3A_3136, %multiple_of3A_2422] : memref<64x1000000xf32, #tpu.memory_space<hbm>> -> memref<64x128xf32, #tpu.memory_space<hbm>>
      %dma_wait3A_3138 = arith.constant 0 : i32
      %dma_wait3A_3139 = arith.constant 0 : i32
      %dma_wait3A_3140 = tpu.memref_slice %arg10[%dma_wait3A_3131, %dma_wait3A_3138, %dma_wait3A_3139] : memref<12x64x128xf32, #tpu.memory_space<vmem>> -> memref<1x64x128xf32, #tpu.memory_space<vmem>>
      %dma_wait3A_3141 = tpu.memref_squeeze %dma_wait3A_3140 : memref<1x64x128xf32, #tpu.memory_space<vmem>> -> memref<64x128xf32, #tpu.memory_space<vmem>>
      %dma_wait3A_3142 = arith.constant 0 : i32
      %dma_wait3A_3143 = tpu.memref_slice %arg5[%dma_wait3A_3142, %multiple_of3A_2422] : memref<64x1000000xf32, #tpu.memory_space<hbm>> -> memref<64x128xf32, #tpu.memory_space<hbm>>
      tpu.wait_dma2 semaphore(%arg13 : memref<!tpu.dma_semaphore, #tpu.memory_space<semaphore_mem>>) src(%dma_wait3A_3143 : memref<64x128xf32, #tpu.memory_space<hbm>>) dst(%dma_wait3A_3141 : memref<64x128xf32, #tpu.memory_space<vmem>>)
      %broadcast_in_dim3A_3144 = arith.constant 0 : i32
      %broadcast_in_dim3A_3145 = vector.broadcast %broadcast_in_dim3A_3144 : i32 to vector<16xi32>
      %add3A_3146 = arith.constant 12 : i32
      %add3A_3147 = vector.broadcast %add3A_3146 : i32 to vector<16xi32>
      %add3A_3148 = arith.addi %broadcast_in_dim3A_3145, %add3A_3147 : vector<16xi32>
      %lt3A_3149 = arith.constant 0 : i32
      %lt3A_3150 = vector.broadcast %lt3A_3149 : i32 to vector<16xi32>
      %lt3A_3151 = arith.cmpi slt, %add3A_3148, %lt3A_3150 : vector<16xi32>
      %add3A_3152 = arith.constant 16 : i32
      %add3A_3153 = vector.broadcast %add3A_3152 : i32 to vector<16xi32>
      %add3A_3154 = arith.addi %add3A_3148, %add3A_3153 : vector<16xi32>
      %select_n3A_3155 = arith.select %lt3A_3151, %add3A_3154, %add3A_3148 : vector<16xi1>, vector<16xi32>
      %broadcast_in_dim3A_3156 = vector.shape_cast %select_n3A_3155 : vector<16xi32> to vector<16x1xi32>
      %gather3A_3157 = vector.shape_cast %broadcast_in_dim3A_3156 : vector<16x1xi32> to vector<16xi32>
      %gather3A_3158 = tpu.dynamic_gather %and3A_84[%gather3A_3157] in [0] : vector<16xi32>, vector<16xi32> -> vector<16xi32>
      %add3A_3159 = arith.constant 12 : i32
      %add3A_3160 = arith.addi %mul3A_14, %add3A_3159 : i32
      %add3A_3161 = arith.constant 0 : i32
      %add3A_3162 = arith.addi %add3A_3160, %add3A_3161 : i32
      %broadcast_in_dim3A_3163 = arith.constant 0 : i32
      %broadcast_in_dim3A_3164 = vector.broadcast %broadcast_in_dim3A_3163 : i32 to vector<16xi32>
      %add3A_3165 = vector.broadcast %add3A_3162 : i32 to vector<16xi32>
      %add3A_3166 = arith.addi %add3A_3165, %broadcast_in_dim3A_3164 : vector<16xi32>
      %iota3A_3167 = tpu.iota {dimensions = array<i32: 0>} : vector<16xi32>
      %add3A_3168 = arith.constant 0 : i32
      %add3A_3169 = vector.broadcast %add3A_3168 : i32 to vector<16xi32>
      %add3A_3170 = arith.addi %iota3A_3167, %add3A_3169 : vector<16xi32>
      %gather3A_3171 = arith.constant 4 : i32
      %gather3A_3172 = arith.constant 0 : i32
      %gather3A_3173 = arith.constant 0 : i32
      %gather3A_3174 = tpu.memref_slice %arg10[%gather3A_3171, %gather3A_3172, %gather3A_3173] : memref<12x64x128xf32, #tpu.memory_space<vmem>> -> memref<1x64x128xf32, #tpu.memory_space<vmem>>
      %gather3A_3175 = tpu.memref_squeeze %gather3A_3174 : memref<1x64x128xf32, #tpu.memory_space<vmem>> -> memref<64x128xf32, #tpu.memory_space<vmem>>
      %gather3A_3176 = tpu.vector_load_idx %gather3A_3175[%add3A_3170, %gather3A_3158] : memref<64x128xf32, #tpu.memory_space<vmem>>[vector<16xi32>, vector<16xi32>], vector<16xf32>,
      tpu.vector_store_idx %arg12[%add3A_3170, %add3A_3166], %gather3A_3176 : memref<64x128xf32, #tpu.memory_space<vmem>>[vector<16xi32>, vector<16xi32>], vector<16xf32>,
      %iota3A_3177 = tpu.iota {dimensions = array<i32: 0>} : vector<16xi32>
      %add3A_3178 = arith.constant 16 : i32
      %add3A_3179 = vector.broadcast %add3A_3178 : i32 to vector<16xi32>
      %add3A_3180 = arith.addi %iota3A_3177, %add3A_3179 : vector<16xi32>
      %gather3A_3181 = arith.constant 4 : i32
      %gather3A_3182 = arith.constant 0 : i32
      %gather3A_3183 = arith.constant 0 : i32
      %gather3A_3184 = tpu.memref_slice %arg10[%gather3A_3181, %gather3A_3182, %gather3A_3183] : memref<12x64x128xf32, #tpu.memory_space<vmem>> -> memref<1x64x128xf32, #tpu.memory_space<vmem>>
      %gather3A_3185 = tpu.memref_squeeze %gather3A_3184 : memref<1x64x128xf32, #tpu.memory_space<vmem>> -> memref<64x128xf32, #tpu.memory_space<vmem>>
      %gather3A_3186 = tpu.vector_load_idx %gather3A_3185[%add3A_3180, %gather3A_3158] : memref<64x128xf32, #tpu.memory_space<vmem>>[vector<16xi32>, vector<16xi32>], vector<16xf32>,
      tpu.vector_store_idx %arg12[%add3A_3180, %add3A_3166], %gather3A_3186 : memref<64x128xf32, #tpu.memory_space<vmem>>[vector<16xi32>, vector<16xi32>], vector<16xf32>,
      %iota3A_3187 = tpu.iota {dimensions = array<i32: 0>} : vector<16xi32>
      %add3A_3188 = arith.constant 32 : i32
      %add3A_3189 = vector.broadcast %add3A_3188 : i32 to vector<16xi32>
      %add3A_3190 = arith.addi %iota3A_3187, %add3A_3189 : vector<16xi32>
      %gather3A_3191 = arith.constant 4 : i32
      %gather3A_3192 = arith.constant 0 : i32
      %gather3A_3193 = arith.constant 0 : i32
      %gather3A_3194 = tpu.memref_slice %arg10[%gather3A_3191, %gather3A_3192, %gather3A_3193] : memref<12x64x128xf32, #tpu.memory_space<vmem>> -> memref<1x64x128xf32, #tpu.memory_space<vmem>>
      %gather3A_3195 = tpu.memref_squeeze %gather3A_3194 : memref<1x64x128xf32, #tpu.memory_space<vmem>> -> memref<64x128xf32, #tpu.memory_space<vmem>>
      %gather3A_3196 = tpu.vector_load_idx %gather3A_3195[%add3A_3190, %gather3A_3158] : memref<64x128xf32, #tpu.memory_space<vmem>>[vector<16xi32>, vector<16xi32>], vector<16xf32>,
      tpu.vector_store_idx %arg12[%add3A_3190, %add3A_3166], %gather3A_3196 : memref<64x128xf32, #tpu.memory_space<vmem>>[vector<16xi32>, vector<16xi32>], vector<16xf32>,
      %iota3A_3197 = tpu.iota {dimensions = array<i32: 0>} : vector<16xi32>
      %add3A_3198 = arith.constant 48 : i32
      %add3A_3199 = vector.broadcast %add3A_3198 : i32 to vector<16xi32>
      %add3A_3200 = arith.addi %iota3A_3197, %add3A_3199 : vector<16xi32>
      %gather3A_3201 = arith.constant 4 : i32
      %gather3A_3202 = arith.constant 0 : i32
      %gather3A_3203 = arith.constant 0 : i32
      %gather3A_3204 = tpu.memref_slice %arg10[%gather3A_3201, %gather3A_3202, %gather3A_3203] : memref<12x64x128xf32, #tpu.memory_space<vmem>> -> memref<1x64x128xf32, #tpu.memory_space<vmem>>
      %gather3A_3205 = tpu.memref_squeeze %gather3A_3204 : memref<1x64x128xf32, #tpu.memory_space<vmem>> -> memref<64x128xf32, #tpu.memory_space<vmem>>
      %gather3A_3206 = tpu.vector_load_idx %gather3A_3205[%add3A_3200, %gather3A_3158] : memref<64x128xf32, #tpu.memory_space<vmem>>[vector<16xi32>, vector<16xi32>], vector<16xf32>,
      tpu.vector_store_idx %arg12[%add3A_3200, %add3A_3166], %gather3A_3206 : memref<64x128xf32, #tpu.memory_space<vmem>>[vector<16xi32>, vector<16xi32>], vector<16xf32>,
      %dma_wait3A_3207 = arith.constant 5 : i32
      %dma_wait3A_3208 = arith.constant 0 : i32
      %dma_wait3A_3209 = arith.constant 0 : i32
      %dma_wait3A_3210 = tpu.memref_slice %arg10[%dma_wait3A_3207, %dma_wait3A_3208, %dma_wait3A_3209] : memref<12x64x128xf32, #tpu.memory_space<vmem>> -> memref<1x64x128xf32, #tpu.memory_space<vmem>>
      %dma_wait3A_3211 = tpu.memref_squeeze %dma_wait3A_3210 : memref<1x64x128xf32, #tpu.memory_space<vmem>> -> memref<64x128xf32, #tpu.memory_space<vmem>>
      %dma_wait3A_3212 = arith.constant 0 : i32
      %dma_wait3A_3213 = tpu.memref_slice %arg5[%dma_wait3A_3212, %multiple_of3A_2451] : memref<64x1000000xf32, #tpu.memory_space<hbm>> -> memref<64x128xf32, #tpu.memory_space<hbm>>
      %dma_wait3A_3214 = arith.constant 0 : i32
      %dma_wait3A_3215 = arith.constant 0 : i32
      %dma_wait3A_3216 = tpu.memref_slice %arg10[%dma_wait3A_3207, %dma_wait3A_3214, %dma_wait3A_3215] : memref<12x64x128xf32, #tpu.memory_space<vmem>> -> memref<1x64x128xf32, #tpu.memory_space<vmem>>
      %dma_wait3A_3217 = tpu.memref_squeeze %dma_wait3A_3216 : memref<1x64x128xf32, #tpu.memory_space<vmem>> -> memref<64x128xf32, #tpu.memory_space<vmem>>
      %dma_wait3A_3218 = arith.constant 0 : i32
      %dma_wait3A_3219 = tpu.memref_slice %arg5[%dma_wait3A_3218, %multiple_of3A_2451] : memref<64x1000000xf32, #tpu.memory_space<hbm>> -> memref<64x128xf32, #tpu.memory_space<hbm>>
      tpu.wait_dma2 semaphore(%arg13 : memref<!tpu.dma_semaphore, #tpu.memory_space<semaphore_mem>>) src(%dma_wait3A_3219 : memref<64x128xf32, #tpu.memory_space<hbm>>) dst(%dma_wait3A_3217 : memref<64x128xf32, #tpu.memory_space<vmem>>)
      %broadcast_in_dim3A_3220 = arith.constant 0 : i32
      %broadcast_in_dim3A_3221 = vector.broadcast %broadcast_in_dim3A_3220 : i32 to vector<16xi32>
      %add3A_3222 = arith.constant 13 : i32
      %add3A_3223 = vector.broadcast %add3A_3222 : i32 to vector<16xi32>
      %add3A_3224 = arith.addi %broadcast_in_dim3A_3221, %add3A_3223 : vector<16xi32>
      %lt3A_3225 = arith.constant 0 : i32
      %lt3A_3226 = vector.broadcast %lt3A_3225 : i32 to vector<16xi32>
      %lt3A_3227 = arith.cmpi slt, %add3A_3224, %lt3A_3226 : vector<16xi32>
      %add3A_3228 = arith.constant 16 : i32
      %add3A_3229 = vector.broadcast %add3A_3228 : i32 to vector<16xi32>
      %add3A_3230 = arith.addi %add3A_3224, %add3A_3229 : vector<16xi32>
      %select_n3A_3231 = arith.select %lt3A_3227, %add3A_3230, %add3A_3224 : vector<16xi1>, vector<16xi32>
      %broadcast_in_dim3A_3232 = vector.shape_cast %select_n3A_3231 : vector<16xi32> to vector<16x1xi32>
      %gather3A_3233 = vector.shape_cast %broadcast_in_dim3A_3232 : vector<16x1xi32> to vector<16xi32>
      %gather3A_3234 = tpu.dynamic_gather %and3A_84[%gather3A_3233] in [0] : vector<16xi32>, vector<16xi32> -> vector<16xi32>
      %add3A_3235 = arith.constant 12 : i32
      %add3A_3236 = arith.addi %mul3A_14, %add3A_3235 : i32
      %add3A_3237 = arith.constant 1 : i32
      %add3A_3238 = arith.addi %add3A_3236, %add3A_3237 : i32
      %broadcast_in_dim3A_3239 = arith.constant 0 : i32
      %broadcast_in_dim3A_3240 = vector.broadcast %broadcast_in_dim3A_3239 : i32 to vector<16xi32>
      %add3A_3241 = vector.broadcast %add3A_3238 : i32 to vector<16xi32>
      %add3A_3242 = arith.addi %add3A_3241, %broadcast_in_dim3A_3240 : vector<16xi32>
      %iota3A_3243 = tpu.iota {dimensions = array<i32: 0>} : vector<16xi32>
      %add3A_3244 = arith.constant 0 : i32
      %add3A_3245 = vector.broadcast %add3A_3244 : i32 to vector<16xi32>
      %add3A_3246 = arith.addi %iota3A_3243, %add3A_3245 : vector<16xi32>
      %gather3A_3247 = arith.constant 5 : i32
      %gather3A_3248 = arith.constant 0 : i32
      %gather3A_3249 = arith.constant 0 : i32
      %gather3A_3250 = tpu.memref_slice %arg10[%gather3A_3247, %gather3A_3248, %gather3A_3249] : memref<12x64x128xf32, #tpu.memory_space<vmem>> -> memref<1x64x128xf32, #tpu.memory_space<vmem>>
      %gather3A_3251 = tpu.memref_squeeze %gather3A_3250 : memref<1x64x128xf32, #tpu.memory_space<vmem>> -> memref<64x128xf32, #tpu.memory_space<vmem>>
      %gather3A_3252 = tpu.vector_load_idx %gather3A_3251[%add3A_3246, %gather3A_3234] : memref<64x128xf32, #tpu.memory_space<vmem>>[vector<16xi32>, vector<16xi32>], vector<16xf32>,
      tpu.vector_store_idx %arg12[%add3A_3246, %add3A_3242], %gather3A_3252 : memref<64x128xf32, #tpu.memory_space<vmem>>[vector<16xi32>, vector<16xi32>], vector<16xf32>,
      %iota3A_3253 = tpu.iota {dimensions = array<i32: 0>} : vector<16xi32>
      %add3A_3254 = arith.constant 16 : i32
      %add3A_3255 = vector.broadcast %add3A_3254 : i32 to vector<16xi32>
      %add3A_3256 = arith.addi %iota3A_3253, %add3A_3255 : vector<16xi32>
      %gather3A_3257 = arith.constant 5 : i32
      %gather3A_3258 = arith.constant 0 : i32
      %gather3A_3259 = arith.constant 0 : i32
      %gather3A_3260 = tpu.memref_slice %arg10[%gather3A_3257, %gather3A_3258, %gather3A_3259] : memref<12x64x128xf32, #tpu.memory_space<vmem>> -> memref<1x64x128xf32, #tpu.memory_space<vmem>>
      %gather3A_3261 = tpu.memref_squeeze %gather3A_3260 : memref<1x64x128xf32, #tpu.memory_space<vmem>> -> memref<64x128xf32, #tpu.memory_space<vmem>>
      %gather3A_3262 = tpu.vector_load_idx %gather3A_3261[%add3A_3256, %gather3A_3234] : memref<64x128xf32, #tpu.memory_space<vmem>>[vector<16xi32>, vector<16xi32>], vector<16xf32>,
      tpu.vector_store_idx %arg12[%add3A_3256, %add3A_3242], %gather3A_3262 : memref<64x128xf32, #tpu.memory_space<vmem>>[vector<16xi32>, vector<16xi32>], vector<16xf32>,
      %iota3A_3263 = tpu.iota {dimensions = array<i32: 0>} : vector<16xi32>
      %add3A_3264 = arith.constant 32 : i32
      %add3A_3265 = vector.broadcast %add3A_3264 : i32 to vector<16xi32>
      %add3A_3266 = arith.addi %iota3A_3263, %add3A_3265 : vector<16xi32>
      %gather3A_3267 = arith.constant 5 : i32
      %gather3A_3268 = arith.constant 0 : i32
      %gather3A_3269 = arith.constant 0 : i32
      %gather3A_3270 = tpu.memref_slice %arg10[%gather3A_3267, %gather3A_3268, %gather3A_3269] : memref<12x64x128xf32, #tpu.memory_space<vmem>> -> memref<1x64x128xf32, #tpu.memory_space<vmem>>
      %gather3A_3271 = tpu.memref_squeeze %gather3A_3270 : memref<1x64x128xf32, #tpu.memory_space<vmem>> -> memref<64x128xf32, #tpu.memory_space<vmem>>
      %gather3A_3272 = tpu.vector_load_idx %gather3A_3271[%add3A_3266, %gather3A_3234] : memref<64x128xf32, #tpu.memory_space<vmem>>[vector<16xi32>, vector<16xi32>], vector<16xf32>,
      tpu.vector_store_idx %arg12[%add3A_3266, %add3A_3242], %gather3A_3272 : memref<64x128xf32, #tpu.memory_space<vmem>>[vector<16xi32>, vector<16xi32>], vector<16xf32>,
      %iota3A_3273 = tpu.iota {dimensions = array<i32: 0>} : vector<16xi32>
      %add3A_3274 = arith.constant 48 : i32
      %add3A_3275 = vector.broadcast %add3A_3274 : i32 to vector<16xi32>
      %add3A_3276 = arith.addi %iota3A_3273, %add3A_3275 : vector<16xi32>
      %gather3A_3277 = arith.constant 5 : i32
      %gather3A_3278 = arith.constant 0 : i32
      %gather3A_3279 = arith.constant 0 : i32
      %gather3A_3280 = tpu.memref_slice %arg10[%gather3A_3277, %gather3A_3278, %gather3A_3279] : memref<12x64x128xf32, #tpu.memory_space<vmem>> -> memref<1x64x128xf32, #tpu.memory_space<vmem>>
      %gather3A_3281 = tpu.memref_squeeze %gather3A_3280 : memref<1x64x128xf32, #tpu.memory_space<vmem>> -> memref<64x128xf32, #tpu.memory_space<vmem>>
      %gather3A_3282 = tpu.vector_load_idx %gather3A_3281[%add3A_3276, %gather3A_3234] : memref<64x128xf32, #tpu.memory_space<vmem>>[vector<16xi32>, vector<16xi32>], vector<16xf32>,
      tpu.vector_store_idx %arg12[%add3A_3276, %add3A_3242], %gather3A_3282 : memref<64x128xf32, #tpu.memory_space<vmem>>[vector<16xi32>, vector<16xi32>], vector<16xf32>,
      %dma_wait3A_3283 = arith.constant 6 : i32
      %dma_wait3A_3284 = arith.constant 0 : i32
      %dma_wait3A_3285 = arith.constant 0 : i32
      %dma_wait3A_3286 = tpu.memref_slice %arg10[%dma_wait3A_3283, %dma_wait3A_3284, %dma_wait3A_3285] : memref<12x64x128xf32, #tpu.memory_space<vmem>> -> memref<1x64x128xf32, #tpu.memory_space<vmem>>
      %dma_wait3A_3287 = tpu.memref_squeeze %dma_wait3A_3286 : memref<1x64x128xf32, #tpu.memory_space<vmem>> -> memref<64x128xf32, #tpu.memory_space<vmem>>
      %dma_wait3A_3288 = arith.constant 0 : i32
      %dma_wait3A_3289 = tpu.memref_slice %arg5[%dma_wait3A_3288, %multiple_of3A_2480] : memref<64x1000000xf32, #tpu.memory_space<hbm>> -> memref<64x128xf32, #tpu.memory_space<hbm>>
      %dma_wait3A_3290 = arith.constant 0 : i32
      %dma_wait3A_3291 = arith.constant 0 : i32
      %dma_wait3A_3292 = tpu.memref_slice %arg10[%dma_wait3A_3283, %dma_wait3A_3290, %dma_wait3A_3291] : memref<12x64x128xf32, #tpu.memory_space<vmem>> -> memref<1x64x128xf32, #tpu.memory_space<vmem>>
      %dma_wait3A_3293 = tpu.memref_squeeze %dma_wait3A_3292 : memref<1x64x128xf32, #tpu.memory_space<vmem>> -> memref<64x128xf32, #tpu.memory_space<vmem>>
      %dma_wait3A_3294 = arith.constant 0 : i32
      %dma_wait3A_3295 = tpu.memref_slice %arg5[%dma_wait3A_3294, %multiple_of3A_2480] : memref<64x1000000xf32, #tpu.memory_space<hbm>> -> memref<64x128xf32, #tpu.memory_space<hbm>>
      tpu.wait_dma2 semaphore(%arg13 : memref<!tpu.dma_semaphore, #tpu.memory_space<semaphore_mem>>) src(%dma_wait3A_3295 : memref<64x128xf32, #tpu.memory_space<hbm>>) dst(%dma_wait3A_3293 : memref<64x128xf32, #tpu.memory_space<vmem>>)
      %broadcast_in_dim3A_3296 = arith.constant 0 : i32
      %broadcast_in_dim3A_3297 = vector.broadcast %broadcast_in_dim3A_3296 : i32 to vector<16xi32>
      %add3A_3298 = arith.constant 14 : i32
      %add3A_3299 = vector.broadcast %add3A_3298 : i32 to vector<16xi32>
      %add3A_3300 = arith.addi %broadcast_in_dim3A_3297, %add3A_3299 : vector<16xi32>
      %lt3A_3301 = arith.constant 0 : i32
      %lt3A_3302 = vector.broadcast %lt3A_3301 : i32 to vector<16xi32>
      %lt3A_3303 = arith.cmpi slt, %add3A_3300, %lt3A_3302 : vector<16xi32>
      %add3A_3304 = arith.constant 16 : i32
      %add3A_3305 = vector.broadcast %add3A_3304 : i32 to vector<16xi32>
      %add3A_3306 = arith.addi %add3A_3300, %add3A_3305 : vector<16xi32>
      %select_n3A_3307 = arith.select %lt3A_3303, %add3A_3306, %add3A_3300 : vector<16xi1>, vector<16xi32>
      %broadcast_in_dim3A_3308 = vector.shape_cast %select_n3A_3307 : vector<16xi32> to vector<16x1xi32>
      %gather3A_3309 = vector.shape_cast %broadcast_in_dim3A_3308 : vector<16x1xi32> to vector<16xi32>
      %gather3A_3310 = tpu.dynamic_gather %and3A_84[%gather3A_3309] in [0] : vector<16xi32>, vector<16xi32> -> vector<16xi32>
      %add3A_3311 = arith.constant 12 : i32
      %add3A_3312 = arith.addi %mul3A_14, %add3A_3311 : i32
      %add3A_3313 = arith.constant 2 : i32
      %add3A_3314 = arith.addi %add3A_3312, %add3A_3313 : i32
      %broadcast_in_dim3A_3315 = arith.constant 0 : i32
      %broadcast_in_dim3A_3316 = vector.broadcast %broadcast_in_dim3A_3315 : i32 to vector<16xi32>
      %add3A_3317 = vector.broadcast %add3A_3314 : i32 to vector<16xi32>
      %add3A_3318 = arith.addi %add3A_3317, %broadcast_in_dim3A_3316 : vector<16xi32>
      %iota3A_3319 = tpu.iota {dimensions = array<i32: 0>} : vector<16xi32>
      %add3A_3320 = arith.constant 0 : i32
      %add3A_3321 = vector.broadcast %add3A_3320 : i32 to vector<16xi32>
      %add3A_3322 = arith.addi %iota3A_3319, %add3A_3321 : vector<16xi32>
      %gather3A_3323 = arith.constant 6 : i32
      %gather3A_3324 = arith.constant 0 : i32
      %gather3A_3325 = arith.constant 0 : i32
      %gather3A_3326 = tpu.memref_slice %arg10[%gather3A_3323, %gather3A_3324, %gather3A_3325] : memref<12x64x128xf32, #tpu.memory_space<vmem>> -> memref<1x64x128xf32, #tpu.memory_space<vmem>>
      %gather3A_3327 = tpu.memref_squeeze %gather3A_3326 : memref<1x64x128xf32, #tpu.memory_space<vmem>> -> memref<64x128xf32, #tpu.memory_space<vmem>>
      %gather3A_3328 = tpu.vector_load_idx %gather3A_3327[%add3A_3322, %gather3A_3310] : memref<64x128xf32, #tpu.memory_space<vmem>>[vector<16xi32>, vector<16xi32>], vector<16xf32>,
      tpu.vector_store_idx %arg12[%add3A_3322, %add3A_3318], %gather3A_3328 : memref<64x128xf32, #tpu.memory_space<vmem>>[vector<16xi32>, vector<16xi32>], vector<16xf32>,
      %iota3A_3329 = tpu.iota {dimensions = array<i32: 0>} : vector<16xi32>
      %add3A_3330 = arith.constant 16 : i32
      %add3A_3331 = vector.broadcast %add3A_3330 : i32 to vector<16xi32>
      %add3A_3332 = arith.addi %iota3A_3329, %add3A_3331 : vector<16xi32>
      %gather3A_3333 = arith.constant 6 : i32
      %gather3A_3334 = arith.constant 0 : i32
      %gather3A_3335 = arith.constant 0 : i32
      %gather3A_3336 = tpu.memref_slice %arg10[%gather3A_3333, %gather3A_3334, %gather3A_3335] : memref<12x64x128xf32, #tpu.memory_space<vmem>> -> memref<1x64x128xf32, #tpu.memory_space<vmem>>
      %gather3A_3337 = tpu.memref_squeeze %gather3A_3336 : memref<1x64x128xf32, #tpu.memory_space<vmem>> -> memref<64x128xf32, #tpu.memory_space<vmem>>
      %gather3A_3338 = tpu.vector_load_idx %gather3A_3337[%add3A_3332, %gather3A_3310] : memref<64x128xf32, #tpu.memory_space<vmem>>[vector<16xi32>, vector<16xi32>], vector<16xf32>,
      tpu.vector_store_idx %arg12[%add3A_3332, %add3A_3318], %gather3A_3338 : memref<64x128xf32, #tpu.memory_space<vmem>>[vector<16xi32>, vector<16xi32>], vector<16xf32>,
      %iota3A_3339 = tpu.iota {dimensions = array<i32: 0>} : vector<16xi32>
      %add3A_3340 = arith.constant 32 : i32
      %add3A_3341 = vector.broadcast %add3A_3340 : i32 to vector<16xi32>
      %add3A_3342 = arith.addi %iota3A_3339, %add3A_3341 : vector<16xi32>
      %gather3A_3343 = arith.constant 6 : i32
      %gather3A_3344 = arith.constant 0 : i32
      %gather3A_3345 = arith.constant 0 : i32
      %gather3A_3346 = tpu.memref_slice %arg10[%gather3A_3343, %gather3A_3344, %gather3A_3345] : memref<12x64x128xf32, #tpu.memory_space<vmem>> -> memref<1x64x128xf32, #tpu.memory_space<vmem>>
      %gather3A_3347 = tpu.memref_squeeze %gather3A_3346 : memref<1x64x128xf32, #tpu.memory_space<vmem>> -> memref<64x128xf32, #tpu.memory_space<vmem>>
      %gather3A_3348 = tpu.vector_load_idx %gather3A_3347[%add3A_3342, %gather3A_3310] : memref<64x128xf32, #tpu.memory_space<vmem>>[vector<16xi32>, vector<16xi32>], vector<16xf32>,
      tpu.vector_store_idx %arg12[%add3A_3342, %add3A_3318], %gather3A_3348 : memref<64x128xf32, #tpu.memory_space<vmem>>[vector<16xi32>, vector<16xi32>], vector<16xf32>,
      %iota3A_3349 = tpu.iota {dimensions = array<i32: 0>} : vector<16xi32>
      %add3A_3350 = arith.constant 48 : i32
      %add3A_3351 = vector.broadcast %add3A_3350 : i32 to vector<16xi32>
      %add3A_3352 = arith.addi %iota3A_3349, %add3A_3351 : vector<16xi32>
      %gather3A_3353 = arith.constant 6 : i32
      %gather3A_3354 = arith.constant 0 : i32
      %gather3A_3355 = arith.constant 0 : i32
      %gather3A_3356 = tpu.memref_slice %arg10[%gather3A_3353, %gather3A_3354, %gather3A_3355] : memref<12x64x128xf32, #tpu.memory_space<vmem>> -> memref<1x64x128xf32, #tpu.memory_space<vmem>>
      %gather3A_3357 = tpu.memref_squeeze %gather3A_3356 : memref<1x64x128xf32, #tpu.memory_space<vmem>> -> memref<64x128xf32, #tpu.memory_space<vmem>>
      %gather3A_3358 = tpu.vector_load_idx %gather3A_3357[%add3A_3352, %gather3A_3310] : memref<64x128xf32, #tpu.memory_space<vmem>>[vector<16xi32>, vector<16xi32>], vector<16xf32>,
      tpu.vector_store_idx %arg12[%add3A_3352, %add3A_3318], %gather3A_3358 : memref<64x128xf32, #tpu.memory_space<vmem>>[vector<16xi32>, vector<16xi32>], vector<16xf32>,
      %dma_wait3A_3359 = arith.constant 7 : i32
      %dma_wait3A_3360 = arith.constant 0 : i32
      %dma_wait3A_3361 = arith.constant 0 : i32
      %dma_wait3A_3362 = tpu.memref_slice %arg10[%dma_wait3A_3359, %dma_wait3A_3360, %dma_wait3A_3361] : memref<12x64x128xf32, #tpu.memory_space<vmem>> -> memref<1x64x128xf32, #tpu.memory_space<vmem>>
      %dma_wait3A_3363 = tpu.memref_squeeze %dma_wait3A_3362 : memref<1x64x128xf32, #tpu.memory_space<vmem>> -> memref<64x128xf32, #tpu.memory_space<vmem>>
      %dma_wait3A_3364 = arith.constant 0 : i32
      %dma_wait3A_3365 = tpu.memref_slice %arg5[%dma_wait3A_3364, %multiple_of3A_2509] : memref<64x1000000xf32, #tpu.memory_space<hbm>> -> memref<64x128xf32, #tpu.memory_space<hbm>>
      %dma_wait3A_3366 = arith.constant 0 : i32
      %dma_wait3A_3367 = arith.constant 0 : i32
      %dma_wait3A_3368 = tpu.memref_slice %arg10[%dma_wait3A_3359, %dma_wait3A_3366, %dma_wait3A_3367] : memref<12x64x128xf32, #tpu.memory_space<vmem>> -> memref<1x64x128xf32, #tpu.memory_space<vmem>>
      %dma_wait3A_3369 = tpu.memref_squeeze %dma_wait3A_3368 : memref<1x64x128xf32, #tpu.memory_space<vmem>> -> memref<64x128xf32, #tpu.memory_space<vmem>>
      %dma_wait3A_3370 = arith.constant 0 : i32
      %dma_wait3A_3371 = tpu.memref_slice %arg5[%dma_wait3A_3370, %multiple_of3A_2509] : memref<64x1000000xf32, #tpu.memory_space<hbm>> -> memref<64x128xf32, #tpu.memory_space<hbm>>
      tpu.wait_dma2 semaphore(%arg13 : memref<!tpu.dma_semaphore, #tpu.memory_space<semaphore_mem>>) src(%dma_wait3A_3371 : memref<64x128xf32, #tpu.memory_space<hbm>>) dst(%dma_wait3A_3369 : memref<64x128xf32, #tpu.memory_space<vmem>>)
      %broadcast_in_dim3A_3372 = arith.constant 0 : i32
      %broadcast_in_dim3A_3373 = vector.broadcast %broadcast_in_dim3A_3372 : i32 to vector<16xi32>
      %add3A_3374 = arith.constant 15 : i32
      %add3A_3375 = vector.broadcast %add3A_3374 : i32 to vector<16xi32>
      %add3A_3376 = arith.addi %broadcast_in_dim3A_3373, %add3A_3375 : vector<16xi32>
      %lt3A_3377 = arith.constant 0 : i32
      %lt3A_3378 = vector.broadcast %lt3A_3377 : i32 to vector<16xi32>
      %lt3A_3379 = arith.cmpi slt, %add3A_3376, %lt3A_3378 : vector<16xi32>
      %add3A_3380 = arith.constant 16 : i32
      %add3A_3381 = vector.broadcast %add3A_3380 : i32 to vector<16xi32>
      %add3A_3382 = arith.addi %add3A_3376, %add3A_3381 : vector<16xi32>
      %select_n3A_3383 = arith.select %lt3A_3379, %add3A_3382, %add3A_3376 : vector<16xi1>, vector<16xi32>
      %broadcast_in_dim3A_3384 = vector.shape_cast %select_n3A_3383 : vector<16xi32> to vector<16x1xi32>
      %gather3A_3385 = vector.shape_cast %broadcast_in_dim3A_3384 : vector<16x1xi32> to vector<16xi32>
      %gather3A_3386 = tpu.dynamic_gather %and3A_84[%gather3A_3385] in [0] : vector<16xi32>, vector<16xi32> -> vector<16xi32>
      %add3A_3387 = arith.constant 12 : i32
      %add3A_3388 = arith.addi %mul3A_14, %add3A_3387 : i32
      %add3A_3389 = arith.constant 3 : i32
      %add3A_3390 = arith.addi %add3A_3388, %add3A_3389 : i32
      %broadcast_in_dim3A_3391 = arith.constant 0 : i32
      %broadcast_in_dim3A_3392 = vector.broadcast %broadcast_in_dim3A_3391 : i32 to vector<16xi32>
      %add3A_3393 = vector.broadcast %add3A_3390 : i32 to vector<16xi32>
      %add3A_3394 = arith.addi %add3A_3393, %broadcast_in_dim3A_3392 : vector<16xi32>
      %iota3A_3395 = tpu.iota {dimensions = array<i32: 0>} : vector<16xi32>
      %add3A_3396 = arith.constant 0 : i32
      %add3A_3397 = vector.broadcast %add3A_3396 : i32 to vector<16xi32>
      %add3A_3398 = arith.addi %iota3A_3395, %add3A_3397 : vector<16xi32>
      %gather3A_3399 = arith.constant 7 : i32
      %gather3A_3400 = arith.constant 0 : i32
      %gather3A_3401 = arith.constant 0 : i32
      %gather3A_3402 = tpu.memref_slice %arg10[%gather3A_3399, %gather3A_3400, %gather3A_3401] : memref<12x64x128xf32, #tpu.memory_space<vmem>> -> memref<1x64x128xf32, #tpu.memory_space<vmem>>
      %gather3A_3403 = tpu.memref_squeeze %gather3A_3402 : memref<1x64x128xf32, #tpu.memory_space<vmem>> -> memref<64x128xf32, #tpu.memory_space<vmem>>
      %gather3A_3404 = tpu.vector_load_idx %gather3A_3403[%add3A_3398, %gather3A_3386] : memref<64x128xf32, #tpu.memory_space<vmem>>[vector<16xi32>, vector<16xi32>], vector<16xf32>,
      tpu.vector_store_idx %arg12[%add3A_3398, %add3A_3394], %gather3A_3404 : memref<64x128xf32, #tpu.memory_space<vmem>>[vector<16xi32>, vector<16xi32>], vector<16xf32>,
      %iota3A_3405 = tpu.iota {dimensions = array<i32: 0>} : vector<16xi32>
      %add3A_3406 = arith.constant 16 : i32
      %add3A_3407 = vector.broadcast %add3A_3406 : i32 to vector<16xi32>
      %add3A_3408 = arith.addi %iota3A_3405, %add3A_3407 : vector<16xi32>
      %gather3A_3409 = arith.constant 7 : i32
      %gather3A_3410 = arith.constant 0 : i32
      %gather3A_3411 = arith.constant 0 : i32
      %gather3A_3412 = tpu.memref_slice %arg10[%gather3A_3409, %gather3A_3410, %gather3A_3411] : memref<12x64x128xf32, #tpu.memory_space<vmem>> -> memref<1x64x128xf32, #tpu.memory_space<vmem>>
      %gather3A_3413 = tpu.memref_squeeze %gather3A_3412 : memref<1x64x128xf32, #tpu.memory_space<vmem>> -> memref<64x128xf32, #tpu.memory_space<vmem>>
      %gather3A_3414 = tpu.vector_load_idx %gather3A_3413[%add3A_3408, %gather3A_3386] : memref<64x128xf32, #tpu.memory_space<vmem>>[vector<16xi32>, vector<16xi32>], vector<16xf32>,
      tpu.vector_store_idx %arg12[%add3A_3408, %add3A_3394], %gather3A_3414 : memref<64x128xf32, #tpu.memory_space<vmem>>[vector<16xi32>, vector<16xi32>], vector<16xf32>,
      %iota3A_3415 = tpu.iota {dimensions = array<i32: 0>} : vector<16xi32>
      %add3A_3416 = arith.constant 32 : i32
      %add3A_3417 = vector.broadcast %add3A_3416 : i32 to vector<16xi32>
      %add3A_3418 = arith.addi %iota3A_3415, %add3A_3417 : vector<16xi32>
      %gather3A_3419 = arith.constant 7 : i32
      %gather3A_3420 = arith.constant 0 : i32
      %gather3A_3421 = arith.constant 0 : i32
      %gather3A_3422 = tpu.memref_slice %arg10[%gather3A_3419, %gather3A_3420, %gather3A_3421] : memref<12x64x128xf32, #tpu.memory_space<vmem>> -> memref<1x64x128xf32, #tpu.memory_space<vmem>>
      %gather3A_3423 = tpu.memref_squeeze %gather3A_3422 : memref<1x64x128xf32, #tpu.memory_space<vmem>> -> memref<64x128xf32, #tpu.memory_space<vmem>>
      %gather3A_3424 = tpu.vector_load_idx %gather3A_3423[%add3A_3418, %gather3A_3386] : memref<64x128xf32, #tpu.memory_space<vmem>>[vector<16xi32>, vector<16xi32>], vector<16xf32>,
      tpu.vector_store_idx %arg12[%add3A_3418, %add3A_3394], %gather3A_3424 : memref<64x128xf32, #tpu.memory_space<vmem>>[vector<16xi32>, vector<16xi32>], vector<16xf32>,
      %iota3A_3425 = tpu.iota {dimensions = array<i32: 0>} : vector<16xi32>
      %add3A_3426 = arith.constant 48 : i32
      %add3A_3427 = vector.broadcast %add3A_3426 : i32 to vector<16xi32>
      %add3A_3428 = arith.addi %iota3A_3425, %add3A_3427 : vector<16xi32>
      %gather3A_3429 = arith.constant 7 : i32
      %gather3A_3430 = arith.constant 0 : i32
      %gather3A_3431 = arith.constant 0 : i32
      %gather3A_3432 = tpu.memref_slice %arg10[%gather3A_3429, %gather3A_3430, %gather3A_3431] : memref<12x64x128xf32, #tpu.memory_space<vmem>> -> memref<1x64x128xf32, #tpu.memory_space<vmem>>
      %gather3A_3433 = tpu.memref_squeeze %gather3A_3432 : memref<1x64x128xf32, #tpu.memory_space<vmem>> -> memref<64x128xf32, #tpu.memory_space<vmem>>
      %gather3A_3434 = tpu.vector_load_idx %gather3A_3433[%add3A_3428, %gather3A_3386] : memref<64x128xf32, #tpu.memory_space<vmem>>[vector<16xi32>, vector<16xi32>], vector<16xf32>,
      tpu.vector_store_idx %arg12[%add3A_3428, %add3A_3394], %gather3A_3434 : memref<64x128xf32, #tpu.memory_space<vmem>>[vector<16xi32>, vector<16xi32>], vector<16xf32>,
    }
    %scan3A_6 = arith.constant 8 : i32
    "tpu.region"() ({
      %run_scoped3A = tpu.sem_alloc : memref<!tpu.dma_semaphore, #tpu.memory_space<semaphore_mem>>
      %dma_start3A = arith.constant 0 : i32
      %dma_start3A_7 = tpu.memref_slice %arg6[%dma_start3A, %mul3A_2] : memref<64x4096xf32, #tpu.memory_space<hbm>> -> memref<64x128xf32, #tpu.memory_space<hbm>>
      %dma_start3A_8 = arith.constant 0 : i32
      %dma_start3A_9 = tpu.memref_slice %arg6[%dma_start3A_8, %mul3A_2] : memref<64x4096xf32, #tpu.memory_space<hbm>> -> memref<64x128xf32, #tpu.memory_space<hbm>>
      tpu.enqueue_dma source(%arg11 : memref<64x128xf32, #tpu.memory_space<vmem>>) target(%dma_start3A_9 : memref<64x128xf32, #tpu.memory_space<hbm>>) target_semaphore(%run_scoped3A : memref<!tpu.dma_semaphore, #tpu.memory_space<semaphore_mem>>)
      %dma_wait3A = arith.constant 0 : i32
      %dma_wait3A_10 = tpu.memref_slice %arg6[%dma_wait3A, %mul3A_2] : memref<64x4096xf32, #tpu.memory_space<hbm>> -> memref<64x128xf32, #tpu.memory_space<hbm>>
      %dma_wait3A_11 = arith.constant 0 : i32
      %dma_wait3A_12 = tpu.memref_slice %arg6[%dma_wait3A_11, %mul3A_2] : memref<64x4096xf32, #tpu.memory_space<hbm>> -> memref<64x128xf32, #tpu.memory_space<hbm>>
      tpu.wait_dma2 semaphore(%run_scoped3A : memref<!tpu.dma_semaphore, #tpu.memory_space<semaphore_mem>>) src(%arg11 : memref<64x128xf32, #tpu.memory_space<vmem>>) dst(%dma_wait3A_12 : memref<64x128xf32, #tpu.memory_space<hbm>>)
      tpu.yield
    }) : () -> ()
    "tpu.region"() ({
      %run_scoped3A = tpu.sem_alloc : memref<!tpu.dma_semaphore, #tpu.memory_space<semaphore_mem>>
      %dma_start3A = arith.constant 0 : i32
      %dma_start3A_7 = tpu.memref_slice %arg7[%dma_start3A, %mul3A_2] : memref<64x4096xf32, #tpu.memory_space<hbm>> -> memref<64x128xf32, #tpu.memory_space<hbm>>
      %dma_start3A_8 = arith.constant 0 : i32
      %dma_start3A_9 = tpu.memref_slice %arg7[%dma_start3A_8, %mul3A_2] : memref<64x4096xf32, #tpu.memory_space<hbm>> -> memref<64x128xf32, #tpu.memory_space<hbm>>
      tpu.enqueue_dma source(%arg12 : memref<64x128xf32, #tpu.memory_space<vmem>>) target(%dma_start3A_9 : memref<64x128xf32, #tpu.memory_space<hbm>>) target_semaphore(%run_scoped3A : memref<!tpu.dma_semaphore, #tpu.memory_space<semaphore_mem>>)
      %dma_wait3A = arith.constant 0 : i32
      %dma_wait3A_10 = tpu.memref_slice %arg7[%dma_wait3A, %mul3A_2] : memref<64x4096xf32, #tpu.memory_space<hbm>> -> memref<64x128xf32, #tpu.memory_space<hbm>>
      %dma_wait3A_11 = arith.constant 0 : i32
      %dma_wait3A_12 = tpu.memref_slice %arg7[%dma_wait3A_11, %mul3A_2] : memref<64x4096xf32, #tpu.memory_space<hbm>> -> memref<64x128xf32, #tpu.memory_space<hbm>>
      tpu.wait_dma2 semaphore(%run_scoped3A : memref<!tpu.dma_semaphore, #tpu.memory_space<semaphore_mem>>) src(%arg12 : memref<64x128xf32, #tpu.memory_space<vmem>>) dst(%dma_wait3A_12 : memref<64x128xf32, #tpu.memory_space<hbm>>)
      tpu.yield
    }) : () -> ()
    return
  }
}

#map = affine_map<(d0, d1) -> (0)>
#map1 = affine_map<(d0, d1) -> (0, 0)>
module attributes {stable_mosaic.version = 14 : i64} {
  func.func @_bias_body(%arg0: i32, %arg1: i32, %arg2: memref<4096xi32, #tpu.memory_space<hbm>>, %arg3: memref<4096xi32, #tpu.memory_space<hbm>>, %arg4: memref<62500x16xf32, #tpu.memory_space<hbm>>, %arg5: memref<62500x16xf32, #tpu.memory_space<hbm>>, %arg6: memref<4096xf32, #tpu.memory_space<hbm>>, %arg7: memref<128xi32, #tpu.memory_space<vmem>>, %arg8: memref<128xi32, #tpu.memory_space<vmem>>, %arg9: memref<128xi32, #tpu.memory_space<vmem>>, %arg10: memref<128xi32, #tpu.memory_space<vmem>>, %arg11: memref<128x16xf32, #tpu.memory_space<vmem>>, %arg12: memref<128x16xf32, #tpu.memory_space<vmem>>, %arg13: memref<128xf32, #tpu.memory_space<vmem>>, %arg14: memref<!tpu.dma_semaphore, #tpu.memory_space<semaphore_mem>>) attributes {dimension_semantics = [#tpu.dimension_semantics<core_parallel>, #tpu.dimension_semantics<subcore_parallel>], iteration_bounds = array<i64: 2, 16>, scalar_prefetch = 0 : i64, scratch_operands = 8 : i64, tpu.core_type = #tpu.core_type<sc_vector_subcore>, window_params = [{transform_indices = #map}, {transform_indices = #map}, {transform_indices = #map1}, {transform_indices = #map1}, {transform_indices = #map}]} {
    %mul3A = arith.constant 2 : i32
    %mul3A_0 = arith.muli %arg1, %mul3A : i32
    %add3A = arith.addi %mul3A_0, %arg0 : i32
    %mul3A_1 = arith.constant 128 : i32
    %mul3A_2 = arith.muli %add3A, %mul3A_1 : i32
    "tpu.region"() ({
      %run_scoped3A = tpu.sem_alloc : memref<!tpu.dma_semaphore, #tpu.memory_space<semaphore_mem>>
      %dma_start3A_271 = tpu.memref_slice %arg2[%mul3A_2] : memref<4096xi32, #tpu.memory_space<hbm>> -> memref<128xi32, #tpu.memory_space<hbm>>
      %dma_start3A_272 = tpu.memref_slice %arg2[%mul3A_2] : memref<4096xi32, #tpu.memory_space<hbm>> -> memref<128xi32, #tpu.memory_space<hbm>>
      tpu.enqueue_dma source(%dma_start3A_272 : memref<128xi32, #tpu.memory_space<hbm>>) target(%arg7 : memref<128xi32, #tpu.memory_space<vmem>>) target_semaphore(%run_scoped3A : memref<!tpu.dma_semaphore, #tpu.memory_space<semaphore_mem>>)
      %dma_wait3A_273 = tpu.memref_slice %arg2[%mul3A_2] : memref<4096xi32, #tpu.memory_space<hbm>> -> memref<128xi32, #tpu.memory_space<hbm>>
      %dma_wait3A_274 = tpu.memref_slice %arg2[%mul3A_2] : memref<4096xi32, #tpu.memory_space<hbm>> -> memref<128xi32, #tpu.memory_space<hbm>>
      tpu.wait_dma2 semaphore(%run_scoped3A : memref<!tpu.dma_semaphore, #tpu.memory_space<semaphore_mem>>) src(%dma_wait3A_274 : memref<128xi32, #tpu.memory_space<hbm>>) dst(%arg7 : memref<128xi32, #tpu.memory_space<vmem>>)
      tpu.yield
    }) : () -> ()
    "tpu.region"() ({
      %run_scoped3A = tpu.sem_alloc : memref<!tpu.dma_semaphore, #tpu.memory_space<semaphore_mem>>
      %dma_start3A_271 = tpu.memref_slice %arg3[%mul3A_2] : memref<4096xi32, #tpu.memory_space<hbm>> -> memref<128xi32, #tpu.memory_space<hbm>>
      %dma_start3A_272 = tpu.memref_slice %arg3[%mul3A_2] : memref<4096xi32, #tpu.memory_space<hbm>> -> memref<128xi32, #tpu.memory_space<hbm>>
      tpu.enqueue_dma source(%dma_start3A_272 : memref<128xi32, #tpu.memory_space<hbm>>) target(%arg8 : memref<128xi32, #tpu.memory_space<vmem>>) target_semaphore(%run_scoped3A : memref<!tpu.dma_semaphore, #tpu.memory_space<semaphore_mem>>)
      %dma_wait3A_273 = tpu.memref_slice %arg3[%mul3A_2] : memref<4096xi32, #tpu.memory_space<hbm>> -> memref<128xi32, #tpu.memory_space<hbm>>
      %dma_wait3A_274 = tpu.memref_slice %arg3[%mul3A_2] : memref<4096xi32, #tpu.memory_space<hbm>> -> memref<128xi32, #tpu.memory_space<hbm>>
      tpu.wait_dma2 semaphore(%run_scoped3A : memref<!tpu.dma_semaphore, #tpu.memory_space<semaphore_mem>>) src(%dma_wait3A_274 : memref<128xi32, #tpu.memory_space<hbm>>) dst(%arg8 : memref<128xi32, #tpu.memory_space<vmem>>)
      tpu.yield
    }) : () -> ()
    %get3A = arith.constant 0 : index
    %get3A_3 = tpu.vector_load %arg7[%get3A] {strides = array<i32>} : memref<128xi32, #tpu.memory_space<vmem>>, vector<16xi32>,
    %shift_right_logical3A = arith.constant 4 : i32
    %shift_right_logical3A_4 = vector.broadcast %shift_right_logical3A : i32 to vector<16xi32>
    %shift_right_logical3A_5 = arith.shrui %get3A_3, %shift_right_logical3A_4 : vector<16xi32>
    %swap3A = arith.constant 0 : index
    %swap3A_6 = tpu.vector_load %arg9[%swap3A] {strides = array<i32>} : memref<128xi32, #tpu.memory_space<vmem>>, vector<16xi32>,
    tpu.vector_store %arg9[%swap3A], %shift_right_logical3A_5 {strides = array<i32>} : memref<128xi32, #tpu.memory_space<vmem>>, vector<16xi32>,
    %get3A_7 = arith.constant 0 : index
    %get3A_8 = tpu.vector_load %arg8[%get3A_7] {strides = array<i32>} : memref<128xi32, #tpu.memory_space<vmem>>, vector<16xi32>,
    %shift_right_logical3A_9 = arith.constant 4 : i32
    %shift_right_logical3A_10 = vector.broadcast %shift_right_logical3A_9 : i32 to vector<16xi32>
    %shift_right_logical3A_11 = arith.shrui %get3A_8, %shift_right_logical3A_10 : vector<16xi32>
    %swap3A_12 = arith.constant 0 : index
    %swap3A_13 = tpu.vector_load %arg10[%swap3A_12] {strides = array<i32>} : memref<128xi32, #tpu.memory_space<vmem>>, vector<16xi32>,
    tpu.vector_store %arg10[%swap3A_12], %shift_right_logical3A_11 {strides = array<i32>} : memref<128xi32, #tpu.memory_space<vmem>>, vector<16xi32>,
    %get3A_14 = arith.constant 16 : index
    %get3A_15 = tpu.vector_load %arg7[%get3A_14] {strides = array<i32>} : memref<128xi32, #tpu.memory_space<vmem>>, vector<16xi32>,
    %shift_right_logical3A_16 = arith.constant 4 : i32
    %shift_right_logical3A_17 = vector.broadcast %shift_right_logical3A_16 : i32 to vector<16xi32>
    %shift_right_logical3A_18 = arith.shrui %get3A_15, %shift_right_logical3A_17 : vector<16xi32>
    %swap3A_19 = arith.constant 16 : index
    %swap3A_20 = tpu.vector_load %arg9[%swap3A_19] {strides = array<i32>} : memref<128xi32, #tpu.memory_space<vmem>>, vector<16xi32>,
    tpu.vector_store %arg9[%swap3A_19], %shift_right_logical3A_18 {strides = array<i32>} : memref<128xi32, #tpu.memory_space<vmem>>, vector<16xi32>,
    %get3A_21 = arith.constant 16 : index
    %get3A_22 = tpu.vector_load %arg8[%get3A_21] {strides = array<i32>} : memref<128xi32, #tpu.memory_space<vmem>>, vector<16xi32>,
    %shift_right_logical3A_23 = arith.constant 4 : i32
    %shift_right_logical3A_24 = vector.broadcast %shift_right_logical3A_23 : i32 to vector<16xi32>
    %shift_right_logical3A_25 = arith.shrui %get3A_22, %shift_right_logical3A_24 : vector<16xi32>
    %swap3A_26 = arith.constant 16 : index
    %swap3A_27 = tpu.vector_load %arg10[%swap3A_26] {strides = array<i32>} : memref<128xi32, #tpu.memory_space<vmem>>, vector<16xi32>,
    tpu.vector_store %arg10[%swap3A_26], %shift_right_logical3A_25 {strides = array<i32>} : memref<128xi32, #tpu.memory_space<vmem>>, vector<16xi32>,
    %get3A_28 = arith.constant 32 : index
    %get3A_29 = tpu.vector_load %arg7[%get3A_28] {strides = array<i32>} : memref<128xi32, #tpu.memory_space<vmem>>, vector<16xi32>,
    %shift_right_logical3A_30 = arith.constant 4 : i32
    %shift_right_logical3A_31 = vector.broadcast %shift_right_logical3A_30 : i32 to vector<16xi32>
    %shift_right_logical3A_32 = arith.shrui %get3A_29, %shift_right_logical3A_31 : vector<16xi32>
    %swap3A_33 = arith.constant 32 : index
    %swap3A_34 = tpu.vector_load %arg9[%swap3A_33] {strides = array<i32>} : memref<128xi32, #tpu.memory_space<vmem>>, vector<16xi32>,
    tpu.vector_store %arg9[%swap3A_33], %shift_right_logical3A_32 {strides = array<i32>} : memref<128xi32, #tpu.memory_space<vmem>>, vector<16xi32>,
    %get3A_35 = arith.constant 32 : index
    %get3A_36 = tpu.vector_load %arg8[%get3A_35] {strides = array<i32>} : memref<128xi32, #tpu.memory_space<vmem>>, vector<16xi32>,
    %shift_right_logical3A_37 = arith.constant 4 : i32
    %shift_right_logical3A_38 = vector.broadcast %shift_right_logical3A_37 : i32 to vector<16xi32>
    %shift_right_logical3A_39 = arith.shrui %get3A_36, %shift_right_logical3A_38 : vector<16xi32>
    %swap3A_40 = arith.constant 32 : index
    %swap3A_41 = tpu.vector_load %arg10[%swap3A_40] {strides = array<i32>} : memref<128xi32, #tpu.memory_space<vmem>>, vector<16xi32>,
    tpu.vector_store %arg10[%swap3A_40], %shift_right_logical3A_39 {strides = array<i32>} : memref<128xi32, #tpu.memory_space<vmem>>, vector<16xi32>,
    %get3A_42 = arith.constant 48 : index
    %get3A_43 = tpu.vector_load %arg7[%get3A_42] {strides = array<i32>} : memref<128xi32, #tpu.memory_space<vmem>>, vector<16xi32>,
    %shift_right_logical3A_44 = arith.constant 4 : i32
    %shift_right_logical3A_45 = vector.broadcast %shift_right_logical3A_44 : i32 to vector<16xi32>
    %shift_right_logical3A_46 = arith.shrui %get3A_43, %shift_right_logical3A_45 : vector<16xi32>
    %swap3A_47 = arith.constant 48 : index
    %swap3A_48 = tpu.vector_load %arg9[%swap3A_47] {strides = array<i32>} : memref<128xi32, #tpu.memory_space<vmem>>, vector<16xi32>,
    tpu.vector_store %arg9[%swap3A_47], %shift_right_logical3A_46 {strides = array<i32>} : memref<128xi32, #tpu.memory_space<vmem>>, vector<16xi32>,
    %get3A_49 = arith.constant 48 : index
    %get3A_50 = tpu.vector_load %arg8[%get3A_49] {strides = array<i32>} : memref<128xi32, #tpu.memory_space<vmem>>, vector<16xi32>,
    %shift_right_logical3A_51 = arith.constant 4 : i32
    %shift_right_logical3A_52 = vector.broadcast %shift_right_logical3A_51 : i32 to vector<16xi32>
    %shift_right_logical3A_53 = arith.shrui %get3A_50, %shift_right_logical3A_52 : vector<16xi32>
    %swap3A_54 = arith.constant 48 : index
    %swap3A_55 = tpu.vector_load %arg10[%swap3A_54] {strides = array<i32>} : memref<128xi32, #tpu.memory_space<vmem>>, vector<16xi32>,
    tpu.vector_store %arg10[%swap3A_54], %shift_right_logical3A_53 {strides = array<i32>} : memref<128xi32, #tpu.memory_space<vmem>>, vector<16xi32>,
    %get3A_56 = arith.constant 64 : index
    %get3A_57 = tpu.vector_load %arg7[%get3A_56] {strides = array<i32>} : memref<128xi32, #tpu.memory_space<vmem>>, vector<16xi32>,
    %shift_right_logical3A_58 = arith.constant 4 : i32
    %shift_right_logical3A_59 = vector.broadcast %shift_right_logical3A_58 : i32 to vector<16xi32>
    %shift_right_logical3A_60 = arith.shrui %get3A_57, %shift_right_logical3A_59 : vector<16xi32>
    %swap3A_61 = arith.constant 64 : index
    %swap3A_62 = tpu.vector_load %arg9[%swap3A_61] {strides = array<i32>} : memref<128xi32, #tpu.memory_space<vmem>>, vector<16xi32>,
    tpu.vector_store %arg9[%swap3A_61], %shift_right_logical3A_60 {strides = array<i32>} : memref<128xi32, #tpu.memory_space<vmem>>, vector<16xi32>,
    %get3A_63 = arith.constant 64 : index
    %get3A_64 = tpu.vector_load %arg8[%get3A_63] {strides = array<i32>} : memref<128xi32, #tpu.memory_space<vmem>>, vector<16xi32>,
    %shift_right_logical3A_65 = arith.constant 4 : i32
    %shift_right_logical3A_66 = vector.broadcast %shift_right_logical3A_65 : i32 to vector<16xi32>
    %shift_right_logical3A_67 = arith.shrui %get3A_64, %shift_right_logical3A_66 : vector<16xi32>
    %swap3A_68 = arith.constant 64 : index
    %swap3A_69 = tpu.vector_load %arg10[%swap3A_68] {strides = array<i32>} : memref<128xi32, #tpu.memory_space<vmem>>, vector<16xi32>,
    tpu.vector_store %arg10[%swap3A_68], %shift_right_logical3A_67 {strides = array<i32>} : memref<128xi32, #tpu.memory_space<vmem>>, vector<16xi32>,
    %get3A_70 = arith.constant 80 : index
    %get3A_71 = tpu.vector_load %arg7[%get3A_70] {strides = array<i32>} : memref<128xi32, #tpu.memory_space<vmem>>, vector<16xi32>,
    %shift_right_logical3A_72 = arith.constant 4 : i32
    %shift_right_logical3A_73 = vector.broadcast %shift_right_logical3A_72 : i32 to vector<16xi32>
    %shift_right_logical3A_74 = arith.shrui %get3A_71, %shift_right_logical3A_73 : vector<16xi32>
    %swap3A_75 = arith.constant 80 : index
    %swap3A_76 = tpu.vector_load %arg9[%swap3A_75] {strides = array<i32>} : memref<128xi32, #tpu.memory_space<vmem>>, vector<16xi32>,
    tpu.vector_store %arg9[%swap3A_75], %shift_right_logical3A_74 {strides = array<i32>} : memref<128xi32, #tpu.memory_space<vmem>>, vector<16xi32>,
    %get3A_77 = arith.constant 80 : index
    %get3A_78 = tpu.vector_load %arg8[%get3A_77] {strides = array<i32>} : memref<128xi32, #tpu.memory_space<vmem>>, vector<16xi32>,
    %shift_right_logical3A_79 = arith.constant 4 : i32
    %shift_right_logical3A_80 = vector.broadcast %shift_right_logical3A_79 : i32 to vector<16xi32>
    %shift_right_logical3A_81 = arith.shrui %get3A_78, %shift_right_logical3A_80 : vector<16xi32>
    %swap3A_82 = arith.constant 80 : index
    %swap3A_83 = tpu.vector_load %arg10[%swap3A_82] {strides = array<i32>} : memref<128xi32, #tpu.memory_space<vmem>>, vector<16xi32>,
    tpu.vector_store %arg10[%swap3A_82], %shift_right_logical3A_81 {strides = array<i32>} : memref<128xi32, #tpu.memory_space<vmem>>, vector<16xi32>,
    %get3A_84 = arith.constant 96 : index
    %get3A_85 = tpu.vector_load %arg7[%get3A_84] {strides = array<i32>} : memref<128xi32, #tpu.memory_space<vmem>>, vector<16xi32>,
    %shift_right_logical3A_86 = arith.constant 4 : i32
    %shift_right_logical3A_87 = vector.broadcast %shift_right_logical3A_86 : i32 to vector<16xi32>
    %shift_right_logical3A_88 = arith.shrui %get3A_85, %shift_right_logical3A_87 : vector<16xi32>
    %swap3A_89 = arith.constant 96 : index
    %swap3A_90 = tpu.vector_load %arg9[%swap3A_89] {strides = array<i32>} : memref<128xi32, #tpu.memory_space<vmem>>, vector<16xi32>,
    tpu.vector_store %arg9[%swap3A_89], %shift_right_logical3A_88 {strides = array<i32>} : memref<128xi32, #tpu.memory_space<vmem>>, vector<16xi32>,
    %get3A_91 = arith.constant 96 : index
    %get3A_92 = tpu.vector_load %arg8[%get3A_91] {strides = array<i32>} : memref<128xi32, #tpu.memory_space<vmem>>, vector<16xi32>,
    %shift_right_logical3A_93 = arith.constant 4 : i32
    %shift_right_logical3A_94 = vector.broadcast %shift_right_logical3A_93 : i32 to vector<16xi32>
    %shift_right_logical3A_95 = arith.shrui %get3A_92, %shift_right_logical3A_94 : vector<16xi32>
    %swap3A_96 = arith.constant 96 : index
    %swap3A_97 = tpu.vector_load %arg10[%swap3A_96] {strides = array<i32>} : memref<128xi32, #tpu.memory_space<vmem>>, vector<16xi32>,
    tpu.vector_store %arg10[%swap3A_96], %shift_right_logical3A_95 {strides = array<i32>} : memref<128xi32, #tpu.memory_space<vmem>>, vector<16xi32>,
    %get3A_98 = arith.constant 112 : index
    %get3A_99 = tpu.vector_load %arg7[%get3A_98] {strides = array<i32>} : memref<128xi32, #tpu.memory_space<vmem>>, vector<16xi32>,
    %shift_right_logical3A_100 = arith.constant 4 : i32
    %shift_right_logical3A_101 = vector.broadcast %shift_right_logical3A_100 : i32 to vector<16xi32>
    %shift_right_logical3A_102 = arith.shrui %get3A_99, %shift_right_logical3A_101 : vector<16xi32>
    %swap3A_103 = arith.constant 112 : index
    %swap3A_104 = tpu.vector_load %arg9[%swap3A_103] {strides = array<i32>} : memref<128xi32, #tpu.memory_space<vmem>>, vector<16xi32>,
    tpu.vector_store %arg9[%swap3A_103], %shift_right_logical3A_102 {strides = array<i32>} : memref<128xi32, #tpu.memory_space<vmem>>, vector<16xi32>,
    %get3A_105 = arith.constant 112 : index
    %get3A_106 = tpu.vector_load %arg8[%get3A_105] {strides = array<i32>} : memref<128xi32, #tpu.memory_space<vmem>>, vector<16xi32>,
    %shift_right_logical3A_107 = arith.constant 4 : i32
    %shift_right_logical3A_108 = vector.broadcast %shift_right_logical3A_107 : i32 to vector<16xi32>
    %shift_right_logical3A_109 = arith.shrui %get3A_106, %shift_right_logical3A_108 : vector<16xi32>
    %swap3A_110 = arith.constant 112 : index
    %swap3A_111 = tpu.vector_load %arg10[%swap3A_110] {strides = array<i32>} : memref<128xi32, #tpu.memory_space<vmem>>, vector<16xi32>,
    tpu.vector_store %arg10[%swap3A_110], %shift_right_logical3A_109 {strides = array<i32>} : memref<128xi32, #tpu.memory_space<vmem>>, vector<16xi32>,
    %dma_start3A = arith.constant 0 : i32
    %dma_start3A_112 = arith.constant 0 : i32
    %dma_start3A_113 = tpu.memref_slice %arg4[%dma_start3A, %dma_start3A_112] : memref<62500x16xf32, #tpu.memory_space<hbm>> -> memref<62500x16xf32, #tpu.memory_space<hbm>>
    tpu.enqueue_indirect_dma source(%dma_start3A_113 : memref<62500x16xf32, #tpu.memory_space<hbm>>) target(%arg11 : memref<128x16xf32, #tpu.memory_space<vmem>>) offsets(%arg9 : memref<128xi32, #tpu.memory_space<vmem>>) semaphore(%arg14 : memref<!tpu.dma_semaphore, #tpu.memory_space<semaphore_mem>>)
    %dma_start3A_114 = arith.constant 0 : i32
    %dma_start3A_115 = arith.constant 0 : i32
    %dma_start3A_116 = tpu.memref_slice %arg5[%dma_start3A_114, %dma_start3A_115] : memref<62500x16xf32, #tpu.memory_space<hbm>> -> memref<62500x16xf32, #tpu.memory_space<hbm>>
    tpu.enqueue_indirect_dma source(%dma_start3A_116 : memref<62500x16xf32, #tpu.memory_space<hbm>>) target(%arg12 : memref<128x16xf32, #tpu.memory_space<vmem>>) offsets(%arg10 : memref<128xi32, #tpu.memory_space<vmem>>) semaphore(%arg14 : memref<!tpu.dma_semaphore, #tpu.memory_space<semaphore_mem>>)
    %dma_wait3A = arith.constant 0 : i32
    %dma_wait3A_117 = arith.constant 0 : i32
    %dma_wait3A_118 = tpu.memref_slice %arg4[%dma_wait3A, %dma_wait3A_117] : memref<62500x16xf32, #tpu.memory_space<hbm>> -> memref<62500x16xf32, #tpu.memory_space<hbm>>
    tpu.wait_indirect_dma semaphore(%arg14 : memref<!tpu.dma_semaphore, #tpu.memory_space<semaphore_mem>>) src(%dma_wait3A_118 : memref<62500x16xf32, #tpu.memory_space<hbm>>) dst(%arg11 : memref<128x16xf32, #tpu.memory_space<vmem>>)
    %dma_wait3A_119 = arith.constant 0 : i32
    %dma_wait3A_120 = arith.constant 0 : i32
    %dma_wait3A_121 = tpu.memref_slice %arg5[%dma_wait3A_119, %dma_wait3A_120] : memref<62500x16xf32, #tpu.memory_space<hbm>> -> memref<62500x16xf32, #tpu.memory_space<hbm>>
    tpu.wait_indirect_dma semaphore(%arg14 : memref<!tpu.dma_semaphore, #tpu.memory_space<semaphore_mem>>) src(%dma_wait3A_121 : memref<62500x16xf32, #tpu.memory_space<hbm>>) dst(%arg12 : memref<128x16xf32, #tpu.memory_space<vmem>>)
    %iota3A = tpu.iota {dimensions = array<i32: 0>} : vector<16xi32>
    %add3A_122 = arith.constant 0 : i32
    %add3A_123 = vector.broadcast %add3A_122 : i32 to vector<16xi32>
    %add3A_124 = arith.addi %iota3A, %add3A_123 : vector<16xi32>
    %get3A_125 = arith.constant 0 : index
    %get3A_126 = tpu.vector_load %arg7[%get3A_125] {strides = array<i32>} : memref<128xi32, #tpu.memory_space<vmem>>, vector<16xi32>,
    %and3A = arith.constant 15 : i32
    %and3A_127 = vector.broadcast %and3A : i32 to vector<16xi32>
    %and3A_128 = arith.andi %get3A_126, %and3A_127 : vector<16xi32>
    %gather3A = tpu.vector_load_idx %arg11[%add3A_124, %and3A_128] : memref<128x16xf32, #tpu.memory_space<vmem>>[vector<16xi32>, vector<16xi32>], vector<16xf32>,
    %get3A_129 = arith.constant 0 : index
    %get3A_130 = tpu.vector_load %arg8[%get3A_129] {strides = array<i32>} : memref<128xi32, #tpu.memory_space<vmem>>, vector<16xi32>,
    %and3A_131 = arith.constant 15 : i32
    %and3A_132 = vector.broadcast %and3A_131 : i32 to vector<16xi32>
    %and3A_133 = arith.andi %get3A_130, %and3A_132 : vector<16xi32>
    %gather3A_134 = tpu.vector_load_idx %arg12[%add3A_124, %and3A_133] : memref<128x16xf32, #tpu.memory_space<vmem>>[vector<16xi32>, vector<16xi32>], vector<16xf32>,
    %add3A_135 = arith.addf %gather3A, %gather3A_134 : vector<16xf32>
    %swap3A_136 = arith.constant 0 : index
    %swap3A_137 = tpu.vector_load %arg13[%swap3A_136] {strides = array<i32>} : memref<128xf32, #tpu.memory_space<vmem>>, vector<16xf32>,
    tpu.vector_store %arg13[%swap3A_136], %add3A_135 {strides = array<i32>} : memref<128xf32, #tpu.memory_space<vmem>>, vector<16xf32>,
    %iota3A_138 = tpu.iota {dimensions = array<i32: 0>} : vector<16xi32>
    %add3A_139 = arith.constant 16 : i32
    %add3A_140 = vector.broadcast %add3A_139 : i32 to vector<16xi32>
    %add3A_141 = arith.addi %iota3A_138, %add3A_140 : vector<16xi32>
    %get3A_142 = arith.constant 16 : index
    %get3A_143 = tpu.vector_load %arg7[%get3A_142] {strides = array<i32>} : memref<128xi32, #tpu.memory_space<vmem>>, vector<16xi32>,
    %and3A_144 = arith.constant 15 : i32
    %and3A_145 = vector.broadcast %and3A_144 : i32 to vector<16xi32>
    %and3A_146 = arith.andi %get3A_143, %and3A_145 : vector<16xi32>
    %gather3A_147 = tpu.vector_load_idx %arg11[%add3A_141, %and3A_146] : memref<128x16xf32, #tpu.memory_space<vmem>>[vector<16xi32>, vector<16xi32>], vector<16xf32>,
    %get3A_148 = arith.constant 16 : index
    %get3A_149 = tpu.vector_load %arg8[%get3A_148] {strides = array<i32>} : memref<128xi32, #tpu.memory_space<vmem>>, vector<16xi32>,
    %and3A_150 = arith.constant 15 : i32
    %and3A_151 = vector.broadcast %and3A_150 : i32 to vector<16xi32>
    %and3A_152 = arith.andi %get3A_149, %and3A_151 : vector<16xi32>
    %gather3A_153 = tpu.vector_load_idx %arg12[%add3A_141, %and3A_152] : memref<128x16xf32, #tpu.memory_space<vmem>>[vector<16xi32>, vector<16xi32>], vector<16xf32>,
    %add3A_154 = arith.addf %gather3A_147, %gather3A_153 : vector<16xf32>
    %swap3A_155 = arith.constant 16 : index
    %swap3A_156 = tpu.vector_load %arg13[%swap3A_155] {strides = array<i32>} : memref<128xf32, #tpu.memory_space<vmem>>, vector<16xf32>,
    tpu.vector_store %arg13[%swap3A_155], %add3A_154 {strides = array<i32>} : memref<128xf32, #tpu.memory_space<vmem>>, vector<16xf32>,
    %iota3A_157 = tpu.iota {dimensions = array<i32: 0>} : vector<16xi32>
    %add3A_158 = arith.constant 32 : i32
    %add3A_159 = vector.broadcast %add3A_158 : i32 to vector<16xi32>
    %add3A_160 = arith.addi %iota3A_157, %add3A_159 : vector<16xi32>
    %get3A_161 = arith.constant 32 : index
    %get3A_162 = tpu.vector_load %arg7[%get3A_161] {strides = array<i32>} : memref<128xi32, #tpu.memory_space<vmem>>, vector<16xi32>,
    %and3A_163 = arith.constant 15 : i32
    %and3A_164 = vector.broadcast %and3A_163 : i32 to vector<16xi32>
    %and3A_165 = arith.andi %get3A_162, %and3A_164 : vector<16xi32>
    %gather3A_166 = tpu.vector_load_idx %arg11[%add3A_160, %and3A_165] : memref<128x16xf32, #tpu.memory_space<vmem>>[vector<16xi32>, vector<16xi32>], vector<16xf32>,
    %get3A_167 = arith.constant 32 : index
    %get3A_168 = tpu.vector_load %arg8[%get3A_167] {strides = array<i32>} : memref<128xi32, #tpu.memory_space<vmem>>, vector<16xi32>,
    %and3A_169 = arith.constant 15 : i32
    %and3A_170 = vector.broadcast %and3A_169 : i32 to vector<16xi32>
    %and3A_171 = arith.andi %get3A_168, %and3A_170 : vector<16xi32>
    %gather3A_172 = tpu.vector_load_idx %arg12[%add3A_160, %and3A_171] : memref<128x16xf32, #tpu.memory_space<vmem>>[vector<16xi32>, vector<16xi32>], vector<16xf32>,
    %add3A_173 = arith.addf %gather3A_166, %gather3A_172 : vector<16xf32>
    %swap3A_174 = arith.constant 32 : index
    %swap3A_175 = tpu.vector_load %arg13[%swap3A_174] {strides = array<i32>} : memref<128xf32, #tpu.memory_space<vmem>>, vector<16xf32>,
    tpu.vector_store %arg13[%swap3A_174], %add3A_173 {strides = array<i32>} : memref<128xf32, #tpu.memory_space<vmem>>, vector<16xf32>,
    %iota3A_176 = tpu.iota {dimensions = array<i32: 0>} : vector<16xi32>
    %add3A_177 = arith.constant 48 : i32
    %add3A_178 = vector.broadcast %add3A_177 : i32 to vector<16xi32>
    %add3A_179 = arith.addi %iota3A_176, %add3A_178 : vector<16xi32>
    %get3A_180 = arith.constant 48 : index
    %get3A_181 = tpu.vector_load %arg7[%get3A_180] {strides = array<i32>} : memref<128xi32, #tpu.memory_space<vmem>>, vector<16xi32>,
    %and3A_182 = arith.constant 15 : i32
    %and3A_183 = vector.broadcast %and3A_182 : i32 to vector<16xi32>
    %and3A_184 = arith.andi %get3A_181, %and3A_183 : vector<16xi32>
    %gather3A_185 = tpu.vector_load_idx %arg11[%add3A_179, %and3A_184] : memref<128x16xf32, #tpu.memory_space<vmem>>[vector<16xi32>, vector<16xi32>], vector<16xf32>,
    %get3A_186 = arith.constant 48 : index
    %get3A_187 = tpu.vector_load %arg8[%get3A_186] {strides = array<i32>} : memref<128xi32, #tpu.memory_space<vmem>>, vector<16xi32>,
    %and3A_188 = arith.constant 15 : i32
    %and3A_189 = vector.broadcast %and3A_188 : i32 to vector<16xi32>
    %and3A_190 = arith.andi %get3A_187, %and3A_189 : vector<16xi32>
    %gather3A_191 = tpu.vector_load_idx %arg12[%add3A_179, %and3A_190] : memref<128x16xf32, #tpu.memory_space<vmem>>[vector<16xi32>, vector<16xi32>], vector<16xf32>,
    %add3A_192 = arith.addf %gather3A_185, %gather3A_191 : vector<16xf32>
    %swap3A_193 = arith.constant 48 : index
    %swap3A_194 = tpu.vector_load %arg13[%swap3A_193] {strides = array<i32>} : memref<128xf32, #tpu.memory_space<vmem>>, vector<16xf32>,
    tpu.vector_store %arg13[%swap3A_193], %add3A_192 {strides = array<i32>} : memref<128xf32, #tpu.memory_space<vmem>>, vector<16xf32>,
    %iota3A_195 = tpu.iota {dimensions = array<i32: 0>} : vector<16xi32>
    %add3A_196 = arith.constant 64 : i32
    %add3A_197 = vector.broadcast %add3A_196 : i32 to vector<16xi32>
    %add3A_198 = arith.addi %iota3A_195, %add3A_197 : vector<16xi32>
    %get3A_199 = arith.constant 64 : index
    %get3A_200 = tpu.vector_load %arg7[%get3A_199] {strides = array<i32>} : memref<128xi32, #tpu.memory_space<vmem>>, vector<16xi32>,
    %and3A_201 = arith.constant 15 : i32
    %and3A_202 = vector.broadcast %and3A_201 : i32 to vector<16xi32>
    %and3A_203 = arith.andi %get3A_200, %and3A_202 : vector<16xi32>
    %gather3A_204 = tpu.vector_load_idx %arg11[%add3A_198, %and3A_203] : memref<128x16xf32, #tpu.memory_space<vmem>>[vector<16xi32>, vector<16xi32>], vector<16xf32>,
    %get3A_205 = arith.constant 64 : index
    %get3A_206 = tpu.vector_load %arg8[%get3A_205] {strides = array<i32>} : memref<128xi32, #tpu.memory_space<vmem>>, vector<16xi32>,
    %and3A_207 = arith.constant 15 : i32
    %and3A_208 = vector.broadcast %and3A_207 : i32 to vector<16xi32>
    %and3A_209 = arith.andi %get3A_206, %and3A_208 : vector<16xi32>
    %gather3A_210 = tpu.vector_load_idx %arg12[%add3A_198, %and3A_209] : memref<128x16xf32, #tpu.memory_space<vmem>>[vector<16xi32>, vector<16xi32>], vector<16xf32>,
    %add3A_211 = arith.addf %gather3A_204, %gather3A_210 : vector<16xf32>
    %swap3A_212 = arith.constant 64 : index
    %swap3A_213 = tpu.vector_load %arg13[%swap3A_212] {strides = array<i32>} : memref<128xf32, #tpu.memory_space<vmem>>, vector<16xf32>,
    tpu.vector_store %arg13[%swap3A_212], %add3A_211 {strides = array<i32>} : memref<128xf32, #tpu.memory_space<vmem>>, vector<16xf32>,
    %iota3A_214 = tpu.iota {dimensions = array<i32: 0>} : vector<16xi32>
    %add3A_215 = arith.constant 80 : i32
    %add3A_216 = vector.broadcast %add3A_215 : i32 to vector<16xi32>
    %add3A_217 = arith.addi %iota3A_214, %add3A_216 : vector<16xi32>
    %get3A_218 = arith.constant 80 : index
    %get3A_219 = tpu.vector_load %arg7[%get3A_218] {strides = array<i32>} : memref<128xi32, #tpu.memory_space<vmem>>, vector<16xi32>,
    %and3A_220 = arith.constant 15 : i32
    %and3A_221 = vector.broadcast %and3A_220 : i32 to vector<16xi32>
    %and3A_222 = arith.andi %get3A_219, %and3A_221 : vector<16xi32>
    %gather3A_223 = tpu.vector_load_idx %arg11[%add3A_217, %and3A_222] : memref<128x16xf32, #tpu.memory_space<vmem>>[vector<16xi32>, vector<16xi32>], vector<16xf32>,
    %get3A_224 = arith.constant 80 : index
    %get3A_225 = tpu.vector_load %arg8[%get3A_224] {strides = array<i32>} : memref<128xi32, #tpu.memory_space<vmem>>, vector<16xi32>,
    %and3A_226 = arith.constant 15 : i32
    %and3A_227 = vector.broadcast %and3A_226 : i32 to vector<16xi32>
    %and3A_228 = arith.andi %get3A_225, %and3A_227 : vector<16xi32>
    %gather3A_229 = tpu.vector_load_idx %arg12[%add3A_217, %and3A_228] : memref<128x16xf32, #tpu.memory_space<vmem>>[vector<16xi32>, vector<16xi32>], vector<16xf32>,
    %add3A_230 = arith.addf %gather3A_223, %gather3A_229 : vector<16xf32>
    %swap3A_231 = arith.constant 80 : index
    %swap3A_232 = tpu.vector_load %arg13[%swap3A_231] {strides = array<i32>} : memref<128xf32, #tpu.memory_space<vmem>>, vector<16xf32>,
    tpu.vector_store %arg13[%swap3A_231], %add3A_230 {strides = array<i32>} : memref<128xf32, #tpu.memory_space<vmem>>, vector<16xf32>,
    %iota3A_233 = tpu.iota {dimensions = array<i32: 0>} : vector<16xi32>
    %add3A_234 = arith.constant 96 : i32
    %add3A_235 = vector.broadcast %add3A_234 : i32 to vector<16xi32>
    %add3A_236 = arith.addi %iota3A_233, %add3A_235 : vector<16xi32>
    %get3A_237 = arith.constant 96 : index
    %get3A_238 = tpu.vector_load %arg7[%get3A_237] {strides = array<i32>} : memref<128xi32, #tpu.memory_space<vmem>>, vector<16xi32>,
    %and3A_239 = arith.constant 15 : i32
    %and3A_240 = vector.broadcast %and3A_239 : i32 to vector<16xi32>
    %and3A_241 = arith.andi %get3A_238, %and3A_240 : vector<16xi32>
    %gather3A_242 = tpu.vector_load_idx %arg11[%add3A_236, %and3A_241] : memref<128x16xf32, #tpu.memory_space<vmem>>[vector<16xi32>, vector<16xi32>], vector<16xf32>,
    %get3A_243 = arith.constant 96 : index
    %get3A_244 = tpu.vector_load %arg8[%get3A_243] {strides = array<i32>} : memref<128xi32, #tpu.memory_space<vmem>>, vector<16xi32>,
    %and3A_245 = arith.constant 15 : i32
    %and3A_246 = vector.broadcast %and3A_245 : i32 to vector<16xi32>
    %and3A_247 = arith.andi %get3A_244, %and3A_246 : vector<16xi32>
    %gather3A_248 = tpu.vector_load_idx %arg12[%add3A_236, %and3A_247] : memref<128x16xf32, #tpu.memory_space<vmem>>[vector<16xi32>, vector<16xi32>], vector<16xf32>,
    %add3A_249 = arith.addf %gather3A_242, %gather3A_248 : vector<16xf32>
    %swap3A_250 = arith.constant 96 : index
    %swap3A_251 = tpu.vector_load %arg13[%swap3A_250] {strides = array<i32>} : memref<128xf32, #tpu.memory_space<vmem>>, vector<16xf32>,
    tpu.vector_store %arg13[%swap3A_250], %add3A_249 {strides = array<i32>} : memref<128xf32, #tpu.memory_space<vmem>>, vector<16xf32>,
    %iota3A_252 = tpu.iota {dimensions = array<i32: 0>} : vector<16xi32>
    %add3A_253 = arith.constant 112 : i32
    %add3A_254 = vector.broadcast %add3A_253 : i32 to vector<16xi32>
    %add3A_255 = arith.addi %iota3A_252, %add3A_254 : vector<16xi32>
    %get3A_256 = arith.constant 112 : index
    %get3A_257 = tpu.vector_load %arg7[%get3A_256] {strides = array<i32>} : memref<128xi32, #tpu.memory_space<vmem>>, vector<16xi32>,
    %and3A_258 = arith.constant 15 : i32
    %and3A_259 = vector.broadcast %and3A_258 : i32 to vector<16xi32>
    %and3A_260 = arith.andi %get3A_257, %and3A_259 : vector<16xi32>
    %gather3A_261 = tpu.vector_load_idx %arg11[%add3A_255, %and3A_260] : memref<128x16xf32, #tpu.memory_space<vmem>>[vector<16xi32>, vector<16xi32>], vector<16xf32>,
    %get3A_262 = arith.constant 112 : index
    %get3A_263 = tpu.vector_load %arg8[%get3A_262] {strides = array<i32>} : memref<128xi32, #tpu.memory_space<vmem>>, vector<16xi32>,
    %and3A_264 = arith.constant 15 : i32
    %and3A_265 = vector.broadcast %and3A_264 : i32 to vector<16xi32>
    %and3A_266 = arith.andi %get3A_263, %and3A_265 : vector<16xi32>
    %gather3A_267 = tpu.vector_load_idx %arg12[%add3A_255, %and3A_266] : memref<128x16xf32, #tpu.memory_space<vmem>>[vector<16xi32>, vector<16xi32>], vector<16xf32>,
    %add3A_268 = arith.addf %gather3A_261, %gather3A_267 : vector<16xf32>
    %swap3A_269 = arith.constant 112 : index
    %swap3A_270 = tpu.vector_load %arg13[%swap3A_269] {strides = array<i32>} : memref<128xf32, #tpu.memory_space<vmem>>, vector<16xf32>,
    tpu.vector_store %arg13[%swap3A_269], %add3A_268 {strides = array<i32>} : memref<128xf32, #tpu.memory_space<vmem>>, vector<16xf32>,
    "tpu.region"() ({
      %run_scoped3A = tpu.sem_alloc : memref<!tpu.dma_semaphore, #tpu.memory_space<semaphore_mem>>
      %dma_start3A_271 = tpu.memref_slice %arg6[%mul3A_2] : memref<4096xf32, #tpu.memory_space<hbm>> -> memref<128xf32, #tpu.memory_space<hbm>>
      %dma_start3A_272 = tpu.memref_slice %arg6[%mul3A_2] : memref<4096xf32, #tpu.memory_space<hbm>> -> memref<128xf32, #tpu.memory_space<hbm>>
      tpu.enqueue_dma source(%arg13 : memref<128xf32, #tpu.memory_space<vmem>>) target(%dma_start3A_272 : memref<128xf32, #tpu.memory_space<hbm>>) target_semaphore(%run_scoped3A : memref<!tpu.dma_semaphore, #tpu.memory_space<semaphore_mem>>)
      %dma_wait3A_273 = tpu.memref_slice %arg6[%mul3A_2] : memref<4096xf32, #tpu.memory_space<hbm>> -> memref<128xf32, #tpu.memory_space<hbm>>
      %dma_wait3A_274 = tpu.memref_slice %arg6[%mul3A_2] : memref<4096xf32, #tpu.memory_space<hbm>> -> memref<128xf32, #tpu.memory_space<hbm>>
      tpu.wait_dma2 semaphore(%run_scoped3A : memref<!tpu.dma_semaphore, #tpu.memory_space<semaphore_mem>>) src(%arg13 : memref<128xf32, #tpu.memory_space<vmem>>) dst(%dma_wait3A_274 : memref<128xf32, #tpu.memory_space<hbm>>)
      tpu.yield
    }) : () -> ()
    return
  }
}

module attributes {stable_mosaic.version = 14 : i64} {
  func.func @_matmul_body(%arg0: i32, %arg1: memref<64x512xf32, #tpu.memory_space<vmem>>, %arg2: memref<64x4096xf32, #tpu.memory_space<vmem>>, %arg3: memref<1x4096xf32, #tpu.memory_space<vmem>>, %arg4: memref<512x4096xf32, #tpu.memory_space<vmem>>) attributes {dimension_semantics = [#tpu.dimension_semantics<arbitrary>], iteration_bounds = array<i64: 8>, scalar_prefetch = 0 : i64, scratch_operands = 0 : i64, tpu.core_type = #tpu.core_type<tc>, window_params = [{transform_indices = @transform_0, window_bounds = array<i64: 64, 512>}, {pipeline_mode = #tpu.pipeline_mode<synchronous>, transform_indices = @transform_1, window_bounds = array<i64: 64, 4096>}, {pipeline_mode = #tpu.pipeline_mode<synchronous>, transform_indices = @transform_2, window_bounds = array<i64: 1, 4096>}, {transform_indices = @transform_3, window_bounds = array<i64: 512, 4096>}]} {
    %get3A = arith.constant 0 : index
    %get3A_0 = arith.constant 0 : index
    %get3A_1 = vector.load %arg1[%get3A, %get3A_0] : memref<64x512xf32, #tpu.memory_space<vmem>>, vector<64x512xf32>
    %get3A_2 = arith.constant 0 : index
    %get3A_3 = arith.constant 0 : index
    %get3A_4 = vector.load %arg2[%get3A_2, %get3A_3] : memref<64x4096xf32, #tpu.memory_space<vmem>>, vector<64x4096xf32>
    %dot_general3A = arith.constant dense<0.000000e+00> : vector<512x4096xf32>
    %dot_general3A_5 = tpu.matmul %get3A_1, %get3A_4, %dot_general3A {dimension_numbers = #tpu.dot_dimension_numbers<[0], [0], [1], [1], [0, 1, 1, 1], [], []>, transpose_lhs_hint = false} : vector<64x512xf32>, vector<64x4096xf32>, vector<512x4096xf32> -> vector<512x4096xf32>
    %get3A_6 = arith.constant 0 : index
    %get3A_7 = arith.constant 0 : index
    %get3A_8 = vector.load %arg3[%get3A_6, %get3A_7] : memref<1x4096xf32, #tpu.memory_space<vmem>>, vector<1x4096xf32>
    %add3A = vector.broadcast %get3A_8 : vector<1x4096xf32> to vector<512x4096xf32>
    %add3A_9 = arith.addf %dot_general3A_5, %add3A : vector<512x4096xf32>
    %swap3A = arith.constant 0 : index
    %swap3A_10 = arith.constant 0 : index
    %swap3A_11 = vector.load %arg4[%swap3A, %swap3A_10] : memref<512x4096xf32, #tpu.memory_space<vmem>>, vector<512x4096xf32>
    tpu.vector_store %arg4[%swap3A, %swap3A_10], %add3A_9 {strides = array<i32>} : memref<512x4096xf32, #tpu.memory_space<vmem>>, vector<512x4096xf32>,
    return
  }
  func.func @transform_0(%arg0: i32) -> (i32, i32) {
    %c0_i32 = arith.constant 0 : i32
    %c0_i32_0 = arith.constant 0 : i32
    return %c0_i32, %arg0 : i32, i32
  }
  func.func @transform_1(%arg0: i32) -> (i32, i32) {
    %c0_i32 = arith.constant 0 : i32
    %c0_i32_0 = arith.constant 0 : i32
    %c0_i32_1 = arith.constant 0 : i32
    return %c0_i32, %c0_i32_0 : i32, i32
  }
  func.func @transform_2(%arg0: i32) -> (i32, i32) {
    %c0_i32 = arith.constant 0 : i32
    %c0_i32_0 = arith.constant 0 : i32
    %c0_i32_1 = arith.constant 0 : i32
    return %c0_i32, %c0_i32_0 : i32, i32
  }
  func.func @transform_3(%arg0: i32) -> (i32, i32) {
    %c0_i32 = arith.constant 0 : i32
    %c0_i32_0 = arith.constant 0 : i32
    return %arg0, %c0_i32 : i32, i32
  }
}

</mosaic_0001>

<sc_bundles>
// kernel: kernel.5.cloned.1.call-start
scs
__scs_entry_jumppad:
0x0: {  	(pc) =	sbr.rel $0x88, $3  }
0x1: {  	(tag) =	ssettag $0x0;
	lr =	simm.s32 $0x1  }
0x2: {  	[smem:$0x3F9B] =	sst lr;
	_ =	strace $0xD0000000  }
0x3: {  	_ = 	snop  }
0x4: {  	_ = 	snop  }
0x5: {  	_ = 	snop  }
0x6: {  	_ = 	snop  }
0x7: {  	_ = 	snop  }
__scs_overlays_trampoline_lowered:
0x8: {  	[smem:$0x3FAA] =	sst s0  }
0x9: {  	[smem:$0x3FAB] =	sst s1  }
0xa: {  	[smem:$0x3FAC] =	sst s2  }
0xb: {  	[smem:$0x3FAD] =	sst s3  }
0xc: {  	[smem:$0x3FAE] =	sst s4  }
0xd: {  	[smem:$0x3FAF] =	sst s5  }
0xe: {  	[smem:$0x3FB0] =	sst s6  }
0xf: {  	[smem:$0x3FB1] =	sst s7  }
0x10: {  	[smem:$0x3FB2] =	sst s8  }
0x11: {  	[smem:$0x3FB3] =	sst s9;
	s0 =	simm.s32 @!p0 $0x0  }
0x12: {  	s1 =	sld [smem:$0x3F99];
	s0 =	simm.s32 @p0 $0x1  }
0x13: {  	[smem:$0x3FB4] =	sst s0;
	s0 =	simm.s32 @!p1 $0x0  }
0x14: {  	s2 =	sld [smem:$0x3F98];
	s0 =	simm.s32 @p1 $0x1  }
0x15: {  	[smem:$0x3FB5] =	sst s0;
	s0 =	simm.s32 @!p2 $0x0  }
0x16: {  	s3 =	sld [smem:$0x3FDB];
	s0 =	simm.s32 @p2 $0x1  }
0x17: {  	s4 =	simm.s32 $0x1BF5;
	[smem:$0x3FB7] =	sst s0  }
0x18: {  	s0 =	sld [smem:$0x3F9A];
	_ =	swait.ge [sflag:s4], $0x0  }
0x19: {  	s7 =	sld [smem:$0x3F9B]  }
0x1a: {  	s8 =	sadd.s32 $0xFFFFE003, lr  }
0x1b: {  	s9 =	sadd.s32 $0xFFFFFEF7, lr;
	s5 =	simm.s32 $0xFFFFFFFF;
	p2 =	slt.u32 s8, $0xFFFFF086  }
0x1c: {  	p1 =	slt.u32 s9, $0xF7A;
	s5 =	simm.s32 @!p2 $0x0  }
0x1d: {  	s5 =	simm.s32 @p1 $0x1;
	p0 =	seq.s32 s7, s2  }
0x1e: {  	s7 =	smul.u32 @!p0 $0xF7A, s2;
	p2 =	seq.s32 @!p0 s5, $0x0  }
0x1f: {  	s9 =	smul.u32 $0xF7A, s1;
	s8 =	simm.s32 @!p0 $0x1BF5;
	p2 =	por !p2, p0  }
0x20: {  	[sflag:s8] =	ssyncset.s32 @!p0 $0xFFFFF086;
	s6 =	sadd.s32 @!p0 s3, s7;
	s7 =	simm.s32 @!p0 $0x108  }
0x21: {  	s3 =	sadd.s32 s3, s9;
	s6 =	sadd.s32 @!p0 $0x88, s6;
	s7 =	simm.s32 @p2 $0x1082  }
0x22: {  	[simem:s7], [sflag:s8] =	dma.local @!p0 [hbm:s6], $0xF7A  }
0x23: {  	s9 =	sor.u32 $0xD0000000, s2;
	s6 =	simm.s32 $0x108;
	_ =	swait.ge @!p0 [sflag:s8], $0x0  }
0x24: {  	s3 =	sadd.s32 $0x88, s3;
	s6 =	simm.s32 @!p1 $0x1082;
	[sflag:s4] =	ssyncset.s32 $0xFFFFF086  }
0x25: {  	[simem:s6], [sflag:s4] =	dma.local [hbm:s3], $0xF7A  }
0x26: {  	[smem:$0x3F9B] =	sst s1;
	(tag) =	ssettag s2;
	_ =	strace s9  }
0x27: {  	s1 =	sld [smem:$0x3FAB]  }
0x28: {  	s2 =	sld [smem:$0x3FAC]  }
0x29: {  	s4 =	sld [smem:$0x3FAE]  }
0x2a: {  	p0 =	seq.s32 s5, $0x0;
	s5 =	sld [smem:$0x3FAF]  }
0x2b: {  	s6 =	sld [smem:$0x3FB0]  }
0x2c: {  	s7 =	sld [smem:$0x3FB1]  }
0x2d: {  	s3 =	simm.s32 $0x108;
	s8 =	sld [smem:$0x3FB2]  }
0x2e: {  	s3 =	simm.s32 @!p0 $0x1082;
	s9 =	sld [smem:$0x3FB3]  }
0x2f: {  	lr =	sadd.s32 s0, s3;
	s0 =	sld [smem:$0x3FAA]  }
0x30: {  	s3 =	sld [smem:$0x3FAD]  }
0x31: {  	[smem:$0x3FB6] =	sst s10  }
0x32: {  	s10 =	sld [smem:$0x3FB4];
	_ =	sdelay $0x3  }
0x33: {  	p0 =	seq.s32 s10, $0x1;
	s10 =	sld [smem:$0x3FB6];
	_ =	sdelay $0x3  }
0x34: {  	[smem:$0x3FB6] =	sst s10  }
0x35: {  	s10 =	sld [smem:$0x3FB5];
	_ =	sdelay $0x3  }
0x36: {  	p1 =	seq.s32 s10, $0x1;
	s10 =	sld [smem:$0x3FB6];
	_ =	sdelay $0x3  }
0x37: {  	[smem:$0x3FB6] =	sst s10  }
0x38: {  	s10 =	sld [smem:$0x3FB7]  }
0x39: {  	_ = 	snop;
	(pc) =	sbr.ind lr, $3  }
0x3a: {  	_ = 	snop  }
0x3b: {  	_ = 	snop  }
0x3c: {  	p2 =	seq.s32 s10, $0x1;
	s10 =	sld [smem:$0x3FB6]  }
0x3d: {  	_ =	shalt  }
0x3e: {  	_ =	shalt  }
0x3f: {  	_ =	shalt  }
0x40: {  	_ =	shalt  }
0x41: {  	_ =	shalt  }
0x42: {  	_ =	shalt  }
0x43: {  	_ =	shalt  }
0x44: {  	_ =	shalt  }
0x45: {  	_ =	shalt  }
0x46: {  	_ =	shalt  }
0x47: {  	_ =	shalt  }
0x48: {  	_ =	shalt  }
0x49: {  	_ =	shalt  }
0x4a: {  	_ =	shalt  }
0x4b: {  	_ =	shalt  }
0x4c: {  	_ =	shalt  }
0x4d: {  	_ =	shalt  }
0x4e: {  	_ =	shalt  }
0x4f: {  	_ =	shalt  }
0x50: {  	_ =	shalt  }
0x51: {  	_ =	shalt  }
0x52: {  	_ =	shalt  }
0x53: {  	_ =	shalt  }
0x54: {  	_ =	shalt  }
0x55: {  	_ =	shalt  }
0x56: {  	_ =	shalt  }
0x57: {  	_ =	shalt  }
0x58: {  	_ =	shalt  }
0x59: {  	_ =	shalt  }
0x5a: {  	_ =	shalt  }
0x5b: {  	_ =	shalt  }
0x5c: {  	_ =	shalt  }
0x5d: {  	_ =	shalt  }
0x5e: {  	_ =	shalt  }
0x5f: {  	_ =	shalt  }
0x60: {  	_ =	shalt  }
0x61: {  	_ =	shalt  }
0x62: {  	_ =	shalt  }
0x63: {  	_ =	shalt  }
0x64: {  	_ =	shalt  }
0x65: {  	_ =	shalt  }
0x66: {  	_ =	shalt  }
0x67: {  	_ =	shalt  }
0x68: {  	_ =	shalt  }
0x69: {  	_ =	shalt  }
0x6a: {  	_ =	shalt  }
0x6b: {  	_ =	shalt  }
0x6c: {  	_ =	shalt  }
0x6d: {  	_ =	shalt  }
0x6e: {  	_ =	shalt  }
0x6f: {  	_ =	shalt  }
0x70: {  	_ =	shalt  }
0x71: {  	_ =	shalt  }
0x72: {  	_ =	shalt  }
0x73: {  	_ =	shalt  }
0x74: {  	_ =	shalt  }
0x75: {  	_ =	shalt  }
0x76: {  	_ =	shalt  }
0x77: {  	_ =	shalt  }
0x78: {  	_ =	shalt  }
0x79: {  	_ =	shalt  }
0x7a: {  	_ =	shalt  }
0x7b: {  	_ =	shalt  }
0x7c: {  	_ =	shalt  }
0x7d: {  	_ =	shalt  }
0x7e: {  	_ =	shalt  }
0x7f: {  	_ =	shalt  }
0x80: {  	_ =	shalt  }
0x81: {  	_ =	shalt  }
0x82: {  	_ =	shalt  }
0x83: {  	_ =	shalt  }
0x84: {  	_ =	shalt  }
0x85: {  	_ =	shalt  }
0x86: {  	_ =	shalt  }
0x87: {  	_ =	shalt  }
.Lfunc_end0:
.L_simem_size_0:
called_computation_lowered:
.L_overlay_start_0:
0x88: {  	s2 =	sld [smem:$0x3FD9]  }
0x89: {  	s3 =	sld [smem:$0x3FFE];
	_ =	sdelay $0x1  }
0x8a: {  	s1 =	srdreg.scid  }
0x8b: {  	s0 =	sand.u32 $0x1, s1  }
0x8c: {  	s17 =	sshll.u32 s0, $0xA;
	s2 =	sadd.s32 s3, s2  }
0x8d: {  	s2 =	sadd.s32 s2, s17  }
0x8e: {  	[smem:$0x3FC2] =	sst s2  }
0x8f: {  	_ = 	snop  }
0x90: {  	s2 =	sld [smem:$0x3FC9]  }
0x91: {  	s18 =	sld [smem:$0x3FC8]  }
0x92: {  	s4 =	sld [smem:$0x3FC7]  }
0x93: {  	s5 =	sld [smem:$0x3FC6];
	(tm) =	ssettm $0x1  }
0x94: {  	s6 =	sld [smem:$0x3FFB];
	_ =	sdelay $0x3  }
0x95: {  	_ =	strace s6  }
0x96: {  	s6 =	sld [smem:$0x3FFC];
	_ =	sdelay $0x3  }
0x97: {  	_ =	strace s6  }
0x98: {  	s6 =	sld [smem:$0x3FFD];
	_ =	sdelay $0x3  }
0x99: {  	_ =	strace s6  }
0x9a: {  	_ =	strace $0x8FFFFFFF  }
0x9b: {  	s19 =	sld [smem:$0x3FDB];
	_ =	sdelay $0x1  }
0x9c: {  	s7 =	simm.s32 $_scs_section_size  }
0x9d: {  	s8 =	simm.s32 $_size__tile_overlayer_lowered;
	s9 =	simm.s32 $_tile_overlayer_lowered  }
0x9e: {  	s22 =	simm.s32 $0x1BFF;
	s21 =	sshll.u32 s9, $0x1;
	s6 =	sadd.s32 s7, s19  }
0x9f: {  	s10 =	simm.s32 $0x0;
	s20 =	sshll.u32 s8, $0x1;
	s8 =	sadd.s32 s21, s6  }
0xa0: {  	[timem:s10], [sflag:s22] =	dma.local [hbm:s8], s20  }
0xa1: {  	_ =	swait.ge [sflag:s22], s20  }
0xa2: {  	s7 =	ssub.s32 $0x0, s20;
	[sflag:s22] =	ssyncset.done $0x0  }
0xa3: {  	[sflag:s22] =	ssyncadd.s32 s7;
	_ =	sdelay $0x1  }
0xa4: {  	s23 =	simm.s32 $0x1B8B  }
0xa5: {  	_ =	swait.ge [sflag:s23], $0x1  }
0xa6: {  	[sflag:s23] =	ssyncset.done $0x0  }
0xa7: {  	s25 =	simm.s32 $0x1B8E;
	s24 =	sld [smem:$0x3FFE];
	[sflag:s23] =	ssyncadd.s32 $0xFFFFFFFF  }
0xa8: {  	s26 =	simm.s32 $execute0_lowered;
	[smem:$0x3FD2] =	sst s25  }
0xa9: {  	s8 =	sshll.u32 s26, $0x1;
	_ =	strace $0x80000046;
	[dreg:$0x1] =	wrdreg $0xFFFFFFFF  }
0xaa: {  	s28 =	simm.s32 $_size_execute0_lowered;
	s6 =	sadd.s32 s6, s8;
	[dreg:$0x0] =	wrdreg $0x0  }
0xab: {  	s8 =	sshll.u32 s28, $0x1;
	[dreg:$0x2] =	wrdreg s6  }
0xac: {  	[dreg:$0x3] =	wrdreg s8  }
0xad: {  	[dreg:$0x4] =	wrdreg $0xC0  }
0xae: {  	_ =	task [dreg:s10], $0x5FFFF  }
0xaf: {  	[dreg:$0x1] =	wrdreg $0xFFFFFFFF  }
0xb0: {  	[dreg:$0x0] =	wrdreg $0x60  }
0xb1: {  	[dreg:$0x2] =	wrdreg s2  }
0xb2: {  	[dreg:$0x3] =	wrdreg s18  }
0xb3: {  	[dreg:$0x4] =	wrdreg s4  }
0xb4: {  	[dreg:$0x5] =	wrdreg s5  }
0xb5: {  	[dreg:$0x6] =	wrdreg s24  }
0xb6: {  	[dreg:$0x7] =	wrdreg $0x9  }
0xb7: {  	_ =	task.clear_ibuf [dreg:s10], $0x8FFFF;
	_ =	strace $0x90000046  }
0xb8: {  	s29 =	simm.s32 $0x9;
	_ =	strace $0x80000048  }
0xb9: {  	_ =	swait.ge [sflag:s29], $0x1  }
0xba: {  	[sflag:s29] =	ssyncadd.s32 $0xFFFFFFFF  }
0xbb: {  	_ =	strace $0x90000048  }
0xbc: {  	_ =	sfence  }
0xbd: {  	s30 =	sld [smem:$0x0];
	_ =	sdelay $0x2  }
0xbe: {  	s31 =	sshll.u32 s1, $0xD;
	s1 =	sshrl.u32 s1, $0x2  }
0xbf: {  	s3 =	sand.u32 $0x4000, s31;
	s1 =	sadd.s32 s1, s30  }
0xc0: {  	s0 =	sor.u32 s3, s0;
	s1 =	sshll.u32 s1, $0x11  }
0xc1: {  	s0 =	sor.u32 s1, s0  }
0xc2: {  	s0 =	sadd.s32 $0x8F2B, s0  }
0xc3: {  	[sflag:s0] =	ssyncadd.remote.s32 $0x1  }
0xc4: {  	_ =	sfence.sel $0xFFFF  }
0xc5: {  	[dreg:$0x0] =	wrdreg $0xFFFFFFFF;
	(pc) =	sbr.abs _section_cstart, $3  }
0xc6: {  	[dreg:$0x1] =	wrdreg $0xFFFFFFFF  }
0xc7: {  	_ =	task.clear_ibuf [dreg:s10], $0x2FFFF;
	_ =	strace $0x9FFFFFFF  }
0xc8: {  	(tm) =	ssettm $0x7FFFFFFF  }
0xc9: {  	_ =	shalt  }
tec
execute0_lowered:
.L_overlay_start_1:
0x0: {  	(tag) =	ssettag $0x1  }
0x1: {  	s0 =	rddreg [dreg:$0x0]  }
0x2: {  	s3 =	rddreg [dreg:$0x1]  }
0x3: {  	s1 =	rddreg [dreg:$0x2]  }
0x4: {  	s2 =	rddreg [dreg:$0x3]  }
0x5: {  	s5 =	rddreg [dreg:$0x4];
	s7 =	simm.s32 $0x0  }
0x6: {  	s6 =	srdreg.scid;
	s4 =	stileid.u32;
	vm0 =	vmmov $0x1;
	s10 =	simm.s32 $0x2  }
0x7: {  	vm1 =	vcmask $0x308;
	vm2 =	vcmask $0x70C;
	v0 =	vlaneseq.u32;
	s11 =	simm.s32 $0x400;
	s12 =	simm.s32 $0x7A1400;
	s13 =	simm.s32 $0x100  }
0x8: {  	vm3 =	vcmask $0xB10;
	vm4 =	vcmask $0xF14;
	vm5 =	vcmask $0x1318;
	s14 =	simm.s32 $0x2100;
	s15 =	simm.s32 $0x4100;
	s16 =	simm.s32 $0x6100  }
0x9: {  	vm6 =	vcmask $0x171C;
	vm7 =	vcmask $0x1B20;
	v1 =	vimm.s32 $0x0;
	s17 =	simm.s32 $0x8100;
	s18 =	simm.s32 $0xA100;
	s19 =	simm.s32 $0xC100  }
0xa: {  	v5 =	vimm.s32 $0x1;
	v6 =	vimm.s32 $0x2;
	v7 =	vimm.s32 $0x3;
	s20 =	simm.s32 $0xE100;
	s21 =	simm.s32 $0x10100;
	s22 =	simm.s32 $0x12100  }
0xb: {  	vm8 =	vcmask $0x1F24;
	vm9 =	vcmask $0x2328;
	vm10 =	vcmask $0x272C;
	s23 =	simm.s32 $0x14100;
	s24 =	simm.s32 $0x16100;
	s25 =	simm.s32 $0x1  }
0xc: {  	vm11 =	vcmask $0x2B30;
	v8 =	vimm.s32 $0x4;
	v9 =	vimm.s32 $0x5;
	s26 =	simm.s32 $0x18100;
	s28 =	simm.s32 $0x1A100;
	s29 =	simm.s32 $0x8000  }
0xd: {  	v10 =	vimm.s32 $0x6;
	v11 =	vimm.s32 $0x7;
	vm12 =	vcmask $0x2F34;
	[smem:$0x7FF] =	sst s7;
	s6 =	sand.u32 $0x1, s6;
	s31 =	sshll.u32 s4, $0x1  }
0xe: {  	vm13 =	vcmask $0x3338;
	vm14 =	vcmask $0x373C;
	vm15 =	vmmov $0x7fff;
	s30 =	simm.s32 $0x0;
	_ =	strace $0x80000047;
	s7 =	sor.u32 s6, s31  }
0xf: {  	v12 =	vimm.s32 $0x8;
	v13 =	vimm.s32 $0x9;
	v14 =	vimm.s32 $0xA;
	s6 =	ssub.s32 $0x2, s6;
	s8 =	sshll.u32 s7, $0x7;
	s7 =	sshll.u32 s7, $0x4  }
0x10: {  	v15 =	vimm.s32 $0xB;
	v16 =	vimm.s32 $0xC;
	v0 =	vmul.u32 $0x80, v0;
	s9 =	sshrl.u32 s6, $0x1;
	s8 =	sadd.s32 s8, s5;
	s0 =	sadd.s32 s0, s7  }
0x11: {  	v17 =	vimm.s32 $0xD;
	v18 =	vimm.s32 $0xE;
	v19 =	vimm.s32 $0xF;
	s9 =	ssub.s32 s6, s9;
	s6 =	sadd.s32 s3, s7;
	[dreg:$0x6] =	wrdreg s0  }
0x12: {  	v2 =	vor.u32 $0x800, v0;
	v3 =	vor.u32 $0x1000, v0;
	v4 =	vor.u32 $0x1800, v0;
	s7 =	sadd.s32 $0xC00, s8;
	s8 =	sadd.s32 $0x8C00, s8;
	s9 =	smax.u32 s9, $0x1  }
.LBB2_1:
0x13: {  	s0 =	simm.s32 $0x0;
	s3 =	rddreg [dreg:$0x6]  }
0x14: {  	[tilespmem:s0], [sflag:$0x2] =	stream.linear.gather [hbm4b:s3+s0], $0x80, $0x38;
	[tilespmem:$0x1C100] =	vst v63  }
0x15: {  	_ =	swait.ge [sflag:s10], $0x80  }
0x16: {  	[sflag:s10] =	ssyncset.done $0x0  }
0x17: {  	s31 =	simm.s32 $0x80;
	[sflag:s10] =	ssyncadd.s32 $0xFFFFFF80  }
0x18: {  	[tilespmem:s31], [sflag:$0x2] =	stream.linear.gather [hbm4b:s6+s0], $0x80, $0x38;
	[tilespmem:$0x1C100] =	vst v63  }
0x19: {  	_ =	swait.ge [sflag:s10], $0x80  }
0x1a: {  	[sflag:s10] =	ssyncset.done $0x0  }
0x1b: {  	s3 =	simm.s32 $0x0;
	s0 =	simm.s32 $0xF;
	[sflag:s10] =	ssyncadd.s32 $0xFFFFFF80  }
.LBB2_2:
0x1c: {  	v20 =	vld [tilespmem:s3+$0x0];
	_ =	sdelay $0x4  }
0x1d: {  	v23 =	vand.u32 $0xFFFFFF80, v20  }
0x1e: {  	v21 =	vnsel vm0, $0x0, v23  }
0x1f: {  	v21 =	vxor.u32 $0x80000000, v21  }
0x20: {  	v31 =	vsel vm1, $0x0, v23;
	(xrf0) =	vmax.scan.msk.u32 $0xffff, v21  }
0x21: {  	v21 =	vxor.u32 $0x80000000, v31  }
0x22: {  	(xrf0) =	vmax.scan.msk.u32 $0xffff, v21;
	_ =	sdelay $0x2  }
0x23: {  	v22 =	vsel vm2, $0x0, v23  }
0x24: {  	v22 =	vxor.u32 $0x80000000, v22;
	v32, _, _ =	vpop (xrf0)  }
0x25: {  	v24 =	vsel vm3, $0x0, v23;
	v21 =	vld [tilespmem:s31+$0x0];
	(xrf0) =	vmax.scan.msk.u32 $0xffff, v22;
	(v2sf) =	vpush v32, $0xF  }
0x26: {  	v34 =	vxor.u32 $0x80000000, v24;
	v33, _, _ =	vpop (xrf0)  }
0x27: {  	(xrf0) =	vmax.scan.msk.u32 $0xffff, v34;
	(v2sf) =	vpush v33, $0xF;
	_ =	sdelay $0x2  }
0x28: {  	v22 =	vand.u32 $0xFFFFFF80, v21  }
0x29: {  	v25 =	vnsel vm0, $0x0, v22;
	v35, _, _ =	vpop (xrf0)  }
0x2a: {  	v36 =	vxor.u32 $0x80000000, v25;
	(v2sf) =	vpush v35, $0xF  }
0x2b: {  	v38 =	vsel vm1, $0x0, v22;
	(xrf0) =	vmax.scan.msk.u32 $0xffff, v36;
	v37, _, _ =	vpop (xrf0)  }
0x2c: {  	v39 =	vxor.u32 $0x80000000, v38;
	(v2sf) =	vpush v37, $0xF  }
0x2d: {  	(xrf0) =	vmax.scan.msk.u32 $0xffff, v39;
	_ =	sdelay $0x2  }
0x2e: {  	v41 =	vsel vm2, $0x0, v22  }
0x2f: {  	v42 =	vxor.u32 $0x80000000, v41;
	v40, _, _ =	vpop (xrf0)  }
0x30: {  	v44 =	vsel vm3, $0x0, v22;
	(xrf0) =	vmax.scan.msk.u32 $0xffff, v42;
	s4 =	spop (v2sf);
	(v2sf) =	vpush v40, $0xF  }
0x31: {  	v45 =	vxor.u32 $0x80000000, v44;
	v43, _, _ =	vpop (xrf0)  }
0x32: {  	(xrf0) =	vmax.scan.msk.u32 $0xffff, v45;
	s5 =	spop (v2sf);
	(v2sf) =	vpush v43, $0xF  }
0x33: {  	s4 =	sand.u32 $0x1FFFFF80, s4  }
0x34: {  	s4 =	sadd.s32 s1, s4  }
0x35: {  	v47 =	vsel vm4, $0x0, v23;
	[tilespmem:s13], [sflag:$0x1] =	stream.strided.gather [hbm4b:s4+s11], $0x2000, s12, s11, $0x38;
	[tilespmem:$0x1C100] =	vst v63  }
0x36: {  	v48 =	vxor.u32 $0x80000000, v47;
	v46, _, _ =	vpop (xrf0);
	s4 =	sand.u32 $0x1FFFFF80, s5  }
0x37: {  	(xrf0) =	vmax.scan.msk.u32 $0xffff, v48;
	s4 =	sadd.s32 s1, s4;
	s5 =	spop (v2sf);
	(v2sf) =	vpush v46, $0xF  }
0x38: {  	v50 =	vsel vm5, $0x0, v23;
	v49, _, _ =	vpop (xrf0);
	[tilespmem:s14], [sflag:$0x1] =	stream.strided.gather [hbm4b:s4+s11], $0x2000, s12, s11, $0x38;
	[tilespmem:$0x1C100] =	vst v63  }
0x39: {  	v51 =	vxor.u32 $0x80000000, v50;
	s4 =	sand.u32 $0x1FFFFF80, s5;
	s5 =	spop (v2sf);
	(v2sf) =	vpush v49, $0xF  }
0x3a: {  	(xrf0) =	vmax.scan.msk.u32 $0xffff, v51;
	_ =	sdelay $0x1  }
0x3b: {  	s4 =	sadd.s32 s1, s4  }
0x3c: {  	v53 =	vsel vm6, $0x0, v23;
	[tilespmem:s15], [sflag:$0x1] =	stream.strided.gather [hbm4b:s4+s11], $0x2000, s12, s11, $0x38;
	[tilespmem:$0x1C100] =	vst v63  }
0x3d: {  	v54 =	vxor.u32 $0x80000000, v53;
	v52, _, _ =	vpop (xrf0);
	s4 =	sand.u32 $0x1FFFFF80, s5  }
0x3e: {  	v56 =	vsel vm7, $0x0, v23;
	(xrf0) =	vmax.scan.msk.u32 $0xffff, v54;
	s4 =	sadd.s32 s1, s4;
	s5 =	spop (v2sf);
	(v2sf) =	vpush v52, $0xF  }
0x3f: {  	v57 =	vxor.u32 $0x80000000, v56;
	v55, _, _ =	vpop (xrf0);
	[tilespmem:s16], [sflag:$0x1] =	stream.strided.gather [hbm4b:s4+s11], $0x2000, s12, s11, $0x38;
	[tilespmem:$0x1C100] =	vst v63  }
0x40: {  	(xrf0) =	vmax.scan.msk.u32 $0xffff, v57;
	s4 =	sand.u32 $0x1FFFFF80, s5;
	s5 =	spop (v2sf);
	(v2sf) =	vpush v55, $0xF;
	_ =	sdelay $0x1  }
0x41: {  	s4 =	sadd.s32 s2, s4  }
0x42: {  	[tilespmem:s17], [sflag:$0x1] =	stream.strided.gather [hbm4b:s4+s11], $0x2000, s12, s11, $0x38;
	[tilespmem:$0x1C100] =	vst v63  }
0x43: {  	v58, _, _ =	vpop (xrf0);
	s4 =	sand.u32 $0x1FFFFF80, s5  }
0x44: {  	s4 =	sadd.s32 s2, s4;
	s5 =	spop (v2sf);
	(v2sf) =	vpush v58, $0xF  }
0x45: {  	v59, _, _ =	vpop (xrf0);
	[tilespmem:s18], [sflag:$0x1] =	stream.strided.gather [hbm4b:s4+s11], $0x2000, s12, s11, $0x38;
	[tilespmem:$0x1C100] =	vst v63  }
0x46: {  	s4 =	sand.u32 $0x1FFFFF80, s5;
	s5 =	spop (v2sf);
	(v2sf) =	vpush v59, $0xF  }
0x47: {  	s4 =	sadd.s32 s2, s4  }
0x48: {  	[tilespmem:s19], [sflag:$0x1] =	stream.strided.gather [hbm4b:s4+s11], $0x2000, s12, s11, $0x38;
	[tilespmem:$0x1C100] =	vst v63  }
0x49: {  	s4 =	sand.u32 $0x1FFFFF80, s5  }
0x4a: {  	s4 =	sadd.s32 s2, s4  }
0x4b: {  	[tilespmem:s20], [sflag:$0x1] =	stream.strided.gather [hbm4b:s4+s11], $0x2000, s12, s11, $0x38;
	[tilespmem:$0x1C100] =	vst v63  }
0x4c: {  	s5 =	spop (v2sf)  }
0x4d: {  	s4 =	sand.u32 $0x1FFFFF80, s5  }
0x4e: {  	s5 =	spop (v2sf);
	s4 =	sadd.s32 s1, s4  }
0x4f: {  	[tilespmem:s21], [sflag:$0x1] =	stream.strided.gather [hbm4b:s4+s11], $0x2000, s12, s11, $0x38;
	[tilespmem:$0x1C100] =	vst v63  }
0x50: {  	s4 =	sand.u32 $0x1FFFFF80, s5  }
0x51: {  	s4 =	sadd.s32 s1, s4  }
0x52: {  	[tilespmem:s22], [sflag:$0x1] =	stream.strided.gather [hbm4b:s4+s11], $0x2000, s12, s11, $0x38;
	[tilespmem:$0x1C100] =	vst v63  }
0x53: {  	s5 =	spop (v2sf)  }
0x54: {  	s4 =	sand.u32 $0x1FFFFF80, s5  }
0x55: {  	v20 =	vand.u32 $0x7F, v20;
	s5 =	spop (v2sf);
	s4 =	sadd.s32 s1, s4  }
0x56: {  	v26 =	vperm.xlane v20, v1;
	[tilespmem:s23], [sflag:$0x1] =	stream.strided.gather [hbm4b:s4+s11], $0x2000, s12, s11, $0x38;
	[tilespmem:$0x1C100] =	vst v63  }
0x57: {  	s4 =	sand.u32 $0x1FFFFF80, s5  }
0x58: {  	v60 =	vadd.s32 v0, v26;
	s5 =	sadd.s32 $0xFFFFFFF1, s0;
	s4 =	sadd.s32 s1, s4  }
0x59: {  	v61 =	vmov s5;
	[tilespmem:s24], [sflag:$0x1] =	stream.strided.gather [hbm4b:s4+s11], $0x2000, s12, s11, $0x38;
	[tilespmem:$0x1C100] =	vst v63  }
0x5a: {  	v25 =	vand.u32 $0x70, v61;
	_ =	swait.ge [sflag:s25], $0x2000  }
0x5b: {  	v27 =	vbroadcast v25, $0x0;
	[sflag:s25] =	ssyncset.done $0x0  }
0x5c: {  	[sflag:s25] =	ssyncadd.s32 $0xFFFFE000  }
0x5d: {  	v63 =	vor.u32 v0, v27;
	v62 =	vld.idx.msk [tilespmem:v60+s13+$0x0], $0xffff  }
0x5e: {  	v28 =	vadd.s32 v2, v26;
	_ =	sdelay $0x3  }
0x5f: {  	[tilespmem:v63+s26+$0x0] =	vst.idx.msk $0xffff, v62  }
0x60: {  	v25 =	vor.u32 v2, v27;
	v28 =	vld.idx.msk [tilespmem:v28+s13+$0x0], $0xffff  }
0x61: {  	v29 =	vadd.s32 v3, v26;
	_ =	sdelay $0x3  }
0x62: {  	[tilespmem:v25+s26+$0x0] =	vst.idx.msk $0xffff, v28  }
0x63: {  	v28 =	vld.idx.msk [tilespmem:v29+s13+$0x0], $0xffff;
	v29 =	vor.u32 v3, v27  }
0x64: {  	v26 =	vadd.s32 v4, v26;
	_ =	sdelay $0x3  }
0x65: {  	[tilespmem:v29+s26+$0x0] =	vst.idx.msk $0xffff, v28  }
0x66: {  	v27 =	vor.u32 v4, v27;
	v26 =	vld.idx.msk [tilespmem:v26+s13+$0x0], $0xffff;
	_ =	sdelay $0x1  }
0x67: {  	v45 =	vperm.xlane v20, v5;
	_ =	sdelay $0x1  }
0x68: {  	v30 =	vadd.s32 v0, v45;
	s5 =	sadd.s32 $0xFFFFFFF2, s0  }
0x69: {  	v46 =	vmov s5;
	[tilespmem:v27+s26+$0x0] =	vst.idx.msk $0xffff, v26  }
0x6a: {  	v26 =	vand.u32 $0x71, v46;
	_ =	swait.ge [sflag:s25], $0x2000  }
0x6b: {  	v26 =	vbroadcast v26, $0x0;
	[sflag:s25] =	ssyncset.done $0x0  }
0x6c: {  	[sflag:s25] =	ssyncadd.s32 $0xFFFFE000  }
0x6d: {  	v31 =	vor.u32 v0, v26;
	v30 =	vld.idx.msk [tilespmem:v30+s14+$0x0], $0xffff  }
0x6e: {  	v32 =	vadd.s32 v2, v45;
	_ =	sdelay $0x3  }
0x6f: {  	[tilespmem:v31+s26+$0x0] =	vst.idx.msk $0xffff, v30  }
0x70: {  	v30 =	vld.idx.msk [tilespmem:v32+s14+$0x0], $0xffff;
	v32 =	vor.u32 v2, v26  }
0x71: {  	v33 =	vadd.s32 v3, v45;
	_ =	sdelay $0x3  }
0x72: {  	[tilespmem:v32+s26+$0x0] =	vst.idx.msk $0xffff, v30  }
0x73: {  	v30 =	vld.idx.msk [tilespmem:v33+s14+$0x0], $0xffff;
	v33 =	vor.u32 v3, v26  }
0x74: {  	v28 =	vadd.s32 v4, v45;
	_ =	sdelay $0x3  }
0x75: {  	[tilespmem:v33+s26+$0x0] =	vst.idx.msk $0xffff, v30  }
0x76: {  	v26 =	vor.u32 v4, v26;
	v28 =	vld.idx.msk [tilespmem:v28+s14+$0x0], $0xffff;
	_ =	sdelay $0x1  }
0x77: {  	v47 =	vperm.xlane v20, v6;
	_ =	sdelay $0x1  }
0x78: {  	v34 =	vadd.s32 v0, v47;
	s5 =	sadd.s32 $0xFFFFFFF3, s0  }
0x79: {  	v48 =	vmov s5;
	[tilespmem:v26+s26+$0x0] =	vst.idx.msk $0xffff, v28  }
0x7a: {  	v28 =	vand.u32 $0x72, v48;
	_ =	swait.ge [sflag:s25], $0x2000  }
0x7b: {  	v28 =	vbroadcast v28, $0x0;
	[sflag:s25] =	ssyncset.done $0x0  }
0x7c: {  	[sflag:s25] =	ssyncadd.s32 $0xFFFFE000  }
0x7d: {  	v35 =	vor.u32 v0, v28;
	v34 =	vld.idx.msk [tilespmem:v34+s15+$0x0], $0xffff  }
0x7e: {  	v36 =	vadd.s32 v2, v47;
	_ =	sdelay $0x3  }
0x7f: {  	[tilespmem:v35+s26+$0x0] =	vst.idx.msk $0xffff, v34  }
0x80: {  	v34 =	vld.idx.msk [tilespmem:v36+s15+$0x0], $0xffff;
	v36 =	vor.u32 v2, v28  }
0x81: {  	v37 =	vadd.s32 v3, v47;
	_ =	sdelay $0x3  }
0x82: {  	[tilespmem:v36+s26+$0x0] =	vst.idx.msk $0xffff, v34  }
0x83: {  	v34 =	vld.idx.msk [tilespmem:v37+s15+$0x0], $0xffff;
	v37 =	vor.u32 v3, v28  }
0x84: {  	v30 =	vadd.s32 v4, v47;
	_ =	sdelay $0x3  }
0x85: {  	[tilespmem:v37+s26+$0x0] =	vst.idx.msk $0xffff, v34  }
0x86: {  	v28 =	vor.u32 v4, v28;
	v30 =	vld.idx.msk [tilespmem:v30+s15+$0x0], $0xffff;
	_ =	sdelay $0x1  }
0x87: {  	v49 =	vperm.xlane v20, v7;
	_ =	sdelay $0x1  }
0x88: {  	v38 =	vadd.s32 v0, v49;
	s5 =	sadd.s32 $0xFFFFFFF4, s0  }
0x89: {  	v50 =	vmov s5;
	[tilespmem:v28+s26+$0x0] =	vst.idx.msk $0xffff, v30  }
0x8a: {  	v39 =	vsel vm4, $0x0, v22;
	v30 =	vand.u32 $0x73, v50;
	_ =	swait.ge [sflag:s25], $0x2000  }
0x8b: {  	v39 =	vxor.u32 $0x80000000, v39;
	v30 =	vbroadcast v30, $0x0;
	[sflag:s25] =	ssyncset.done $0x0  }
0x8c: {  	v41 =	vsel vm5, $0x0, v22;
	(xrf0) =	vmax.scan.msk.u32 $0xffff, v39;
	[sflag:s25] =	ssyncadd.s32 $0xFFFFE000  }
0x8d: {  	v41 =	vxor.u32 $0x80000000, v41;
	v39 =	vor.u32 v0, v30;
	v38 =	vld.idx.msk [tilespmem:v38+s16+$0x0], $0xffff  }
0x8e: {  	v40 =	vadd.s32 v2, v49;
	(xrf0) =	vmax.scan.msk.u32 $0xffff, v41  }
0x8f: {  	v52 =	vsel vm6, $0x0, v22  }
0x90: {  	v53 =	vxor.u32 $0x80000000, v52  }
0x91: {  	(xrf0) =	vmax.scan.msk.u32 $0xffff, v53  }
0x92: {  	v43 =	vsel vm7, $0x0, v22;
	v51, _, _ =	vpop (xrf0);
	[tilespmem:v39+s26+$0x0] =	vst.idx.msk $0xffff, v38  }
0x93: {  	v56 =	vxor.u32 $0x80000000, v43;
	v42 =	vor.u32 v2, v30;
	(v2sf) =	vpush v51, $0xF;
	v40 =	vld.idx.msk [tilespmem:v40+s16+$0x0], $0xffff  }
0x94: {  	v54 =	vadd.s32 v3, v49;
	v55, _, _ =	vpop (xrf0);
	(xrf0) =	vmax.scan.msk.u32 $0xffff, v56  }
0x95: {  	(v2sf) =	vpush v55, $0xF;
	_ =	sdelay $0x1  }
0x96: {  	v58, _, _ =	vpop (xrf0)  }
0x97: {  	(v2sf) =	vpush v58, $0xF;
	[tilespmem:v42+s26+$0x0] =	vst.idx.msk $0xffff, v40  }
0x98: {  	v40 =	vor.u32 v3, v30;
	v57 =	vld.idx.msk [tilespmem:v54+s16+$0x0], $0xffff  }
0x99: {  	v34 =	vadd.s32 v4, v49;
	v59, _, _ =	vpop (xrf0)  }
0x9a: {  	(v2sf) =	vpush v59, $0xF;
	_ =	sdelay $0x2  }
0x9b: {  	[tilespmem:v40+s26+$0x0] =	vst.idx.msk $0xffff, v57  }
0x9c: {  	v30 =	vor.u32 v4, v30;
	v34 =	vld.idx.msk [tilespmem:v34+s16+$0x0], $0xffff;
	_ =	sdelay $0x2  }
0x9d: {  	s5 =	spop (v2sf)  }
0x9e: {  	s4 =	sand.u32 $0x1FFFFF80, s5  }
0x9f: {  	s5 =	spop (v2sf);
	s4 =	sadd.s32 s2, s4;
	[tilespmem:v30+s26+$0x0] =	vst.idx.msk $0xffff, v34  }
0xa0: {  	[tilespmem:s13], [sflag:$0x1] =	stream.strided.gather [hbm4b:s4+s11], $0x2000, s12, s11, $0x38;
	[tilespmem:$0x1C100] =	vst v63  }
0xa1: {  	s4 =	sand.u32 $0x1FFFFF80, s5  }
0xa2: {  	s5 =	spop (v2sf);
	s4 =	sadd.s32 s2, s4  }
0xa3: {  	[tilespmem:s14], [sflag:$0x1] =	stream.strided.gather [hbm4b:s4+s11], $0x2000, s12, s11, $0x38;
	[tilespmem:$0x1C100] =	vst v63  }
0xa4: {  	s4 =	sand.u32 $0x1FFFFF80, s5  }
0xa5: {  	v21 =	vand.u32 $0x7F, v21;
	s4 =	sadd.s32 s2, s4;
	s5 =	spop (v2sf)  }
0xa6: {  	v60 =	vperm.xlane v21, v1;
	[tilespmem:s15], [sflag:$0x1] =	stream.strided.gather [hbm4b:s4+s11], $0x2000, s12, s11, $0x38;
	[tilespmem:$0x1C100] =	vst v63  }
0xa7: {  	s4 =	sand.u32 $0x1FFFFF80, s5  }
0xa8: {  	v61 =	vadd.s32 v0, v60;
	s4 =	sadd.s32 s2, s4  }
0xa9: {  	[tilespmem:s16], [sflag:$0x1] =	stream.strided.gather [hbm4b:s4+s11], $0x2000, s12, s11, $0x38;
	[tilespmem:$0x1C100] =	vst v63  }
0xaa: {  	_ =	swait.ge [sflag:s25], $0x2000  }
0xab: {  	[sflag:s25] =	ssyncset.done $0x0  }
0xac: {  	[sflag:s25] =	ssyncadd.s32 $0xFFFFE000  }
0xad: {  	v38 =	vld.idx.msk [tilespmem:v61+s17+$0x0], $0xffff  }
0xae: {  	v62 =	vadd.s32 v2, v60;
	_ =	sdelay $0x3  }
0xaf: {  	[tilespmem:v63+s28+$0x0] =	vst.idx.msk $0xffff, v38  }
0xb0: {  	v24 =	vld.idx.msk [tilespmem:v62+s17+$0x0], $0xffff  }
0xb1: {  	v63 =	vadd.s32 v3, v60;
	_ =	sdelay $0x3  }
0xb2: {  	[tilespmem:v25+s28+$0x0] =	vst.idx.msk $0xffff, v24  }
0xb3: {  	v24 =	vld.idx.msk [tilespmem:v63+s17+$0x0], $0xffff  }
0xb4: {  	v38 =	vadd.s32 v4, v60;
	_ =	sdelay $0x3  }
0xb5: {  	[tilespmem:v29+s28+$0x0] =	vst.idx.msk $0xffff, v24  }
0xb6: {  	v24 =	vld.idx.msk [tilespmem:v38+s17+$0x0], $0xffff;
	_ =	sdelay $0x1  }
0xb7: {  	v41 =	vperm.xlane v21, v5;
	_ =	sdelay $0x1  }
0xb8: {  	v43 =	vadd.s32 v0, v41  }
0xb9: {  	[tilespmem:v27+s28+$0x0] =	vst.idx.msk $0xffff, v24  }
0xba: {  	_ =	swait.ge [sflag:s25], $0x2000  }
0xbb: {  	[sflag:s25] =	ssyncset.done $0x0  }
0xbc: {  	[sflag:s25] =	ssyncadd.s32 $0xFFFFE000  }
0xbd: {  	v44 =	vld.idx.msk [tilespmem:v43+s18+$0x0], $0xffff  }
0xbe: {  	v45 =	vadd.s32 v2, v41;
	_ =	sdelay $0x3  }
0xbf: {  	[tilespmem:v31+s28+$0x0] =	vst.idx.msk $0xffff, v44  }
0xc0: {  	v24 =	vld.idx.msk [tilespmem:v45+s18+$0x0], $0xffff  }
0xc1: {  	v46 =	vadd.s32 v3, v41;
	_ =	sdelay $0x3  }
0xc2: {  	[tilespmem:v32+s28+$0x0] =	vst.idx.msk $0xffff, v24  }
0xc3: {  	v24 =	vld.idx.msk [tilespmem:v46+s18+$0x0], $0xffff  }
0xc4: {  	v25 =	vadd.s32 v4, v41;
	_ =	sdelay $0x3  }
0xc5: {  	[tilespmem:v33+s28+$0x0] =	vst.idx.msk $0xffff, v24  }
0xc6: {  	v24 =	vld.idx.msk [tilespmem:v25+s18+$0x0], $0xffff;
	_ =	sdelay $0x1  }
0xc7: {  	v47 =	vperm.xlane v21, v6;
	_ =	sdelay $0x1  }
0xc8: {  	v48 =	vadd.s32 v0, v47  }
0xc9: {  	[tilespmem:v26+s28+$0x0] =	vst.idx.msk $0xffff, v24  }
0xca: {  	_ =	swait.ge [sflag:s25], $0x2000  }
0xcb: {  	[sflag:s25] =	ssyncset.done $0x0  }
0xcc: {  	[sflag:s25] =	ssyncadd.s32 $0xFFFFE000  }
0xcd: {  	v49 =	vld.idx.msk [tilespmem:v48+s19+$0x0], $0xffff  }
0xce: {  	v50 =	vadd.s32 v2, v47;
	_ =	sdelay $0x3  }
0xcf: {  	[tilespmem:v35+s28+$0x0] =	vst.idx.msk $0xffff, v49  }
0xd0: {  	v24 =	vld.idx.msk [tilespmem:v50+s19+$0x0], $0xffff  }
0xd1: {  	v51 =	vadd.s32 v3, v47;
	_ =	sdelay $0x3  }
0xd2: {  	[tilespmem:v36+s28+$0x0] =	vst.idx.msk $0xffff, v24  }
0xd3: {  	v24 =	vld.idx.msk [tilespmem:v51+s19+$0x0], $0xffff  }
0xd4: {  	v25 =	vadd.s32 v4, v47;
	_ =	sdelay $0x3  }
0xd5: {  	[tilespmem:v37+s28+$0x0] =	vst.idx.msk $0xffff, v24  }
0xd6: {  	v24 =	vld.idx.msk [tilespmem:v25+s19+$0x0], $0xffff;
	_ =	sdelay $0x1  }
0xd7: {  	v52 =	vperm.xlane v21, v7;
	_ =	sdelay $0x1  }
0xd8: {  	v53 =	vadd.s32 v0, v52  }
0xd9: {  	[tilespmem:v28+s28+$0x0] =	vst.idx.msk $0xffff, v24  }
0xda: {  	v54 =	vsel vm8, $0x0, v23;
	_ =	swait.ge [sflag:s25], $0x2000  }
0xdb: {  	v24 =	vxor.u32 $0x80000000, v54;
	[sflag:s25] =	ssyncset.done $0x0  }
0xdc: {  	v57 =	vsel vm9, $0x0, v23;
	(xrf0) =	vmax.scan.msk.u32 $0xffff, v24;
	[sflag:s25] =	ssyncadd.s32 $0xFFFFE000  }
0xdd: {  	v27 =	vxor.u32 $0x80000000, v57;
	v55 =	vld.idx.msk [tilespmem:v53+s20+$0x0], $0xffff  }
0xde: {  	v56 =	vadd.s32 v2, v52;
	(xrf0) =	vmax.scan.msk.u32 $0xffff, v27  }
0xdf: {  	v59 =	vsel vm10, $0x0, v23  }
0xe0: {  	v60 =	vxor.u32 $0x80000000, v59  }
0xe1: {  	(xrf0) =	vmax.scan.msk.u32 $0xffff, v60  }
0xe2: {  	v63 =	vsel vm11, $0x0, v23;
	v58, _, _ =	vpop (xrf0);
	[tilespmem:v39+s28+$0x0] =	vst.idx.msk $0xffff, v55  }
0xe3: {  	v29 =	vxor.u32 $0x80000000, v63;
	(v2sf) =	vpush v58, $0xF;
	v26 =	vld.idx.msk [tilespmem:v56+s20+$0x0], $0xffff  }
0xe4: {  	v61 =	vadd.s32 v3, v52;
	v62, _, _ =	vpop (xrf0);
	(xrf0) =	vmax.scan.msk.u32 $0xffff, v29  }
0xe5: {  	(v2sf) =	vpush v62, $0xF;
	_ =	sdelay $0x1  }
0xe6: {  	v32, _, _ =	vpop (xrf0)  }
0xe7: {  	(v2sf) =	vpush v32, $0xF;
	[tilespmem:v42+s28+$0x0] =	vst.idx.msk $0xffff, v26  }
0xe8: {  	v31 =	vld.idx.msk [tilespmem:v61+s20+$0x0], $0xffff  }
0xe9: {  	v25 =	vadd.s32 v4, v52;
	v33, _, _ =	vpop (xrf0)  }
0xea: {  	(v2sf) =	vpush v33, $0xF;
	_ =	sdelay $0x2  }
0xeb: {  	[tilespmem:v40+s28+$0x0] =	vst.idx.msk $0xffff, v31  }
0xec: {  	v25 =	vld.idx.msk [tilespmem:v25+s20+$0x0], $0xffff;
	_ =	sdelay $0x2  }
0xed: {  	s5 =	spop (v2sf)  }
0xee: {  	s4 =	sand.u32 $0x1FFFFF80, s5  }
0xef: {  	s5 =	spop (v2sf);
	s4 =	sadd.s32 s1, s4;
	[tilespmem:v30+s28+$0x0] =	vst.idx.msk $0xffff, v25  }
0xf0: {  	[tilespmem:s17], [sflag:$0x1] =	stream.strided.gather [hbm4b:s4+s11], $0x2000, s12, s11, $0x38;
	[tilespmem:$0x1C100] =	vst v63  }
0xf1: {  	s4 =	sand.u32 $0x1FFFFF80, s5  }
0xf2: {  	s5 =	spop (v2sf);
	s4 =	sadd.s32 s1, s4  }
0xf3: {  	[tilespmem:s18], [sflag:$0x1] =	stream.strided.gather [hbm4b:s4+s11], $0x2000, s12, s11, $0x38;
	[tilespmem:$0x1C100] =	vst v63  }
0xf4: {  	s4 =	sand.u32 $0x1FFFFF80, s5  }
0xf5: {  	s4 =	sadd.s32 s1, s4;
	s5 =	spop (v2sf)  }
0xf6: {  	v34 =	vperm.xlane v20, v8;
	[tilespmem:s19], [sflag:$0x1] =	stream.strided.gather [hbm4b:s4+s11], $0x2000, s12, s11, $0x38;
	[tilespmem:$0x1C100] =	vst v63  }
0xf7: {  	s4 =	sand.u32 $0x1FFFFF80, s5  }
0xf8: {  	v35 =	vadd.s32 v0, v34;
	s5 =	sadd.s32 $0xFFFFFFF5, s0;
	s4 =	sadd.s32 s1, s4  }
0xf9: {  	v36 =	vmov s5;
	[tilespmem:s20], [sflag:$0x1] =	stream.strided.gather [hbm4b:s4+s11], $0x2000, s12, s11, $0x38;
	[tilespmem:$0x1C100] =	vst v63  }
0xfa: {  	v26 =	vand.u32 $0x74, v36;
	_ =	swait.ge [sflag:s25], $0x2000  }
0xfb: {  	v26 =	vbroadcast v26, $0x0;
	[sflag:s25] =	ssyncset.done $0x0  }
0xfc: {  	[sflag:s25] =	ssyncadd.s32 $0xFFFFE000  }
0xfd: {  	v24 =	vor.u32 v0, v26;
	v37 =	vld.idx.msk [tilespmem:v35+s21+$0x0], $0xffff  }
0xfe: {  	v38 =	vadd.s32 v2, v34;
	_ =	sdelay $0x3  }
0xff: {  	[tilespmem:v24+s26+$0x0] =	vst.idx.msk $0xffff, v37  }
0x100: {  	v28 =	vor.u32 v2, v26;
	v27 =	vld.idx.msk [tilespmem:v38+s21+$0x0], $0xffff  }
0x101: {  	v39 =	vadd.s32 v3, v34;
	_ =	sdelay $0x3  }
0x102: {  	[tilespmem:v28+s26+$0x0] =	vst.idx.msk $0xffff, v27  }
0x103: {  	v29 =	vor.u32 v3, v26;
	v27 =	vld.idx.msk [tilespmem:v39+s21+$0x0], $0xffff  }
0x104: {  	v25 =	vadd.s32 v4, v34;
	_ =	sdelay $0x3  }
0x105: {  	[tilespmem:v29+s26+$0x0] =	vst.idx.msk $0xffff, v27  }
0x106: {  	v26 =	vor.u32 v4, v26;
	v25 =	vld.idx.msk [tilespmem:v25+s21+$0x0], $0xffff;
	_ =	sdelay $0x1  }
0x107: {  	v40 =	vperm.xlane v20, v9;
	_ =	sdelay $0x1  }
0x108: {  	v41 =	vadd.s32 v0, v40;
	s5 =	sadd.s32 $0xFFFFFFF6, s0  }
0x109: {  	v42 =	vmov s5;
	[tilespmem:v26+s26+$0x0] =	vst.idx.msk $0xffff, v25  }
0x10a: {  	v25 =	vand.u32 $0x75, v42;
	_ =	swait.ge [sflag:s25], $0x2000  }
0x10b: {  	v25 =	vbroadcast v25, $0x0;
	[sflag:s25] =	ssyncset.done $0x0  }
0x10c: {  	[sflag:s25] =	ssyncadd.s32 $0xFFFFE000  }
0x10d: {  	v31 =	vor.u32 v0, v25;
	v30 =	vld.idx.msk [tilespmem:v41+s22+$0x0], $0xffff  }
0x10e: {  	v43 =	vadd.s32 v2, v40;
	_ =	sdelay $0x3  }
0x10f: {  	[tilespmem:v31+s26+$0x0] =	vst.idx.msk $0xffff, v30  }
0x110: {  	v32 =	vor.u32 v2, v25;
	v30 =	vld.idx.msk [tilespmem:v43+s22+$0x0], $0xffff  }
0x111: {  	v44 =	vadd.s32 v3, v40;
	_ =	sdelay $0x3  }
0x112: {  	[tilespmem:v32+s26+$0x0] =	vst.idx.msk $0xffff, v30  }
0x113: {  	v33 =	vor.u32 v3, v25;
	v30 =	vld.idx.msk [tilespmem:v44+s22+$0x0], $0xffff  }
0x114: {  	v27 =	vadd.s32 v4, v40;
	_ =	sdelay $0x3  }
0x115: {  	[tilespmem:v33+s26+$0x0] =	vst.idx.msk $0xffff, v30  }
0x116: {  	v25 =	vor.u32 v4, v25;
	v27 =	vld.idx.msk [tilespmem:v27+s22+$0x0], $0xffff;
	_ =	sdelay $0x1  }
0x117: {  	v45 =	vperm.xlane v20, v10;
	_ =	sdelay $0x1  }
0x118: {  	v46 =	vadd.s32 v0, v45;
	s5 =	sadd.s32 $0xFFFFFFF7, s0  }
0x119: {  	v47 =	vmov s5;
	[tilespmem:v25+s26+$0x0] =	vst.idx.msk $0xffff, v27  }
0x11a: {  	v27 =	vand.u32 $0x76, v47;
	_ =	swait.ge [sflag:s25], $0x2000  }
0x11b: {  	v27 =	vbroadcast v27, $0x0;
	[sflag:s25] =	ssyncset.done $0x0  }
0x11c: {  	[sflag:s25] =	ssyncadd.s32 $0xFFFFE000  }
0x11d: {  	v35 =	vor.u32 v0, v27;
	v34 =	vld.idx.msk [tilespmem:v46+s23+$0x0], $0xffff  }
0x11e: {  	v48 =	vadd.s32 v2, v45;
	_ =	sdelay $0x3  }
0x11f: {  	[tilespmem:v35+s26+$0x0] =	vst.idx.msk $0xffff, v34  }
0x120: {  	v36 =	vor.u32 v2, v27;
	v34 =	vld.idx.msk [tilespmem:v48+s23+$0x0], $0xffff  }
0x121: {  	v49 =	vadd.s32 v3, v45;
	_ =	sdelay $0x3  }
0x122: {  	[tilespmem:v36+s26+$0x0] =	vst.idx.msk $0xffff, v34  }
0x123: {  	v37 =	vor.u32 v3, v27;
	v34 =	vld.idx.msk [tilespmem:v49+s23+$0x0], $0xffff  }
0x124: {  	v30 =	vadd.s32 v4, v45;
	_ =	sdelay $0x3  }
0x125: {  	[tilespmem:v37+s26+$0x0] =	vst.idx.msk $0xffff, v34  }
0x126: {  	v27 =	vor.u32 v4, v27;
	v30 =	vld.idx.msk [tilespmem:v30+s23+$0x0], $0xffff;
	_ =	sdelay $0x1  }
0x127: {  	v50 =	vperm.xlane v20, v11;
	_ =	sdelay $0x1  }
0x128: {  	v51 =	vadd.s32 v0, v50;
	s5 =	sadd.s32 $0xFFFFFFF8, s0  }
0x129: {  	v52 =	vmov s5;
	[tilespmem:v27+s26+$0x0] =	vst.idx.msk $0xffff, v30  }
0x12a: {  	v53 =	vsel vm8, $0x0, v22;
	v30 =	vand.u32 $0x77, v52;
	_ =	swait.ge [sflag:s25], $0x2000  }
0x12b: {  	v39 =	vxor.u32 $0x80000000, v53;
	v30 =	vbroadcast v30, $0x0;
	[sflag:s25] =	ssyncset.done $0x0  }
0x12c: {  	v55 =	vsel vm9, $0x0, v22;
	(xrf0) =	vmax.scan.msk.u32 $0xffff, v39;
	[sflag:s25] =	ssyncadd.s32 $0xFFFFE000  }
0x12d: {  	v41 =	vxor.u32 $0x80000000, v55;
	v39 =	vor.u32 v0, v30;
	v38 =	vld.idx.msk [tilespmem:v51+s24+$0x0], $0xffff  }
0x12e: {  	v54 =	vadd.s32 v2, v50;
	(xrf0) =	vmax.scan.msk.u32 $0xffff, v41  }
0x12f: {  	v57 =	vsel vm10, $0x0, v22  }
0x130: {  	v58 =	vxor.u32 $0x80000000, v57  }
0x131: {  	(xrf0) =	vmax.scan.msk.u32 $0xffff, v58  }
0x132: {  	v61 =	vsel vm11, $0x0, v22;
	v56, _, _ =	vpop (xrf0);
	[tilespmem:v39+s26+$0x0] =	vst.idx.msk $0xffff, v38  }
0x133: {  	v62 =	vxor.u32 $0x80000000, v61;
	v42 =	vor.u32 v2, v30;
	(v2sf) =	vpush v56, $0xF;
	v40 =	vld.idx.msk [tilespmem:v54+s24+$0x0], $0xffff  }
0x134: {  	v59 =	vadd.s32 v3, v50;
	v60, _, _ =	vpop (xrf0);
	(xrf0) =	vmax.scan.msk.u32 $0xffff, v62  }
0x135: {  	(v2sf) =	vpush v60, $0xF;
	_ =	sdelay $0x1  }
0x136: {  	v44, _, _ =	vpop (xrf0)  }
0x137: {  	(v2sf) =	vpush v44, $0xF;
	[tilespmem:v42+s26+$0x0] =	vst.idx.msk $0xffff, v40  }
0x138: {  	v40 =	vor.u32 v3, v30;
	v63 =	vld.idx.msk [tilespmem:v59+s24+$0x0], $0xffff  }
0x139: {  	v34 =	vadd.s32 v4, v50;
	v45, _, _ =	vpop (xrf0)  }
0x13a: {  	(v2sf) =	vpush v45, $0xF;
	_ =	sdelay $0x2  }
0x13b: {  	[tilespmem:v40+s26+$0x0] =	vst.idx.msk $0xffff, v63  }
0x13c: {  	v30 =	vor.u32 v4, v30;
	v34 =	vld.idx.msk [tilespmem:v34+s24+$0x0], $0xffff;
	_ =	sdelay $0x2  }
0x13d: {  	s5 =	spop (v2sf)  }
0x13e: {  	s4 =	sand.u32 $0x1FFFFF80, s5  }
0x13f: {  	s5 =	spop (v2sf);
	s4 =	sadd.s32 s2, s4;
	[tilespmem:v30+s26+$0x0] =	vst.idx.msk $0xffff, v34  }
0x140: {  	[tilespmem:s21], [sflag:$0x1] =	stream.strided.gather [hbm4b:s4+s11], $0x2000, s12, s11, $0x38;
	[tilespmem:$0x1C100] =	vst v63  }
0x141: {  	s4 =	sand.u32 $0x1FFFFF80, s5  }
0x142: {  	s5 =	spop (v2sf);
	s4 =	sadd.s32 s2, s4  }
0x143: {  	[tilespmem:s22], [sflag:$0x1] =	stream.strided.gather [hbm4b:s4+s11], $0x2000, s12, s11, $0x38;
	[tilespmem:$0x1C100] =	vst v63  }
0x144: {  	s4 =	sand.u32 $0x1FFFFF80, s5  }
0x145: {  	s4 =	sadd.s32 s2, s4;
	s5 =	spop (v2sf)  }
0x146: {  	v46 =	vperm.xlane v21, v8;
	[tilespmem:s23], [sflag:$0x1] =	stream.strided.gather [hbm4b:s4+s11], $0x2000, s12, s11, $0x38;
	[tilespmem:$0x1C100] =	vst v63  }
0x147: {  	s4 =	sand.u32 $0x1FFFFF80, s5  }
0x148: {  	v47 =	vadd.s32 v0, v46;
	s4 =	sadd.s32 s2, s4  }
0x149: {  	[tilespmem:s24], [sflag:$0x1] =	stream.strided.gather [hbm4b:s4+s11], $0x2000, s12, s11, $0x38;
	[tilespmem:$0x1C100] =	vst v63  }
0x14a: {  	_ =	swait.ge [sflag:s25], $0x2000  }
0x14b: {  	[sflag:s25] =	ssyncset.done $0x0  }
0x14c: {  	[sflag:s25] =	ssyncadd.s32 $0xFFFFE000  }
0x14d: {  	v38 =	vld.idx.msk [tilespmem:v47+s13+$0x0], $0xffff  }
0x14e: {  	v48 =	vadd.s32 v2, v46;
	_ =	sdelay $0x3  }
0x14f: {  	[tilespmem:v24+s28+$0x0] =	vst.idx.msk $0xffff, v38  }
0x150: {  	v24 =	vld.idx.msk [tilespmem:v48+s13+$0x0], $0xffff  }
0x151: {  	v49 =	vadd.s32 v3, v46;
	_ =	sdelay $0x3  }
0x152: {  	[tilespmem:v28+s28+$0x0] =	vst.idx.msk $0xffff, v24  }
0x153: {  	v24 =	vld.idx.msk [tilespmem:v49+s13+$0x0], $0xffff  }
0x154: {  	v50 =	vadd.s32 v4, v46;
	_ =	sdelay $0x3  }
0x155: {  	[tilespmem:v29+s28+$0x0] =	vst.idx.msk $0xffff, v24  }
0x156: {  	v24 =	vld.idx.msk [tilespmem:v50+s13+$0x0], $0xffff;
	_ =	sdelay $0x1  }
0x157: {  	v51 =	vperm.xlane v21, v9;
	_ =	sdelay $0x1  }
0x158: {  	v52 =	vadd.s32 v0, v51  }
0x159: {  	[tilespmem:v26+s28+$0x0] =	vst.idx.msk $0xffff, v24  }
0x15a: {  	_ =	swait.ge [sflag:s25], $0x2000  }
0x15b: {  	[sflag:s25] =	ssyncset.done $0x0  }
0x15c: {  	[sflag:s25] =	ssyncadd.s32 $0xFFFFE000  }
0x15d: {  	v53 =	vld.idx.msk [tilespmem:v52+s14+$0x0], $0xffff  }
0x15e: {  	v54 =	vadd.s32 v2, v51;
	_ =	sdelay $0x3  }
0x15f: {  	[tilespmem:v31+s28+$0x0] =	vst.idx.msk $0xffff, v53  }
0x160: {  	v24 =	vld.idx.msk [tilespmem:v54+s14+$0x0], $0xffff  }
0x161: {  	v55 =	vadd.s32 v3, v51;
	_ =	sdelay $0x3  }
0x162: {  	[tilespmem:v32+s28+$0x0] =	vst.idx.msk $0xffff, v24  }
0x163: {  	v24 =	vld.idx.msk [tilespmem:v55+s14+$0x0], $0xffff  }
0x164: {  	v56 =	vadd.s32 v4, v51;
	_ =	sdelay $0x3  }
0x165: {  	[tilespmem:v33+s28+$0x0] =	vst.idx.msk $0xffff, v24  }
0x166: {  	v24 =	vld.idx.msk [tilespmem:v56+s14+$0x0], $0xffff;
	_ =	sdelay $0x1  }
0x167: {  	v57 =	vperm.xlane v21, v10;
	_ =	sdelay $0x1  }
0x168: {  	v58 =	vadd.s32 v0, v57  }
0x169: {  	[tilespmem:v25+s28+$0x0] =	vst.idx.msk $0xffff, v24  }
0x16a: {  	_ =	swait.ge [sflag:s25], $0x2000  }
0x16b: {  	[sflag:s25] =	ssyncset.done $0x0  }
0x16c: {  	[sflag:s25] =	ssyncadd.s32 $0xFFFFE000  }
0x16d: {  	v59 =	vld.idx.msk [tilespmem:v58+s15+$0x0], $0xffff  }
0x16e: {  	v60 =	vadd.s32 v2, v57;
	_ =	sdelay $0x3  }
0x16f: {  	[tilespmem:v35+s28+$0x0] =	vst.idx.msk $0xffff, v59  }
0x170: {  	v24 =	vld.idx.msk [tilespmem:v60+s15+$0x0], $0xffff  }
0x171: {  	v61 =	vadd.s32 v3, v57;
	_ =	sdelay $0x3  }
0x172: {  	[tilespmem:v36+s28+$0x0] =	vst.idx.msk $0xffff, v24  }
0x173: {  	v24 =	vld.idx.msk [tilespmem:v61+s15+$0x0], $0xffff  }
0x174: {  	v62 =	vadd.s32 v4, v57;
	_ =	sdelay $0x3  }
0x175: {  	[tilespmem:v37+s28+$0x0] =	vst.idx.msk $0xffff, v24  }
0x176: {  	v24 =	vld.idx.msk [tilespmem:v62+s15+$0x0], $0xffff;
	_ =	sdelay $0x1  }
0x177: {  	v63 =	vperm.xlane v21, v11;
	_ =	sdelay $0x1  }
0x178: {  	v31 =	vadd.s32 v0, v63  }
0x179: {  	[tilespmem:v27+s28+$0x0] =	vst.idx.msk $0xffff, v24  }
0x17a: {  	v32 =	vsel vm12, $0x0, v23;
	_ =	swait.ge [sflag:s25], $0x2000  }
0x17b: {  	v24 =	vxor.u32 $0x80000000, v32;
	[sflag:s25] =	ssyncset.done $0x0  }
0x17c: {  	v35 =	vsel vm13, $0x0, v23;
	(xrf0) =	vmax.scan.msk.u32 $0xffff, v24;
	[sflag:s25] =	ssyncadd.s32 $0xFFFFE000  }
0x17d: {  	v27 =	vxor.u32 $0x80000000, v35;
	v33 =	vld.idx.msk [tilespmem:v31+s16+$0x0], $0xffff  }
0x17e: {  	v34 =	vadd.s32 v2, v63;
	(xrf0) =	vmax.scan.msk.u32 $0xffff, v27  }
0x17f: {  	v37 =	vsel vm14, $0x0, v23  }
0x180: {  	v38 =	vxor.u32 $0x80000000, v37  }
0x181: {  	(xrf0) =	vmax.scan.msk.u32 $0xffff, v38  }
0x182: {  	v23 =	vsel vm15, $0x0, v23;
	v36, _, _ =	vpop (xrf0);
	[tilespmem:v39+s28+$0x0] =	vst.idx.msk $0xffff, v33  }
0x183: {  	v23 =	vxor.u32 $0x80000000, v23;
	(v2sf) =	vpush v36, $0xF;
	v26 =	vld.idx.msk [tilespmem:v34+s16+$0x0], $0xffff  }
0x184: {  	v39 =	vadd.s32 v3, v63;
	v41, _, _ =	vpop (xrf0);
	(xrf0) =	vmax.scan.msk.u32 $0xffff, v23  }
0x185: {  	(v2sf) =	vpush v41, $0xF;
	_ =	sdelay $0x1  }
0x186: {  	v45, _, _ =	vpop (xrf0)  }
0x187: {  	(v2sf) =	vpush v45, $0xF;
	[tilespmem:v42+s28+$0x0] =	vst.idx.msk $0xffff, v26  }
0x188: {  	v43 =	vld.idx.msk [tilespmem:v39+s16+$0x0], $0xffff  }
0x189: {  	v44 =	vadd.s32 v4, v63;
	v46, _, _ =	vpop (xrf0)  }
0x18a: {  	(v2sf) =	vpush v46, $0xF;
	_ =	sdelay $0x2  }
0x18b: {  	[tilespmem:v40+s28+$0x0] =	vst.idx.msk $0xffff, v43  }
0x18c: {  	v24 =	vld.idx.msk [tilespmem:v44+s16+$0x0], $0xffff;
	_ =	sdelay $0x2  }
0x18d: {  	s5 =	spop (v2sf)  }
0x18e: {  	s4 =	sand.u32 $0x1FFFFF80, s5  }
0x18f: {  	s5 =	spop (v2sf);
	s4 =	sadd.s32 s1, s4;
	[tilespmem:v30+s28+$0x0] =	vst.idx.msk $0xffff, v24  }
0x190: {  	[tilespmem:s13], [sflag:$0x1] =	stream.strided.gather [hbm4b:s4+s11], $0x2000, s12, s11, $0x38;
	[tilespmem:$0x1C100] =	vst v63  }
0x191: {  	s4 =	sand.u32 $0x1FFFFF80, s5  }
0x192: {  	s5 =	spop (v2sf);
	s4 =	sadd.s32 s1, s4  }
0x193: {  	[tilespmem:s14], [sflag:$0x1] =	stream.strided.gather [hbm4b:s4+s11], $0x2000, s12, s11, $0x38;
	[tilespmem:$0x1C100] =	vst v63  }
0x194: {  	s4 =	sand.u32 $0x1FFFFF80, s5  }
0x195: {  	s4 =	sadd.s32 s1, s4;
	s5 =	spop (v2sf)  }
0x196: {  	v47 =	vperm.xlane v20, v12;
	[tilespmem:s15], [sflag:$0x1] =	stream.strided.gather [hbm4b:s4+s11], $0x2000, s12, s11, $0x38;
	[tilespmem:$0x1C100] =	vst v63  }
0x197: {  	s4 =	sand.u32 $0x1FFFFF80, s5  }
0x198: {  	v48 =	vadd.s32 v0, v47;
	s5 =	sadd.s32 $0xFFFFFFF9, s0;
	s4 =	sadd.s32 s1, s4  }
0x199: {  	v49 =	vmov s5;
	[tilespmem:s16], [sflag:$0x1] =	stream.strided.gather [hbm4b:s4+s11], $0x2000, s12, s11, $0x38;
	[tilespmem:$0x1C100] =	vst v63  }
0x19a: {  	v25 =	vand.u32 $0x78, v49;
	_ =	swait.ge [sflag:s25], $0x2000  }
0x19b: {  	v25 =	vbroadcast v25, $0x0;
	[sflag:s25] =	ssyncset.done $0x0  }
0x19c: {  	[sflag:s25] =	ssyncadd.s32 $0xFFFFE000  }
0x19d: {  	v23 =	vor.u32 v0, v25;
	v50 =	vld.idx.msk [tilespmem:v48+s17+$0x0], $0xffff  }
0x19e: {  	v51 =	vadd.s32 v2, v47;
	_ =	sdelay $0x3  }
0x19f: {  	[tilespmem:v23+s26+$0x0] =	vst.idx.msk $0xffff, v50  }
0x1a0: {  	v27 =	vor.u32 v2, v25;
	v26 =	vld.idx.msk [tilespmem:v51+s17+$0x0], $0xffff  }
0x1a1: {  	v52 =	vadd.s32 v3, v47;
	_ =	sdelay $0x3  }
0x1a2: {  	[tilespmem:v27+s26+$0x0] =	vst.idx.msk $0xffff, v26  }
0x1a3: {  	v28 =	vor.u32 v3, v25;
	v26 =	vld.idx.msk [tilespmem:v52+s17+$0x0], $0xffff  }
0x1a4: {  	v24 =	vadd.s32 v4, v47;
	_ =	sdelay $0x3  }
0x1a5: {  	[tilespmem:v28+s26+$0x0] =	vst.idx.msk $0xffff, v26  }
0x1a6: {  	v25 =	vor.u32 v4, v25;
	v24 =	vld.idx.msk [tilespmem:v24+s17+$0x0], $0xffff;
	_ =	sdelay $0x1  }
0x1a7: {  	v53 =	vperm.xlane v20, v13;
	_ =	sdelay $0x1  }
0x1a8: {  	v54 =	vadd.s32 v0, v53;
	s5 =	sadd.s32 $0xFFFFFFFA, s0  }
0x1a9: {  	v55 =	vmov s5;
	[tilespmem:v25+s26+$0x0] =	vst.idx.msk $0xffff, v24  }
0x1aa: {  	v24 =	vand.u32 $0x79, v55;
	_ =	swait.ge [sflag:s25], $0x2000  }
0x1ab: {  	v24 =	vbroadcast v24, $0x0;
	[sflag:s25] =	ssyncset.done $0x0  }
0x1ac: {  	[sflag:s25] =	ssyncadd.s32 $0xFFFFE000  }
0x1ad: {  	v30 =	vor.u32 v0, v24;
	v29 =	vld.idx.msk [tilespmem:v54+s18+$0x0], $0xffff  }
0x1ae: {  	v56 =	vadd.s32 v2, v53;
	_ =	sdelay $0x3  }
0x1af: {  	[tilespmem:v30+s26+$0x0] =	vst.idx.msk $0xffff, v29  }
0x1b0: {  	v31 =	vor.u32 v2, v24;
	v29 =	vld.idx.msk [tilespmem:v56+s18+$0x0], $0xffff  }
0x1b1: {  	v57 =	vadd.s32 v3, v53;
	_ =	sdelay $0x3  }
0x1b2: {  	[tilespmem:v31+s26+$0x0] =	vst.idx.msk $0xffff, v29  }
0x1b3: {  	v32 =	vor.u32 v3, v24;
	v29 =	vld.idx.msk [tilespmem:v57+s18+$0x0], $0xffff  }
0x1b4: {  	v26 =	vadd.s32 v4, v53;
	_ =	sdelay $0x3  }
0x1b5: {  	[tilespmem:v32+s26+$0x0] =	vst.idx.msk $0xffff, v29  }
0x1b6: {  	v24 =	vor.u32 v4, v24;
	v26 =	vld.idx.msk [tilespmem:v26+s18+$0x0], $0xffff;
	_ =	sdelay $0x1  }
0x1b7: {  	v58 =	vperm.xlane v20, v14;
	_ =	sdelay $0x1  }
0x1b8: {  	v59 =	vadd.s32 v0, v58;
	s5 =	sadd.s32 $0xFFFFFFFB, s0  }
0x1b9: {  	v60 =	vmov s5;
	[tilespmem:v24+s26+$0x0] =	vst.idx.msk $0xffff, v26  }
0x1ba: {  	v26 =	vand.u32 $0x7A, v60;
	_ =	swait.ge [sflag:s25], $0x2000  }
0x1bb: {  	v26 =	vbroadcast v26, $0x0;
	[sflag:s25] =	ssyncset.done $0x0  }
0x1bc: {  	[sflag:s25] =	ssyncadd.s32 $0xFFFFE000  }
0x1bd: {  	v34 =	vor.u32 v0, v26;
	v33 =	vld.idx.msk [tilespmem:v59+s19+$0x0], $0xffff  }
0x1be: {  	v61 =	vadd.s32 v2, v58;
	_ =	sdelay $0x3  }
0x1bf: {  	[tilespmem:v34+s26+$0x0] =	vst.idx.msk $0xffff, v33  }
0x1c0: {  	v35 =	vor.u32 v2, v26;
	v33 =	vld.idx.msk [tilespmem:v61+s19+$0x0], $0xffff  }
0x1c1: {  	v62 =	vadd.s32 v3, v58;
	_ =	sdelay $0x3  }
0x1c2: {  	[tilespmem:v35+s26+$0x0] =	vst.idx.msk $0xffff, v33  }
0x1c3: {  	v36 =	vor.u32 v3, v26;
	v33 =	vld.idx.msk [tilespmem:v62+s19+$0x0], $0xffff  }
0x1c4: {  	v29 =	vadd.s32 v4, v58;
	_ =	sdelay $0x3  }
0x1c5: {  	[tilespmem:v36+s26+$0x0] =	vst.idx.msk $0xffff, v33  }
0x1c6: {  	v26 =	vor.u32 v4, v26;
	v29 =	vld.idx.msk [tilespmem:v29+s19+$0x0], $0xffff;
	_ =	sdelay $0x1  }
0x1c7: {  	v63 =	vperm.xlane v20, v15;
	_ =	sdelay $0x1  }
0x1c8: {  	v42 =	vadd.s32 v0, v63;
	s5 =	sadd.s32 $0xFFFFFFFC, s0  }
0x1c9: {  	v43 =	vmov s5;
	[tilespmem:v26+s26+$0x0] =	vst.idx.msk $0xffff, v29  }
0x1ca: {  	v44 =	vsel vm12, $0x0, v22;
	v29 =	vand.u32 $0x7B, v43;
	_ =	swait.ge [sflag:s25], $0x2000  }
0x1cb: {  	v38 =	vxor.u32 $0x80000000, v44;
	v29 =	vbroadcast v29, $0x0;
	[sflag:s25] =	ssyncset.done $0x0  }
0x1cc: {  	v45 =	vsel vm13, $0x0, v22;
	(xrf0) =	vmax.scan.msk.u32 $0xffff, v38;
	[sflag:s25] =	ssyncadd.s32 $0xFFFFE000  }
0x1cd: {  	v38 =	vxor.u32 $0x80000000, v45;
	v46 =	vor.u32 v0, v29;
	v37 =	vld.idx.msk [tilespmem:v42+s20+$0x0], $0xffff  }
0x1ce: {  	v47 =	vadd.s32 v2, v63;
	v48 =	vsel vm14, $0x0, v22;
	(xrf0) =	vmax.scan.msk.u32 $0xffff, v38  }
0x1cf: {  	v38 =	vxor.u32 $0x80000000, v48  }
0x1d0: {  	(xrf0) =	vmax.scan.msk.u32 $0xffff, v38  }
0x1d1: {  	v22 =	vsel vm15, $0x0, v22  }
0x1d2: {  	v22 =	vxor.u32 $0x80000000, v22;
	v49, _, _ =	vpop (xrf0);
	[tilespmem:v46+s26+$0x0] =	vst.idx.msk $0xffff, v37  }
0x1d3: {  	v50 =	vor.u32 v2, v29;
	(xrf0) =	vmax.scan.msk.u32 $0xffff, v22;
	(v2sf) =	vpush v49, $0xF;
	v37 =	vld.idx.msk [tilespmem:v47+s20+$0x0], $0xffff  }
0x1d4: {  	v51 =	vadd.s32 v3, v63;
	v52, _, _ =	vpop (xrf0)  }
0x1d5: {  	(v2sf) =	vpush v52, $0xF  }
0x1d6: {  	v53, _, _ =	vpop (xrf0)  }
0x1d7: {  	(v2sf) =	vpush v53, $0xF  }
0x1d8: {  	[tilespmem:v50+s26+$0x0] =	vst.idx.msk $0xffff, v37  }
0x1d9: {  	v55 =	vor.u32 v3, v29;
	v56, _, _ =	vpop (xrf0);
	v54 =	vld.idx.msk [tilespmem:v51+s20+$0x0], $0xffff  }
0x1da: {  	v33 =	vadd.s32 v4, v63;
	(v2sf) =	vpush v56, $0xF;
	_ =	sdelay $0x3  }
0x1db: {  	[tilespmem:v55+s26+$0x0] =	vst.idx.msk $0xffff, v54  }
0x1dc: {  	v29 =	vor.u32 v4, v29;
	v22 =	vld.idx.msk [tilespmem:v33+s20+$0x0], $0xffff;
	_ =	sdelay $0x2  }
0x1dd: {  	s5 =	spop (v2sf)  }
0x1de: {  	s4 =	sand.u32 $0x1FFFFF80, s5  }
0x1df: {  	s5 =	spop (v2sf);
	s4 =	sadd.s32 s2, s4;
	[tilespmem:v29+s26+$0x0] =	vst.idx.msk $0xffff, v22  }
0x1e0: {  	[tilespmem:s17], [sflag:$0x1] =	stream.strided.gather [hbm4b:s4+s11], $0x2000, s12, s11, $0x38;
	[tilespmem:$0x1C100] =	vst v63  }
0x1e1: {  	s4 =	sand.u32 $0x1FFFFF80, s5;
	s5 =	spop (v2sf)  }
0x1e2: {  	s4 =	sadd.s32 s2, s4;
	s5 =	sand.u32 $0x1FFFFF80, s5  }
0x1e3: {  	[tilespmem:s18], [sflag:$0x1] =	stream.strided.gather [hbm4b:s4+s11], $0x2000, s12, s11, $0x38;
	[tilespmem:$0x1C100] =	vst v63  }
0x1e4: {  	s4 =	sadd.s32 s2, s5;
	s5 =	spop (v2sf)  }
0x1e5: {  	v57 =	vperm.xlane v21, v12;
	[tilespmem:s19], [sflag:$0x1] =	stream.strided.gather [hbm4b:s4+s11], $0x2000, s12, s11, $0x38;
	[tilespmem:$0x1C100] =	vst v63  }
0x1e6: {  	s4 =	sand.u32 $0x1FFFFF80, s5  }
0x1e7: {  	v58 =	vadd.s32 v0, v57;
	s4 =	sadd.s32 s2, s4  }
0x1e8: {  	[tilespmem:s20], [sflag:$0x1] =	stream.strided.gather [hbm4b:s4+s11], $0x2000, s12, s11, $0x38;
	[tilespmem:$0x1C100] =	vst v63  }
0x1e9: {  	_ =	swait.ge [sflag:s25], $0x2000  }
0x1ea: {  	[sflag:s25] =	ssyncset.done $0x0  }
0x1eb: {  	[sflag:s25] =	ssyncadd.s32 $0xFFFFE000  }
0x1ec: {  	v33 =	vld.idx.msk [tilespmem:v58+s21+$0x0], $0xffff  }
0x1ed: {  	v59 =	vadd.s32 v2, v57;
	_ =	sdelay $0x3  }
0x1ee: {  	[tilespmem:v23+s28+$0x0] =	vst.idx.msk $0xffff, v33  }
0x1ef: {  	v23 =	vld.idx.msk [tilespmem:v59+s21+$0x0], $0xffff  }
0x1f0: {  	v60 =	vadd.s32 v3, v57;
	_ =	sdelay $0x3  }
0x1f1: {  	[tilespmem:v27+s28+$0x0] =	vst.idx.msk $0xffff, v23  }
0x1f2: {  	v23 =	vld.idx.msk [tilespmem:v60+s21+$0x0], $0xffff  }
0x1f3: {  	v22 =	vadd.s32 v4, v57;
	_ =	sdelay $0x3  }
0x1f4: {  	[tilespmem:v28+s28+$0x0] =	vst.idx.msk $0xffff, v23  }
0x1f5: {  	v22 =	vld.idx.msk [tilespmem:v22+s21+$0x0], $0xffff;
	_ =	sdelay $0x1  }
0x1f6: {  	v61 =	vperm.xlane v21, v13;
	_ =	sdelay $0x1  }
0x1f7: {  	v62 =	vadd.s32 v0, v61  }
0x1f8: {  	[tilespmem:v25+s28+$0x0] =	vst.idx.msk $0xffff, v22  }
0x1f9: {  	_ =	swait.ge [sflag:s25], $0x2000  }
0x1fa: {  	[sflag:s25] =	ssyncset.done $0x0  }
0x1fb: {  	[sflag:s25] =	ssyncadd.s32 $0xFFFFE000  }
0x1fc: {  	v63 =	vld.idx.msk [tilespmem:v62+s22+$0x0], $0xffff  }
0x1fd: {  	v28 =	vadd.s32 v2, v61;
	_ =	sdelay $0x3  }
0x1fe: {  	[tilespmem:v30+s28+$0x0] =	vst.idx.msk $0xffff, v63  }
0x1ff: {  	v22 =	vld.idx.msk [tilespmem:v28+s22+$0x0], $0xffff  }
0x200: {  	v30 =	vadd.s32 v3, v61;
	_ =	sdelay $0x3  }
0x201: {  	[tilespmem:v31+s28+$0x0] =	vst.idx.msk $0xffff, v22  }
0x202: {  	v22 =	vld.idx.msk [tilespmem:v30+s22+$0x0], $0xffff  }
0x203: {  	v23 =	vadd.s32 v4, v61;
	_ =	sdelay $0x3  }
0x204: {  	[tilespmem:v32+s28+$0x0] =	vst.idx.msk $0xffff, v22  }
0x205: {  	v22 =	vld.idx.msk [tilespmem:v23+s22+$0x0], $0xffff;
	_ =	sdelay $0x1  }
0x206: {  	v31 =	vperm.xlane v21, v14;
	_ =	sdelay $0x1  }
0x207: {  	v32 =	vadd.s32 v0, v31  }
0x208: {  	[tilespmem:v24+s28+$0x0] =	vst.idx.msk $0xffff, v22  }
0x209: {  	_ =	swait.ge [sflag:s25], $0x2000  }
0x20a: {  	[sflag:s25] =	ssyncset.done $0x0  }
0x20b: {  	[sflag:s25] =	ssyncadd.s32 $0xFFFFE000  }
0x20c: {  	v33 =	vld.idx.msk [tilespmem:v32+s23+$0x0], $0xffff  }
0x20d: {  	v38 =	vadd.s32 v2, v31;
	_ =	sdelay $0x3  }
0x20e: {  	[tilespmem:v34+s28+$0x0] =	vst.idx.msk $0xffff, v33  }
0x20f: {  	v22 =	vld.idx.msk [tilespmem:v38+s23+$0x0], $0xffff  }
0x210: {  	v41 =	vadd.s32 v3, v31;
	_ =	sdelay $0x3  }
0x211: {  	[tilespmem:v35+s28+$0x0] =	vst.idx.msk $0xffff, v22  }
0x212: {  	v22 =	vld.idx.msk [tilespmem:v41+s23+$0x0], $0xffff  }
0x213: {  	v23 =	vadd.s32 v4, v31;
	_ =	sdelay $0x3  }
0x214: {  	[tilespmem:v36+s28+$0x0] =	vst.idx.msk $0xffff, v22  }
0x215: {  	v22 =	vld.idx.msk [tilespmem:v23+s23+$0x0], $0xffff;
	_ =	sdelay $0x1  }
0x216: {  	v42 =	vperm.xlane v21, v15;
	_ =	sdelay $0x1  }
0x217: {  	v43 =	vadd.s32 v0, v42  }
0x218: {  	[tilespmem:v26+s28+$0x0] =	vst.idx.msk $0xffff, v22  }
0x219: {  	_ =	swait.ge [sflag:s25], $0x2000  }
0x21a: {  	[sflag:s25] =	ssyncset.done $0x0  }
0x21b: {  	[sflag:s25] =	ssyncadd.s32 $0xFFFFE000  }
0x21c: {  	v44 =	vld.idx.msk [tilespmem:v43+s24+$0x0], $0xffff  }
0x21d: {  	v45 =	vadd.s32 v2, v42;
	_ =	sdelay $0x3  }
0x21e: {  	[tilespmem:v46+s28+$0x0] =	vst.idx.msk $0xffff, v44  }
0x21f: {  	v22 =	vld.idx.msk [tilespmem:v45+s24+$0x0], $0xffff  }
0x220: {  	v46 =	vadd.s32 v3, v42;
	_ =	sdelay $0x3  }
0x221: {  	[tilespmem:v50+s28+$0x0] =	vst.idx.msk $0xffff, v22  }
0x222: {  	v22 =	vld.idx.msk [tilespmem:v46+s24+$0x0], $0xffff  }
0x223: {  	v23 =	vadd.s32 v4, v42;
	_ =	sdelay $0x3  }
0x224: {  	[tilespmem:v55+s28+$0x0] =	vst.idx.msk $0xffff, v22  }
0x225: {  	v22 =	vld.idx.msk [tilespmem:v23+s24+$0x0], $0xffff;
	_ =	sdelay $0x1  }
0x226: {  	v47 =	vperm.xlane v20, v16;
	_ =	sdelay $0x1  }
0x227: {  	v48 =	vadd.s32 v0, v47;
	s5 =	sadd.s32 $0xFFFFFFFD, s0  }
0x228: {  	v49 =	vmov s5;
	[tilespmem:v29+s28+$0x0] =	vst.idx.msk $0xffff, v22  }
0x229: {  	v22 =	vand.u32 $0x7C, v49;
	_ =	swait.ge [sflag:s25], $0x2000  }
0x22a: {  	v22 =	vbroadcast v22, $0x0;
	[sflag:s25] =	ssyncset.done $0x0  }
0x22b: {  	[sflag:s25] =	ssyncadd.s32 $0xFFFFE000  }
0x22c: {  	v25 =	vor.u32 v0, v22;
	v24 =	vld.idx.msk [tilespmem:v48+s13+$0x0], $0xffff  }
0x22d: {  	v50 =	vadd.s32 v2, v47;
	_ =	sdelay $0x3  }
0x22e: {  	[tilespmem:v25+s26+$0x0] =	vst.idx.msk $0xffff, v24  }
0x22f: {  	v26 =	vor.u32 v2, v22;
	v24 =	vld.idx.msk [tilespmem:v50+s13+$0x0], $0xffff  }
0x230: {  	v51 =	vadd.s32 v3, v47;
	_ =	sdelay $0x3  }
0x231: {  	[tilespmem:v26+s26+$0x0] =	vst.idx.msk $0xffff, v24  }
0x232: {  	v27 =	vor.u32 v3, v22;
	v24 =	vld.idx.msk [tilespmem:v51+s13+$0x0], $0xffff  }
0x233: {  	v23 =	vadd.s32 v4, v47;
	_ =	sdelay $0x3  }
0x234: {  	[tilespmem:v27+s26+$0x0] =	vst.idx.msk $0xffff, v24  }
0x235: {  	v22 =	vor.u32 v4, v22;
	v23 =	vld.idx.msk [tilespmem:v23+s13+$0x0], $0xffff;
	_ =	sdelay $0x1  }
0x236: {  	v52 =	vperm.xlane v20, v17;
	_ =	sdelay $0x1  }
0x237: {  	v53 =	vadd.s32 v0, v52;
	s5 =	sadd.s32 $0xFFFFFFFE, s0  }
0x238: {  	v54 =	vmov s5;
	[tilespmem:v22+s26+$0x0] =	vst.idx.msk $0xffff, v23  }
0x239: {  	v23 =	vand.u32 $0x7D, v54;
	_ =	swait.ge [sflag:s25], $0x2000  }
0x23a: {  	v23 =	vbroadcast v23, $0x0;
	[sflag:s25] =	ssyncset.done $0x0  }
0x23b: {  	[sflag:s25] =	ssyncadd.s32 $0xFFFFE000  }
0x23c: {  	v29 =	vor.u32 v0, v23;
	v28 =	vld.idx.msk [tilespmem:v53+s14+$0x0], $0xffff  }
0x23d: {  	v55 =	vadd.s32 v2, v52;
	_ =	sdelay $0x3  }
0x23e: {  	[tilespmem:v29+s26+$0x0] =	vst.idx.msk $0xffff, v28  }
0x23f: {  	v30 =	vor.u32 v2, v23;
	v28 =	vld.idx.msk [tilespmem:v55+s14+$0x0], $0xffff  }
0x240: {  	v56 =	vadd.s32 v3, v52;
	_ =	sdelay $0x3  }
0x241: {  	[tilespmem:v30+s26+$0x0] =	vst.idx.msk $0xffff, v28  }
0x242: {  	v31 =	vor.u32 v3, v23;
	v28 =	vld.idx.msk [tilespmem:v56+s14+$0x0], $0xffff  }
0x243: {  	v24 =	vadd.s32 v4, v52;
	_ =	sdelay $0x3  }
0x244: {  	[tilespmem:v31+s26+$0x0] =	vst.idx.msk $0xffff, v28  }
0x245: {  	v23 =	vor.u32 v4, v23;
	v24 =	vld.idx.msk [tilespmem:v24+s14+$0x0], $0xffff;
	_ =	sdelay $0x1  }
0x246: {  	v57 =	vperm.xlane v20, v18;
	_ =	sdelay $0x1  }
0x247: {  	s5 =	sadd.s32 $0xFFFFFFFF, s0;
	v58 =	vadd.s32 v0, v57  }
0x248: {  	v59 =	vmov s5;
	[tilespmem:v23+s26+$0x0] =	vst.idx.msk $0xffff, v24  }
0x249: {  	v24 =	vand.u32 $0x7E, v59;
	_ =	swait.ge [sflag:s25], $0x2000  }
0x24a: {  	v24 =	vbroadcast v24, $0x0;
	[sflag:s25] =	ssyncset.done $0x0  }
0x24b: {  	[sflag:s25] =	ssyncadd.s32 $0xFFFFE000  }
0x24c: {  	v33 =	vor.u32 v0, v24;
	v32 =	vld.idx.msk [tilespmem:v58+s15+$0x0], $0xffff  }
0x24d: {  	v60 =	vadd.s32 v2, v57;
	_ =	sdelay $0x3  }
0x24e: {  	[tilespmem:v33+s26+$0x0] =	vst.idx.msk $0xffff, v32  }
0x24f: {  	v61 =	vor.u32 v2, v24;
	v32 =	vld.idx.msk [tilespmem:v60+s15+$0x0], $0xffff  }
0x250: {  	v62 =	vadd.s32 v3, v57;
	_ =	sdelay $0x3  }
0x251: {  	[tilespmem:v61+s26+$0x0] =	vst.idx.msk $0xffff, v32  }
0x252: {  	v63 =	vor.u32 v3, v24;
	v32 =	vld.idx.msk [tilespmem:v62+s15+$0x0], $0xffff  }
0x253: {  	v28 =	vadd.s32 v4, v57;
	_ =	sdelay $0x3  }
0x254: {  	[tilespmem:v63+s26+$0x0] =	vst.idx.msk $0xffff, v32  }
0x255: {  	v24 =	vor.u32 v4, v24;
	v28 =	vld.idx.msk [tilespmem:v28+s15+$0x0], $0xffff;
	_ =	sdelay $0x1  }
0x256: {  	v20 =	vperm.xlane v20, v19;
	_ =	sdelay $0x1  }
0x257: {  	v40 =	vadd.s32 v0, v20  }
0x258: {  	v41 =	vmov s0;
	[tilespmem:v24+s26+$0x0] =	vst.idx.msk $0xffff, v28  }
0x259: {  	v28 =	vand.u32 $0x7F, v41;
	_ =	swait.ge [sflag:s25], $0x2000  }
0x25a: {  	v28 =	vbroadcast v28, $0x0;
	[sflag:s25] =	ssyncset.done $0x0  }
0x25b: {  	[sflag:s25] =	ssyncadd.s32 $0xFFFFE000  }
0x25c: {  	v42 =	vor.u32 v0, v28;
	v32 =	vld.idx.msk [tilespmem:v40+s16+$0x0], $0xffff  }
0x25d: {  	v43 =	vadd.s32 v2, v20;
	_ =	sdelay $0x3  }
0x25e: {  	[tilespmem:v42+s26+$0x0] =	vst.idx.msk $0xffff, v32  }
0x25f: {  	v44 =	vor.u32 v2, v28;
	v32 =	vld.idx.msk [tilespmem:v43+s16+$0x0], $0xffff  }
0x260: {  	v45 =	vadd.s32 v3, v20;
	_ =	sdelay $0x3  }
0x261: {  	[tilespmem:v44+s26+$0x0] =	vst.idx.msk $0xffff, v32  }
0x262: {  	v46 =	vor.u32 v3, v28;
	v32 =	vld.idx.msk [tilespmem:v45+s16+$0x0], $0xffff  }
0x263: {  	v20 =	vadd.s32 v4, v20;
	_ =	sdelay $0x3  }
0x264: {  	[tilespmem:v46+s26+$0x0] =	vst.idx.msk $0xffff, v32  }
0x265: {  	v28 =	vor.u32 v4, v28;
	v20 =	vld.idx.msk [tilespmem:v20+s16+$0x0], $0xffff;
	_ =	sdelay $0x1  }
0x266: {  	v47 =	vperm.xlane v21, v16;
	_ =	sdelay $0x1  }
0x267: {  	v48 =	vadd.s32 v0, v47  }
0x268: {  	[tilespmem:v28+s26+$0x0] =	vst.idx.msk $0xffff, v20  }
0x269: {  	_ =	swait.ge [sflag:s25], $0x2000  }
0x26a: {  	[sflag:s25] =	ssyncset.done $0x0  }
0x26b: {  	[sflag:s25] =	ssyncadd.s32 $0xFFFFE000  }
0x26c: {  	v20 =	vld.idx.msk [tilespmem:v48+s17+$0x0], $0xffff  }
0x26d: {  	v49 =	vadd.s32 v2, v47;
	_ =	sdelay $0x3  }
0x26e: {  	[tilespmem:v25+s28+$0x0] =	vst.idx.msk $0xffff, v20  }
0x26f: {  	v20 =	vld.idx.msk [tilespmem:v49+s17+$0x0], $0xffff  }
0x270: {  	v50 =	vadd.s32 v3, v47;
	_ =	sdelay $0x3  }
0x271: {  	[tilespmem:v26+s28+$0x0] =	vst.idx.msk $0xffff, v20  }
0x272: {  	v20 =	vld.idx.msk [tilespmem:v50+s17+$0x0], $0xffff  }
0x273: {  	v51 =	vadd.s32 v4, v47;
	_ =	sdelay $0x3  }
0x274: {  	[tilespmem:v27+s28+$0x0] =	vst.idx.msk $0xffff, v20  }
0x275: {  	v20 =	vld.idx.msk [tilespmem:v51+s17+$0x0], $0xffff;
	_ =	sdelay $0x1  }
0x276: {  	v52 =	vperm.xlane v21, v17;
	_ =	sdelay $0x1  }
0x277: {  	v53 =	vadd.s32 v0, v52  }
0x278: {  	[tilespmem:v22+s28+$0x0] =	vst.idx.msk $0xffff, v20  }
0x279: {  	_ =	swait.ge [sflag:s25], $0x2000  }
0x27a: {  	[sflag:s25] =	ssyncset.done $0x0  }
0x27b: {  	[sflag:s25] =	ssyncadd.s32 $0xFFFFE000  }
0x27c: {  	v20 =	vld.idx.msk [tilespmem:v53+s18+$0x0], $0xffff  }
0x27d: {  	v54 =	vadd.s32 v2, v52;
	_ =	sdelay $0x3  }
0x27e: {  	[tilespmem:v29+s28+$0x0] =	vst.idx.msk $0xffff, v20  }
0x27f: {  	v20 =	vld.idx.msk [tilespmem:v54+s18+$0x0], $0xffff  }
0x280: {  	v55 =	vadd.s32 v3, v52;
	_ =	sdelay $0x3  }
0x281: {  	[tilespmem:v30+s28+$0x0] =	vst.idx.msk $0xffff, v20  }
0x282: {  	v20 =	vld.idx.msk [tilespmem:v55+s18+$0x0], $0xffff  }
0x283: {  	v56 =	vadd.s32 v4, v52;
	_ =	sdelay $0x3  }
0x284: {  	[tilespmem:v31+s28+$0x0] =	vst.idx.msk $0xffff, v20  }
0x285: {  	v20 =	vld.idx.msk [tilespmem:v56+s18+$0x0], $0xffff;
	_ =	sdelay $0x1  }
0x286: {  	v57 =	vperm.xlane v21, v18;
	_ =	sdelay $0x1  }
0x287: {  	v58 =	vadd.s32 v0, v57  }
0x288: {  	[tilespmem:v23+s28+$0x0] =	vst.idx.msk $0xffff, v20  }
0x289: {  	_ =	swait.ge [sflag:s25], $0x2000  }
0x28a: {  	[sflag:s25] =	ssyncset.done $0x0  }
0x28b: {  	[sflag:s25] =	ssyncadd.s32 $0xFFFFE000  }
0x28c: {  	v20 =	vld.idx.msk [tilespmem:v58+s19+$0x0], $0xffff  }
0x28d: {  	v59 =	vadd.s32 v2, v57;
	_ =	sdelay $0x3  }
0x28e: {  	[tilespmem:v33+s28+$0x0] =	vst.idx.msk $0xffff, v20  }
0x28f: {  	v20 =	vld.idx.msk [tilespmem:v59+s19+$0x0], $0xffff  }
0x290: {  	v60 =	vadd.s32 v3, v57;
	_ =	sdelay $0x3  }
0x291: {  	[tilespmem:v61+s28+$0x0] =	vst.idx.msk $0xffff, v20  }
0x292: {  	v20 =	vld.idx.msk [tilespmem:v60+s19+$0x0], $0xffff  }
0x293: {  	v22 =	vadd.s32 v4, v57;
	_ =	sdelay $0x3  }
0x294: {  	[tilespmem:v63+s28+$0x0] =	vst.idx.msk $0xffff, v20  }
0x295: {  	v20 =	vld.idx.msk [tilespmem:v22+s19+$0x0], $0xffff;
	_ =	sdelay $0x1  }
0x296: {  	v21 =	vperm.xlane v21, v19;
	_ =	sdelay $0x1  }
0x297: {  	v61 =	vadd.s32 v0, v21  }
0x298: {  	[tilespmem:v24+s28+$0x0] =	vst.idx.msk $0xffff, v20  }
0x299: {  	_ =	swait.ge [sflag:s25], $0x2000  }
0x29a: {  	[sflag:s25] =	ssyncset.done $0x0  }
0x29b: {  	[sflag:s25] =	ssyncadd.s32 $0xFFFFE000  }
0x29c: {  	v20 =	vld.idx.msk [tilespmem:v61+s20+$0x0], $0xffff  }
0x29d: {  	v62 =	vadd.s32 v2, v21;
	_ =	sdelay $0x3  }
0x29e: {  	[tilespmem:v42+s28+$0x0] =	vst.idx.msk $0xffff, v20  }
0x29f: {  	v20 =	vld.idx.msk [tilespmem:v62+s20+$0x0], $0xffff  }
0x2a0: {  	v63 =	vadd.s32 v3, v21;
	_ =	sdelay $0x3  }
0x2a1: {  	[tilespmem:v44+s28+$0x0] =	vst.idx.msk $0xffff, v20  }
0x2a2: {  	v20 =	vld.idx.msk [tilespmem:v63+s20+$0x0], $0xffff  }
0x2a3: {  	v21 =	vadd.s32 v4, v21;
	_ =	sdelay $0x3  }
0x2a4: {  	[tilespmem:v46+s28+$0x0] =	vst.idx.msk $0xffff, v20  }
0x2a5: {  	p0 =	sne.s32 s0, $0x7F;
	v20 =	vld.idx.msk [tilespmem:v21+s20+$0x0], $0xffff  }
.Ltmp0:
0x2a6: {  	_ = 	snop;
	(pc) =	sbr.rel @p0 .LBB2_2-.Ltmp0, $2  }
0x2a7: {  	_ =	sdelay $0x2  }
0x2a8: {  	s3 =	sadd.s32 $0x10, s3;
	s31 =	sadd.s32 $0x10, s31;
	s0 =	sadd.s32 $0x10, s0;
	[tilespmem:v28+s28+$0x0] =	vst.idx.msk $0xffff, v20  }
0x2a9: {  	[hbm4b:s7+s11] =	stream.strided.scatter [tilespmem:s26], [sflag:$0x2], $0x2000, s29, s11, $0x38;
	[tilespmem:$0x1C100] =	vst v63  }
0x2aa: {  	s30 =	sadd.s32 $0x1, s30;
	_ =	swait.ge [sflag:s10], $0x2000  }
0x2ab: {  	p0 =	sne.s32 s30, s9;
	[sflag:s10] =	ssyncset.done $0x0  }
.Ltmp1:
0x2ac: {  	[sflag:s10] =	ssyncadd.s32 $0xFFFFE000;
	(pc) =	sbr.rel @p0 .LBB2_1-.Ltmp1, $4  }
0x2ad: {  	[hbm4b:s8+s11] =	stream.strided.scatter [tilespmem:s28], [sflag:$0x2], $0x2000, s29, s11, $0x38;
	[tilespmem:$0x1C100] =	vst v63  }
0x2ae: {  	_ =	swait.ge [sflag:s10], $0x2000  }
0x2af: {  	[sflag:s10] =	ssyncset.done $0x0  }
0x2b0: {  	[sflag:s10] =	ssyncadd.s32 $0xFFFFE000  }
0x2b1: {  	_ =	sfence.sel $0x180000  }
0x2b2: {  	[bflag:$0x0] =	sbarrier.arrive $0xFFFF  }
0x2b3: {  	_ =	strace $0x90000047  }
0x2b4: {  	s0 =	stileid.u32;
	[bflag:$0x2] =	sbarrier.arrive $0xFFFF  }
0x2b5: {  	p0 =	sne.s32 s0, $0x0;
	s0 =	rddreg [dreg:$0x5]  }
0x2b6: {  	s0 =	sadd.s32 @!p0 $0x100000, s0  }
0x2b7: {  	[sflag:s0] =	ssyncadd.tile.s32 @!p0 $0x1;
	_ =	shalt  }
.Lfunc_end2:
_tile_overlayer_lowered:
.L_overlay_start_2:
0x2b8: {  	(tag) =	ssettag $0x2  }
0x2b9: {  	s0 =	rddreg [dreg:$0x0];
	s2 =	stileid.u32  }
0x2ba: {  	s1 =	rddreg [dreg:$0x1];
	p0 =	sne.s32 s2, $0x0  }
0x2bb: {  	s3 =	rddreg [dreg:$0x2];
	[bflag:$0x3] =	sbarrier.arrive $0xFFFF;
	s2 =	simm.s32 @!p0 $0x1C02  }
0x2bc: {  	[timem:s3], [sflag:s2] =	dma.local @!p0 [hbm:s0], s1  }
0x2bd: {  	s0 =	simm.s32 @!p0 $0x2  }
0x2be: {  	_ =	swait.ge @!p0 [sflag:s0], s1  }
0x2bf: {  	s1 =	ssub.s32 @!p0 $0x0, s1;
	[sflag:s0] =	ssyncset.done @!p0 $0x0  }
0x2c0: {  	[sflag:s0] =	ssyncadd.s32 @!p0 s1  }
0x2c1: {  	[bflag:$0x3] =	sbarrier.arrive $0xFFFF  }
0x2c2: {  	_ =	shalt  }

// kernel: kernel.8.cloned.1.call-start
scs
__scs_entry_jumppad:
0x0: {  	(pc) =	sbr.rel $0x88, $3  }
0x1: {  	(tag) =	ssettag $0x0;
	lr =	simm.s32 $0x1  }
0x2: {  	[smem:$0x3F9B] =	sst lr;
	_ =	strace $0xD0000000  }
0x3: {  	_ = 	snop  }
0x4: {  	_ = 	snop  }
0x5: {  	_ = 	snop  }
0x6: {  	_ = 	snop  }
0x7: {  	_ = 	snop  }
__scs_overlays_trampoline_lowered:
0x8: {  	[smem:$0x3FAA] =	sst s0  }
0x9: {  	[smem:$0x3FAB] =	sst s1  }
0xa: {  	[smem:$0x3FAC] =	sst s2  }
0xb: {  	[smem:$0x3FAD] =	sst s3  }
0xc: {  	[smem:$0x3FAE] =	sst s4  }
0xd: {  	[smem:$0x3FAF] =	sst s5  }
0xe: {  	[smem:$0x3FB0] =	sst s6  }
0xf: {  	[smem:$0x3FB1] =	sst s7  }
0x10: {  	[smem:$0x3FB2] =	sst s8  }
0x11: {  	[smem:$0x3FB3] =	sst s9;
	s0 =	simm.s32 @!p0 $0x0  }
0x12: {  	s1 =	sld [smem:$0x3F99];
	s0 =	simm.s32 @p0 $0x1  }
0x13: {  	[smem:$0x3FB4] =	sst s0;
	s0 =	simm.s32 @!p1 $0x0  }
0x14: {  	s2 =	sld [smem:$0x3F98];
	s0 =	simm.s32 @p1 $0x1  }
0x15: {  	[smem:$0x3FB5] =	sst s0;
	s0 =	simm.s32 @!p2 $0x0  }
0x16: {  	s3 =	sld [smem:$0x3FDB];
	s0 =	simm.s32 @p2 $0x1  }
0x17: {  	s4 =	simm.s32 $0x1BF5;
	[smem:$0x3FB7] =	sst s0  }
0x18: {  	s0 =	sld [smem:$0x3F9A];
	_ =	swait.ge [sflag:s4], $0x0  }
0x19: {  	s7 =	sld [smem:$0x3F9B]  }
0x1a: {  	s8 =	sadd.s32 $0xFFFFE003, lr  }
0x1b: {  	s9 =	sadd.s32 $0xFFFFFEF7, lr;
	s5 =	simm.s32 $0xFFFFFFFF;
	p2 =	slt.u32 s8, $0xFFFFF086  }
0x1c: {  	p1 =	slt.u32 s9, $0xF7A;
	s5 =	simm.s32 @!p2 $0x0  }
0x1d: {  	s5 =	simm.s32 @p1 $0x1;
	p0 =	seq.s32 s7, s2  }
0x1e: {  	s7 =	smul.u32 @!p0 $0xF7A, s2;
	p2 =	seq.s32 @!p0 s5, $0x0  }
0x1f: {  	s9 =	smul.u32 $0xF7A, s1;
	s8 =	simm.s32 @!p0 $0x1BF5;
	p2 =	por !p2, p0  }
0x20: {  	[sflag:s8] =	ssyncset.s32 @!p0 $0xFFFFF086;
	s6 =	sadd.s32 @!p0 s3, s7;
	s7 =	simm.s32 @!p0 $0x108  }
0x21: {  	s3 =	sadd.s32 s3, s9;
	s6 =	sadd.s32 @!p0 $0x88, s6;
	s7 =	simm.s32 @p2 $0x1082  }
0x22: {  	[simem:s7], [sflag:s8] =	dma.local @!p0 [hbm:s6], $0xF7A  }
0x23: {  	s9 =	sor.u32 $0xD0000000, s2;
	s6 =	simm.s32 $0x108;
	_ =	swait.ge @!p0 [sflag:s8], $0x0  }
0x24: {  	s3 =	sadd.s32 $0x88, s3;
	s6 =	simm.s32 @!p1 $0x1082;
	[sflag:s4] =	ssyncset.s32 $0xFFFFF086  }
0x25: {  	[simem:s6], [sflag:s4] =	dma.local [hbm:s3], $0xF7A  }
0x26: {  	[smem:$0x3F9B] =	sst s1;
	(tag) =	ssettag s2;
	_ =	strace s9  }
0x27: {  	s1 =	sld [smem:$0x3FAB]  }
0x28: {  	s2 =	sld [smem:$0x3FAC]  }
0x29: {  	s4 =	sld [smem:$0x3FAE]  }
0x2a: {  	p0 =	seq.s32 s5, $0x0;
	s5 =	sld [smem:$0x3FAF]  }
0x2b: {  	s6 =	sld [smem:$0x3FB0]  }
0x2c: {  	s7 =	sld [smem:$0x3FB1]  }
0x2d: {  	s3 =	simm.s32 $0x108;
	s8 =	sld [smem:$0x3FB2]  }
0x2e: {  	s3 =	simm.s32 @!p0 $0x1082;
	s9 =	sld [smem:$0x3FB3]  }
0x2f: {  	lr =	sadd.s32 s0, s3;
	s0 =	sld [smem:$0x3FAA]  }
0x30: {  	s3 =	sld [smem:$0x3FAD]  }
0x31: {  	[smem:$0x3FB6] =	sst s10  }
0x32: {  	s10 =	sld [smem:$0x3FB4];
	_ =	sdelay $0x3  }
0x33: {  	p0 =	seq.s32 s10, $0x1;
	s10 =	sld [smem:$0x3FB6];
	_ =	sdelay $0x3  }
0x34: {  	[smem:$0x3FB6] =	sst s10  }
0x35: {  	s10 =	sld [smem:$0x3FB5];
	_ =	sdelay $0x3  }
0x36: {  	p1 =	seq.s32 s10, $0x1;
	s10 =	sld [smem:$0x3FB6];
	_ =	sdelay $0x3  }
0x37: {  	[smem:$0x3FB6] =	sst s10  }
0x38: {  	s10 =	sld [smem:$0x3FB7]  }
0x39: {  	_ = 	snop;
	(pc) =	sbr.ind lr, $3  }
0x3a: {  	_ = 	snop  }
0x3b: {  	_ = 	snop  }
0x3c: {  	p2 =	seq.s32 s10, $0x1;
	s10 =	sld [smem:$0x3FB6]  }
0x3d: {  	_ =	shalt  }
0x3e: {  	_ =	shalt  }
0x3f: {  	_ =	shalt  }
0x40: {  	_ =	shalt  }
0x41: {  	_ =	shalt  }
0x42: {  	_ =	shalt  }
0x43: {  	_ =	shalt  }
0x44: {  	_ =	shalt  }
0x45: {  	_ =	shalt  }
0x46: {  	_ =	shalt  }
0x47: {  	_ =	shalt  }
0x48: {  	_ =	shalt  }
0x49: {  	_ =	shalt  }
0x4a: {  	_ =	shalt  }
0x4b: {  	_ =	shalt  }
0x4c: {  	_ =	shalt  }
0x4d: {  	_ =	shalt  }
0x4e: {  	_ =	shalt  }
0x4f: {  	_ =	shalt  }
0x50: {  	_ =	shalt  }
0x51: {  	_ =	shalt  }
0x52: {  	_ =	shalt  }
0x53: {  	_ =	shalt  }
0x54: {  	_ =	shalt  }
0x55: {  	_ =	shalt  }
0x56: {  	_ =	shalt  }
0x57: {  	_ =	shalt  }
0x58: {  	_ =	shalt  }
0x59: {  	_ =	shalt  }
0x5a: {  	_ =	shalt  }
0x5b: {  	_ =	shalt  }
0x5c: {  	_ =	shalt  }
0x5d: {  	_ =	shalt  }
0x5e: {  	_ =	shalt  }
0x5f: {  	_ =	shalt  }
0x60: {  	_ =	shalt  }
0x61: {  	_ =	shalt  }
0x62: {  	_ =	shalt  }
0x63: {  	_ =	shalt  }
0x64: {  	_ =	shalt  }
0x65: {  	_ =	shalt  }
0x66: {  	_ =	shalt  }
0x67: {  	_ =	shalt  }
0x68: {  	_ =	shalt  }
0x69: {  	_ =	shalt  }
0x6a: {  	_ =	shalt  }
0x6b: {  	_ =	shalt  }
0x6c: {  	_ =	shalt  }
0x6d: {  	_ =	shalt  }
0x6e: {  	_ =	shalt  }
0x6f: {  	_ =	shalt  }
0x70: {  	_ =	shalt  }
0x71: {  	_ =	shalt  }
0x72: {  	_ =	shalt  }
0x73: {  	_ =	shalt  }
0x74: {  	_ =	shalt  }
0x75: {  	_ =	shalt  }
0x76: {  	_ =	shalt  }
0x77: {  	_ =	shalt  }
0x78: {  	_ =	shalt  }
0x79: {  	_ =	shalt  }
0x7a: {  	_ =	shalt  }
0x7b: {  	_ =	shalt  }
0x7c: {  	_ =	shalt  }
0x7d: {  	_ =	shalt  }
0x7e: {  	_ =	shalt  }
0x7f: {  	_ =	shalt  }
0x80: {  	_ =	shalt  }
0x81: {  	_ =	shalt  }
0x82: {  	_ =	shalt  }
0x83: {  	_ =	shalt  }
0x84: {  	_ =	shalt  }
0x85: {  	_ =	shalt  }
0x86: {  	_ =	shalt  }
0x87: {  	_ =	shalt  }
.Lfunc_end0:
.L_simem_size_0:
called_computation.1_lowered:
.L_overlay_start_0:
0x88: {  	s2 =	sld [smem:$0x3FD9]  }
0x89: {  	s3 =	sld [smem:$0x3FFE];
	_ =	sdelay $0x1  }
0x8a: {  	s1 =	srdreg.scid  }
0x8b: {  	s0 =	sand.u32 $0x1, s1  }
0x8c: {  	s17 =	sshll.u32 s0, $0xA;
	s2 =	sadd.s32 s3, s2  }
0x8d: {  	s2 =	sadd.s32 s2, s17  }
0x8e: {  	[smem:$0x3FC2] =	sst s2  }
0x8f: {  	_ = 	snop  }
0x90: {  	s18 =	sld [smem:$0x3FC9]  }
0x91: {  	s4 =	sld [smem:$0x3FC8]  }
0x92: {  	s5 =	sld [smem:$0x3FD0];
	(tm) =	ssettm $0x1  }
0x93: {  	s19 =	sld [smem:$0x3FFB];
	_ =	sdelay $0x3  }
0x94: {  	_ =	strace s19  }
0x95: {  	s2 =	sld [smem:$0x3FFC];
	_ =	sdelay $0x3  }
0x96: {  	_ =	strace s2  }
0x97: {  	s2 =	sld [smem:$0x3FFD];
	_ =	sdelay $0x3  }
0x98: {  	_ =	strace s2  }
0x99: {  	_ =	strace $0x8FFFFFFF  }
0x9a: {  	s20 =	sld [smem:$0x3FDB];
	_ =	sdelay $0x1  }
0x9b: {  	s6 =	simm.s32 $_scs_section_size  }
0x9c: {  	s7 =	simm.s32 $_size__tile_overlayer_lowered;
	s8 =	simm.s32 $_tile_overlayer_lowered  }
0x9d: {  	s9 =	simm.s32 $0x1BFF;
	s21 =	sshll.u32 s8, $0x1;
	s6 =	sadd.s32 s6, s20  }
0x9e: {  	s22 =	simm.s32 $0x0;
	s7 =	sshll.u32 s7, $0x1;
	s8 =	sadd.s32 s21, s6  }
0x9f: {  	[timem:s22], [sflag:s9] =	dma.local [hbm:s8], s7  }
0xa0: {  	_ =	swait.ge [sflag:s9], s7  }
0xa1: {  	s7 =	ssub.s32 $0x0, s7;
	[sflag:s9] =	ssyncset.done $0x0  }
0xa2: {  	[sflag:s9] =	ssyncadd.s32 s7;
	_ =	sdelay $0x1  }
0xa3: {  	s23 =	simm.s32 $0x1B8B  }
0xa4: {  	_ =	swait.ge [sflag:s23], $0x1  }
0xa5: {  	[sflag:s23] =	ssyncset.done $0x0  }
0xa6: {  	[sflag:s23] =	ssyncadd.s32 $0xFFFFFFFF  }
0xa7: {  	s7 =	sld [smem:$0x0]  }
0xa8: {  	s8 =	sand.u32 $0xFFFFFFFE, s1  }
0xa9: {  	p0 =	sne.s32 s1, s8  }
0xaa: {  	s8 =	sshll.u32 @p0 s8, $0xE  }
0xab: {  	s8 =	sadd.s32 @p0 $0x11B8D, s8;
	s9 =	sshll.u32 @p0 s7, $0x11  }
0xac: {  	s8 =	sor.u32 @p0 s9, s8  }
0xad: {  	[sflag:s8] =	ssyncadd.remote.s32 @p0 $0x1;
	_ =	sdelay $0x1  }
0xae: {  	s8 =	simm.s32 @p0 $0x1B8D  }
0xaf: {  	_ =	swait.eq @p0 [sflag:s8], $0x1  }
0xb0: {  	[sflag:s8] =	ssyncadd.s32 @p0 $0xFFFFFFFF  }
0xb1: {  	s9 =	sshll.u32 @!p0 s1, $0xE  }
0xb2: {  	s9 =	sor.u32 @!p0 $0x4000, s9;
	s8 =	simm.s32 @!p0 $0x1B8D  }
0xb3: {  	s7 =	sshll.u32 @!p0 s7, $0x11;
	s9 =	sadd.s32 @!p0 $0x11B8D, s9;
	_ =	swait.eq @!p0 [sflag:s8], $0x1  }
0xb4: {  	s7 =	sor.u32 @!p0 s7, s9;
	[sflag:s8] =	ssyncadd.s32 @!p0 $0xFFFFFFFF  }
0xb5: {  	s25 =	simm.s32 $0x1B8E;
	s24 =	sld [smem:$0x3FFE];
	[sflag:s7] =	ssyncadd.remote.s32 @!p0 $0x1  }
0xb6: {  	s26 =	simm.s32 $execute0_lowered;
	[smem:$0x3FD2] =	sst s25  }
0xb7: {  	s8 =	sshll.u32 s26, $0x1;
	_ =	strace $0x80000049;
	[dreg:$0x1] =	wrdreg $0xFFFFFFFF  }
0xb8: {  	s28 =	simm.s32 $_size_execute0_lowered;
	s6 =	sadd.s32 s6, s8;
	[dreg:$0x0] =	wrdreg $0x0  }
0xb9: {  	s8 =	sshll.u32 s28, $0x1;
	[dreg:$0x2] =	wrdreg s6  }
0xba: {  	[dreg:$0x3] =	wrdreg s8  }
0xbb: {  	[dreg:$0x4] =	wrdreg $0xC0  }
0xbc: {  	_ =	task [dreg:s22], $0x5FFFF  }
0xbd: {  	[dreg:$0x1] =	wrdreg $0xFFFFFFFF  }
0xbe: {  	[dreg:$0x0] =	wrdreg $0x60  }
0xbf: {  	[dreg:$0x2] =	wrdreg s18  }
0xc0: {  	[dreg:$0x3] =	wrdreg s4  }
0xc1: {  	[dreg:$0x4] =	wrdreg s5  }
0xc2: {  	[dreg:$0x5] =	wrdreg s24  }
0xc3: {  	[dreg:$0x6] =	wrdreg $0xA  }
0xc4: {  	_ =	task.clear_ibuf [dreg:s22], $0x7FFFF;
	_ =	strace $0x90000049  }
0xc5: {  	s29 =	simm.s32 $0xA;
	_ =	strace $0x8000004B  }
0xc6: {  	_ =	swait.ge [sflag:s29], $0x1  }
0xc7: {  	[sflag:s29] =	ssyncadd.s32 $0xFFFFFFFF  }
0xc8: {  	_ =	strace $0x9000004B  }
0xc9: {  	_ =	sfence  }
0xca: {  	s30 =	sld [smem:$0x0];
	_ =	sdelay $0x2  }
0xcb: {  	s31 =	sshll.u32 s1, $0xD;
	s1 =	sshrl.u32 s1, $0x2  }
0xcc: {  	s4 =	sand.u32 $0x4000, s31;
	s1 =	sadd.s32 s1, s30  }
0xcd: {  	s0 =	sor.u32 s4, s0;
	s1 =	sshll.u32 s1, $0x11  }
0xce: {  	s0 =	sor.u32 s1, s0  }
0xcf: {  	s0 =	sadd.s32 $0x8F2B, s0  }
0xd0: {  	[sflag:s0] =	ssyncadd.remote.s32 $0x1  }
0xd1: {  	_ =	sfence.sel $0xFFFF  }
0xd2: {  	[dreg:$0x0] =	wrdreg $0xFFFFFFFF;
	(pc) =	sbr.abs _section_cstart, $3  }
0xd3: {  	[dreg:$0x1] =	wrdreg $0xFFFFFFFF  }
0xd4: {  	_ =	task.clear_ibuf [dreg:s22], $0x2FFFF;
	_ =	strace $0x9FFFFFFF  }
0xd5: {  	(tm) =	ssettm $0x7FFFFFFF  }
tec
execute0_lowered:
.L_overlay_start_1:
0x0: {  	(tag) =	ssettag $0x1  }
0x1: {  	s5 =	rddreg [dreg:$0x0]  }
0x2: {  	s6 =	rddreg [dreg:$0x1]  }
0x3: {  	s1 =	rddreg [dreg:$0x2]  }
0x4: {  	s7 =	rddreg [dreg:$0x3]  }
0x5: {  	s0 =	rddreg [dreg:$0x4];
	s3 =	simm.s32 $0x0;
	s4 =	srdreg.scid  }
0x6: {  	s2 =	stileid.u32;
	s11 =	simm.s32 $0x100;
	s12 =	simm.s32 $0x200  }
0x7: {  	s13 =	simm.s32 $0x180;
	s14 =	simm.s32 $0xA00;
	s15 =	simm.s32 $0x1  }
0x8: {  	v0 =	vlaneseq.u32;
	s16 =	simm.s32 $0x1200;
	[smem:$0x7FF] =	sst s3;
	s4 =	sand.u32 $0x1, s4  }
0x9: {  	s8 =	sshll.u32 s2, $0x5;
	v0 =	vmul.u32 $0x10, v0;
	s9 =	sshll.u32 s4, $0x4;
	s10 =	ssub.s32 $0x2, s4  }
0xa: {  	_ =	strace $0x8000004A;
	s8 =	sor.u32 s9, s8;
	s31 =	sshrl.u32 s10, $0x1  }
0xb: {  	s4 =	sadd.s32 $0x10C00, s7;
	v1 =	vor.u32 $0x100, v0;
	s7 =	sadd.s32 s8, s7;
	s9 =	ssub.s32 s10, s31  }
0xc: {  	v2 =	vor.u32 $0x200, v0;
	v3 =	vor.u32 $0x300, v0;
	v4 =	vor.u32 $0x400, v0;
	s5 =	sadd.s32 s5, s8;
	s6 =	sadd.s32 s6, s8;
	s10 =	simm.s32 $0x80  }
0xd: {  	v5 =	vor.u32 $0x500, v0;
	v6 =	vor.u32 $0x600, v0;
	v7 =	vor.u32 $0x700, v0;
	s7 =	sadd.s32 $0x2F600, s7;
	s8 =	smax.u32 s9, $0x1;
	s9 =	simm.s32 $0x2  }
.LBB2_1:
0xe: {  	[tilespmem:s3], [sflag:$0x2] =	stream.linear.gather [hbm4b:s5+s3], $0x80, $0x38;
	[tilespmem:$0x1280] =	vst v63  }
0xf: {  	_ =	swait.ge [sflag:s9], $0x80  }
0x10: {  	[sflag:s9] =	ssyncset.done $0x0  }
0x11: {  	[sflag:s9] =	ssyncadd.s32 $0xFFFFFF80  }
0x12: {  	[tilespmem:s10], [sflag:$0x2] =	stream.linear.gather [hbm4b:s6+s3], $0x80, $0x38;
	[tilespmem:$0x1280] =	vst v63  }
0x13: {  	_ =	swait.ge [sflag:s9], $0x80  }
0x14: {  	[sflag:s9] =	ssyncset.done $0x0  }
0x15: {  	[sflag:s9] =	ssyncadd.s32 $0xFFFFFF80  }
0x16: {  	v8 =	vld [tilespmem:$0x0]  }
0x17: {  	v9 =	vld [tilespmem:$0x80]  }
0x18: {  	v10 =	vld [tilespmem:$0x10]  }
0x19: {  	v11 =	vld [tilespmem:$0x90]  }
0x1a: {  	v12 =	vld [tilespmem:$0x20]  }
0x1b: {  	v13 =	vld [tilespmem:$0xA0];
	v8 =	vshrl.u32 v8, $0x4  }
0x1c: {  	v41 =	vld [tilespmem:$0x30];
	[tilespmem:$0x100] =	vst v8;
	v8 =	vshrl.u32 v9, $0x4  }
0x1d: {  	v42 =	vld [tilespmem:$0xB0];
	[tilespmem:$0x180] =	vst v8;
	v8 =	vshrl.u32 v10, $0x4  }
0x1e: {  	v43 =	vld [tilespmem:$0x40];
	[tilespmem:$0x110] =	vst v8;
	v8 =	vshrl.u32 v11, $0x4  }
0x1f: {  	v44 =	vld [tilespmem:$0xC0];
	[tilespmem:$0x190] =	vst v8;
	v8 =	vshrl.u32 v12, $0x4  }
0x20: {  	v45 =	vld [tilespmem:$0x50];
	[tilespmem:$0x120] =	vst v8;
	v8 =	vshrl.u32 v13, $0x4  }
0x21: {  	v46 =	vld [tilespmem:$0xD0];
	[tilespmem:$0x1A0] =	vst v8;
	v8 =	vshrl.u32 v41, $0x4  }
0x22: {  	v47 =	vld [tilespmem:$0x60];
	[tilespmem:$0x130] =	vst v8;
	v8 =	vshrl.u32 v42, $0x4  }
0x23: {  	v48 =	vld [tilespmem:$0xE0];
	[tilespmem:$0x1B0] =	vst v8;
	v8 =	vshrl.u32 v43, $0x4  }
0x24: {  	v49 =	vld [tilespmem:$0x70];
	[tilespmem:$0x140] =	vst v8;
	v8 =	vshrl.u32 v44, $0x4  }
0x25: {  	v50 =	vld [tilespmem:$0xF0];
	[tilespmem:$0x1C0] =	vst v8;
	v8 =	vshrl.u32 v45, $0x4  }
0x26: {  	[tilespmem:$0x150] =	vst v8;
	v8 =	vshrl.u32 v46, $0x4  }
0x27: {  	[tilespmem:$0x1D0] =	vst v8;
	v8 =	vshrl.u32 v47, $0x4  }
0x28: {  	[tilespmem:$0x160] =	vst v8;
	v8 =	vshrl.u32 v48, $0x4  }
0x29: {  	[tilespmem:$0x1E0] =	vst v8;
	v8 =	vshrl.u32 v49, $0x4  }
0x2a: {  	[tilespmem:$0x170] =	vst v8;
	v8 =	vshrl.u32 v50, $0x4  }
0x2b: {  	[tilespmem:$0x1F0] =	vst v8  }
0x2c: {  	[tilespmem:s12], [sflag:$0x1] =	stream.indirect.gather [hbm4b:s1+s10], $0x10, s11, s10, $0xb8;
	[tilespmem:$0x1280] =	vst v63  }
0x2d: {  	_ = 	snop  }
0x2e: {  	[tilespmem:s14], [sflag:$0x1] =	stream.indirect.gather [hbm4b:s4+s10], $0x10, s13, s10, $0xb8;
	[tilespmem:$0x1280] =	vst v63  }
0x2f: {  	_ =	swait.ge [sflag:s15], $0x800  }
0x30: {  	[sflag:s15] =	ssyncset.done $0x0  }
0x31: {  	[sflag:s15] =	ssyncadd.s32 $0xFFFFF800  }
0x32: {  	_ =	swait.ge [sflag:s15], $0x800  }
0x33: {  	[sflag:s15] =	ssyncset.done $0x0  }
0x34: {  	[sflag:s15] =	ssyncadd.s32 $0xFFFFF800  }
0x35: {  	v8 =	vld [tilespmem:$0x0]  }
0x36: {  	v51 =	vld [tilespmem:$0x80];
	_ =	sdelay $0x3  }
0x37: {  	v8 =	vand.u32 $0xF, v8  }
0x38: {  	v9 =	vand.u32 $0xF, v51;
	v8 =	vor.u32 v0, v8  }
0x39: {  	v9 =	vor.u32 v0, v9;
	_ =	sdelay $0x1  }
0x3a: {  	v52 =	vld [tilespmem:$0x10]  }
0x3b: {  	v53 =	vld [tilespmem:$0x90]  }
0x3c: {  	v8 =	vld.idx.msk [tilespmem:v8+s12+$0x0], $0xffff  }
0x3d: {  	v9 =	vld.idx.msk [tilespmem:v9+s14+$0x0], $0xffff;
	_ =	sdelay $0x1  }
0x3e: {  	v10 =	vand.u32 $0xF, v52  }
0x3f: {  	v11 =	vand.u32 $0xF, v53;
	v10 =	vor.u32 v1, v10  }
0x40: {  	v11 =	vor.u32 v1, v11  }
0x41: {  	v8 =	vadd.f32 v9, v8  }
0x42: {  	v54 =	vld [tilespmem:$0x20]  }
0x43: {  	[tilespmem:$0x1200] =	vst v8;
	v8 =	vld [tilespmem:$0xA0]  }
0x44: {  	v10 =	vld.idx.msk [tilespmem:v10+s12+$0x0], $0xffff  }
0x45: {  	v11 =	vld.idx.msk [tilespmem:v11+s14+$0x0], $0xffff;
	_ =	sdelay $0x1  }
0x46: {  	v9 =	vand.u32 $0xF, v54  }
0x47: {  	v9 =	vor.u32 v2, v9;
	v8 =	vand.u32 $0xF, v8  }
0x48: {  	v8 =	vor.u32 v2, v8  }
0x49: {  	v10 =	vadd.f32 v11, v10  }
0x4a: {  	v55 =	vld [tilespmem:$0x30]  }
0x4b: {  	v56 =	vld [tilespmem:$0xB0];
	[tilespmem:$0x1210] =	vst v10  }
0x4c: {  	v9 =	vld.idx.msk [tilespmem:v9+s12+$0x0], $0xffff  }
0x4d: {  	v8 =	vld.idx.msk [tilespmem:v8+s14+$0x0], $0xffff;
	_ =	sdelay $0x1  }
0x4e: {  	v11 =	vand.u32 $0xF, v55  }
0x4f: {  	v11 =	vor.u32 v3, v11;
	v10 =	vand.u32 $0xF, v56  }
0x50: {  	v10 =	vor.u32 v3, v10  }
0x51: {  	v8 =	vadd.f32 v8, v9  }
0x52: {  	v57 =	vld [tilespmem:$0x40]  }
0x53: {  	[tilespmem:$0x1220] =	vst v8;
	v8 =	vld [tilespmem:$0xC0]  }
0x54: {  	v11 =	vld.idx.msk [tilespmem:v11+s12+$0x0], $0xffff  }
0x55: {  	v10 =	vld.idx.msk [tilespmem:v10+s14+$0x0], $0xffff;
	_ =	sdelay $0x1  }
0x56: {  	v9 =	vand.u32 $0xF, v57  }
0x57: {  	v9 =	vor.u32 v4, v9;
	v8 =	vand.u32 $0xF, v8  }
0x58: {  	v8 =	vor.u32 v4, v8  }
0x59: {  	v10 =	vadd.f32 v10, v11  }
0x5a: {  	v58 =	vld [tilespmem:$0x50]  }
0x5b: {  	v59 =	vld [tilespmem:$0xD0];
	[tilespmem:$0x1230] =	vst v10  }
0x5c: {  	v9 =	vld.idx.msk [tilespmem:v9+s12+$0x0], $0xffff  }
0x5d: {  	v8 =	vld.idx.msk [tilespmem:v8+s14+$0x0], $0xffff;
	_ =	sdelay $0x1  }
0x5e: {  	v11 =	vand.u32 $0xF, v58  }
0x5f: {  	v11 =	vor.u32 v5, v11;
	v10 =	vand.u32 $0xF, v59  }
0x60: {  	v10 =	vor.u32 v5, v10  }
0x61: {  	v8 =	vadd.f32 v8, v9  }
0x62: {  	v60 =	vld [tilespmem:$0x60]  }
0x63: {  	[tilespmem:$0x1240] =	vst v8;
	v8 =	vld [tilespmem:$0xE0]  }
0x64: {  	v11 =	vld.idx.msk [tilespmem:v11+s12+$0x0], $0xffff  }
0x65: {  	v10 =	vld.idx.msk [tilespmem:v10+s14+$0x0], $0xffff;
	_ =	sdelay $0x1  }
0x66: {  	v9 =	vand.u32 $0xF, v60  }
0x67: {  	v9 =	vor.u32 v6, v9;
	v8 =	vand.u32 $0xF, v8  }
0x68: {  	v8 =	vor.u32 v6, v8  }
0x69: {  	v10 =	vadd.f32 v10, v11  }
0x6a: {  	v61 =	vld [tilespmem:$0x70]  }
0x6b: {  	v62 =	vld [tilespmem:$0xF0];
	[tilespmem:$0x1250] =	vst v10  }
0x6c: {  	v9 =	vld.idx.msk [tilespmem:v9+s12+$0x0], $0xffff  }
0x6d: {  	v8 =	vld.idx.msk [tilespmem:v8+s14+$0x0], $0xffff;
	_ =	sdelay $0x1  }
0x6e: {  	v11 =	vand.u32 $0xF, v61  }
0x6f: {  	v11 =	vor.u32 v7, v11;
	v10 =	vand.u32 $0xF, v62  }
0x70: {  	v10 =	vor.u32 v7, v10  }
0x71: {  	v8 =	vadd.f32 v8, v9;
	_ =	sdelay $0x1  }
0x72: {  	[tilespmem:$0x1260] =	vst v8  }
0x73: {  	v8 =	vld.idx.msk [tilespmem:v11+s12+$0x0], $0xffff  }
0x74: {  	v63 =	vld.idx.msk [tilespmem:v10+s14+$0x0], $0xffff;
	_ =	sdelay $0x4  }
0x75: {  	v8 =	vadd.f32 v63, v8  }
0x76: {  	p0 =	sne.s32 s8, $0x1  }
.Ltmp0:
0x77: {  	[tilespmem:$0x1270] =	vst v8;
	(pc) =	sbr.rel @p0 .LBB2_1-.Ltmp0, $4  }
0x78: {  	[hbm4b:s7+s3] =	stream.linear.scatter [tilespmem:s16], [sflag:$0x2], $0x80, $0x38;
	[tilespmem:$0x1280] =	vst v63  }
0x79: {  	_ =	swait.ge [sflag:s9], $0x80  }
0x7a: {  	[sflag:s9] =	ssyncset.done $0x0  }
0x7b: {  	s8 =	sadd.s32 $0xFFFFFFFF, s8;
	[sflag:s9] =	ssyncadd.s32 $0xFFFFFF80  }
0x7c: {  	_ =	sfence.sel $0x180000  }
0x7d: {  	[bflag:$0x0] =	sbarrier.arrive $0xFFFF  }
0x7e: {  	p0 =	sne.s32 s2, $0x0;
	_ =	strace $0x9000004A  }
0x7f: {  	s0 =	sadd.s32 @!p0 $0x100000, s0;
	[bflag:$0x2] =	sbarrier.arrive $0xFFFF  }
0x80: {  	[sflag:s0] =	ssyncadd.tile.s32 @!p0 $0x1;
	_ =	shalt  }
.Lfunc_end2:
_tile_overlayer_lowered:
.L_overlay_start_2:
0x81: {  	(tag) =	ssettag $0x2  }
0x82: {  	s0 =	rddreg [dreg:$0x0];
	s2 =	stileid.u32  }
0x83: {  	s1 =	rddreg [dreg:$0x1];
	p0 =	sne.s32 s2, $0x0  }
0x84: {  	s3 =	rddreg [dreg:$0x2];
	[bflag:$0x3] =	sbarrier.arrive $0xFFFF;
	s2 =	simm.s32 @!p0 $0x1C02  }
0x85: {  	[timem:s3], [sflag:s2] =	dma.local @!p0 [hbm:s0], s1  }
0x86: {  	s0 =	simm.s32 @!p0 $0x2  }
0x87: {  	_ =	swait.ge @!p0 [sflag:s0], s1  }
0x88: {  	s1 =	ssub.s32 @!p0 $0x0, s1;
	[sflag:s0] =	ssyncset.done @!p0 $0x0  }
0x89: {  	[sflag:s0] =	ssyncadd.s32 @!p0 s1  }
0x8a: {  	[bflag:$0x3] =	sbarrier.arrive $0xFFFF  }
0x8b: {  	_ =	shalt  }

</sc_bundles>
